<compile_context>
chip_gen: v7x
topology: tpu7x:2x2x1
jax: 0.10.2.dev20260603
libtpu: 0.0.44.dev20260713+nightly
codegen_flags: <defaults>
</compile_context>

<pallas_src>
import jax
import jax.numpy as jnp
from jax import lax
from jax.experimental import pallas as pl
from jax.experimental.pallas import tpu as pltpu
from jax.experimental.pallas import tpu_sc as plsc

K = 16
N = 64
M = 128
B = 64
_ROWS = B * (N + 1)
_ROW_BLK = 416
_NEG = -3.0e38
_LN2 = 0.6931471805599453



def _two_sum(a, b):
    s = a + b
    bb = s - a
    return s, (a - (s - bb)) + (b - bb)


def _ds_norm(h, l):
    s = h + l
    return s, l - (s - h)


def _ds_add(xh, xl, yh, yl):
    s, e = _two_sum(xh, yh)
    e = e + (xl + yl)
    return _ds_norm(s, e)


def _mask12(x):
    xi = lax.bitcast_convert_type(x, jnp.uint32)
    return lax.bitcast_convert_type(xi & jnp.uint32(0xFFFFF000), jnp.float32)


def _lexmax(mh, ml, ch, cl):
    take = (ch > mh) | ((ch == mh) & (cl > ml))
    return jnp.where(take, ch, mh), jnp.where(take, cl, ml)



def _u_body(x_ref, wh_ref, wl_ref, uh_ref, ul_ref):
    x = x_ref[...].T
    xh = _mask12(x)
    xl = x - xh
    hs = []
    ls = []
    for j in range(K):
        wh = wh_ref[:, j:j + 1]
        wl = wl_ref[:, j:j + 1]
        whh = _mask12(wh)
        whl = wh - whh
        h = xh * whh
        l = (xh * whl + xl * wh) + x * wl
        r = M
        while r > 1:
            half = r // 2
            h, l = _ds_add(h[:half], l[:half], h[half:], l[half:])
            r = half
        hs.append(h)
        ls.append(l)
    uh_ref[...] = jnp.concatenate(hs, axis=0).T
    ul_ref[...] = jnp.concatenate(ls, axis=0).T


def _u_pallas(x, Wh, Wl):
    grid = _ROWS // _ROW_BLK
    return pl.pallas_call(
        _u_body,
        grid=(grid,),
        in_specs=[
            pl.BlockSpec((_ROW_BLK, M), lambda c: (c, c - c)),
            pl.BlockSpec((M, K), lambda c: (c - c, c - c)),
            pl.BlockSpec((M, K), lambda c: (c - c, c - c)),
        ],
        out_specs=[
            pl.BlockSpec((_ROW_BLK, K), lambda c: (c, c - c)),
            pl.BlockSpec((_ROW_BLK, K), lambda c: (c, c - c)),
        ],
        out_shape=[
            jax.ShapeDtypeStruct((_ROWS, K), jnp.float32),
            jax.ShapeDtypeStruct((_ROWS, K), jnp.float32),
        ],
    )(x, Wh, Wl)



def _loss_body(fp_ref, out_ref):
    fp = fp_ref[...]
    F = fp[:, 0:1]
    ps = fp[:, 1:2]
    ea = fp[:, 2:3]
    logZ = jnp.log(ps) + jnp.float32(_LN2) * ea
    out_ref[0, 0] = jnp.sum(logZ - F) * jnp.float32(1.0 / B)


def _loss_pallas(fpack):
    return pl.pallas_call(
        _loss_body,
        out_shape=jax.ShapeDtypeStruct((1, 1), jnp.float32),
        out_specs=pl.BlockSpec(memory_space=pltpu.SMEM),
    )(fpack)



def _sc_body(uh_hbm, ul_hbm, y_hbm, eh_hbm, el_hbm, eth_hbm, etl_hbm,
             expe_hbm, ef_hbm,
             yhat_hbm, fpack_hbm,
             uh0_v, ul0_v, uh1_v, ul1_v, y0_v, y1_v,
             eh_v, el_v, eth_v, etl_v, expe_v, ef_v,
             hh0_v, hl0_v, hh1_v, hl1_v, yh_v, fp_v, dma_sem):
    i32 = jnp.int32
    wid = lax.axis_index("s").astype(i32) * i32(2) + lax.axis_index("c").astype(i32)


    iota = lax.iota(jnp.int32, 16)
    zero16f = jnp.zeros((16,), jnp.float32)
    neg16 = jnp.full((16,), jnp.float32(_NEG))

    gdn = lax.GatherDimensionNumbers(offset_dims=(), collapsed_slice_dims=(0,),
                                     start_index_map=(0,))
    _SPLAT_IDX = [jnp.full((16, 1), i, jnp.int32) for i in range(K)]

    def _perm(x, k):
        idx = (iota ^ i32(k)).reshape(16, 1)
        return lax.gather(x, idx, gdn, slice_sizes=(1,),
                          mode=lax.GatherScatterMode.PROMISE_IN_BOUNDS)

    def _allreduce(x, op):
        for k in (1, 2, 4, 8):
            x = op(x, _perm(x, k))
        return x

    def _argmax_ds(th, tl):
        mhv = _allreduce(th, jnp.maximum)
        msk = th == mhv
        lm = jnp.where(msk, tl, neg16)
        m2v = _allreduce(lm, jnp.maximum)
        msk2 = msk & (lm == m2v)
        idxv = _allreduce(jnp.where(msk2, iota, jnp.full((16,), i32(99))),
                          jnp.minimum)
        return idxv[0]

    def _splat(v, i):
        return lax.gather(v, _SPLAT_IDX[i], gdn, slice_sizes=(1,),
                          mode=lax.GatherScatterMode.PROMISE_IN_BOUNDS)

    b0 = wid * i32(2)
    b1 = b0 + i32(1)
    _copies = [
        pltpu.async_copy(eh_hbm, eh_v, dma_sem),
        pltpu.async_copy(el_hbm, el_v, dma_sem),
        pltpu.async_copy(eth_hbm, eth_v, dma_sem),
        pltpu.async_copy(etl_hbm, etl_v, dma_sem),
        pltpu.async_copy(expe_hbm, expe_v, dma_sem),
        pltpu.async_copy(ef_hbm, ef_v, dma_sem),
        pltpu.async_copy(uh_hbm.at[b0], uh0_v, dma_sem),
        pltpu.async_copy(ul_hbm.at[b0], ul0_v, dma_sem),
        pltpu.async_copy(y_hbm.at[b0], y0_v, dma_sem),
        pltpu.async_copy(uh_hbm.at[b1], uh1_v, dma_sem),
        pltpu.async_copy(ul_hbm.at[b1], ul1_v, dma_sem),
        pltpu.async_copy(y_hbm.at[b1], y1_v, dma_sem),
    ]
    for _c in _copies:
        _c.wait()

    uh = (uh0_v, uh1_v)
    ul = (ul0_v, ul1_v)
    hh = (hh0_v, hh1_v)
    hl = (hl0_v, hl1_v)
    yv = (y0_v, y1_v)

    pi_init = []
    for e in range(2):
        hh[e][0] = uh[e][1]
        hl[e][0] = ul[e][1]
        pi_init += [uh[e][1], ul[e][1]]
    phi_init = (jnp.exp(pi_init[0]), jnp.exp(pi_init[2]))

    def _fwd(carry):
        it, pih_a, pil_a, pih_b, pil_b, phi_a, phi_b, ea_a, ea_b = carry
        t = it + i32(2)
        pis = ((pih_a, pil_a), (pih_b, pil_b))
        phis = (phi_a, phi_b)
        outs = []
        for e in range(2):
            uh_t = uh[e][t]
            ul_t = ul[e][t]
            prow_h, prow_l = pis[e]
            phi = phis[e]
            cands = []
            terms = []
            for i in range(K):
                bh = _splat(prow_h, i)
                bl = _splat(prow_l, i)
                cands.append(_ds_add(bh, bl, eh_v[i], el_v[i]))
                terms.append(_splat(phi, i) * expe_v[i])
            while len(cands) > 1:
                cands = [_lexmax(a[0], a[1], c[0], c[1])
                         for a, c in zip(cands[::2], cands[1::2])]
            while len(terms) > 1:
                terms = [a + c for a, c in zip(terms[::2], terms[1::2])]
            mh, ml = cands[0]
            ph, plo = _ds_add(mh, ml, uh_t, ul_t)
            hh[e][it + i32(1)] = ph
            hl[e][it + i32(1)] = plo
            phi = jnp.exp(uh_t) * terms[0]
            mxv = _allreduce(phi, jnp.maximum)
            ebits = lax.bitcast_convert_type(mxv, jnp.int32)
            ev = ((ebits >> i32(23)) & i32(0xFF)) - i32(127)
            scale = lax.bitcast_convert_type((i32(127) - ev) << i32(23),
                                             jnp.float32)
            outs.append((ph, plo, phi * scale, ev))
        return (it + i32(1), outs[0][0], outs[0][1], outs[1][0], outs[1][1],
                outs[0][2], outs[1][2], ea_a + outs[0][3], ea_b + outs[1][3])

    _fin = lax.while_loop(
        lambda c: c[0] < i32(N - 1), _fwd,
        (i32(0), pi_init[0], pi_init[1], pi_init[2], pi_init[3],
         phi_init[0], phi_init[1],
         jnp.zeros((16,), jnp.int32), jnp.zeros((16,), jnp.int32)))
    phiN = (_fin[5], _fin[6])
    eaccN = (_fin[7], _fin[8])

    lane0 = iota == i32(0)
    for e in range(2):
        b = b0 if e == 0 else b1
        for c in range(4):
            yh_v[pl.ds(c * 16, 16)] = jnp.zeros((16,), jnp.int32)
        lb0 = _argmax_ds(hh[e][N - 1], hl[e][N - 1]) + i32(1)
        tail = jnp.where(iota == i32(0), jnp.full((16,), lb0),
                         jnp.where(iota == i32(1),
                                   jnp.full((16,), i32(K + 1)),
                                   jnp.zeros((16,), i32)))
        yh_v[pl.ds(N, 16)] = tail

        hh_e = hh[e]
        hl_e = hl[e]

        def _bwd(carry):
            t, lb = carry
            th, tl = _ds_add(hh_e[t - i32(1)], hl_e[t - i32(1)],
                             eth_v[lb - i32(1)], etl_v[lb - i32(1)])
            nb = _argmax_ds(th, tl) + i32(1)
            plsc.store_scatter(yh_v, [jnp.full((16,), t)],
                               jnp.full((16,), nb), mask=lane0)
            return t - i32(1), nb

        lax.while_loop(lambda c: c[0] >= i32(1), _bwd, (i32(N - 1), lb0))

        phi_sumv = _allreduce(phiN[e], lambda a, c: a + c)
        e_accv = eaccN[e]

        facc = zero16f
        for c in range(4):
            tvec = iota + i32(c * 16 + 1)
            y = plsc.load_gather(yv[e], [tvec])
            um = (y >= i32(1)) & (y <= i32(16))
            yc = jnp.minimum(jnp.maximum(y - i32(1), i32(0)), i32(15))
            uv = plsc.load_gather(uh[e], [tvec, yc])
            facc = facc + jnp.where(um, uv, zero16f)
            em = tvec <= i32(63)
            ya = y
            yb = plsc.load_gather(yv[e], [tvec + i32(1)])
            ev = plsc.load_gather(ef_v, [ya, yb])
            facc = facc + jnp.where(em, ev, zero16f)
        Fv = _allreduce(facc, lambda a, c: a + c)

        fp_v[...] = jnp.where(
            iota == i32(0), Fv,
            jnp.where(iota == i32(1), phi_sumv,
                      jnp.where(iota == i32(2), e_accv.astype(jnp.float32),
                                zero16f)))

        pltpu.sync_copy(yh_v, yhat_hbm.at[b])
        pltpu.sync_copy(fp_v, fpack_hbm.at[b])


def _sc_pallas(Uh, Ul, Ypad, Eh, El, ETh, ETl, expE, Efull):
    mesh = plsc.VectorSubcoreMesh(core_axis_name="c", subcore_axis_name="s")
    f32 = jnp.float32
    kern = pl.kernel(
        _sc_body,
        mesh=mesh,
        compiler_params=pltpu.CompilerParams(needs_layout_passes=False),
        out_type=[
            jax.ShapeDtypeStruct((B, 80), jnp.int32),
            jax.ShapeDtypeStruct((B, 16), jnp.float32),
        ],
        scratch_types=[
            pltpu.VMEM((N + 1, K), f32),
            pltpu.VMEM((N + 1, K), f32),
            pltpu.VMEM((N + 1, K), f32),
            pltpu.VMEM((N + 1, K), f32),
            pltpu.VMEM((80,), jnp.int32),
            pltpu.VMEM((80,), jnp.int32),
            pltpu.VMEM((K, K), f32),
            pltpu.VMEM((K, K), f32),
            pltpu.VMEM((K, K), f32),
            pltpu.VMEM((K, K), f32),
            pltpu.VMEM((K, K), f32),
            pltpu.VMEM((K + 2, K + 2), f32),
            pltpu.VMEM((N, K), f32),
            pltpu.VMEM((N, K), f32),
            pltpu.VMEM((N, K), f32),
            pltpu.VMEM((N, K), f32),
            pltpu.VMEM((80,), jnp.int32),
            pltpu.VMEM((K,), f32),
            pltpu.SemaphoreType.DMA,
        ],
    )
    return kern(Uh, Ul, Ypad, Eh, El, ETh, ETl, expE, Efull)



def kernel(inputs, Y, W, E):
    f32 = jnp.float32
    f64 = jnp.float64
    Wc = W[:, 1:K + 1]
    Wh = Wc.astype(f32)
    Wl = (Wc - Wh.astype(f64)).astype(f32)
    Ecore = E[1:-1, 1:-1]
    Eh = Ecore.astype(f32)
    El = (Ecore - Eh.astype(f64)).astype(f32)
    EcT = Ecore.T
    ETh = EcT.astype(f32)
    ETl = (EcT - ETh.astype(f64)).astype(f32)
    expE = jnp.exp(Ecore).astype(f32)
    Efull = E.astype(f32)

    x = inputs.reshape(_ROWS, M)
    Uh2, Ul2 = _u_pallas(x, Wh, Wl)
    Uh = Uh2.reshape(B, N + 1, K)
    Ul = Ul2.reshape(B, N + 1, K)

    Ypad = jnp.zeros((B, 80), jnp.int32).at[:, :N + 2].set(Y.astype(jnp.int32))

    yhat_pad, fpack = _sc_pallas(Uh, Ul, Ypad, Eh, El, ETh, ETl, expE, Efull)
    loss32 = _loss_pallas(fpack)

    Y_hat = yhat_pad[:, :N + 2]
    loss = loss32[0, 0].astype(f64)
    return (Y_hat, loss)

# --- scband reference (transcript-rebuilt; emitter-appended) ---
"""Pipeline reference for scband-crf-27865747816763 (READ-ONLY COPY).

The authoritative reference and input builder live on the scoring server;
editing this copy changes nothing except your own understanding.
"""

import jax, jax.numpy as jnp
import numpy as np
jax.config.update("jax_enable_x64", True)

K = 16
N = 64
M = 128
B = 64


def setup_inputs(seed: int = 0):
    key = jax.random.key(seed)
    k1, k2, k3, k4 = jax.random.split(key, 4)
    inputs = jax.random.normal(k1, (B, N + 1, M), dtype=jnp.float32)
    Y = jax.random.randint(k2, (B, N + 2), 0, K + 2, dtype=jnp.int32)
    W0 = jax.random.uniform(k3, (M, K), dtype=jnp.float64, minval=0.0, maxval=0.02)
    W = jnp.concatenate([jnp.zeros((M, 1), dtype=jnp.float64), W0, jnp.zeros((M, 1), dtype=jnp.float64)], axis=1)
    E0 = jax.random.uniform(k4, (K + 1, K + 1), dtype=jnp.float64, minval=0.0, maxval=1.0)
    E1 = jnp.concatenate([E0, jnp.zeros((1, K + 1), dtype=jnp.float64)], axis=0)
    E = jnp.concatenate([jnp.zeros((K + 2, 1), dtype=jnp.float64), E1], axis=1)
    return {"inputs": inputs, "Y": Y, "W": W, "E": E}


def _viterbi(U, E):
    # U: [N+1, K+2] unary potentials for one sentence
    Ecore = E[1:-1, 1:-1]
    labels = jnp.arange(1, K + 1, dtype=jnp.int32)
    pi = jnp.zeros((K, N), dtype=jnp.float64)
    pi = pi.at[:, 0].set(U[1, 1:-1])
    for t in range(2, N + 1):
        temp = pi[:, t - 2][:, None] + Ecore + U[t, 1:-1][None, :]
        pi = pi.at[:, t - 1].set(jnp.max(temp, axis=0))
    best = jnp.zeros(N + 2, dtype=jnp.int32)
    best = best.at[N + 1].set(labels[-1] + 1)
    best = best.at[N].set(labels[jnp.argmax(pi[:, -1])])
    for t in range(N - 1, 0, -1):
        last_best = best[t + 1]
        temp_sum = pi[:, t - 1] + E[1:-1, last_best] + U[t + 1, last_best]
        best = best.at[t].set(labels[jnp.argmax(temp_sum)])
    return best


def _z_forward(U, E):
    Ecore = E[1:-1, 1:-1]
    phi = jnp.exp(U[1, 1:-1]).reshape(-1, 1)
    for i in range(2, N + 1):
        temp = jnp.repeat(phi, K, axis=1) * jnp.exp(Ecore + U[i, 1:-1][None, :])
        phi = jnp.sum(temp, axis=0).reshape(-1, 1)
    return jnp.sum(phi)


def reference(inputs, Y, W, E):
    # train=True, return_loss=True path of the original layer
    U = inputs.astype(jnp.float64) @ W  # [B, N+1, K+2]
    Y_hat = jax.vmap(lambda u: _viterbi(u, E))(U)
    Yl = Y.astype(jnp.int32)
    t_idx = jnp.arange(1, N + 1)
    # unary score: sum_t U[b, t, y_t]  (gather_nd with batch_dims=1)
    F = jnp.sum(U[jnp.arange(B)[:, None], t_idx[None, :], Yl[:, 1:-1]], axis=1)
    # emission/transition score: sum_t E[y_t, y_{t+1}]
    F = F + jnp.sum(E[Yl[:, 1:-2], Yl[:, 2:-1]], axis=1)
    Z = jax.vmap(lambda u: _z_forward(u, E))(U)
    loss = jnp.mean(-1.0 * (F - jnp.log(Z)))
    return (Y_hat, loss)

if __name__ == "__main__":
    import jax
    _d = setup_inputs()
    print(jax.jit(kernel)(*tuple(_d.values())))

</pallas_src>

<mosaic_0001>
#map = affine_map<(d0, d1) -> (0, 0, 0)>
#map1 = affine_map<(d0, d1) -> (0, 0)>
module attributes {stable_mosaic.version = 14 : i64} {
  func.func @_sc_body(%arg0: i32, %arg1: i32, %arg2: memref<64x65x16xf32, #tpu.memory_space<hbm>>, %arg3: memref<64x65x16xf32, #tpu.memory_space<hbm>>, %arg4: memref<64x80xi32, #tpu.memory_space<hbm>>, %arg5: memref<16x16xf32, #tpu.memory_space<hbm>>, %arg6: memref<16x16xf32, #tpu.memory_space<hbm>>, %arg7: memref<16x16xf32, #tpu.memory_space<hbm>>, %arg8: memref<16x16xf32, #tpu.memory_space<hbm>>, %arg9: memref<16x16xf32, #tpu.memory_space<hbm>>, %arg10: memref<18x18xf32, #tpu.memory_space<hbm>>, %arg11: memref<64x80xi32, #tpu.memory_space<hbm>>, %arg12: memref<64x16xf32, #tpu.memory_space<hbm>>, %arg13: memref<65x16xf32, #tpu.memory_space<vmem>>, %arg14: memref<65x16xf32, #tpu.memory_space<vmem>>, %arg15: memref<65x16xf32, #tpu.memory_space<vmem>>, %arg16: memref<65x16xf32, #tpu.memory_space<vmem>>, %arg17: memref<80xi32, #tpu.memory_space<vmem>>, %arg18: memref<80xi32, #tpu.memory_space<vmem>>, %arg19: memref<16x16xf32, #tpu.memory_space<vmem>>, %arg20: memref<16x16xf32, #tpu.memory_space<vmem>>, %arg21: memref<16x16xf32, #tpu.memory_space<vmem>>, %arg22: memref<16x16xf32, #tpu.memory_space<vmem>>, %arg23: memref<16x16xf32, #tpu.memory_space<vmem>>, %arg24: memref<18x18xf32, #tpu.memory_space<vmem>>, %arg25: memref<64x16xf32, #tpu.memory_space<vmem>>, %arg26: memref<64x16xf32, #tpu.memory_space<vmem>>, %arg27: memref<64x16xf32, #tpu.memory_space<vmem>>, %arg28: memref<64x16xf32, #tpu.memory_space<vmem>>, %arg29: memref<80xi32, #tpu.memory_space<vmem>>, %arg30: memref<16xf32, #tpu.memory_space<vmem>>, %arg31: memref<!tpu.dma_semaphore, #tpu.memory_space<semaphore_mem>>) attributes {dimension_semantics = [#tpu.dimension_semantics<core_parallel>, #tpu.dimension_semantics<subcore_parallel>], iteration_bounds = array<i64: 2, 16>, scalar_prefetch = 0 : i64, scratch_operands = 19 : i64, tpu.core_type = #tpu.core_type<sc_vector_subcore>, window_params = [{transform_indices = #map}, {transform_indices = #map}, {transform_indices = #map1}, {transform_indices = #map1}, {transform_indices = #map1}, {transform_indices = #map1}, {transform_indices = #map1}, {transform_indices = #map1}, {transform_indices = #map1}, {transform_indices = #map1}, {transform_indices = #map1}]} {
    %mul3A = arith.constant 2 : i32
    %mul3A_0 = arith.muli %arg1, %mul3A : i32
    %add3A = arith.addi %mul3A_0, %arg0 : i32
    %iota3A = tpu.iota {dimensions = array<i32: 0>} : vector<16xi32>
    %broadcast_in_dim3A = arith.constant 0.000000e+00 : f32
    %broadcast_in_dim3A_1 = vector.broadcast %broadcast_in_dim3A : f32 to vector<16xf32>
    %broadcast_in_dim3A_2 = arith.constant -3.000000e+38 : f32
    %broadcast_in_dim3A_3 = vector.broadcast %broadcast_in_dim3A_2 : f32 to vector<16xf32>
    %broadcast_in_dim3A_4 = arith.constant 0 : i32
    %broadcast_in_dim3A_5 = vector.broadcast %broadcast_in_dim3A_4 : i32 to vector<16x1xi32>
    %broadcast_in_dim3A_6 = arith.constant 1 : i32
    %broadcast_in_dim3A_7 = vector.broadcast %broadcast_in_dim3A_6 : i32 to vector<16x1xi32>
    %broadcast_in_dim3A_8 = arith.constant 2 : i32
    %broadcast_in_dim3A_9 = vector.broadcast %broadcast_in_dim3A_8 : i32 to vector<16x1xi32>
    %broadcast_in_dim3A_10 = arith.constant 3 : i32
    %broadcast_in_dim3A_11 = vector.broadcast %broadcast_in_dim3A_10 : i32 to vector<16x1xi32>
    %broadcast_in_dim3A_12 = arith.constant 4 : i32
    %broadcast_in_dim3A_13 = vector.broadcast %broadcast_in_dim3A_12 : i32 to vector<16x1xi32>
    %broadcast_in_dim3A_14 = arith.constant 5 : i32
    %broadcast_in_dim3A_15 = vector.broadcast %broadcast_in_dim3A_14 : i32 to vector<16x1xi32>
    %broadcast_in_dim3A_16 = arith.constant 6 : i32
    %broadcast_in_dim3A_17 = vector.broadcast %broadcast_in_dim3A_16 : i32 to vector<16x1xi32>
    %broadcast_in_dim3A_18 = arith.constant 7 : i32
    %broadcast_in_dim3A_19 = vector.broadcast %broadcast_in_dim3A_18 : i32 to vector<16x1xi32>
    %broadcast_in_dim3A_20 = arith.constant 8 : i32
    %broadcast_in_dim3A_21 = vector.broadcast %broadcast_in_dim3A_20 : i32 to vector<16x1xi32>
    %broadcast_in_dim3A_22 = arith.constant 9 : i32
    %broadcast_in_dim3A_23 = vector.broadcast %broadcast_in_dim3A_22 : i32 to vector<16x1xi32>
    %broadcast_in_dim3A_24 = arith.constant 10 : i32
    %broadcast_in_dim3A_25 = vector.broadcast %broadcast_in_dim3A_24 : i32 to vector<16x1xi32>
    %broadcast_in_dim3A_26 = arith.constant 11 : i32
    %broadcast_in_dim3A_27 = vector.broadcast %broadcast_in_dim3A_26 : i32 to vector<16x1xi32>
    %broadcast_in_dim3A_28 = arith.constant 12 : i32
    %broadcast_in_dim3A_29 = vector.broadcast %broadcast_in_dim3A_28 : i32 to vector<16x1xi32>
    %broadcast_in_dim3A_30 = arith.constant 13 : i32
    %broadcast_in_dim3A_31 = vector.broadcast %broadcast_in_dim3A_30 : i32 to vector<16x1xi32>
    %broadcast_in_dim3A_32 = arith.constant 14 : i32
    %broadcast_in_dim3A_33 = vector.broadcast %broadcast_in_dim3A_32 : i32 to vector<16x1xi32>
    %broadcast_in_dim3A_34 = arith.constant 15 : i32
    %broadcast_in_dim3A_35 = vector.broadcast %broadcast_in_dim3A_34 : i32 to vector<16x1xi32>
    %mul3A_36 = arith.constant 2 : i32
    %mul3A_37 = arith.muli %add3A, %mul3A_36 : i32
    %add3A_38 = arith.constant 1 : i32
    %add3A_39 = arith.addi %mul3A_37, %add3A_38 : i32
    tpu.enqueue_dma source(%arg5 : memref<16x16xf32, #tpu.memory_space<hbm>>) target(%arg19 : memref<16x16xf32, #tpu.memory_space<vmem>>) target_semaphore(%arg31 : memref<!tpu.dma_semaphore, #tpu.memory_space<semaphore_mem>>)
    tpu.enqueue_dma source(%arg6 : memref<16x16xf32, #tpu.memory_space<hbm>>) target(%arg20 : memref<16x16xf32, #tpu.memory_space<vmem>>) target_semaphore(%arg31 : memref<!tpu.dma_semaphore, #tpu.memory_space<semaphore_mem>>)
    tpu.enqueue_dma source(%arg7 : memref<16x16xf32, #tpu.memory_space<hbm>>) target(%arg21 : memref<16x16xf32, #tpu.memory_space<vmem>>) target_semaphore(%arg31 : memref<!tpu.dma_semaphore, #tpu.memory_space<semaphore_mem>>)
    tpu.enqueue_dma source(%arg8 : memref<16x16xf32, #tpu.memory_space<hbm>>) target(%arg22 : memref<16x16xf32, #tpu.memory_space<vmem>>) target_semaphore(%arg31 : memref<!tpu.dma_semaphore, #tpu.memory_space<semaphore_mem>>)
    tpu.enqueue_dma source(%arg9 : memref<16x16xf32, #tpu.memory_space<hbm>>) target(%arg23 : memref<16x16xf32, #tpu.memory_space<vmem>>) target_semaphore(%arg31 : memref<!tpu.dma_semaphore, #tpu.memory_space<semaphore_mem>>)
    tpu.enqueue_dma source(%arg10 : memref<18x18xf32, #tpu.memory_space<hbm>>) target(%arg24 : memref<18x18xf32, #tpu.memory_space<vmem>>) target_semaphore(%arg31 : memref<!tpu.dma_semaphore, #tpu.memory_space<semaphore_mem>>)
    %dma_start3A = arith.constant 0 : i32
    %dma_start3A_40 = arith.constant 0 : i32
    %dma_start3A_41 = tpu.memref_slice %arg2[%mul3A_37, %dma_start3A, %dma_start3A_40] : memref<64x65x16xf32, #tpu.memory_space<hbm>> -> memref<1x65x16xf32, #tpu.memory_space<hbm>>
    %dma_start3A_42 = tpu.memref_squeeze %dma_start3A_41 : memref<1x65x16xf32, #tpu.memory_space<hbm>> -> memref<65x16xf32, #tpu.memory_space<hbm>>
    %dma_start3A_43 = arith.constant 0 : i32
    %dma_start3A_44 = arith.constant 0 : i32
    %dma_start3A_45 = tpu.memref_slice %arg2[%mul3A_37, %dma_start3A_43, %dma_start3A_44] : memref<64x65x16xf32, #tpu.memory_space<hbm>> -> memref<1x65x16xf32, #tpu.memory_space<hbm>>
    %dma_start3A_46 = tpu.memref_squeeze %dma_start3A_45 : memref<1x65x16xf32, #tpu.memory_space<hbm>> -> memref<65x16xf32, #tpu.memory_space<hbm>>
    tpu.enqueue_dma source(%dma_start3A_46 : memref<65x16xf32, #tpu.memory_space<hbm>>) target(%arg13 : memref<65x16xf32, #tpu.memory_space<vmem>>) target_semaphore(%arg31 : memref<!tpu.dma_semaphore, #tpu.memory_space<semaphore_mem>>)
    %dma_start3A_47 = arith.constant 0 : i32
    %dma_start3A_48 = arith.constant 0 : i32
    %dma_start3A_49 = tpu.memref_slice %arg3[%mul3A_37, %dma_start3A_47, %dma_start3A_48] : memref<64x65x16xf32, #tpu.memory_space<hbm>> -> memref<1x65x16xf32, #tpu.memory_space<hbm>>
    %dma_start3A_50 = tpu.memref_squeeze %dma_start3A_49 : memref<1x65x16xf32, #tpu.memory_space<hbm>> -> memref<65x16xf32, #tpu.memory_space<hbm>>
    %dma_start3A_51 = arith.constant 0 : i32
    %dma_start3A_52 = arith.constant 0 : i32
    %dma_start3A_53 = tpu.memref_slice %arg3[%mul3A_37, %dma_start3A_51, %dma_start3A_52] : memref<64x65x16xf32, #tpu.memory_space<hbm>> -> memref<1x65x16xf32, #tpu.memory_space<hbm>>
    %dma_start3A_54 = tpu.memref_squeeze %dma_start3A_53 : memref<1x65x16xf32, #tpu.memory_space<hbm>> -> memref<65x16xf32, #tpu.memory_space<hbm>>
    tpu.enqueue_dma source(%dma_start3A_54 : memref<65x16xf32, #tpu.memory_space<hbm>>) target(%arg14 : memref<65x16xf32, #tpu.memory_space<vmem>>) target_semaphore(%arg31 : memref<!tpu.dma_semaphore, #tpu.memory_space<semaphore_mem>>)
    %dma_start3A_55 = arith.constant 0 : i32
    %dma_start3A_56 = tpu.memref_slice %arg4[%mul3A_37, %dma_start3A_55] : memref<64x80xi32, #tpu.memory_space<hbm>> -> memref<1x80xi32, #tpu.memory_space<hbm>>
    %dma_start3A_57 = tpu.memref_squeeze %dma_start3A_56 : memref<1x80xi32, #tpu.memory_space<hbm>> -> memref<80xi32, #tpu.memory_space<hbm>>
    %dma_start3A_58 = arith.constant 0 : i32
    %dma_start3A_59 = tpu.memref_slice %arg4[%mul3A_37, %dma_start3A_58] : memref<64x80xi32, #tpu.memory_space<hbm>> -> memref<1x80xi32, #tpu.memory_space<hbm>>
    %dma_start3A_60 = tpu.memref_squeeze %dma_start3A_59 : memref<1x80xi32, #tpu.memory_space<hbm>> -> memref<80xi32, #tpu.memory_space<hbm>>
    tpu.enqueue_dma source(%dma_start3A_60 : memref<80xi32, #tpu.memory_space<hbm>>) target(%arg17 : memref<80xi32, #tpu.memory_space<vmem>>) target_semaphore(%arg31 : memref<!tpu.dma_semaphore, #tpu.memory_space<semaphore_mem>>)
    %dma_start3A_61 = arith.constant 0 : i32
    %dma_start3A_62 = arith.constant 0 : i32
    %dma_start3A_63 = tpu.memref_slice %arg2[%add3A_39, %dma_start3A_61, %dma_start3A_62] : memref<64x65x16xf32, #tpu.memory_space<hbm>> -> memref<1x65x16xf32, #tpu.memory_space<hbm>>
    %dma_start3A_64 = tpu.memref_squeeze %dma_start3A_63 : memref<1x65x16xf32, #tpu.memory_space<hbm>> -> memref<65x16xf32, #tpu.memory_space<hbm>>
    %dma_start3A_65 = arith.constant 0 : i32
    %dma_start3A_66 = arith.constant 0 : i32
    %dma_start3A_67 = tpu.memref_slice %arg2[%add3A_39, %dma_start3A_65, %dma_start3A_66] : memref<64x65x16xf32, #tpu.memory_space<hbm>> -> memref<1x65x16xf32, #tpu.memory_space<hbm>>
    %dma_start3A_68 = tpu.memref_squeeze %dma_start3A_67 : memref<1x65x16xf32, #tpu.memory_space<hbm>> -> memref<65x16xf32, #tpu.memory_space<hbm>>
    tpu.enqueue_dma source(%dma_start3A_68 : memref<65x16xf32, #tpu.memory_space<hbm>>) target(%arg15 : memref<65x16xf32, #tpu.memory_space<vmem>>) target_semaphore(%arg31 : memref<!tpu.dma_semaphore, #tpu.memory_space<semaphore_mem>>)
    %dma_start3A_69 = arith.constant 0 : i32
    %dma_start3A_70 = arith.constant 0 : i32
    %dma_start3A_71 = tpu.memref_slice %arg3[%add3A_39, %dma_start3A_69, %dma_start3A_70] : memref<64x65x16xf32, #tpu.memory_space<hbm>> -> memref<1x65x16xf32, #tpu.memory_space<hbm>>
    %dma_start3A_72 = tpu.memref_squeeze %dma_start3A_71 : memref<1x65x16xf32, #tpu.memory_space<hbm>> -> memref<65x16xf32, #tpu.memory_space<hbm>>
    %dma_start3A_73 = arith.constant 0 : i32
    %dma_start3A_74 = arith.constant 0 : i32
    %dma_start3A_75 = tpu.memref_slice %arg3[%add3A_39, %dma_start3A_73, %dma_start3A_74] : memref<64x65x16xf32, #tpu.memory_space<hbm>> -> memref<1x65x16xf32, #tpu.memory_space<hbm>>
    %dma_start3A_76 = tpu.memref_squeeze %dma_start3A_75 : memref<1x65x16xf32, #tpu.memory_space<hbm>> -> memref<65x16xf32, #tpu.memory_space<hbm>>
    tpu.enqueue_dma source(%dma_start3A_76 : memref<65x16xf32, #tpu.memory_space<hbm>>) target(%arg16 : memref<65x16xf32, #tpu.memory_space<vmem>>) target_semaphore(%arg31 : memref<!tpu.dma_semaphore, #tpu.memory_space<semaphore_mem>>)
    %dma_start3A_77 = arith.constant 0 : i32
    %dma_start3A_78 = tpu.memref_slice %arg4[%add3A_39, %dma_start3A_77] : memref<64x80xi32, #tpu.memory_space<hbm>> -> memref<1x80xi32, #tpu.memory_space<hbm>>
    %dma_start3A_79 = tpu.memref_squeeze %dma_start3A_78 : memref<1x80xi32, #tpu.memory_space<hbm>> -> memref<80xi32, #tpu.memory_space<hbm>>
    %dma_start3A_80 = arith.constant 0 : i32
    %dma_start3A_81 = tpu.memref_slice %arg4[%add3A_39, %dma_start3A_80] : memref<64x80xi32, #tpu.memory_space<hbm>> -> memref<1x80xi32, #tpu.memory_space<hbm>>
    %dma_start3A_82 = tpu.memref_squeeze %dma_start3A_81 : memref<1x80xi32, #tpu.memory_space<hbm>> -> memref<80xi32, #tpu.memory_space<hbm>>
    tpu.enqueue_dma source(%dma_start3A_82 : memref<80xi32, #tpu.memory_space<hbm>>) target(%arg18 : memref<80xi32, #tpu.memory_space<vmem>>) target_semaphore(%arg31 : memref<!tpu.dma_semaphore, #tpu.memory_space<semaphore_mem>>)
    tpu.wait_dma2 semaphore(%arg31 : memref<!tpu.dma_semaphore, #tpu.memory_space<semaphore_mem>>) src(%arg5 : memref<16x16xf32, #tpu.memory_space<hbm>>) dst(%arg19 : memref<16x16xf32, #tpu.memory_space<vmem>>)
    tpu.wait_dma2 semaphore(%arg31 : memref<!tpu.dma_semaphore, #tpu.memory_space<semaphore_mem>>) src(%arg6 : memref<16x16xf32, #tpu.memory_space<hbm>>) dst(%arg20 : memref<16x16xf32, #tpu.memory_space<vmem>>)
    tpu.wait_dma2 semaphore(%arg31 : memref<!tpu.dma_semaphore, #tpu.memory_space<semaphore_mem>>) src(%arg7 : memref<16x16xf32, #tpu.memory_space<hbm>>) dst(%arg21 : memref<16x16xf32, #tpu.memory_space<vmem>>)
    tpu.wait_dma2 semaphore(%arg31 : memref<!tpu.dma_semaphore, #tpu.memory_space<semaphore_mem>>) src(%arg8 : memref<16x16xf32, #tpu.memory_space<hbm>>) dst(%arg22 : memref<16x16xf32, #tpu.memory_space<vmem>>)
    tpu.wait_dma2 semaphore(%arg31 : memref<!tpu.dma_semaphore, #tpu.memory_space<semaphore_mem>>) src(%arg9 : memref<16x16xf32, #tpu.memory_space<hbm>>) dst(%arg23 : memref<16x16xf32, #tpu.memory_space<vmem>>)
    tpu.wait_dma2 semaphore(%arg31 : memref<!tpu.dma_semaphore, #tpu.memory_space<semaphore_mem>>) src(%arg10 : memref<18x18xf32, #tpu.memory_space<hbm>>) dst(%arg24 : memref<18x18xf32, #tpu.memory_space<vmem>>)
    %dma_wait3A = arith.constant 0 : i32
    %dma_wait3A_83 = arith.constant 0 : i32
    %dma_wait3A_84 = tpu.memref_slice %arg2[%mul3A_37, %dma_wait3A, %dma_wait3A_83] : memref<64x65x16xf32, #tpu.memory_space<hbm>> -> memref<1x65x16xf32, #tpu.memory_space<hbm>>
    %dma_wait3A_85 = tpu.memref_squeeze %dma_wait3A_84 : memref<1x65x16xf32, #tpu.memory_space<hbm>> -> memref<65x16xf32, #tpu.memory_space<hbm>>
    %dma_wait3A_86 = arith.constant 0 : i32
    %dma_wait3A_87 = arith.constant 0 : i32
    %dma_wait3A_88 = tpu.memref_slice %arg2[%mul3A_37, %dma_wait3A_86, %dma_wait3A_87] : memref<64x65x16xf32, #tpu.memory_space<hbm>> -> memref<1x65x16xf32, #tpu.memory_space<hbm>>
    %dma_wait3A_89 = tpu.memref_squeeze %dma_wait3A_88 : memref<1x65x16xf32, #tpu.memory_space<hbm>> -> memref<65x16xf32, #tpu.memory_space<hbm>>
    tpu.wait_dma2 semaphore(%arg31 : memref<!tpu.dma_semaphore, #tpu.memory_space<semaphore_mem>>) src(%dma_wait3A_89 : memref<65x16xf32, #tpu.memory_space<hbm>>) dst(%arg13 : memref<65x16xf32, #tpu.memory_space<vmem>>)
    %dma_wait3A_90 = arith.constant 0 : i32
    %dma_wait3A_91 = arith.constant 0 : i32
    %dma_wait3A_92 = tpu.memref_slice %arg3[%mul3A_37, %dma_wait3A_90, %dma_wait3A_91] : memref<64x65x16xf32, #tpu.memory_space<hbm>> -> memref<1x65x16xf32, #tpu.memory_space<hbm>>
    %dma_wait3A_93 = tpu.memref_squeeze %dma_wait3A_92 : memref<1x65x16xf32, #tpu.memory_space<hbm>> -> memref<65x16xf32, #tpu.memory_space<hbm>>
    %dma_wait3A_94 = arith.constant 0 : i32
    %dma_wait3A_95 = arith.constant 0 : i32
    %dma_wait3A_96 = tpu.memref_slice %arg3[%mul3A_37, %dma_wait3A_94, %dma_wait3A_95] : memref<64x65x16xf32, #tpu.memory_space<hbm>> -> memref<1x65x16xf32, #tpu.memory_space<hbm>>
    %dma_wait3A_97 = tpu.memref_squeeze %dma_wait3A_96 : memref<1x65x16xf32, #tpu.memory_space<hbm>> -> memref<65x16xf32, #tpu.memory_space<hbm>>
    tpu.wait_dma2 semaphore(%arg31 : memref<!tpu.dma_semaphore, #tpu.memory_space<semaphore_mem>>) src(%dma_wait3A_97 : memref<65x16xf32, #tpu.memory_space<hbm>>) dst(%arg14 : memref<65x16xf32, #tpu.memory_space<vmem>>)
    %dma_wait3A_98 = arith.constant 0 : i32
    %dma_wait3A_99 = tpu.memref_slice %arg4[%mul3A_37, %dma_wait3A_98] : memref<64x80xi32, #tpu.memory_space<hbm>> -> memref<1x80xi32, #tpu.memory_space<hbm>>
    %dma_wait3A_100 = tpu.memref_squeeze %dma_wait3A_99 : memref<1x80xi32, #tpu.memory_space<hbm>> -> memref<80xi32, #tpu.memory_space<hbm>>
    %dma_wait3A_101 = arith.constant 0 : i32
    %dma_wait3A_102 = tpu.memref_slice %arg4[%mul3A_37, %dma_wait3A_101] : memref<64x80xi32, #tpu.memory_space<hbm>> -> memref<1x80xi32, #tpu.memory_space<hbm>>
    %dma_wait3A_103 = tpu.memref_squeeze %dma_wait3A_102 : memref<1x80xi32, #tpu.memory_space<hbm>> -> memref<80xi32, #tpu.memory_space<hbm>>
    tpu.wait_dma2 semaphore(%arg31 : memref<!tpu.dma_semaphore, #tpu.memory_space<semaphore_mem>>) src(%dma_wait3A_103 : memref<80xi32, #tpu.memory_space<hbm>>) dst(%arg17 : memref<80xi32, #tpu.memory_space<vmem>>)
    %dma_wait3A_104 = arith.constant 0 : i32
    %dma_wait3A_105 = arith.constant 0 : i32
    %dma_wait3A_106 = tpu.memref_slice %arg2[%add3A_39, %dma_wait3A_104, %dma_wait3A_105] : memref<64x65x16xf32, #tpu.memory_space<hbm>> -> memref<1x65x16xf32, #tpu.memory_space<hbm>>
    %dma_wait3A_107 = tpu.memref_squeeze %dma_wait3A_106 : memref<1x65x16xf32, #tpu.memory_space<hbm>> -> memref<65x16xf32, #tpu.memory_space<hbm>>
    %dma_wait3A_108 = arith.constant 0 : i32
    %dma_wait3A_109 = arith.constant 0 : i32
    %dma_wait3A_110 = tpu.memref_slice %arg2[%add3A_39, %dma_wait3A_108, %dma_wait3A_109] : memref<64x65x16xf32, #tpu.memory_space<hbm>> -> memref<1x65x16xf32, #tpu.memory_space<hbm>>
    %dma_wait3A_111 = tpu.memref_squeeze %dma_wait3A_110 : memref<1x65x16xf32, #tpu.memory_space<hbm>> -> memref<65x16xf32, #tpu.memory_space<hbm>>
    tpu.wait_dma2 semaphore(%arg31 : memref<!tpu.dma_semaphore, #tpu.memory_space<semaphore_mem>>) src(%dma_wait3A_111 : memref<65x16xf32, #tpu.memory_space<hbm>>) dst(%arg15 : memref<65x16xf32, #tpu.memory_space<vmem>>)
    %dma_wait3A_112 = arith.constant 0 : i32
    %dma_wait3A_113 = arith.constant 0 : i32
    %dma_wait3A_114 = tpu.memref_slice %arg3[%add3A_39, %dma_wait3A_112, %dma_wait3A_113] : memref<64x65x16xf32, #tpu.memory_space<hbm>> -> memref<1x65x16xf32, #tpu.memory_space<hbm>>
    %dma_wait3A_115 = tpu.memref_squeeze %dma_wait3A_114 : memref<1x65x16xf32, #tpu.memory_space<hbm>> -> memref<65x16xf32, #tpu.memory_space<hbm>>
    %dma_wait3A_116 = arith.constant 0 : i32
    %dma_wait3A_117 = arith.constant 0 : i32
    %dma_wait3A_118 = tpu.memref_slice %arg3[%add3A_39, %dma_wait3A_116, %dma_wait3A_117] : memref<64x65x16xf32, #tpu.memory_space<hbm>> -> memref<1x65x16xf32, #tpu.memory_space<hbm>>
    %dma_wait3A_119 = tpu.memref_squeeze %dma_wait3A_118 : memref<1x65x16xf32, #tpu.memory_space<hbm>> -> memref<65x16xf32, #tpu.memory_space<hbm>>
    tpu.wait_dma2 semaphore(%arg31 : memref<!tpu.dma_semaphore, #tpu.memory_space<semaphore_mem>>) src(%dma_wait3A_119 : memref<65x16xf32, #tpu.memory_space<hbm>>) dst(%arg16 : memref<65x16xf32, #tpu.memory_space<vmem>>)
    %dma_wait3A_120 = arith.constant 0 : i32
    %dma_wait3A_121 = tpu.memref_slice %arg4[%add3A_39, %dma_wait3A_120] : memref<64x80xi32, #tpu.memory_space<hbm>> -> memref<1x80xi32, #tpu.memory_space<hbm>>
    %dma_wait3A_122 = tpu.memref_squeeze %dma_wait3A_121 : memref<1x80xi32, #tpu.memory_space<hbm>> -> memref<80xi32, #tpu.memory_space<hbm>>
    %dma_wait3A_123 = arith.constant 0 : i32
    %dma_wait3A_124 = tpu.memref_slice %arg4[%add3A_39, %dma_wait3A_123] : memref<64x80xi32, #tpu.memory_space<hbm>> -> memref<1x80xi32, #tpu.memory_space<hbm>>
    %dma_wait3A_125 = tpu.memref_squeeze %dma_wait3A_124 : memref<1x80xi32, #tpu.memory_space<hbm>> -> memref<80xi32, #tpu.memory_space<hbm>>
    tpu.wait_dma2 semaphore(%arg31 : memref<!tpu.dma_semaphore, #tpu.memory_space<semaphore_mem>>) src(%dma_wait3A_125 : memref<80xi32, #tpu.memory_space<hbm>>) dst(%arg18 : memref<80xi32, #tpu.memory_space<vmem>>)
    %get3A = arith.constant 1 : i64
    %get3A_126 = arith.index_cast %get3A : i64 to index
    %get3A_127 = arith.constant 0 : index
    %get3A_128 = tpu.vector_load %arg13[%get3A_126, %get3A_127] {strides = array<i32>} : memref<65x16xf32, #tpu.memory_space<vmem>>, vector<16xf32>,
    %swap3A = arith.constant 0 : i64
    %swap3A_129 = arith.index_cast %swap3A : i64 to index
    %swap3A_130 = arith.constant 0 : index
    %swap3A_131 = tpu.vector_load %arg25[%swap3A_129, %swap3A_130] {strides = array<i32>} : memref<64x16xf32, #tpu.memory_space<vmem>>, vector<16xf32>,
    tpu.vector_store %arg25[%swap3A_129, %swap3A_130], %get3A_128 {strides = array<i32>} : memref<64x16xf32, #tpu.memory_space<vmem>>, vector<16xf32>,
    %get3A_132 = arith.constant 1 : i64
    %get3A_133 = arith.index_cast %get3A_132 : i64 to index
    %get3A_134 = arith.constant 0 : index
    %get3A_135 = tpu.vector_load %arg14[%get3A_133, %get3A_134] {strides = array<i32>} : memref<65x16xf32, #tpu.memory_space<vmem>>, vector<16xf32>,
    %swap3A_136 = arith.constant 0 : i64
    %swap3A_137 = arith.index_cast %swap3A_136 : i64 to index
    %swap3A_138 = arith.constant 0 : index
    %swap3A_139 = tpu.vector_load %arg26[%swap3A_137, %swap3A_138] {strides = array<i32>} : memref<64x16xf32, #tpu.memory_space<vmem>>, vector<16xf32>,
    tpu.vector_store %arg26[%swap3A_137, %swap3A_138], %get3A_135 {strides = array<i32>} : memref<64x16xf32, #tpu.memory_space<vmem>>, vector<16xf32>,
    %get3A_140 = arith.constant 1 : i64
    %get3A_141 = arith.index_cast %get3A_140 : i64 to index
    %get3A_142 = arith.constant 0 : index
    %get3A_143 = tpu.vector_load %arg13[%get3A_141, %get3A_142] {strides = array<i32>} : memref<65x16xf32, #tpu.memory_space<vmem>>, vector<16xf32>,
    %get3A_144 = arith.constant 1 : i64
    %get3A_145 = arith.index_cast %get3A_144 : i64 to index
    %get3A_146 = arith.constant 0 : index
    %get3A_147 = tpu.vector_load %arg14[%get3A_145, %get3A_146] {strides = array<i32>} : memref<65x16xf32, #tpu.memory_space<vmem>>, vector<16xf32>,
    %get3A_148 = arith.constant 1 : i64
    %get3A_149 = arith.index_cast %get3A_148 : i64 to index
    %get3A_150 = arith.constant 0 : index
    %get3A_151 = tpu.vector_load %arg15[%get3A_149, %get3A_150] {strides = array<i32>} : memref<65x16xf32, #tpu.memory_space<vmem>>, vector<16xf32>,
    %swap3A_152 = arith.constant 0 : i64
    %swap3A_153 = arith.index_cast %swap3A_152 : i64 to index
    %swap3A_154 = arith.constant 0 : index
    %swap3A_155 = tpu.vector_load %arg27[%swap3A_153, %swap3A_154] {strides = array<i32>} : memref<64x16xf32, #tpu.memory_space<vmem>>, vector<16xf32>,
    tpu.vector_store %arg27[%swap3A_153, %swap3A_154], %get3A_151 {strides = array<i32>} : memref<64x16xf32, #tpu.memory_space<vmem>>, vector<16xf32>,
    %get3A_156 = arith.constant 1 : i64
    %get3A_157 = arith.index_cast %get3A_156 : i64 to index
    %get3A_158 = arith.constant 0 : index
    %get3A_159 = tpu.vector_load %arg16[%get3A_157, %get3A_158] {strides = array<i32>} : memref<65x16xf32, #tpu.memory_space<vmem>>, vector<16xf32>,
    %swap3A_160 = arith.constant 0 : i64
    %swap3A_161 = arith.index_cast %swap3A_160 : i64 to index
    %swap3A_162 = arith.constant 0 : index
    %swap3A_163 = tpu.vector_load %arg28[%swap3A_161, %swap3A_162] {strides = array<i32>} : memref<64x16xf32, #tpu.memory_space<vmem>>, vector<16xf32>,
    tpu.vector_store %arg28[%swap3A_161, %swap3A_162], %get3A_159 {strides = array<i32>} : memref<64x16xf32, #tpu.memory_space<vmem>>, vector<16xf32>,
    %get3A_164 = arith.constant 1 : i64
    %get3A_165 = arith.index_cast %get3A_164 : i64 to index
    %get3A_166 = arith.constant 0 : index
    %get3A_167 = tpu.vector_load %arg15[%get3A_165, %get3A_166] {strides = array<i32>} : memref<65x16xf32, #tpu.memory_space<vmem>>, vector<16xf32>,
    %get3A_168 = arith.constant 1 : i64
    %get3A_169 = arith.index_cast %get3A_168 : i64 to index
    %get3A_170 = arith.constant 0 : index
    %get3A_171 = tpu.vector_load %arg16[%get3A_169, %get3A_170] {strides = array<i32>} : memref<65x16xf32, #tpu.memory_space<vmem>>, vector<16xf32>,
    %exp3A = math.exp %get3A_143 : vector<16xf32>
    %exp3A_172 = math.exp %get3A_167 : vector<16xf32>
    %broadcast_in_dim3A_173 = arith.constant 0 : i32
    %broadcast_in_dim3A_174 = vector.broadcast %broadcast_in_dim3A_173 : i32 to vector<16xi32>
    %broadcast_in_dim3A_175 = arith.constant 0 : i32
    %broadcast_in_dim3A_176 = vector.broadcast %broadcast_in_dim3A_175 : i32 to vector<16xi32>
    %while3A = arith.constant 0 : i32
    %while3A_177:9 = scf.while (%while3A_845 = %while3A, %while3A_846 = %get3A_143, %while3A_847 = %get3A_147, %while3A_848 = %get3A_167, %while3A_849 = %get3A_171, %while3A_850 = %exp3A, %while3A_851 = %exp3A_172, %while3A_852 = %broadcast_in_dim3A_174, %while3A_853 = %broadcast_in_dim3A_176) : (i32, vector<16xf32>, vector<16xf32>, vector<16xf32>, vector<16xf32>, vector<16xf32>, vector<16xf32>, vector<16xi32>, vector<16xi32>) -> (i32, vector<16xf32>, vector<16xf32>, vector<16xf32>, vector<16xf32>, vector<16xf32>, vector<16xf32>, vector<16xi32>, vector<16xi32>) {
      %lt3A = arith.constant 63 : i32
      %lt3A_854 = arith.cmpi slt, %while3A_845, %lt3A : i32
      scf.condition(%lt3A_854) %while3A_845, %while3A_846, %while3A_847, %while3A_848, %while3A_849, %while3A_850, %while3A_851, %while3A_852, %while3A_853 : i32, vector<16xf32>, vector<16xf32>, vector<16xf32>, vector<16xf32>, vector<16xf32>, vector<16xf32>, vector<16xi32>, vector<16xi32>
    } do {
    ^bb0(%while3A_845: i32, %while3A_846: vector<16xf32>, %while3A_847: vector<16xf32>, %while3A_848: vector<16xf32>, %while3A_849: vector<16xf32>, %while3A_850: vector<16xf32>, %while3A_851: vector<16xf32>, %while3A_852: vector<16xi32>, %while3A_853: vector<16xi32>):
      %add3A_854 = arith.constant 2 : i32
      %add3A_855 = arith.addi %while3A_845, %add3A_854 : i32
      %get3A_856 = arith.index_cast %add3A_855 : i32 to index
      %get3A_857 = arith.constant 0 : index
      %get3A_858 = tpu.vector_load %arg13[%get3A_856, %get3A_857] {strides = array<i32>} : memref<65x16xf32, #tpu.memory_space<vmem>>, vector<16xf32>,
      %get3A_859 = arith.index_cast %add3A_855 : i32 to index
      %get3A_860 = arith.constant 0 : index
      %get3A_861 = tpu.vector_load %arg14[%get3A_859, %get3A_860] {strides = array<i32>} : memref<65x16xf32, #tpu.memory_space<vmem>>, vector<16xf32>,
      %gather3A_862 = vector.shape_cast %broadcast_in_dim3A_5 : vector<16x1xi32> to vector<16xi32>
      %gather3A_863 = tpu.dynamic_gather %while3A_846[%gather3A_862] in [0] : vector<16xf32>, vector<16xi32> -> vector<16xf32>
      %gather3A_864 = vector.shape_cast %broadcast_in_dim3A_5 : vector<16x1xi32> to vector<16xi32>
      %gather3A_865 = tpu.dynamic_gather %while3A_847[%gather3A_864] in [0] : vector<16xf32>, vector<16xi32> -> vector<16xf32>
      %get3A_866 = arith.constant 0 : i64
      %get3A_867 = arith.index_cast %get3A_866 : i64 to index
      %get3A_868 = arith.constant 0 : index
      %get3A_869 = tpu.vector_load %arg19[%get3A_867, %get3A_868] {strides = array<i32>} : memref<16x16xf32, #tpu.memory_space<vmem>>, vector<16xf32>,
      %get3A_870 = arith.constant 0 : i64
      %get3A_871 = arith.index_cast %get3A_870 : i64 to index
      %get3A_872 = arith.constant 0 : index
      %get3A_873 = tpu.vector_load %arg20[%get3A_871, %get3A_872] {strides = array<i32>} : memref<16x16xf32, #tpu.memory_space<vmem>>, vector<16xf32>,
      %add3A_874 = arith.addf %gather3A_863, %get3A_869 : vector<16xf32>
      %sub3A_875 = arith.subf %add3A_874, %gather3A_863 : vector<16xf32>
      %sub3A_876 = arith.subf %add3A_874, %sub3A_875 : vector<16xf32>
      %sub3A_877 = arith.subf %gather3A_863, %sub3A_876 : vector<16xf32>
      %sub3A_878 = arith.subf %get3A_869, %sub3A_875 : vector<16xf32>
      %add3A_879 = arith.addf %sub3A_877, %sub3A_878 : vector<16xf32>
      %add3A_880 = arith.addf %gather3A_865, %get3A_873 : vector<16xf32>
      %add3A_881 = arith.addf %add3A_879, %add3A_880 : vector<16xf32>
      %add3A_882 = arith.addf %add3A_874, %add3A_881 : vector<16xf32>
      %sub3A_883 = arith.subf %add3A_882, %add3A_874 : vector<16xf32>
      %sub3A_884 = arith.subf %add3A_881, %sub3A_883 : vector<16xf32>
      %gather3A_885 = vector.shape_cast %broadcast_in_dim3A_5 : vector<16x1xi32> to vector<16xi32>
      %gather3A_886 = tpu.dynamic_gather %while3A_850[%gather3A_885] in [0] : vector<16xf32>, vector<16xi32> -> vector<16xf32>
      %get3A_887 = arith.constant 0 : i64
      %get3A_888 = arith.index_cast %get3A_887 : i64 to index
      %get3A_889 = arith.constant 0 : index
      %get3A_890 = tpu.vector_load %arg23[%get3A_888, %get3A_889] {strides = array<i32>} : memref<16x16xf32, #tpu.memory_space<vmem>>, vector<16xf32>,
      %mul3A_891 = arith.mulf %gather3A_886, %get3A_890 : vector<16xf32>
      %gather3A_892 = vector.shape_cast %broadcast_in_dim3A_7 : vector<16x1xi32> to vector<16xi32>
      %gather3A_893 = tpu.dynamic_gather %while3A_846[%gather3A_892] in [0] : vector<16xf32>, vector<16xi32> -> vector<16xf32>
      %gather3A_894 = vector.shape_cast %broadcast_in_dim3A_7 : vector<16x1xi32> to vector<16xi32>
      %gather3A_895 = tpu.dynamic_gather %while3A_847[%gather3A_894] in [0] : vector<16xf32>, vector<16xi32> -> vector<16xf32>
      %get3A_896 = arith.constant 1 : i64
      %get3A_897 = arith.index_cast %get3A_896 : i64 to index
      %get3A_898 = arith.constant 0 : index
      %get3A_899 = tpu.vector_load %arg19[%get3A_897, %get3A_898] {strides = array<i32>} : memref<16x16xf32, #tpu.memory_space<vmem>>, vector<16xf32>,
      %get3A_900 = arith.constant 1 : i64
      %get3A_901 = arith.index_cast %get3A_900 : i64 to index
      %get3A_902 = arith.constant 0 : index
      %get3A_903 = tpu.vector_load %arg20[%get3A_901, %get3A_902] {strides = array<i32>} : memref<16x16xf32, #tpu.memory_space<vmem>>, vector<16xf32>,
      %add3A_904 = arith.addf %gather3A_893, %get3A_899 : vector<16xf32>
      %sub3A_905 = arith.subf %add3A_904, %gather3A_893 : vector<16xf32>
      %sub3A_906 = arith.subf %add3A_904, %sub3A_905 : vector<16xf32>
      %sub3A_907 = arith.subf %gather3A_893, %sub3A_906 : vector<16xf32>
      %sub3A_908 = arith.subf %get3A_899, %sub3A_905 : vector<16xf32>
      %add3A_909 = arith.addf %sub3A_907, %sub3A_908 : vector<16xf32>
      %add3A_910 = arith.addf %gather3A_895, %get3A_903 : vector<16xf32>
      %add3A_911 = arith.addf %add3A_909, %add3A_910 : vector<16xf32>
      %add3A_912 = arith.addf %add3A_904, %add3A_911 : vector<16xf32>
      %sub3A_913 = arith.subf %add3A_912, %add3A_904 : vector<16xf32>
      %sub3A_914 = arith.subf %add3A_911, %sub3A_913 : vector<16xf32>
      %gather3A_915 = vector.shape_cast %broadcast_in_dim3A_7 : vector<16x1xi32> to vector<16xi32>
      %gather3A_916 = tpu.dynamic_gather %while3A_850[%gather3A_915] in [0] : vector<16xf32>, vector<16xi32> -> vector<16xf32>
      %get3A_917 = arith.constant 1 : i64
      %get3A_918 = arith.index_cast %get3A_917 : i64 to index
      %get3A_919 = arith.constant 0 : index
      %get3A_920 = tpu.vector_load %arg23[%get3A_918, %get3A_919] {strides = array<i32>} : memref<16x16xf32, #tpu.memory_space<vmem>>, vector<16xf32>,
      %mul3A_921 = arith.mulf %gather3A_916, %get3A_920 : vector<16xf32>
      %gather3A_922 = vector.shape_cast %broadcast_in_dim3A_9 : vector<16x1xi32> to vector<16xi32>
      %gather3A_923 = tpu.dynamic_gather %while3A_846[%gather3A_922] in [0] : vector<16xf32>, vector<16xi32> -> vector<16xf32>
      %gather3A_924 = vector.shape_cast %broadcast_in_dim3A_9 : vector<16x1xi32> to vector<16xi32>
      %gather3A_925 = tpu.dynamic_gather %while3A_847[%gather3A_924] in [0] : vector<16xf32>, vector<16xi32> -> vector<16xf32>
      %get3A_926 = arith.constant 2 : i64
      %get3A_927 = arith.index_cast %get3A_926 : i64 to index
      %get3A_928 = arith.constant 0 : index
      %get3A_929 = tpu.vector_load %arg19[%get3A_927, %get3A_928] {strides = array<i32>} : memref<16x16xf32, #tpu.memory_space<vmem>>, vector<16xf32>,
      %get3A_930 = arith.constant 2 : i64
      %get3A_931 = arith.index_cast %get3A_930 : i64 to index
      %get3A_932 = arith.constant 0 : index
      %get3A_933 = tpu.vector_load %arg20[%get3A_931, %get3A_932] {strides = array<i32>} : memref<16x16xf32, #tpu.memory_space<vmem>>, vector<16xf32>,
      %add3A_934 = arith.addf %gather3A_923, %get3A_929 : vector<16xf32>
      %sub3A_935 = arith.subf %add3A_934, %gather3A_923 : vector<16xf32>
      %sub3A_936 = arith.subf %add3A_934, %sub3A_935 : vector<16xf32>
      %sub3A_937 = arith.subf %gather3A_923, %sub3A_936 : vector<16xf32>
      %sub3A_938 = arith.subf %get3A_929, %sub3A_935 : vector<16xf32>
      %add3A_939 = arith.addf %sub3A_937, %sub3A_938 : vector<16xf32>
      %add3A_940 = arith.addf %gather3A_925, %get3A_933 : vector<16xf32>
      %add3A_941 = arith.addf %add3A_939, %add3A_940 : vector<16xf32>
      %add3A_942 = arith.addf %add3A_934, %add3A_941 : vector<16xf32>
      %sub3A_943 = arith.subf %add3A_942, %add3A_934 : vector<16xf32>
      %sub3A_944 = arith.subf %add3A_941, %sub3A_943 : vector<16xf32>
      %gather3A_945 = vector.shape_cast %broadcast_in_dim3A_9 : vector<16x1xi32> to vector<16xi32>
      %gather3A_946 = tpu.dynamic_gather %while3A_850[%gather3A_945] in [0] : vector<16xf32>, vector<16xi32> -> vector<16xf32>
      %get3A_947 = arith.constant 2 : i64
      %get3A_948 = arith.index_cast %get3A_947 : i64 to index
      %get3A_949 = arith.constant 0 : index
      %get3A_950 = tpu.vector_load %arg23[%get3A_948, %get3A_949] {strides = array<i32>} : memref<16x16xf32, #tpu.memory_space<vmem>>, vector<16xf32>,
      %mul3A_951 = arith.mulf %gather3A_946, %get3A_950 : vector<16xf32>
      %gather3A_952 = vector.shape_cast %broadcast_in_dim3A_11 : vector<16x1xi32> to vector<16xi32>
      %gather3A_953 = tpu.dynamic_gather %while3A_846[%gather3A_952] in [0] : vector<16xf32>, vector<16xi32> -> vector<16xf32>
      %gather3A_954 = vector.shape_cast %broadcast_in_dim3A_11 : vector<16x1xi32> to vector<16xi32>
      %gather3A_955 = tpu.dynamic_gather %while3A_847[%gather3A_954] in [0] : vector<16xf32>, vector<16xi32> -> vector<16xf32>
      %get3A_956 = arith.constant 3 : i64
      %get3A_957 = arith.index_cast %get3A_956 : i64 to index
      %get3A_958 = arith.constant 0 : index
      %get3A_959 = tpu.vector_load %arg19[%get3A_957, %get3A_958] {strides = array<i32>} : memref<16x16xf32, #tpu.memory_space<vmem>>, vector<16xf32>,
      %get3A_960 = arith.constant 3 : i64
      %get3A_961 = arith.index_cast %get3A_960 : i64 to index
      %get3A_962 = arith.constant 0 : index
      %get3A_963 = tpu.vector_load %arg20[%get3A_961, %get3A_962] {strides = array<i32>} : memref<16x16xf32, #tpu.memory_space<vmem>>, vector<16xf32>,
      %add3A_964 = arith.addf %gather3A_953, %get3A_959 : vector<16xf32>
      %sub3A_965 = arith.subf %add3A_964, %gather3A_953 : vector<16xf32>
      %sub3A_966 = arith.subf %add3A_964, %sub3A_965 : vector<16xf32>
      %sub3A_967 = arith.subf %gather3A_953, %sub3A_966 : vector<16xf32>
      %sub3A_968 = arith.subf %get3A_959, %sub3A_965 : vector<16xf32>
      %add3A_969 = arith.addf %sub3A_967, %sub3A_968 : vector<16xf32>
      %add3A_970 = arith.addf %gather3A_955, %get3A_963 : vector<16xf32>
      %add3A_971 = arith.addf %add3A_969, %add3A_970 : vector<16xf32>
      %add3A_972 = arith.addf %add3A_964, %add3A_971 : vector<16xf32>
      %sub3A_973 = arith.subf %add3A_972, %add3A_964 : vector<16xf32>
      %sub3A_974 = arith.subf %add3A_971, %sub3A_973 : vector<16xf32>
      %gather3A_975 = vector.shape_cast %broadcast_in_dim3A_11 : vector<16x1xi32> to vector<16xi32>
      %gather3A_976 = tpu.dynamic_gather %while3A_850[%gather3A_975] in [0] : vector<16xf32>, vector<16xi32> -> vector<16xf32>
      %get3A_977 = arith.constant 3 : i64
      %get3A_978 = arith.index_cast %get3A_977 : i64 to index
      %get3A_979 = arith.constant 0 : index
      %get3A_980 = tpu.vector_load %arg23[%get3A_978, %get3A_979] {strides = array<i32>} : memref<16x16xf32, #tpu.memory_space<vmem>>, vector<16xf32>,
      %mul3A_981 = arith.mulf %gather3A_976, %get3A_980 : vector<16xf32>
      %gather3A_982 = vector.shape_cast %broadcast_in_dim3A_13 : vector<16x1xi32> to vector<16xi32>
      %gather3A_983 = tpu.dynamic_gather %while3A_846[%gather3A_982] in [0] : vector<16xf32>, vector<16xi32> -> vector<16xf32>
      %gather3A_984 = vector.shape_cast %broadcast_in_dim3A_13 : vector<16x1xi32> to vector<16xi32>
      %gather3A_985 = tpu.dynamic_gather %while3A_847[%gather3A_984] in [0] : vector<16xf32>, vector<16xi32> -> vector<16xf32>
      %get3A_986 = arith.constant 4 : i64
      %get3A_987 = arith.index_cast %get3A_986 : i64 to index
      %get3A_988 = arith.constant 0 : index
      %get3A_989 = tpu.vector_load %arg19[%get3A_987, %get3A_988] {strides = array<i32>} : memref<16x16xf32, #tpu.memory_space<vmem>>, vector<16xf32>,
      %get3A_990 = arith.constant 4 : i64
      %get3A_991 = arith.index_cast %get3A_990 : i64 to index
      %get3A_992 = arith.constant 0 : index
      %get3A_993 = tpu.vector_load %arg20[%get3A_991, %get3A_992] {strides = array<i32>} : memref<16x16xf32, #tpu.memory_space<vmem>>, vector<16xf32>,
      %add3A_994 = arith.addf %gather3A_983, %get3A_989 : vector<16xf32>
      %sub3A_995 = arith.subf %add3A_994, %gather3A_983 : vector<16xf32>
      %sub3A_996 = arith.subf %add3A_994, %sub3A_995 : vector<16xf32>
      %sub3A_997 = arith.subf %gather3A_983, %sub3A_996 : vector<16xf32>
      %sub3A_998 = arith.subf %get3A_989, %sub3A_995 : vector<16xf32>
      %add3A_999 = arith.addf %sub3A_997, %sub3A_998 : vector<16xf32>
      %add3A_1000 = arith.addf %gather3A_985, %get3A_993 : vector<16xf32>
      %add3A_1001 = arith.addf %add3A_999, %add3A_1000 : vector<16xf32>
      %add3A_1002 = arith.addf %add3A_994, %add3A_1001 : vector<16xf32>
      %sub3A_1003 = arith.subf %add3A_1002, %add3A_994 : vector<16xf32>
      %sub3A_1004 = arith.subf %add3A_1001, %sub3A_1003 : vector<16xf32>
      %gather3A_1005 = vector.shape_cast %broadcast_in_dim3A_13 : vector<16x1xi32> to vector<16xi32>
      %gather3A_1006 = tpu.dynamic_gather %while3A_850[%gather3A_1005] in [0] : vector<16xf32>, vector<16xi32> -> vector<16xf32>
      %get3A_1007 = arith.constant 4 : i64
      %get3A_1008 = arith.index_cast %get3A_1007 : i64 to index
      %get3A_1009 = arith.constant 0 : index
      %get3A_1010 = tpu.vector_load %arg23[%get3A_1008, %get3A_1009] {strides = array<i32>} : memref<16x16xf32, #tpu.memory_space<vmem>>, vector<16xf32>,
      %mul3A_1011 = arith.mulf %gather3A_1006, %get3A_1010 : vector<16xf32>
      %gather3A_1012 = vector.shape_cast %broadcast_in_dim3A_15 : vector<16x1xi32> to vector<16xi32>
      %gather3A_1013 = tpu.dynamic_gather %while3A_846[%gather3A_1012] in [0] : vector<16xf32>, vector<16xi32> -> vector<16xf32>
      %gather3A_1014 = vector.shape_cast %broadcast_in_dim3A_15 : vector<16x1xi32> to vector<16xi32>
      %gather3A_1015 = tpu.dynamic_gather %while3A_847[%gather3A_1014] in [0] : vector<16xf32>, vector<16xi32> -> vector<16xf32>
      %get3A_1016 = arith.constant 5 : i64
      %get3A_1017 = arith.index_cast %get3A_1016 : i64 to index
      %get3A_1018 = arith.constant 0 : index
      %get3A_1019 = tpu.vector_load %arg19[%get3A_1017, %get3A_1018] {strides = array<i32>} : memref<16x16xf32, #tpu.memory_space<vmem>>, vector<16xf32>,
      %get3A_1020 = arith.constant 5 : i64
      %get3A_1021 = arith.index_cast %get3A_1020 : i64 to index
      %get3A_1022 = arith.constant 0 : index
      %get3A_1023 = tpu.vector_load %arg20[%get3A_1021, %get3A_1022] {strides = array<i32>} : memref<16x16xf32, #tpu.memory_space<vmem>>, vector<16xf32>,
      %add3A_1024 = arith.addf %gather3A_1013, %get3A_1019 : vector<16xf32>
      %sub3A_1025 = arith.subf %add3A_1024, %gather3A_1013 : vector<16xf32>
      %sub3A_1026 = arith.subf %add3A_1024, %sub3A_1025 : vector<16xf32>
      %sub3A_1027 = arith.subf %gather3A_1013, %sub3A_1026 : vector<16xf32>
      %sub3A_1028 = arith.subf %get3A_1019, %sub3A_1025 : vector<16xf32>
      %add3A_1029 = arith.addf %sub3A_1027, %sub3A_1028 : vector<16xf32>
      %add3A_1030 = arith.addf %gather3A_1015, %get3A_1023 : vector<16xf32>
      %add3A_1031 = arith.addf %add3A_1029, %add3A_1030 : vector<16xf32>
      %add3A_1032 = arith.addf %add3A_1024, %add3A_1031 : vector<16xf32>
      %sub3A_1033 = arith.subf %add3A_1032, %add3A_1024 : vector<16xf32>
      %sub3A_1034 = arith.subf %add3A_1031, %sub3A_1033 : vector<16xf32>
      %gather3A_1035 = vector.shape_cast %broadcast_in_dim3A_15 : vector<16x1xi32> to vector<16xi32>
      %gather3A_1036 = tpu.dynamic_gather %while3A_850[%gather3A_1035] in [0] : vector<16xf32>, vector<16xi32> -> vector<16xf32>
      %get3A_1037 = arith.constant 5 : i64
      %get3A_1038 = arith.index_cast %get3A_1037 : i64 to index
      %get3A_1039 = arith.constant 0 : index
      %get3A_1040 = tpu.vector_load %arg23[%get3A_1038, %get3A_1039] {strides = array<i32>} : memref<16x16xf32, #tpu.memory_space<vmem>>, vector<16xf32>,
      %mul3A_1041 = arith.mulf %gather3A_1036, %get3A_1040 : vector<16xf32>
      %gather3A_1042 = vector.shape_cast %broadcast_in_dim3A_17 : vector<16x1xi32> to vector<16xi32>
      %gather3A_1043 = tpu.dynamic_gather %while3A_846[%gather3A_1042] in [0] : vector<16xf32>, vector<16xi32> -> vector<16xf32>
      %gather3A_1044 = vector.shape_cast %broadcast_in_dim3A_17 : vector<16x1xi32> to vector<16xi32>
      %gather3A_1045 = tpu.dynamic_gather %while3A_847[%gather3A_1044] in [0] : vector<16xf32>, vector<16xi32> -> vector<16xf32>
      %get3A_1046 = arith.constant 6 : i64
      %get3A_1047 = arith.index_cast %get3A_1046 : i64 to index
      %get3A_1048 = arith.constant 0 : index
      %get3A_1049 = tpu.vector_load %arg19[%get3A_1047, %get3A_1048] {strides = array<i32>} : memref<16x16xf32, #tpu.memory_space<vmem>>, vector<16xf32>,
      %get3A_1050 = arith.constant 6 : i64
      %get3A_1051 = arith.index_cast %get3A_1050 : i64 to index
      %get3A_1052 = arith.constant 0 : index
      %get3A_1053 = tpu.vector_load %arg20[%get3A_1051, %get3A_1052] {strides = array<i32>} : memref<16x16xf32, #tpu.memory_space<vmem>>, vector<16xf32>,
      %add3A_1054 = arith.addf %gather3A_1043, %get3A_1049 : vector<16xf32>
      %sub3A_1055 = arith.subf %add3A_1054, %gather3A_1043 : vector<16xf32>
      %sub3A_1056 = arith.subf %add3A_1054, %sub3A_1055 : vector<16xf32>
      %sub3A_1057 = arith.subf %gather3A_1043, %sub3A_1056 : vector<16xf32>
      %sub3A_1058 = arith.subf %get3A_1049, %sub3A_1055 : vector<16xf32>
      %add3A_1059 = arith.addf %sub3A_1057, %sub3A_1058 : vector<16xf32>
      %add3A_1060 = arith.addf %gather3A_1045, %get3A_1053 : vector<16xf32>
      %add3A_1061 = arith.addf %add3A_1059, %add3A_1060 : vector<16xf32>
      %add3A_1062 = arith.addf %add3A_1054, %add3A_1061 : vector<16xf32>
      %sub3A_1063 = arith.subf %add3A_1062, %add3A_1054 : vector<16xf32>
      %sub3A_1064 = arith.subf %add3A_1061, %sub3A_1063 : vector<16xf32>
      %gather3A_1065 = vector.shape_cast %broadcast_in_dim3A_17 : vector<16x1xi32> to vector<16xi32>
      %gather3A_1066 = tpu.dynamic_gather %while3A_850[%gather3A_1065] in [0] : vector<16xf32>, vector<16xi32> -> vector<16xf32>
      %get3A_1067 = arith.constant 6 : i64
      %get3A_1068 = arith.index_cast %get3A_1067 : i64 to index
      %get3A_1069 = arith.constant 0 : index
      %get3A_1070 = tpu.vector_load %arg23[%get3A_1068, %get3A_1069] {strides = array<i32>} : memref<16x16xf32, #tpu.memory_space<vmem>>, vector<16xf32>,
      %mul3A_1071 = arith.mulf %gather3A_1066, %get3A_1070 : vector<16xf32>
      %gather3A_1072 = vector.shape_cast %broadcast_in_dim3A_19 : vector<16x1xi32> to vector<16xi32>
      %gather3A_1073 = tpu.dynamic_gather %while3A_846[%gather3A_1072] in [0] : vector<16xf32>, vector<16xi32> -> vector<16xf32>
      %gather3A_1074 = vector.shape_cast %broadcast_in_dim3A_19 : vector<16x1xi32> to vector<16xi32>
      %gather3A_1075 = tpu.dynamic_gather %while3A_847[%gather3A_1074] in [0] : vector<16xf32>, vector<16xi32> -> vector<16xf32>
      %get3A_1076 = arith.constant 7 : i64
      %get3A_1077 = arith.index_cast %get3A_1076 : i64 to index
      %get3A_1078 = arith.constant 0 : index
      %get3A_1079 = tpu.vector_load %arg19[%get3A_1077, %get3A_1078] {strides = array<i32>} : memref<16x16xf32, #tpu.memory_space<vmem>>, vector<16xf32>,
      %get3A_1080 = arith.constant 7 : i64
      %get3A_1081 = arith.index_cast %get3A_1080 : i64 to index
      %get3A_1082 = arith.constant 0 : index
      %get3A_1083 = tpu.vector_load %arg20[%get3A_1081, %get3A_1082] {strides = array<i32>} : memref<16x16xf32, #tpu.memory_space<vmem>>, vector<16xf32>,
      %add3A_1084 = arith.addf %gather3A_1073, %get3A_1079 : vector<16xf32>
      %sub3A_1085 = arith.subf %add3A_1084, %gather3A_1073 : vector<16xf32>
      %sub3A_1086 = arith.subf %add3A_1084, %sub3A_1085 : vector<16xf32>
      %sub3A_1087 = arith.subf %gather3A_1073, %sub3A_1086 : vector<16xf32>
      %sub3A_1088 = arith.subf %get3A_1079, %sub3A_1085 : vector<16xf32>
      %add3A_1089 = arith.addf %sub3A_1087, %sub3A_1088 : vector<16xf32>
      %add3A_1090 = arith.addf %gather3A_1075, %get3A_1083 : vector<16xf32>
      %add3A_1091 = arith.addf %add3A_1089, %add3A_1090 : vector<16xf32>
      %add3A_1092 = arith.addf %add3A_1084, %add3A_1091 : vector<16xf32>
      %sub3A_1093 = arith.subf %add3A_1092, %add3A_1084 : vector<16xf32>
      %sub3A_1094 = arith.subf %add3A_1091, %sub3A_1093 : vector<16xf32>
      %gather3A_1095 = vector.shape_cast %broadcast_in_dim3A_19 : vector<16x1xi32> to vector<16xi32>
      %gather3A_1096 = tpu.dynamic_gather %while3A_850[%gather3A_1095] in [0] : vector<16xf32>, vector<16xi32> -> vector<16xf32>
      %get3A_1097 = arith.constant 7 : i64
      %get3A_1098 = arith.index_cast %get3A_1097 : i64 to index
      %get3A_1099 = arith.constant 0 : index
      %get3A_1100 = tpu.vector_load %arg23[%get3A_1098, %get3A_1099] {strides = array<i32>} : memref<16x16xf32, #tpu.memory_space<vmem>>, vector<16xf32>,
      %mul3A_1101 = arith.mulf %gather3A_1096, %get3A_1100 : vector<16xf32>
      %gather3A_1102 = vector.shape_cast %broadcast_in_dim3A_21 : vector<16x1xi32> to vector<16xi32>
      %gather3A_1103 = tpu.dynamic_gather %while3A_846[%gather3A_1102] in [0] : vector<16xf32>, vector<16xi32> -> vector<16xf32>
      %gather3A_1104 = vector.shape_cast %broadcast_in_dim3A_21 : vector<16x1xi32> to vector<16xi32>
      %gather3A_1105 = tpu.dynamic_gather %while3A_847[%gather3A_1104] in [0] : vector<16xf32>, vector<16xi32> -> vector<16xf32>
      %get3A_1106 = arith.constant 8 : i64
      %get3A_1107 = arith.index_cast %get3A_1106 : i64 to index
      %get3A_1108 = arith.constant 0 : index
      %get3A_1109 = tpu.vector_load %arg19[%get3A_1107, %get3A_1108] {strides = array<i32>} : memref<16x16xf32, #tpu.memory_space<vmem>>, vector<16xf32>,
      %get3A_1110 = arith.constant 8 : i64
      %get3A_1111 = arith.index_cast %get3A_1110 : i64 to index
      %get3A_1112 = arith.constant 0 : index
      %get3A_1113 = tpu.vector_load %arg20[%get3A_1111, %get3A_1112] {strides = array<i32>} : memref<16x16xf32, #tpu.memory_space<vmem>>, vector<16xf32>,
      %add3A_1114 = arith.addf %gather3A_1103, %get3A_1109 : vector<16xf32>
      %sub3A_1115 = arith.subf %add3A_1114, %gather3A_1103 : vector<16xf32>
      %sub3A_1116 = arith.subf %add3A_1114, %sub3A_1115 : vector<16xf32>
      %sub3A_1117 = arith.subf %gather3A_1103, %sub3A_1116 : vector<16xf32>
      %sub3A_1118 = arith.subf %get3A_1109, %sub3A_1115 : vector<16xf32>
      %add3A_1119 = arith.addf %sub3A_1117, %sub3A_1118 : vector<16xf32>
      %add3A_1120 = arith.addf %gather3A_1105, %get3A_1113 : vector<16xf32>
      %add3A_1121 = arith.addf %add3A_1119, %add3A_1120 : vector<16xf32>
      %add3A_1122 = arith.addf %add3A_1114, %add3A_1121 : vector<16xf32>
      %sub3A_1123 = arith.subf %add3A_1122, %add3A_1114 : vector<16xf32>
      %sub3A_1124 = arith.subf %add3A_1121, %sub3A_1123 : vector<16xf32>
      %gather3A_1125 = vector.shape_cast %broadcast_in_dim3A_21 : vector<16x1xi32> to vector<16xi32>
      %gather3A_1126 = tpu.dynamic_gather %while3A_850[%gather3A_1125] in [0] : vector<16xf32>, vector<16xi32> -> vector<16xf32>
      %get3A_1127 = arith.constant 8 : i64
      %get3A_1128 = arith.index_cast %get3A_1127 : i64 to index
      %get3A_1129 = arith.constant 0 : index
      %get3A_1130 = tpu.vector_load %arg23[%get3A_1128, %get3A_1129] {strides = array<i32>} : memref<16x16xf32, #tpu.memory_space<vmem>>, vector<16xf32>,
      %mul3A_1131 = arith.mulf %gather3A_1126, %get3A_1130 : vector<16xf32>
      %gather3A_1132 = vector.shape_cast %broadcast_in_dim3A_23 : vector<16x1xi32> to vector<16xi32>
      %gather3A_1133 = tpu.dynamic_gather %while3A_846[%gather3A_1132] in [0] : vector<16xf32>, vector<16xi32> -> vector<16xf32>
      %gather3A_1134 = vector.shape_cast %broadcast_in_dim3A_23 : vector<16x1xi32> to vector<16xi32>
      %gather3A_1135 = tpu.dynamic_gather %while3A_847[%gather3A_1134] in [0] : vector<16xf32>, vector<16xi32> -> vector<16xf32>
      %get3A_1136 = arith.constant 9 : i64
      %get3A_1137 = arith.index_cast %get3A_1136 : i64 to index
      %get3A_1138 = arith.constant 0 : index
      %get3A_1139 = tpu.vector_load %arg19[%get3A_1137, %get3A_1138] {strides = array<i32>} : memref<16x16xf32, #tpu.memory_space<vmem>>, vector<16xf32>,
      %get3A_1140 = arith.constant 9 : i64
      %get3A_1141 = arith.index_cast %get3A_1140 : i64 to index
      %get3A_1142 = arith.constant 0 : index
      %get3A_1143 = tpu.vector_load %arg20[%get3A_1141, %get3A_1142] {strides = array<i32>} : memref<16x16xf32, #tpu.memory_space<vmem>>, vector<16xf32>,
      %add3A_1144 = arith.addf %gather3A_1133, %get3A_1139 : vector<16xf32>
      %sub3A_1145 = arith.subf %add3A_1144, %gather3A_1133 : vector<16xf32>
      %sub3A_1146 = arith.subf %add3A_1144, %sub3A_1145 : vector<16xf32>
      %sub3A_1147 = arith.subf %gather3A_1133, %sub3A_1146 : vector<16xf32>
      %sub3A_1148 = arith.subf %get3A_1139, %sub3A_1145 : vector<16xf32>
      %add3A_1149 = arith.addf %sub3A_1147, %sub3A_1148 : vector<16xf32>
      %add3A_1150 = arith.addf %gather3A_1135, %get3A_1143 : vector<16xf32>
      %add3A_1151 = arith.addf %add3A_1149, %add3A_1150 : vector<16xf32>
      %add3A_1152 = arith.addf %add3A_1144, %add3A_1151 : vector<16xf32>
      %sub3A_1153 = arith.subf %add3A_1152, %add3A_1144 : vector<16xf32>
      %sub3A_1154 = arith.subf %add3A_1151, %sub3A_1153 : vector<16xf32>
      %gather3A_1155 = vector.shape_cast %broadcast_in_dim3A_23 : vector<16x1xi32> to vector<16xi32>
      %gather3A_1156 = tpu.dynamic_gather %while3A_850[%gather3A_1155] in [0] : vector<16xf32>, vector<16xi32> -> vector<16xf32>
      %get3A_1157 = arith.constant 9 : i64
      %get3A_1158 = arith.index_cast %get3A_1157 : i64 to index
      %get3A_1159 = arith.constant 0 : index
      %get3A_1160 = tpu.vector_load %arg23[%get3A_1158, %get3A_1159] {strides = array<i32>} : memref<16x16xf32, #tpu.memory_space<vmem>>, vector<16xf32>,
      %mul3A_1161 = arith.mulf %gather3A_1156, %get3A_1160 : vector<16xf32>
      %gather3A_1162 = vector.shape_cast %broadcast_in_dim3A_25 : vector<16x1xi32> to vector<16xi32>
      %gather3A_1163 = tpu.dynamic_gather %while3A_846[%gather3A_1162] in [0] : vector<16xf32>, vector<16xi32> -> vector<16xf32>
      %gather3A_1164 = vector.shape_cast %broadcast_in_dim3A_25 : vector<16x1xi32> to vector<16xi32>
      %gather3A_1165 = tpu.dynamic_gather %while3A_847[%gather3A_1164] in [0] : vector<16xf32>, vector<16xi32> -> vector<16xf32>
      %get3A_1166 = arith.constant 10 : i64
      %get3A_1167 = arith.index_cast %get3A_1166 : i64 to index
      %get3A_1168 = arith.constant 0 : index
      %get3A_1169 = tpu.vector_load %arg19[%get3A_1167, %get3A_1168] {strides = array<i32>} : memref<16x16xf32, #tpu.memory_space<vmem>>, vector<16xf32>,
      %get3A_1170 = arith.constant 10 : i64
      %get3A_1171 = arith.index_cast %get3A_1170 : i64 to index
      %get3A_1172 = arith.constant 0 : index
      %get3A_1173 = tpu.vector_load %arg20[%get3A_1171, %get3A_1172] {strides = array<i32>} : memref<16x16xf32, #tpu.memory_space<vmem>>, vector<16xf32>,
      %add3A_1174 = arith.addf %gather3A_1163, %get3A_1169 : vector<16xf32>
      %sub3A_1175 = arith.subf %add3A_1174, %gather3A_1163 : vector<16xf32>
      %sub3A_1176 = arith.subf %add3A_1174, %sub3A_1175 : vector<16xf32>
      %sub3A_1177 = arith.subf %gather3A_1163, %sub3A_1176 : vector<16xf32>
      %sub3A_1178 = arith.subf %get3A_1169, %sub3A_1175 : vector<16xf32>
      %add3A_1179 = arith.addf %sub3A_1177, %sub3A_1178 : vector<16xf32>
      %add3A_1180 = arith.addf %gather3A_1165, %get3A_1173 : vector<16xf32>
      %add3A_1181 = arith.addf %add3A_1179, %add3A_1180 : vector<16xf32>
      %add3A_1182 = arith.addf %add3A_1174, %add3A_1181 : vector<16xf32>
      %sub3A_1183 = arith.subf %add3A_1182, %add3A_1174 : vector<16xf32>
      %sub3A_1184 = arith.subf %add3A_1181, %sub3A_1183 : vector<16xf32>
      %gather3A_1185 = vector.shape_cast %broadcast_in_dim3A_25 : vector<16x1xi32> to vector<16xi32>
      %gather3A_1186 = tpu.dynamic_gather %while3A_850[%gather3A_1185] in [0] : vector<16xf32>, vector<16xi32> -> vector<16xf32>
      %get3A_1187 = arith.constant 10 : i64
      %get3A_1188 = arith.index_cast %get3A_1187 : i64 to index
      %get3A_1189 = arith.constant 0 : index
      %get3A_1190 = tpu.vector_load %arg23[%get3A_1188, %get3A_1189] {strides = array<i32>} : memref<16x16xf32, #tpu.memory_space<vmem>>, vector<16xf32>,
      %mul3A_1191 = arith.mulf %gather3A_1186, %get3A_1190 : vector<16xf32>
      %gather3A_1192 = vector.shape_cast %broadcast_in_dim3A_27 : vector<16x1xi32> to vector<16xi32>
      %gather3A_1193 = tpu.dynamic_gather %while3A_846[%gather3A_1192] in [0] : vector<16xf32>, vector<16xi32> -> vector<16xf32>
      %gather3A_1194 = vector.shape_cast %broadcast_in_dim3A_27 : vector<16x1xi32> to vector<16xi32>
      %gather3A_1195 = tpu.dynamic_gather %while3A_847[%gather3A_1194] in [0] : vector<16xf32>, vector<16xi32> -> vector<16xf32>
      %get3A_1196 = arith.constant 11 : i64
      %get3A_1197 = arith.index_cast %get3A_1196 : i64 to index
      %get3A_1198 = arith.constant 0 : index
      %get3A_1199 = tpu.vector_load %arg19[%get3A_1197, %get3A_1198] {strides = array<i32>} : memref<16x16xf32, #tpu.memory_space<vmem>>, vector<16xf32>,
      %get3A_1200 = arith.constant 11 : i64
      %get3A_1201 = arith.index_cast %get3A_1200 : i64 to index
      %get3A_1202 = arith.constant 0 : index
      %get3A_1203 = tpu.vector_load %arg20[%get3A_1201, %get3A_1202] {strides = array<i32>} : memref<16x16xf32, #tpu.memory_space<vmem>>, vector<16xf32>,
      %add3A_1204 = arith.addf %gather3A_1193, %get3A_1199 : vector<16xf32>
      %sub3A_1205 = arith.subf %add3A_1204, %gather3A_1193 : vector<16xf32>
      %sub3A_1206 = arith.subf %add3A_1204, %sub3A_1205 : vector<16xf32>
      %sub3A_1207 = arith.subf %gather3A_1193, %sub3A_1206 : vector<16xf32>
      %sub3A_1208 = arith.subf %get3A_1199, %sub3A_1205 : vector<16xf32>
      %add3A_1209 = arith.addf %sub3A_1207, %sub3A_1208 : vector<16xf32>
      %add3A_1210 = arith.addf %gather3A_1195, %get3A_1203 : vector<16xf32>
      %add3A_1211 = arith.addf %add3A_1209, %add3A_1210 : vector<16xf32>
      %add3A_1212 = arith.addf %add3A_1204, %add3A_1211 : vector<16xf32>
      %sub3A_1213 = arith.subf %add3A_1212, %add3A_1204 : vector<16xf32>
      %sub3A_1214 = arith.subf %add3A_1211, %sub3A_1213 : vector<16xf32>
      %gather3A_1215 = vector.shape_cast %broadcast_in_dim3A_27 : vector<16x1xi32> to vector<16xi32>
      %gather3A_1216 = tpu.dynamic_gather %while3A_850[%gather3A_1215] in [0] : vector<16xf32>, vector<16xi32> -> vector<16xf32>
      %get3A_1217 = arith.constant 11 : i64
      %get3A_1218 = arith.index_cast %get3A_1217 : i64 to index
      %get3A_1219 = arith.constant 0 : index
      %get3A_1220 = tpu.vector_load %arg23[%get3A_1218, %get3A_1219] {strides = array<i32>} : memref<16x16xf32, #tpu.memory_space<vmem>>, vector<16xf32>,
      %mul3A_1221 = arith.mulf %gather3A_1216, %get3A_1220 : vector<16xf32>
      %gather3A_1222 = vector.shape_cast %broadcast_in_dim3A_29 : vector<16x1xi32> to vector<16xi32>
      %gather3A_1223 = tpu.dynamic_gather %while3A_846[%gather3A_1222] in [0] : vector<16xf32>, vector<16xi32> -> vector<16xf32>
      %gather3A_1224 = vector.shape_cast %broadcast_in_dim3A_29 : vector<16x1xi32> to vector<16xi32>
      %gather3A_1225 = tpu.dynamic_gather %while3A_847[%gather3A_1224] in [0] : vector<16xf32>, vector<16xi32> -> vector<16xf32>
      %get3A_1226 = arith.constant 12 : i64
      %get3A_1227 = arith.index_cast %get3A_1226 : i64 to index
      %get3A_1228 = arith.constant 0 : index
      %get3A_1229 = tpu.vector_load %arg19[%get3A_1227, %get3A_1228] {strides = array<i32>} : memref<16x16xf32, #tpu.memory_space<vmem>>, vector<16xf32>,
      %get3A_1230 = arith.constant 12 : i64
      %get3A_1231 = arith.index_cast %get3A_1230 : i64 to index
      %get3A_1232 = arith.constant 0 : index
      %get3A_1233 = tpu.vector_load %arg20[%get3A_1231, %get3A_1232] {strides = array<i32>} : memref<16x16xf32, #tpu.memory_space<vmem>>, vector<16xf32>,
      %add3A_1234 = arith.addf %gather3A_1223, %get3A_1229 : vector<16xf32>
      %sub3A_1235 = arith.subf %add3A_1234, %gather3A_1223 : vector<16xf32>
      %sub3A_1236 = arith.subf %add3A_1234, %sub3A_1235 : vector<16xf32>
      %sub3A_1237 = arith.subf %gather3A_1223, %sub3A_1236 : vector<16xf32>
      %sub3A_1238 = arith.subf %get3A_1229, %sub3A_1235 : vector<16xf32>
      %add3A_1239 = arith.addf %sub3A_1237, %sub3A_1238 : vector<16xf32>
      %add3A_1240 = arith.addf %gather3A_1225, %get3A_1233 : vector<16xf32>
      %add3A_1241 = arith.addf %add3A_1239, %add3A_1240 : vector<16xf32>
      %add3A_1242 = arith.addf %add3A_1234, %add3A_1241 : vector<16xf32>
      %sub3A_1243 = arith.subf %add3A_1242, %add3A_1234 : vector<16xf32>
      %sub3A_1244 = arith.subf %add3A_1241, %sub3A_1243 : vector<16xf32>
      %gather3A_1245 = vector.shape_cast %broadcast_in_dim3A_29 : vector<16x1xi32> to vector<16xi32>
      %gather3A_1246 = tpu.dynamic_gather %while3A_850[%gather3A_1245] in [0] : vector<16xf32>, vector<16xi32> -> vector<16xf32>
      %get3A_1247 = arith.constant 12 : i64
      %get3A_1248 = arith.index_cast %get3A_1247 : i64 to index
      %get3A_1249 = arith.constant 0 : index
      %get3A_1250 = tpu.vector_load %arg23[%get3A_1248, %get3A_1249] {strides = array<i32>} : memref<16x16xf32, #tpu.memory_space<vmem>>, vector<16xf32>,
      %mul3A_1251 = arith.mulf %gather3A_1246, %get3A_1250 : vector<16xf32>
      %gather3A_1252 = vector.shape_cast %broadcast_in_dim3A_31 : vector<16x1xi32> to vector<16xi32>
      %gather3A_1253 = tpu.dynamic_gather %while3A_846[%gather3A_1252] in [0] : vector<16xf32>, vector<16xi32> -> vector<16xf32>
      %gather3A_1254 = vector.shape_cast %broadcast_in_dim3A_31 : vector<16x1xi32> to vector<16xi32>
      %gather3A_1255 = tpu.dynamic_gather %while3A_847[%gather3A_1254] in [0] : vector<16xf32>, vector<16xi32> -> vector<16xf32>
      %get3A_1256 = arith.constant 13 : i64
      %get3A_1257 = arith.index_cast %get3A_1256 : i64 to index
      %get3A_1258 = arith.constant 0 : index
      %get3A_1259 = tpu.vector_load %arg19[%get3A_1257, %get3A_1258] {strides = array<i32>} : memref<16x16xf32, #tpu.memory_space<vmem>>, vector<16xf32>,
      %get3A_1260 = arith.constant 13 : i64
      %get3A_1261 = arith.index_cast %get3A_1260 : i64 to index
      %get3A_1262 = arith.constant 0 : index
      %get3A_1263 = tpu.vector_load %arg20[%get3A_1261, %get3A_1262] {strides = array<i32>} : memref<16x16xf32, #tpu.memory_space<vmem>>, vector<16xf32>,
      %add3A_1264 = arith.addf %gather3A_1253, %get3A_1259 : vector<16xf32>
      %sub3A_1265 = arith.subf %add3A_1264, %gather3A_1253 : vector<16xf32>
      %sub3A_1266 = arith.subf %add3A_1264, %sub3A_1265 : vector<16xf32>
      %sub3A_1267 = arith.subf %gather3A_1253, %sub3A_1266 : vector<16xf32>
      %sub3A_1268 = arith.subf %get3A_1259, %sub3A_1265 : vector<16xf32>
      %add3A_1269 = arith.addf %sub3A_1267, %sub3A_1268 : vector<16xf32>
      %add3A_1270 = arith.addf %gather3A_1255, %get3A_1263 : vector<16xf32>
      %add3A_1271 = arith.addf %add3A_1269, %add3A_1270 : vector<16xf32>
      %add3A_1272 = arith.addf %add3A_1264, %add3A_1271 : vector<16xf32>
      %sub3A_1273 = arith.subf %add3A_1272, %add3A_1264 : vector<16xf32>
      %sub3A_1274 = arith.subf %add3A_1271, %sub3A_1273 : vector<16xf32>
      %gather3A_1275 = vector.shape_cast %broadcast_in_dim3A_31 : vector<16x1xi32> to vector<16xi32>
      %gather3A_1276 = tpu.dynamic_gather %while3A_850[%gather3A_1275] in [0] : vector<16xf32>, vector<16xi32> -> vector<16xf32>
      %get3A_1277 = arith.constant 13 : i64
      %get3A_1278 = arith.index_cast %get3A_1277 : i64 to index
      %get3A_1279 = arith.constant 0 : index
      %get3A_1280 = tpu.vector_load %arg23[%get3A_1278, %get3A_1279] {strides = array<i32>} : memref<16x16xf32, #tpu.memory_space<vmem>>, vector<16xf32>,
      %mul3A_1281 = arith.mulf %gather3A_1276, %get3A_1280 : vector<16xf32>
      %gather3A_1282 = vector.shape_cast %broadcast_in_dim3A_33 : vector<16x1xi32> to vector<16xi32>
      %gather3A_1283 = tpu.dynamic_gather %while3A_846[%gather3A_1282] in [0] : vector<16xf32>, vector<16xi32> -> vector<16xf32>
      %gather3A_1284 = vector.shape_cast %broadcast_in_dim3A_33 : vector<16x1xi32> to vector<16xi32>
      %gather3A_1285 = tpu.dynamic_gather %while3A_847[%gather3A_1284] in [0] : vector<16xf32>, vector<16xi32> -> vector<16xf32>
      %get3A_1286 = arith.constant 14 : i64
      %get3A_1287 = arith.index_cast %get3A_1286 : i64 to index
      %get3A_1288 = arith.constant 0 : index
      %get3A_1289 = tpu.vector_load %arg19[%get3A_1287, %get3A_1288] {strides = array<i32>} : memref<16x16xf32, #tpu.memory_space<vmem>>, vector<16xf32>,
      %get3A_1290 = arith.constant 14 : i64
      %get3A_1291 = arith.index_cast %get3A_1290 : i64 to index
      %get3A_1292 = arith.constant 0 : index
      %get3A_1293 = tpu.vector_load %arg20[%get3A_1291, %get3A_1292] {strides = array<i32>} : memref<16x16xf32, #tpu.memory_space<vmem>>, vector<16xf32>,
      %add3A_1294 = arith.addf %gather3A_1283, %get3A_1289 : vector<16xf32>
      %sub3A_1295 = arith.subf %add3A_1294, %gather3A_1283 : vector<16xf32>
      %sub3A_1296 = arith.subf %add3A_1294, %sub3A_1295 : vector<16xf32>
      %sub3A_1297 = arith.subf %gather3A_1283, %sub3A_1296 : vector<16xf32>
      %sub3A_1298 = arith.subf %get3A_1289, %sub3A_1295 : vector<16xf32>
      %add3A_1299 = arith.addf %sub3A_1297, %sub3A_1298 : vector<16xf32>
      %add3A_1300 = arith.addf %gather3A_1285, %get3A_1293 : vector<16xf32>
      %add3A_1301 = arith.addf %add3A_1299, %add3A_1300 : vector<16xf32>
      %add3A_1302 = arith.addf %add3A_1294, %add3A_1301 : vector<16xf32>
      %sub3A_1303 = arith.subf %add3A_1302, %add3A_1294 : vector<16xf32>
      %sub3A_1304 = arith.subf %add3A_1301, %sub3A_1303 : vector<16xf32>
      %gather3A_1305 = vector.shape_cast %broadcast_in_dim3A_33 : vector<16x1xi32> to vector<16xi32>
      %gather3A_1306 = tpu.dynamic_gather %while3A_850[%gather3A_1305] in [0] : vector<16xf32>, vector<16xi32> -> vector<16xf32>
      %get3A_1307 = arith.constant 14 : i64
      %get3A_1308 = arith.index_cast %get3A_1307 : i64 to index
      %get3A_1309 = arith.constant 0 : index
      %get3A_1310 = tpu.vector_load %arg23[%get3A_1308, %get3A_1309] {strides = array<i32>} : memref<16x16xf32, #tpu.memory_space<vmem>>, vector<16xf32>,
      %mul3A_1311 = arith.mulf %gather3A_1306, %get3A_1310 : vector<16xf32>
      %gather3A_1312 = vector.shape_cast %broadcast_in_dim3A_35 : vector<16x1xi32> to vector<16xi32>
      %gather3A_1313 = tpu.dynamic_gather %while3A_846[%gather3A_1312] in [0] : vector<16xf32>, vector<16xi32> -> vector<16xf32>
      %gather3A_1314 = vector.shape_cast %broadcast_in_dim3A_35 : vector<16x1xi32> to vector<16xi32>
      %gather3A_1315 = tpu.dynamic_gather %while3A_847[%gather3A_1314] in [0] : vector<16xf32>, vector<16xi32> -> vector<16xf32>
      %get3A_1316 = arith.constant 15 : i64
      %get3A_1317 = arith.index_cast %get3A_1316 : i64 to index
      %get3A_1318 = arith.constant 0 : index
      %get3A_1319 = tpu.vector_load %arg19[%get3A_1317, %get3A_1318] {strides = array<i32>} : memref<16x16xf32, #tpu.memory_space<vmem>>, vector<16xf32>,
      %get3A_1320 = arith.constant 15 : i64
      %get3A_1321 = arith.index_cast %get3A_1320 : i64 to index
      %get3A_1322 = arith.constant 0 : index
      %get3A_1323 = tpu.vector_load %arg20[%get3A_1321, %get3A_1322] {strides = array<i32>} : memref<16x16xf32, #tpu.memory_space<vmem>>, vector<16xf32>,
      %add3A_1324 = arith.addf %gather3A_1313, %get3A_1319 : vector<16xf32>
      %sub3A_1325 = arith.subf %add3A_1324, %gather3A_1313 : vector<16xf32>
      %sub3A_1326 = arith.subf %add3A_1324, %sub3A_1325 : vector<16xf32>
      %sub3A_1327 = arith.subf %gather3A_1313, %sub3A_1326 : vector<16xf32>
      %sub3A_1328 = arith.subf %get3A_1319, %sub3A_1325 : vector<16xf32>
      %add3A_1329 = arith.addf %sub3A_1327, %sub3A_1328 : vector<16xf32>
      %add3A_1330 = arith.addf %gather3A_1315, %get3A_1323 : vector<16xf32>
      %add3A_1331 = arith.addf %add3A_1329, %add3A_1330 : vector<16xf32>
      %add3A_1332 = arith.addf %add3A_1324, %add3A_1331 : vector<16xf32>
      %sub3A_1333 = arith.subf %add3A_1332, %add3A_1324 : vector<16xf32>
      %sub3A_1334 = arith.subf %add3A_1331, %sub3A_1333 : vector<16xf32>
      %gather3A_1335 = vector.shape_cast %broadcast_in_dim3A_35 : vector<16x1xi32> to vector<16xi32>
      %gather3A_1336 = tpu.dynamic_gather %while3A_850[%gather3A_1335] in [0] : vector<16xf32>, vector<16xi32> -> vector<16xf32>
      %get3A_1337 = arith.constant 15 : i64
      %get3A_1338 = arith.index_cast %get3A_1337 : i64 to index
      %get3A_1339 = arith.constant 0 : index
      %get3A_1340 = tpu.vector_load %arg23[%get3A_1338, %get3A_1339] {strides = array<i32>} : memref<16x16xf32, #tpu.memory_space<vmem>>, vector<16xf32>,
      %mul3A_1341 = arith.mulf %gather3A_1336, %get3A_1340 : vector<16xf32>
      %gt3A = arith.cmpf ogt, %add3A_912, %add3A_882 : vector<16xf32>
      %eq3A_1342 = arith.cmpf oeq, %add3A_912, %add3A_882 : vector<16xf32>
      %gt3A_1343 = arith.cmpf ogt, %sub3A_914, %sub3A_884 : vector<16xf32>
      %and3A_1344 = arith.andi %eq3A_1342, %gt3A_1343 : vector<16xi1>
      %or3A = arith.ori %gt3A, %and3A_1344 : vector<16xi1>
      %select_n3A_1345 = arith.select %or3A, %add3A_912, %add3A_882 : vector<16xi1>, vector<16xf32>
      %select_n3A_1346 = arith.select %or3A, %sub3A_914, %sub3A_884 : vector<16xi1>, vector<16xf32>
      %gt3A_1347 = arith.cmpf ogt, %add3A_972, %add3A_942 : vector<16xf32>
      %eq3A_1348 = arith.cmpf oeq, %add3A_972, %add3A_942 : vector<16xf32>
      %gt3A_1349 = arith.cmpf ogt, %sub3A_974, %sub3A_944 : vector<16xf32>
      %and3A_1350 = arith.andi %eq3A_1348, %gt3A_1349 : vector<16xi1>
      %or3A_1351 = arith.ori %gt3A_1347, %and3A_1350 : vector<16xi1>
      %select_n3A_1352 = arith.select %or3A_1351, %add3A_972, %add3A_942 : vector<16xi1>, vector<16xf32>
      %select_n3A_1353 = arith.select %or3A_1351, %sub3A_974, %sub3A_944 : vector<16xi1>, vector<16xf32>
      %gt3A_1354 = arith.cmpf ogt, %add3A_1032, %add3A_1002 : vector<16xf32>
      %eq3A_1355 = arith.cmpf oeq, %add3A_1032, %add3A_1002 : vector<16xf32>
      %gt3A_1356 = arith.cmpf ogt, %sub3A_1034, %sub3A_1004 : vector<16xf32>
      %and3A_1357 = arith.andi %eq3A_1355, %gt3A_1356 : vector<16xi1>
      %or3A_1358 = arith.ori %gt3A_1354, %and3A_1357 : vector<16xi1>
      %select_n3A_1359 = arith.select %or3A_1358, %add3A_1032, %add3A_1002 : vector<16xi1>, vector<16xf32>
      %select_n3A_1360 = arith.select %or3A_1358, %sub3A_1034, %sub3A_1004 : vector<16xi1>, vector<16xf32>
      %gt3A_1361 = arith.cmpf ogt, %add3A_1092, %add3A_1062 : vector<16xf32>
      %eq3A_1362 = arith.cmpf oeq, %add3A_1092, %add3A_1062 : vector<16xf32>
      %gt3A_1363 = arith.cmpf ogt, %sub3A_1094, %sub3A_1064 : vector<16xf32>
      %and3A_1364 = arith.andi %eq3A_1362, %gt3A_1363 : vector<16xi1>
      %or3A_1365 = arith.ori %gt3A_1361, %and3A_1364 : vector<16xi1>
      %select_n3A_1366 = arith.select %or3A_1365, %add3A_1092, %add3A_1062 : vector<16xi1>, vector<16xf32>
      %select_n3A_1367 = arith.select %or3A_1365, %sub3A_1094, %sub3A_1064 : vector<16xi1>, vector<16xf32>
      %gt3A_1368 = arith.cmpf ogt, %add3A_1152, %add3A_1122 : vector<16xf32>
      %eq3A_1369 = arith.cmpf oeq, %add3A_1152, %add3A_1122 : vector<16xf32>
      %gt3A_1370 = arith.cmpf ogt, %sub3A_1154, %sub3A_1124 : vector<16xf32>
      %and3A_1371 = arith.andi %eq3A_1369, %gt3A_1370 : vector<16xi1>
      %or3A_1372 = arith.ori %gt3A_1368, %and3A_1371 : vector<16xi1>
      %select_n3A_1373 = arith.select %or3A_1372, %add3A_1152, %add3A_1122 : vector<16xi1>, vector<16xf32>
      %select_n3A_1374 = arith.select %or3A_1372, %sub3A_1154, %sub3A_1124 : vector<16xi1>, vector<16xf32>
      %gt3A_1375 = arith.cmpf ogt, %add3A_1212, %add3A_1182 : vector<16xf32>
      %eq3A_1376 = arith.cmpf oeq, %add3A_1212, %add3A_1182 : vector<16xf32>
      %gt3A_1377 = arith.cmpf ogt, %sub3A_1214, %sub3A_1184 : vector<16xf32>
      %and3A_1378 = arith.andi %eq3A_1376, %gt3A_1377 : vector<16xi1>
      %or3A_1379 = arith.ori %gt3A_1375, %and3A_1378 : vector<16xi1>
      %select_n3A_1380 = arith.select %or3A_1379, %add3A_1212, %add3A_1182 : vector<16xi1>, vector<16xf32>
      %select_n3A_1381 = arith.select %or3A_1379, %sub3A_1214, %sub3A_1184 : vector<16xi1>, vector<16xf32>
      %gt3A_1382 = arith.cmpf ogt, %add3A_1272, %add3A_1242 : vector<16xf32>
      %eq3A_1383 = arith.cmpf oeq, %add3A_1272, %add3A_1242 : vector<16xf32>
      %gt3A_1384 = arith.cmpf ogt, %sub3A_1274, %sub3A_1244 : vector<16xf32>
      %and3A_1385 = arith.andi %eq3A_1383, %gt3A_1384 : vector<16xi1>
      %or3A_1386 = arith.ori %gt3A_1382, %and3A_1385 : vector<16xi1>
      %select_n3A_1387 = arith.select %or3A_1386, %add3A_1272, %add3A_1242 : vector<16xi1>, vector<16xf32>
      %select_n3A_1388 = arith.select %or3A_1386, %sub3A_1274, %sub3A_1244 : vector<16xi1>, vector<16xf32>
      %gt3A_1389 = arith.cmpf ogt, %add3A_1332, %add3A_1302 : vector<16xf32>
      %eq3A_1390 = arith.cmpf oeq, %add3A_1332, %add3A_1302 : vector<16xf32>
      %gt3A_1391 = arith.cmpf ogt, %sub3A_1334, %sub3A_1304 : vector<16xf32>
      %and3A_1392 = arith.andi %eq3A_1390, %gt3A_1391 : vector<16xi1>
      %or3A_1393 = arith.ori %gt3A_1389, %and3A_1392 : vector<16xi1>
      %select_n3A_1394 = arith.select %or3A_1393, %add3A_1332, %add3A_1302 : vector<16xi1>, vector<16xf32>
      %select_n3A_1395 = arith.select %or3A_1393, %sub3A_1334, %sub3A_1304 : vector<16xi1>, vector<16xf32>
      %gt3A_1396 = arith.cmpf ogt, %select_n3A_1352, %select_n3A_1345 : vector<16xf32>
      %eq3A_1397 = arith.cmpf oeq, %select_n3A_1352, %select_n3A_1345 : vector<16xf32>
      %gt3A_1398 = arith.cmpf ogt, %select_n3A_1353, %select_n3A_1346 : vector<16xf32>
      %and3A_1399 = arith.andi %eq3A_1397, %gt3A_1398 : vector<16xi1>
      %or3A_1400 = arith.ori %gt3A_1396, %and3A_1399 : vector<16xi1>
      %select_n3A_1401 = arith.select %or3A_1400, %select_n3A_1352, %select_n3A_1345 : vector<16xi1>, vector<16xf32>
      %select_n3A_1402 = arith.select %or3A_1400, %select_n3A_1353, %select_n3A_1346 : vector<16xi1>, vector<16xf32>
      %gt3A_1403 = arith.cmpf ogt, %select_n3A_1366, %select_n3A_1359 : vector<16xf32>
      %eq3A_1404 = arith.cmpf oeq, %select_n3A_1366, %select_n3A_1359 : vector<16xf32>
      %gt3A_1405 = arith.cmpf ogt, %select_n3A_1367, %select_n3A_1360 : vector<16xf32>
      %and3A_1406 = arith.andi %eq3A_1404, %gt3A_1405 : vector<16xi1>
      %or3A_1407 = arith.ori %gt3A_1403, %and3A_1406 : vector<16xi1>
      %select_n3A_1408 = arith.select %or3A_1407, %select_n3A_1366, %select_n3A_1359 : vector<16xi1>, vector<16xf32>
      %select_n3A_1409 = arith.select %or3A_1407, %select_n3A_1367, %select_n3A_1360 : vector<16xi1>, vector<16xf32>
      %gt3A_1410 = arith.cmpf ogt, %select_n3A_1380, %select_n3A_1373 : vector<16xf32>
      %eq3A_1411 = arith.cmpf oeq, %select_n3A_1380, %select_n3A_1373 : vector<16xf32>
      %gt3A_1412 = arith.cmpf ogt, %select_n3A_1381, %select_n3A_1374 : vector<16xf32>
      %and3A_1413 = arith.andi %eq3A_1411, %gt3A_1412 : vector<16xi1>
      %or3A_1414 = arith.ori %gt3A_1410, %and3A_1413 : vector<16xi1>
      %select_n3A_1415 = arith.select %or3A_1414, %select_n3A_1380, %select_n3A_1373 : vector<16xi1>, vector<16xf32>
      %select_n3A_1416 = arith.select %or3A_1414, %select_n3A_1381, %select_n3A_1374 : vector<16xi1>, vector<16xf32>
      %gt3A_1417 = arith.cmpf ogt, %select_n3A_1394, %select_n3A_1387 : vector<16xf32>
      %eq3A_1418 = arith.cmpf oeq, %select_n3A_1394, %select_n3A_1387 : vector<16xf32>
      %gt3A_1419 = arith.cmpf ogt, %select_n3A_1395, %select_n3A_1388 : vector<16xf32>
      %and3A_1420 = arith.andi %eq3A_1418, %gt3A_1419 : vector<16xi1>
      %or3A_1421 = arith.ori %gt3A_1417, %and3A_1420 : vector<16xi1>
      %select_n3A_1422 = arith.select %or3A_1421, %select_n3A_1394, %select_n3A_1387 : vector<16xi1>, vector<16xf32>
      %select_n3A_1423 = arith.select %or3A_1421, %select_n3A_1395, %select_n3A_1388 : vector<16xi1>, vector<16xf32>
      %gt3A_1424 = arith.cmpf ogt, %select_n3A_1408, %select_n3A_1401 : vector<16xf32>
      %eq3A_1425 = arith.cmpf oeq, %select_n3A_1408, %select_n3A_1401 : vector<16xf32>
      %gt3A_1426 = arith.cmpf ogt, %select_n3A_1409, %select_n3A_1402 : vector<16xf32>
      %and3A_1427 = arith.andi %eq3A_1425, %gt3A_1426 : vector<16xi1>
      %or3A_1428 = arith.ori %gt3A_1424, %and3A_1427 : vector<16xi1>
      %select_n3A_1429 = arith.select %or3A_1428, %select_n3A_1408, %select_n3A_1401 : vector<16xi1>, vector<16xf32>
      %select_n3A_1430 = arith.select %or3A_1428, %select_n3A_1409, %select_n3A_1402 : vector<16xi1>, vector<16xf32>
      %gt3A_1431 = arith.cmpf ogt, %select_n3A_1422, %select_n3A_1415 : vector<16xf32>
      %eq3A_1432 = arith.cmpf oeq, %select_n3A_1422, %select_n3A_1415 : vector<16xf32>
      %gt3A_1433 = arith.cmpf ogt, %select_n3A_1423, %select_n3A_1416 : vector<16xf32>
      %and3A_1434 = arith.andi %eq3A_1432, %gt3A_1433 : vector<16xi1>
      %or3A_1435 = arith.ori %gt3A_1431, %and3A_1434 : vector<16xi1>
      %select_n3A_1436 = arith.select %or3A_1435, %select_n3A_1422, %select_n3A_1415 : vector<16xi1>, vector<16xf32>
      %select_n3A_1437 = arith.select %or3A_1435, %select_n3A_1423, %select_n3A_1416 : vector<16xi1>, vector<16xf32>
      %gt3A_1438 = arith.cmpf ogt, %select_n3A_1436, %select_n3A_1429 : vector<16xf32>
      %eq3A_1439 = arith.cmpf oeq, %select_n3A_1436, %select_n3A_1429 : vector<16xf32>
      %gt3A_1440 = arith.cmpf ogt, %select_n3A_1437, %select_n3A_1430 : vector<16xf32>
      %and3A_1441 = arith.andi %eq3A_1439, %gt3A_1440 : vector<16xi1>
      %or3A_1442 = arith.ori %gt3A_1438, %and3A_1441 : vector<16xi1>
      %select_n3A_1443 = arith.select %or3A_1442, %select_n3A_1436, %select_n3A_1429 : vector<16xi1>, vector<16xf32>
      %select_n3A_1444 = arith.select %or3A_1442, %select_n3A_1437, %select_n3A_1430 : vector<16xi1>, vector<16xf32>
      %add3A_1445 = arith.addf %mul3A_891, %mul3A_921 : vector<16xf32>
      %add3A_1446 = arith.addf %mul3A_951, %mul3A_981 : vector<16xf32>
      %add3A_1447 = arith.addf %mul3A_1011, %mul3A_1041 : vector<16xf32>
      %add3A_1448 = arith.addf %mul3A_1071, %mul3A_1101 : vector<16xf32>
      %add3A_1449 = arith.addf %mul3A_1131, %mul3A_1161 : vector<16xf32>
      %add3A_1450 = arith.addf %mul3A_1191, %mul3A_1221 : vector<16xf32>
      %add3A_1451 = arith.addf %mul3A_1251, %mul3A_1281 : vector<16xf32>
      %add3A_1452 = arith.addf %mul3A_1311, %mul3A_1341 : vector<16xf32>
      %add3A_1453 = arith.addf %add3A_1445, %add3A_1446 : vector<16xf32>
      %add3A_1454 = arith.addf %add3A_1447, %add3A_1448 : vector<16xf32>
      %add3A_1455 = arith.addf %add3A_1449, %add3A_1450 : vector<16xf32>
      %add3A_1456 = arith.addf %add3A_1451, %add3A_1452 : vector<16xf32>
      %add3A_1457 = arith.addf %add3A_1453, %add3A_1454 : vector<16xf32>
      %add3A_1458 = arith.addf %add3A_1455, %add3A_1456 : vector<16xf32>
      %add3A_1459 = arith.addf %add3A_1457, %add3A_1458 : vector<16xf32>
      %add3A_1460 = arith.addf %select_n3A_1443, %get3A_858 : vector<16xf32>
      %sub3A_1461 = arith.subf %add3A_1460, %select_n3A_1443 : vector<16xf32>
      %sub3A_1462 = arith.subf %add3A_1460, %sub3A_1461 : vector<16xf32>
      %sub3A_1463 = arith.subf %select_n3A_1443, %sub3A_1462 : vector<16xf32>
      %sub3A_1464 = arith.subf %get3A_858, %sub3A_1461 : vector<16xf32>
      %add3A_1465 = arith.addf %sub3A_1463, %sub3A_1464 : vector<16xf32>
      %add3A_1466 = arith.addf %select_n3A_1444, %get3A_861 : vector<16xf32>
      %add3A_1467 = arith.addf %add3A_1465, %add3A_1466 : vector<16xf32>
      %add3A_1468 = arith.addf %add3A_1460, %add3A_1467 : vector<16xf32>
      %sub3A_1469 = arith.subf %add3A_1468, %add3A_1460 : vector<16xf32>
      %sub3A_1470 = arith.subf %add3A_1467, %sub3A_1469 : vector<16xf32>
      %add3A_1471 = arith.constant 1 : i32
      %add3A_1472 = arith.addi %while3A_845, %add3A_1471 : i32
      %swap3A_1473 = arith.index_cast %add3A_1472 : i32 to index
      %swap3A_1474 = arith.constant 0 : index
      %swap3A_1475 = tpu.vector_load %arg25[%swap3A_1473, %swap3A_1474] {strides = array<i32>} : memref<64x16xf32, #tpu.memory_space<vmem>>, vector<16xf32>,
      tpu.vector_store %arg25[%swap3A_1473, %swap3A_1474], %add3A_1468 {strides = array<i32>} : memref<64x16xf32, #tpu.memory_space<vmem>>, vector<16xf32>,
      %add3A_1476 = arith.constant 1 : i32
      %add3A_1477 = arith.addi %while3A_845, %add3A_1476 : i32
      %swap3A_1478 = arith.index_cast %add3A_1477 : i32 to index
      %swap3A_1479 = arith.constant 0 : index
      %swap3A_1480 = tpu.vector_load %arg26[%swap3A_1478, %swap3A_1479] {strides = array<i32>} : memref<64x16xf32, #tpu.memory_space<vmem>>, vector<16xf32>,
      tpu.vector_store %arg26[%swap3A_1478, %swap3A_1479], %sub3A_1470 {strides = array<i32>} : memref<64x16xf32, #tpu.memory_space<vmem>>, vector<16xf32>,
      %exp3A_1481 = math.exp %get3A_858 : vector<16xf32>
      %mul3A_1482 = arith.mulf %exp3A_1481, %add3A_1459 : vector<16xf32>
      %xor3A_1483 = arith.constant 1 : i32
      %xor3A_1484 = vector.broadcast %xor3A_1483 : i32 to vector<16xi32>
      %xor3A_1485 = arith.xori %iota3A, %xor3A_1484 : vector<16xi32>
      %reshape3A_1486 = vector.shape_cast %xor3A_1485 : vector<16xi32> to vector<16x1xi32>
      %gather3A_1487 = vector.shape_cast %reshape3A_1486 : vector<16x1xi32> to vector<16xi32>
      %gather3A_1488 = tpu.dynamic_gather %mul3A_1482[%gather3A_1487] in [0] : vector<16xf32>, vector<16xi32> -> vector<16xf32>
      %max3A_1489 = arith.maximumf %mul3A_1482, %gather3A_1488 : vector<16xf32>
      %xor3A_1490 = arith.constant 2 : i32
      %xor3A_1491 = vector.broadcast %xor3A_1490 : i32 to vector<16xi32>
      %xor3A_1492 = arith.xori %iota3A, %xor3A_1491 : vector<16xi32>
      %reshape3A_1493 = vector.shape_cast %xor3A_1492 : vector<16xi32> to vector<16x1xi32>
      %gather3A_1494 = vector.shape_cast %reshape3A_1493 : vector<16x1xi32> to vector<16xi32>
      %gather3A_1495 = tpu.dynamic_gather %max3A_1489[%gather3A_1494] in [0] : vector<16xf32>, vector<16xi32> -> vector<16xf32>
      %max3A_1496 = arith.maximumf %max3A_1489, %gather3A_1495 : vector<16xf32>
      %xor3A_1497 = arith.constant 4 : i32
      %xor3A_1498 = vector.broadcast %xor3A_1497 : i32 to vector<16xi32>
      %xor3A_1499 = arith.xori %iota3A, %xor3A_1498 : vector<16xi32>
      %reshape3A_1500 = vector.shape_cast %xor3A_1499 : vector<16xi32> to vector<16x1xi32>
      %gather3A_1501 = vector.shape_cast %reshape3A_1500 : vector<16x1xi32> to vector<16xi32>
      %gather3A_1502 = tpu.dynamic_gather %max3A_1496[%gather3A_1501] in [0] : vector<16xf32>, vector<16xi32> -> vector<16xf32>
      %max3A_1503 = arith.maximumf %max3A_1496, %gather3A_1502 : vector<16xf32>
      %xor3A_1504 = arith.constant 8 : i32
      %xor3A_1505 = vector.broadcast %xor3A_1504 : i32 to vector<16xi32>
      %xor3A_1506 = arith.xori %iota3A, %xor3A_1505 : vector<16xi32>
      %reshape3A_1507 = vector.shape_cast %xor3A_1506 : vector<16xi32> to vector<16x1xi32>
      %gather3A_1508 = vector.shape_cast %reshape3A_1507 : vector<16x1xi32> to vector<16xi32>
      %gather3A_1509 = tpu.dynamic_gather %max3A_1503[%gather3A_1508] in [0] : vector<16xf32>, vector<16xi32> -> vector<16xf32>
      %max3A_1510 = arith.maximumf %max3A_1503, %gather3A_1509 : vector<16xf32>
      %bitcast_convert_type3A = tpu.bitcast %max3A_1510 : vector<16xf32> -> vector<16xi32>
      %shift_right_arithmetic3A = arith.constant 23 : i32
      %shift_right_arithmetic3A_1511 = vector.broadcast %shift_right_arithmetic3A : i32 to vector<16xi32>
      %shift_right_arithmetic3A_1512 = arith.shrsi %bitcast_convert_type3A, %shift_right_arithmetic3A_1511 : vector<16xi32>
      %and3A_1513 = arith.constant 255 : i32
      %and3A_1514 = vector.broadcast %and3A_1513 : i32 to vector<16xi32>
      %and3A_1515 = arith.andi %shift_right_arithmetic3A_1512, %and3A_1514 : vector<16xi32>
      %sub3A_1516 = arith.constant 127 : i32
      %sub3A_1517 = vector.broadcast %sub3A_1516 : i32 to vector<16xi32>
      %sub3A_1518 = arith.subi %and3A_1515, %sub3A_1517 : vector<16xi32>
      %sub3A_1519 = arith.constant 127 : i32
      %sub3A_1520 = vector.broadcast %sub3A_1519 : i32 to vector<16xi32>
      %sub3A_1521 = arith.subi %sub3A_1520, %sub3A_1518 : vector<16xi32>
      %shift_left3A = arith.constant 23 : i32
      %shift_left3A_1522 = vector.broadcast %shift_left3A : i32 to vector<16xi32>
      %shift_left3A_1523 = arith.shli %sub3A_1521, %shift_left3A_1522 : vector<16xi32>
      %bitcast_convert_type3A_1524 = tpu.bitcast %shift_left3A_1523 : vector<16xi32> -> vector<16xf32>
      %mul3A_1525 = arith.mulf %mul3A_1482, %bitcast_convert_type3A_1524 : vector<16xf32>
      %get3A_1526 = arith.index_cast %add3A_855 : i32 to index
      %get3A_1527 = arith.constant 0 : index
      %get3A_1528 = tpu.vector_load %arg15[%get3A_1526, %get3A_1527] {strides = array<i32>} : memref<65x16xf32, #tpu.memory_space<vmem>>, vector<16xf32>,
      %get3A_1529 = arith.index_cast %add3A_855 : i32 to index
      %get3A_1530 = arith.constant 0 : index
      %get3A_1531 = tpu.vector_load %arg16[%get3A_1529, %get3A_1530] {strides = array<i32>} : memref<65x16xf32, #tpu.memory_space<vmem>>, vector<16xf32>,
      %gather3A_1532 = vector.shape_cast %broadcast_in_dim3A_5 : vector<16x1xi32> to vector<16xi32>
      %gather3A_1533 = tpu.dynamic_gather %while3A_848[%gather3A_1532] in [0] : vector<16xf32>, vector<16xi32> -> vector<16xf32>
      %gather3A_1534 = vector.shape_cast %broadcast_in_dim3A_5 : vector<16x1xi32> to vector<16xi32>
      %gather3A_1535 = tpu.dynamic_gather %while3A_849[%gather3A_1534] in [0] : vector<16xf32>, vector<16xi32> -> vector<16xf32>
      %get3A_1536 = arith.constant 0 : i64
      %get3A_1537 = arith.index_cast %get3A_1536 : i64 to index
      %get3A_1538 = arith.constant 0 : index
      %get3A_1539 = tpu.vector_load %arg19[%get3A_1537, %get3A_1538] {strides = array<i32>} : memref<16x16xf32, #tpu.memory_space<vmem>>, vector<16xf32>,
      %get3A_1540 = arith.constant 0 : i64
      %get3A_1541 = arith.index_cast %get3A_1540 : i64 to index
      %get3A_1542 = arith.constant 0 : index
      %get3A_1543 = tpu.vector_load %arg20[%get3A_1541, %get3A_1542] {strides = array<i32>} : memref<16x16xf32, #tpu.memory_space<vmem>>, vector<16xf32>,
      %add3A_1544 = arith.addf %gather3A_1533, %get3A_1539 : vector<16xf32>
      %sub3A_1545 = arith.subf %add3A_1544, %gather3A_1533 : vector<16xf32>
      %sub3A_1546 = arith.subf %add3A_1544, %sub3A_1545 : vector<16xf32>
      %sub3A_1547 = arith.subf %gather3A_1533, %sub3A_1546 : vector<16xf32>
      %sub3A_1548 = arith.subf %get3A_1539, %sub3A_1545 : vector<16xf32>
      %add3A_1549 = arith.addf %sub3A_1547, %sub3A_1548 : vector<16xf32>
      %add3A_1550 = arith.addf %gather3A_1535, %get3A_1543 : vector<16xf32>
      %add3A_1551 = arith.addf %add3A_1549, %add3A_1550 : vector<16xf32>
      %add3A_1552 = arith.addf %add3A_1544, %add3A_1551 : vector<16xf32>
      %sub3A_1553 = arith.subf %add3A_1552, %add3A_1544 : vector<16xf32>
      %sub3A_1554 = arith.subf %add3A_1551, %sub3A_1553 : vector<16xf32>
      %gather3A_1555 = vector.shape_cast %broadcast_in_dim3A_5 : vector<16x1xi32> to vector<16xi32>
      %gather3A_1556 = tpu.dynamic_gather %while3A_851[%gather3A_1555] in [0] : vector<16xf32>, vector<16xi32> -> vector<16xf32>
      %get3A_1557 = arith.constant 0 : i64
      %get3A_1558 = arith.index_cast %get3A_1557 : i64 to index
      %get3A_1559 = arith.constant 0 : index
      %get3A_1560 = tpu.vector_load %arg23[%get3A_1558, %get3A_1559] {strides = array<i32>} : memref<16x16xf32, #tpu.memory_space<vmem>>, vector<16xf32>,
      %mul3A_1561 = arith.mulf %gather3A_1556, %get3A_1560 : vector<16xf32>
      %gather3A_1562 = vector.shape_cast %broadcast_in_dim3A_7 : vector<16x1xi32> to vector<16xi32>
      %gather3A_1563 = tpu.dynamic_gather %while3A_848[%gather3A_1562] in [0] : vector<16xf32>, vector<16xi32> -> vector<16xf32>
      %gather3A_1564 = vector.shape_cast %broadcast_in_dim3A_7 : vector<16x1xi32> to vector<16xi32>
      %gather3A_1565 = tpu.dynamic_gather %while3A_849[%gather3A_1564] in [0] : vector<16xf32>, vector<16xi32> -> vector<16xf32>
      %get3A_1566 = arith.constant 1 : i64
      %get3A_1567 = arith.index_cast %get3A_1566 : i64 to index
      %get3A_1568 = arith.constant 0 : index
      %get3A_1569 = tpu.vector_load %arg19[%get3A_1567, %get3A_1568] {strides = array<i32>} : memref<16x16xf32, #tpu.memory_space<vmem>>, vector<16xf32>,
      %get3A_1570 = arith.constant 1 : i64
      %get3A_1571 = arith.index_cast %get3A_1570 : i64 to index
      %get3A_1572 = arith.constant 0 : index
      %get3A_1573 = tpu.vector_load %arg20[%get3A_1571, %get3A_1572] {strides = array<i32>} : memref<16x16xf32, #tpu.memory_space<vmem>>, vector<16xf32>,
      %add3A_1574 = arith.addf %gather3A_1563, %get3A_1569 : vector<16xf32>
      %sub3A_1575 = arith.subf %add3A_1574, %gather3A_1563 : vector<16xf32>
      %sub3A_1576 = arith.subf %add3A_1574, %sub3A_1575 : vector<16xf32>
      %sub3A_1577 = arith.subf %gather3A_1563, %sub3A_1576 : vector<16xf32>
      %sub3A_1578 = arith.subf %get3A_1569, %sub3A_1575 : vector<16xf32>
      %add3A_1579 = arith.addf %sub3A_1577, %sub3A_1578 : vector<16xf32>
      %add3A_1580 = arith.addf %gather3A_1565, %get3A_1573 : vector<16xf32>
      %add3A_1581 = arith.addf %add3A_1579, %add3A_1580 : vector<16xf32>
      %add3A_1582 = arith.addf %add3A_1574, %add3A_1581 : vector<16xf32>
      %sub3A_1583 = arith.subf %add3A_1582, %add3A_1574 : vector<16xf32>
      %sub3A_1584 = arith.subf %add3A_1581, %sub3A_1583 : vector<16xf32>
      %gather3A_1585 = vector.shape_cast %broadcast_in_dim3A_7 : vector<16x1xi32> to vector<16xi32>
      %gather3A_1586 = tpu.dynamic_gather %while3A_851[%gather3A_1585] in [0] : vector<16xf32>, vector<16xi32> -> vector<16xf32>
      %get3A_1587 = arith.constant 1 : i64
      %get3A_1588 = arith.index_cast %get3A_1587 : i64 to index
      %get3A_1589 = arith.constant 0 : index
      %get3A_1590 = tpu.vector_load %arg23[%get3A_1588, %get3A_1589] {strides = array<i32>} : memref<16x16xf32, #tpu.memory_space<vmem>>, vector<16xf32>,
      %mul3A_1591 = arith.mulf %gather3A_1586, %get3A_1590 : vector<16xf32>
      %gather3A_1592 = vector.shape_cast %broadcast_in_dim3A_9 : vector<16x1xi32> to vector<16xi32>
      %gather3A_1593 = tpu.dynamic_gather %while3A_848[%gather3A_1592] in [0] : vector<16xf32>, vector<16xi32> -> vector<16xf32>
      %gather3A_1594 = vector.shape_cast %broadcast_in_dim3A_9 : vector<16x1xi32> to vector<16xi32>
      %gather3A_1595 = tpu.dynamic_gather %while3A_849[%gather3A_1594] in [0] : vector<16xf32>, vector<16xi32> -> vector<16xf32>
      %get3A_1596 = arith.constant 2 : i64
      %get3A_1597 = arith.index_cast %get3A_1596 : i64 to index
      %get3A_1598 = arith.constant 0 : index
      %get3A_1599 = tpu.vector_load %arg19[%get3A_1597, %get3A_1598] {strides = array<i32>} : memref<16x16xf32, #tpu.memory_space<vmem>>, vector<16xf32>,
      %get3A_1600 = arith.constant 2 : i64
      %get3A_1601 = arith.index_cast %get3A_1600 : i64 to index
      %get3A_1602 = arith.constant 0 : index
      %get3A_1603 = tpu.vector_load %arg20[%get3A_1601, %get3A_1602] {strides = array<i32>} : memref<16x16xf32, #tpu.memory_space<vmem>>, vector<16xf32>,
      %add3A_1604 = arith.addf %gather3A_1593, %get3A_1599 : vector<16xf32>
      %sub3A_1605 = arith.subf %add3A_1604, %gather3A_1593 : vector<16xf32>
      %sub3A_1606 = arith.subf %add3A_1604, %sub3A_1605 : vector<16xf32>
      %sub3A_1607 = arith.subf %gather3A_1593, %sub3A_1606 : vector<16xf32>
      %sub3A_1608 = arith.subf %get3A_1599, %sub3A_1605 : vector<16xf32>
      %add3A_1609 = arith.addf %sub3A_1607, %sub3A_1608 : vector<16xf32>
      %add3A_1610 = arith.addf %gather3A_1595, %get3A_1603 : vector<16xf32>
      %add3A_1611 = arith.addf %add3A_1609, %add3A_1610 : vector<16xf32>
      %add3A_1612 = arith.addf %add3A_1604, %add3A_1611 : vector<16xf32>
      %sub3A_1613 = arith.subf %add3A_1612, %add3A_1604 : vector<16xf32>
      %sub3A_1614 = arith.subf %add3A_1611, %sub3A_1613 : vector<16xf32>
      %gather3A_1615 = vector.shape_cast %broadcast_in_dim3A_9 : vector<16x1xi32> to vector<16xi32>
      %gather3A_1616 = tpu.dynamic_gather %while3A_851[%gather3A_1615] in [0] : vector<16xf32>, vector<16xi32> -> vector<16xf32>
      %get3A_1617 = arith.constant 2 : i64
      %get3A_1618 = arith.index_cast %get3A_1617 : i64 to index
      %get3A_1619 = arith.constant 0 : index
      %get3A_1620 = tpu.vector_load %arg23[%get3A_1618, %get3A_1619] {strides = array<i32>} : memref<16x16xf32, #tpu.memory_space<vmem>>, vector<16xf32>,
      %mul3A_1621 = arith.mulf %gather3A_1616, %get3A_1620 : vector<16xf32>
      %gather3A_1622 = vector.shape_cast %broadcast_in_dim3A_11 : vector<16x1xi32> to vector<16xi32>
      %gather3A_1623 = tpu.dynamic_gather %while3A_848[%gather3A_1622] in [0] : vector<16xf32>, vector<16xi32> -> vector<16xf32>
      %gather3A_1624 = vector.shape_cast %broadcast_in_dim3A_11 : vector<16x1xi32> to vector<16xi32>
      %gather3A_1625 = tpu.dynamic_gather %while3A_849[%gather3A_1624] in [0] : vector<16xf32>, vector<16xi32> -> vector<16xf32>
      %get3A_1626 = arith.constant 3 : i64
      %get3A_1627 = arith.index_cast %get3A_1626 : i64 to index
      %get3A_1628 = arith.constant 0 : index
      %get3A_1629 = tpu.vector_load %arg19[%get3A_1627, %get3A_1628] {strides = array<i32>} : memref<16x16xf32, #tpu.memory_space<vmem>>, vector<16xf32>,
      %get3A_1630 = arith.constant 3 : i64
      %get3A_1631 = arith.index_cast %get3A_1630 : i64 to index
      %get3A_1632 = arith.constant 0 : index
      %get3A_1633 = tpu.vector_load %arg20[%get3A_1631, %get3A_1632] {strides = array<i32>} : memref<16x16xf32, #tpu.memory_space<vmem>>, vector<16xf32>,
      %add3A_1634 = arith.addf %gather3A_1623, %get3A_1629 : vector<16xf32>
      %sub3A_1635 = arith.subf %add3A_1634, %gather3A_1623 : vector<16xf32>
      %sub3A_1636 = arith.subf %add3A_1634, %sub3A_1635 : vector<16xf32>
      %sub3A_1637 = arith.subf %gather3A_1623, %sub3A_1636 : vector<16xf32>
      %sub3A_1638 = arith.subf %get3A_1629, %sub3A_1635 : vector<16xf32>
      %add3A_1639 = arith.addf %sub3A_1637, %sub3A_1638 : vector<16xf32>
      %add3A_1640 = arith.addf %gather3A_1625, %get3A_1633 : vector<16xf32>
      %add3A_1641 = arith.addf %add3A_1639, %add3A_1640 : vector<16xf32>
      %add3A_1642 = arith.addf %add3A_1634, %add3A_1641 : vector<16xf32>
      %sub3A_1643 = arith.subf %add3A_1642, %add3A_1634 : vector<16xf32>
      %sub3A_1644 = arith.subf %add3A_1641, %sub3A_1643 : vector<16xf32>
      %gather3A_1645 = vector.shape_cast %broadcast_in_dim3A_11 : vector<16x1xi32> to vector<16xi32>
      %gather3A_1646 = tpu.dynamic_gather %while3A_851[%gather3A_1645] in [0] : vector<16xf32>, vector<16xi32> -> vector<16xf32>
      %get3A_1647 = arith.constant 3 : i64
      %get3A_1648 = arith.index_cast %get3A_1647 : i64 to index
      %get3A_1649 = arith.constant 0 : index
      %get3A_1650 = tpu.vector_load %arg23[%get3A_1648, %get3A_1649] {strides = array<i32>} : memref<16x16xf32, #tpu.memory_space<vmem>>, vector<16xf32>,
      %mul3A_1651 = arith.mulf %gather3A_1646, %get3A_1650 : vector<16xf32>
      %gather3A_1652 = vector.shape_cast %broadcast_in_dim3A_13 : vector<16x1xi32> to vector<16xi32>
      %gather3A_1653 = tpu.dynamic_gather %while3A_848[%gather3A_1652] in [0] : vector<16xf32>, vector<16xi32> -> vector<16xf32>
      %gather3A_1654 = vector.shape_cast %broadcast_in_dim3A_13 : vector<16x1xi32> to vector<16xi32>
      %gather3A_1655 = tpu.dynamic_gather %while3A_849[%gather3A_1654] in [0] : vector<16xf32>, vector<16xi32> -> vector<16xf32>
      %get3A_1656 = arith.constant 4 : i64
      %get3A_1657 = arith.index_cast %get3A_1656 : i64 to index
      %get3A_1658 = arith.constant 0 : index
      %get3A_1659 = tpu.vector_load %arg19[%get3A_1657, %get3A_1658] {strides = array<i32>} : memref<16x16xf32, #tpu.memory_space<vmem>>, vector<16xf32>,
      %get3A_1660 = arith.constant 4 : i64
      %get3A_1661 = arith.index_cast %get3A_1660 : i64 to index
      %get3A_1662 = arith.constant 0 : index
      %get3A_1663 = tpu.vector_load %arg20[%get3A_1661, %get3A_1662] {strides = array<i32>} : memref<16x16xf32, #tpu.memory_space<vmem>>, vector<16xf32>,
      %add3A_1664 = arith.addf %gather3A_1653, %get3A_1659 : vector<16xf32>
      %sub3A_1665 = arith.subf %add3A_1664, %gather3A_1653 : vector<16xf32>
      %sub3A_1666 = arith.subf %add3A_1664, %sub3A_1665 : vector<16xf32>
      %sub3A_1667 = arith.subf %gather3A_1653, %sub3A_1666 : vector<16xf32>
      %sub3A_1668 = arith.subf %get3A_1659, %sub3A_1665 : vector<16xf32>
      %add3A_1669 = arith.addf %sub3A_1667, %sub3A_1668 : vector<16xf32>
      %add3A_1670 = arith.addf %gather3A_1655, %get3A_1663 : vector<16xf32>
      %add3A_1671 = arith.addf %add3A_1669, %add3A_1670 : vector<16xf32>
      %add3A_1672 = arith.addf %add3A_1664, %add3A_1671 : vector<16xf32>
      %sub3A_1673 = arith.subf %add3A_1672, %add3A_1664 : vector<16xf32>
      %sub3A_1674 = arith.subf %add3A_1671, %sub3A_1673 : vector<16xf32>
      %gather3A_1675 = vector.shape_cast %broadcast_in_dim3A_13 : vector<16x1xi32> to vector<16xi32>
      %gather3A_1676 = tpu.dynamic_gather %while3A_851[%gather3A_1675] in [0] : vector<16xf32>, vector<16xi32> -> vector<16xf32>
      %get3A_1677 = arith.constant 4 : i64
      %get3A_1678 = arith.index_cast %get3A_1677 : i64 to index
      %get3A_1679 = arith.constant 0 : index
      %get3A_1680 = tpu.vector_load %arg23[%get3A_1678, %get3A_1679] {strides = array<i32>} : memref<16x16xf32, #tpu.memory_space<vmem>>, vector<16xf32>,
      %mul3A_1681 = arith.mulf %gather3A_1676, %get3A_1680 : vector<16xf32>
      %gather3A_1682 = vector.shape_cast %broadcast_in_dim3A_15 : vector<16x1xi32> to vector<16xi32>
      %gather3A_1683 = tpu.dynamic_gather %while3A_848[%gather3A_1682] in [0] : vector<16xf32>, vector<16xi32> -> vector<16xf32>
      %gather3A_1684 = vector.shape_cast %broadcast_in_dim3A_15 : vector<16x1xi32> to vector<16xi32>
      %gather3A_1685 = tpu.dynamic_gather %while3A_849[%gather3A_1684] in [0] : vector<16xf32>, vector<16xi32> -> vector<16xf32>
      %get3A_1686 = arith.constant 5 : i64
      %get3A_1687 = arith.index_cast %get3A_1686 : i64 to index
      %get3A_1688 = arith.constant 0 : index
      %get3A_1689 = tpu.vector_load %arg19[%get3A_1687, %get3A_1688] {strides = array<i32>} : memref<16x16xf32, #tpu.memory_space<vmem>>, vector<16xf32>,
      %get3A_1690 = arith.constant 5 : i64
      %get3A_1691 = arith.index_cast %get3A_1690 : i64 to index
      %get3A_1692 = arith.constant 0 : index
      %get3A_1693 = tpu.vector_load %arg20[%get3A_1691, %get3A_1692] {strides = array<i32>} : memref<16x16xf32, #tpu.memory_space<vmem>>, vector<16xf32>,
      %add3A_1694 = arith.addf %gather3A_1683, %get3A_1689 : vector<16xf32>
      %sub3A_1695 = arith.subf %add3A_1694, %gather3A_1683 : vector<16xf32>
      %sub3A_1696 = arith.subf %add3A_1694, %sub3A_1695 : vector<16xf32>
      %sub3A_1697 = arith.subf %gather3A_1683, %sub3A_1696 : vector<16xf32>
      %sub3A_1698 = arith.subf %get3A_1689, %sub3A_1695 : vector<16xf32>
      %add3A_1699 = arith.addf %sub3A_1697, %sub3A_1698 : vector<16xf32>
      %add3A_1700 = arith.addf %gather3A_1685, %get3A_1693 : vector<16xf32>
      %add3A_1701 = arith.addf %add3A_1699, %add3A_1700 : vector<16xf32>
      %add3A_1702 = arith.addf %add3A_1694, %add3A_1701 : vector<16xf32>
      %sub3A_1703 = arith.subf %add3A_1702, %add3A_1694 : vector<16xf32>
      %sub3A_1704 = arith.subf %add3A_1701, %sub3A_1703 : vector<16xf32>
      %gather3A_1705 = vector.shape_cast %broadcast_in_dim3A_15 : vector<16x1xi32> to vector<16xi32>
      %gather3A_1706 = tpu.dynamic_gather %while3A_851[%gather3A_1705] in [0] : vector<16xf32>, vector<16xi32> -> vector<16xf32>
      %get3A_1707 = arith.constant 5 : i64
      %get3A_1708 = arith.index_cast %get3A_1707 : i64 to index
      %get3A_1709 = arith.constant 0 : index
      %get3A_1710 = tpu.vector_load %arg23[%get3A_1708, %get3A_1709] {strides = array<i32>} : memref<16x16xf32, #tpu.memory_space<vmem>>, vector<16xf32>,
      %mul3A_1711 = arith.mulf %gather3A_1706, %get3A_1710 : vector<16xf32>
      %gather3A_1712 = vector.shape_cast %broadcast_in_dim3A_17 : vector<16x1xi32> to vector<16xi32>
      %gather3A_1713 = tpu.dynamic_gather %while3A_848[%gather3A_1712] in [0] : vector<16xf32>, vector<16xi32> -> vector<16xf32>
      %gather3A_1714 = vector.shape_cast %broadcast_in_dim3A_17 : vector<16x1xi32> to vector<16xi32>
      %gather3A_1715 = tpu.dynamic_gather %while3A_849[%gather3A_1714] in [0] : vector<16xf32>, vector<16xi32> -> vector<16xf32>
      %get3A_1716 = arith.constant 6 : i64
      %get3A_1717 = arith.index_cast %get3A_1716 : i64 to index
      %get3A_1718 = arith.constant 0 : index
      %get3A_1719 = tpu.vector_load %arg19[%get3A_1717, %get3A_1718] {strides = array<i32>} : memref<16x16xf32, #tpu.memory_space<vmem>>, vector<16xf32>,
      %get3A_1720 = arith.constant 6 : i64
      %get3A_1721 = arith.index_cast %get3A_1720 : i64 to index
      %get3A_1722 = arith.constant 0 : index
      %get3A_1723 = tpu.vector_load %arg20[%get3A_1721, %get3A_1722] {strides = array<i32>} : memref<16x16xf32, #tpu.memory_space<vmem>>, vector<16xf32>,
      %add3A_1724 = arith.addf %gather3A_1713, %get3A_1719 : vector<16xf32>
      %sub3A_1725 = arith.subf %add3A_1724, %gather3A_1713 : vector<16xf32>
      %sub3A_1726 = arith.subf %add3A_1724, %sub3A_1725 : vector<16xf32>
      %sub3A_1727 = arith.subf %gather3A_1713, %sub3A_1726 : vector<16xf32>
      %sub3A_1728 = arith.subf %get3A_1719, %sub3A_1725 : vector<16xf32>
      %add3A_1729 = arith.addf %sub3A_1727, %sub3A_1728 : vector<16xf32>
      %add3A_1730 = arith.addf %gather3A_1715, %get3A_1723 : vector<16xf32>
      %add3A_1731 = arith.addf %add3A_1729, %add3A_1730 : vector<16xf32>
      %add3A_1732 = arith.addf %add3A_1724, %add3A_1731 : vector<16xf32>
      %sub3A_1733 = arith.subf %add3A_1732, %add3A_1724 : vector<16xf32>
      %sub3A_1734 = arith.subf %add3A_1731, %sub3A_1733 : vector<16xf32>
      %gather3A_1735 = vector.shape_cast %broadcast_in_dim3A_17 : vector<16x1xi32> to vector<16xi32>
      %gather3A_1736 = tpu.dynamic_gather %while3A_851[%gather3A_1735] in [0] : vector<16xf32>, vector<16xi32> -> vector<16xf32>
      %get3A_1737 = arith.constant 6 : i64
      %get3A_1738 = arith.index_cast %get3A_1737 : i64 to index
      %get3A_1739 = arith.constant 0 : index
      %get3A_1740 = tpu.vector_load %arg23[%get3A_1738, %get3A_1739] {strides = array<i32>} : memref<16x16xf32, #tpu.memory_space<vmem>>, vector<16xf32>,
      %mul3A_1741 = arith.mulf %gather3A_1736, %get3A_1740 : vector<16xf32>
      %gather3A_1742 = vector.shape_cast %broadcast_in_dim3A_19 : vector<16x1xi32> to vector<16xi32>
      %gather3A_1743 = tpu.dynamic_gather %while3A_848[%gather3A_1742] in [0] : vector<16xf32>, vector<16xi32> -> vector<16xf32>
      %gather3A_1744 = vector.shape_cast %broadcast_in_dim3A_19 : vector<16x1xi32> to vector<16xi32>
      %gather3A_1745 = tpu.dynamic_gather %while3A_849[%gather3A_1744] in [0] : vector<16xf32>, vector<16xi32> -> vector<16xf32>
      %get3A_1746 = arith.constant 7 : i64
      %get3A_1747 = arith.index_cast %get3A_1746 : i64 to index
      %get3A_1748 = arith.constant 0 : index
      %get3A_1749 = tpu.vector_load %arg19[%get3A_1747, %get3A_1748] {strides = array<i32>} : memref<16x16xf32, #tpu.memory_space<vmem>>, vector<16xf32>,
      %get3A_1750 = arith.constant 7 : i64
      %get3A_1751 = arith.index_cast %get3A_1750 : i64 to index
      %get3A_1752 = arith.constant 0 : index
      %get3A_1753 = tpu.vector_load %arg20[%get3A_1751, %get3A_1752] {strides = array<i32>} : memref<16x16xf32, #tpu.memory_space<vmem>>, vector<16xf32>,
      %add3A_1754 = arith.addf %gather3A_1743, %get3A_1749 : vector<16xf32>
      %sub3A_1755 = arith.subf %add3A_1754, %gather3A_1743 : vector<16xf32>
      %sub3A_1756 = arith.subf %add3A_1754, %sub3A_1755 : vector<16xf32>
      %sub3A_1757 = arith.subf %gather3A_1743, %sub3A_1756 : vector<16xf32>
      %sub3A_1758 = arith.subf %get3A_1749, %sub3A_1755 : vector<16xf32>
      %add3A_1759 = arith.addf %sub3A_1757, %sub3A_1758 : vector<16xf32>
      %add3A_1760 = arith.addf %gather3A_1745, %get3A_1753 : vector<16xf32>
      %add3A_1761 = arith.addf %add3A_1759, %add3A_1760 : vector<16xf32>
      %add3A_1762 = arith.addf %add3A_1754, %add3A_1761 : vector<16xf32>
      %sub3A_1763 = arith.subf %add3A_1762, %add3A_1754 : vector<16xf32>
      %sub3A_1764 = arith.subf %add3A_1761, %sub3A_1763 : vector<16xf32>
      %gather3A_1765 = vector.shape_cast %broadcast_in_dim3A_19 : vector<16x1xi32> to vector<16xi32>
      %gather3A_1766 = tpu.dynamic_gather %while3A_851[%gather3A_1765] in [0] : vector<16xf32>, vector<16xi32> -> vector<16xf32>
      %get3A_1767 = arith.constant 7 : i64
      %get3A_1768 = arith.index_cast %get3A_1767 : i64 to index
      %get3A_1769 = arith.constant 0 : index
      %get3A_1770 = tpu.vector_load %arg23[%get3A_1768, %get3A_1769] {strides = array<i32>} : memref<16x16xf32, #tpu.memory_space<vmem>>, vector<16xf32>,
      %mul3A_1771 = arith.mulf %gather3A_1766, %get3A_1770 : vector<16xf32>
      %gather3A_1772 = vector.shape_cast %broadcast_in_dim3A_21 : vector<16x1xi32> to vector<16xi32>
      %gather3A_1773 = tpu.dynamic_gather %while3A_848[%gather3A_1772] in [0] : vector<16xf32>, vector<16xi32> -> vector<16xf32>
      %gather3A_1774 = vector.shape_cast %broadcast_in_dim3A_21 : vector<16x1xi32> to vector<16xi32>
      %gather3A_1775 = tpu.dynamic_gather %while3A_849[%gather3A_1774] in [0] : vector<16xf32>, vector<16xi32> -> vector<16xf32>
      %get3A_1776 = arith.constant 8 : i64
      %get3A_1777 = arith.index_cast %get3A_1776 : i64 to index
      %get3A_1778 = arith.constant 0 : index
      %get3A_1779 = tpu.vector_load %arg19[%get3A_1777, %get3A_1778] {strides = array<i32>} : memref<16x16xf32, #tpu.memory_space<vmem>>, vector<16xf32>,
      %get3A_1780 = arith.constant 8 : i64
      %get3A_1781 = arith.index_cast %get3A_1780 : i64 to index
      %get3A_1782 = arith.constant 0 : index
      %get3A_1783 = tpu.vector_load %arg20[%get3A_1781, %get3A_1782] {strides = array<i32>} : memref<16x16xf32, #tpu.memory_space<vmem>>, vector<16xf32>,
      %add3A_1784 = arith.addf %gather3A_1773, %get3A_1779 : vector<16xf32>
      %sub3A_1785 = arith.subf %add3A_1784, %gather3A_1773 : vector<16xf32>
      %sub3A_1786 = arith.subf %add3A_1784, %sub3A_1785 : vector<16xf32>
      %sub3A_1787 = arith.subf %gather3A_1773, %sub3A_1786 : vector<16xf32>
      %sub3A_1788 = arith.subf %get3A_1779, %sub3A_1785 : vector<16xf32>
      %add3A_1789 = arith.addf %sub3A_1787, %sub3A_1788 : vector<16xf32>
      %add3A_1790 = arith.addf %gather3A_1775, %get3A_1783 : vector<16xf32>
      %add3A_1791 = arith.addf %add3A_1789, %add3A_1790 : vector<16xf32>
      %add3A_1792 = arith.addf %add3A_1784, %add3A_1791 : vector<16xf32>
      %sub3A_1793 = arith.subf %add3A_1792, %add3A_1784 : vector<16xf32>
      %sub3A_1794 = arith.subf %add3A_1791, %sub3A_1793 : vector<16xf32>
      %gather3A_1795 = vector.shape_cast %broadcast_in_dim3A_21 : vector<16x1xi32> to vector<16xi32>
      %gather3A_1796 = tpu.dynamic_gather %while3A_851[%gather3A_1795] in [0] : vector<16xf32>, vector<16xi32> -> vector<16xf32>
      %get3A_1797 = arith.constant 8 : i64
      %get3A_1798 = arith.index_cast %get3A_1797 : i64 to index
      %get3A_1799 = arith.constant 0 : index
      %get3A_1800 = tpu.vector_load %arg23[%get3A_1798, %get3A_1799] {strides = array<i32>} : memref<16x16xf32, #tpu.memory_space<vmem>>, vector<16xf32>,
      %mul3A_1801 = arith.mulf %gather3A_1796, %get3A_1800 : vector<16xf32>
      %gather3A_1802 = vector.shape_cast %broadcast_in_dim3A_23 : vector<16x1xi32> to vector<16xi32>
      %gather3A_1803 = tpu.dynamic_gather %while3A_848[%gather3A_1802] in [0] : vector<16xf32>, vector<16xi32> -> vector<16xf32>
      %gather3A_1804 = vector.shape_cast %broadcast_in_dim3A_23 : vector<16x1xi32> to vector<16xi32>
      %gather3A_1805 = tpu.dynamic_gather %while3A_849[%gather3A_1804] in [0] : vector<16xf32>, vector<16xi32> -> vector<16xf32>
      %get3A_1806 = arith.constant 9 : i64
      %get3A_1807 = arith.index_cast %get3A_1806 : i64 to index
      %get3A_1808 = arith.constant 0 : index
      %get3A_1809 = tpu.vector_load %arg19[%get3A_1807, %get3A_1808] {strides = array<i32>} : memref<16x16xf32, #tpu.memory_space<vmem>>, vector<16xf32>,
      %get3A_1810 = arith.constant 9 : i64
      %get3A_1811 = arith.index_cast %get3A_1810 : i64 to index
      %get3A_1812 = arith.constant 0 : index
      %get3A_1813 = tpu.vector_load %arg20[%get3A_1811, %get3A_1812] {strides = array<i32>} : memref<16x16xf32, #tpu.memory_space<vmem>>, vector<16xf32>,
      %add3A_1814 = arith.addf %gather3A_1803, %get3A_1809 : vector<16xf32>
      %sub3A_1815 = arith.subf %add3A_1814, %gather3A_1803 : vector<16xf32>
      %sub3A_1816 = arith.subf %add3A_1814, %sub3A_1815 : vector<16xf32>
      %sub3A_1817 = arith.subf %gather3A_1803, %sub3A_1816 : vector<16xf32>
      %sub3A_1818 = arith.subf %get3A_1809, %sub3A_1815 : vector<16xf32>
      %add3A_1819 = arith.addf %sub3A_1817, %sub3A_1818 : vector<16xf32>
      %add3A_1820 = arith.addf %gather3A_1805, %get3A_1813 : vector<16xf32>
      %add3A_1821 = arith.addf %add3A_1819, %add3A_1820 : vector<16xf32>
      %add3A_1822 = arith.addf %add3A_1814, %add3A_1821 : vector<16xf32>
      %sub3A_1823 = arith.subf %add3A_1822, %add3A_1814 : vector<16xf32>
      %sub3A_1824 = arith.subf %add3A_1821, %sub3A_1823 : vector<16xf32>
      %gather3A_1825 = vector.shape_cast %broadcast_in_dim3A_23 : vector<16x1xi32> to vector<16xi32>
      %gather3A_1826 = tpu.dynamic_gather %while3A_851[%gather3A_1825] in [0] : vector<16xf32>, vector<16xi32> -> vector<16xf32>
      %get3A_1827 = arith.constant 9 : i64
      %get3A_1828 = arith.index_cast %get3A_1827 : i64 to index
      %get3A_1829 = arith.constant 0 : index
      %get3A_1830 = tpu.vector_load %arg23[%get3A_1828, %get3A_1829] {strides = array<i32>} : memref<16x16xf32, #tpu.memory_space<vmem>>, vector<16xf32>,
      %mul3A_1831 = arith.mulf %gather3A_1826, %get3A_1830 : vector<16xf32>
      %gather3A_1832 = vector.shape_cast %broadcast_in_dim3A_25 : vector<16x1xi32> to vector<16xi32>
      %gather3A_1833 = tpu.dynamic_gather %while3A_848[%gather3A_1832] in [0] : vector<16xf32>, vector<16xi32> -> vector<16xf32>
      %gather3A_1834 = vector.shape_cast %broadcast_in_dim3A_25 : vector<16x1xi32> to vector<16xi32>
      %gather3A_1835 = tpu.dynamic_gather %while3A_849[%gather3A_1834] in [0] : vector<16xf32>, vector<16xi32> -> vector<16xf32>
      %get3A_1836 = arith.constant 10 : i64
      %get3A_1837 = arith.index_cast %get3A_1836 : i64 to index
      %get3A_1838 = arith.constant 0 : index
      %get3A_1839 = tpu.vector_load %arg19[%get3A_1837, %get3A_1838] {strides = array<i32>} : memref<16x16xf32, #tpu.memory_space<vmem>>, vector<16xf32>,
      %get3A_1840 = arith.constant 10 : i64
      %get3A_1841 = arith.index_cast %get3A_1840 : i64 to index
      %get3A_1842 = arith.constant 0 : index
      %get3A_1843 = tpu.vector_load %arg20[%get3A_1841, %get3A_1842] {strides = array<i32>} : memref<16x16xf32, #tpu.memory_space<vmem>>, vector<16xf32>,
      %add3A_1844 = arith.addf %gather3A_1833, %get3A_1839 : vector<16xf32>
      %sub3A_1845 = arith.subf %add3A_1844, %gather3A_1833 : vector<16xf32>
      %sub3A_1846 = arith.subf %add3A_1844, %sub3A_1845 : vector<16xf32>
      %sub3A_1847 = arith.subf %gather3A_1833, %sub3A_1846 : vector<16xf32>
      %sub3A_1848 = arith.subf %get3A_1839, %sub3A_1845 : vector<16xf32>
      %add3A_1849 = arith.addf %sub3A_1847, %sub3A_1848 : vector<16xf32>
      %add3A_1850 = arith.addf %gather3A_1835, %get3A_1843 : vector<16xf32>
      %add3A_1851 = arith.addf %add3A_1849, %add3A_1850 : vector<16xf32>
      %add3A_1852 = arith.addf %add3A_1844, %add3A_1851 : vector<16xf32>
      %sub3A_1853 = arith.subf %add3A_1852, %add3A_1844 : vector<16xf32>
      %sub3A_1854 = arith.subf %add3A_1851, %sub3A_1853 : vector<16xf32>
      %gather3A_1855 = vector.shape_cast %broadcast_in_dim3A_25 : vector<16x1xi32> to vector<16xi32>
      %gather3A_1856 = tpu.dynamic_gather %while3A_851[%gather3A_1855] in [0] : vector<16xf32>, vector<16xi32> -> vector<16xf32>
      %get3A_1857 = arith.constant 10 : i64
      %get3A_1858 = arith.index_cast %get3A_1857 : i64 to index
      %get3A_1859 = arith.constant 0 : index
      %get3A_1860 = tpu.vector_load %arg23[%get3A_1858, %get3A_1859] {strides = array<i32>} : memref<16x16xf32, #tpu.memory_space<vmem>>, vector<16xf32>,
      %mul3A_1861 = arith.mulf %gather3A_1856, %get3A_1860 : vector<16xf32>
      %gather3A_1862 = vector.shape_cast %broadcast_in_dim3A_27 : vector<16x1xi32> to vector<16xi32>
      %gather3A_1863 = tpu.dynamic_gather %while3A_848[%gather3A_1862] in [0] : vector<16xf32>, vector<16xi32> -> vector<16xf32>
      %gather3A_1864 = vector.shape_cast %broadcast_in_dim3A_27 : vector<16x1xi32> to vector<16xi32>
      %gather3A_1865 = tpu.dynamic_gather %while3A_849[%gather3A_1864] in [0] : vector<16xf32>, vector<16xi32> -> vector<16xf32>
      %get3A_1866 = arith.constant 11 : i64
      %get3A_1867 = arith.index_cast %get3A_1866 : i64 to index
      %get3A_1868 = arith.constant 0 : index
      %get3A_1869 = tpu.vector_load %arg19[%get3A_1867, %get3A_1868] {strides = array<i32>} : memref<16x16xf32, #tpu.memory_space<vmem>>, vector<16xf32>,
      %get3A_1870 = arith.constant 11 : i64
      %get3A_1871 = arith.index_cast %get3A_1870 : i64 to index
      %get3A_1872 = arith.constant 0 : index
      %get3A_1873 = tpu.vector_load %arg20[%get3A_1871, %get3A_1872] {strides = array<i32>} : memref<16x16xf32, #tpu.memory_space<vmem>>, vector<16xf32>,
      %add3A_1874 = arith.addf %gather3A_1863, %get3A_1869 : vector<16xf32>
      %sub3A_1875 = arith.subf %add3A_1874, %gather3A_1863 : vector<16xf32>
      %sub3A_1876 = arith.subf %add3A_1874, %sub3A_1875 : vector<16xf32>
      %sub3A_1877 = arith.subf %gather3A_1863, %sub3A_1876 : vector<16xf32>
      %sub3A_1878 = arith.subf %get3A_1869, %sub3A_1875 : vector<16xf32>
      %add3A_1879 = arith.addf %sub3A_1877, %sub3A_1878 : vector<16xf32>
      %add3A_1880 = arith.addf %gather3A_1865, %get3A_1873 : vector<16xf32>
      %add3A_1881 = arith.addf %add3A_1879, %add3A_1880 : vector<16xf32>
      %add3A_1882 = arith.addf %add3A_1874, %add3A_1881 : vector<16xf32>
      %sub3A_1883 = arith.subf %add3A_1882, %add3A_1874 : vector<16xf32>
      %sub3A_1884 = arith.subf %add3A_1881, %sub3A_1883 : vector<16xf32>
      %gather3A_1885 = vector.shape_cast %broadcast_in_dim3A_27 : vector<16x1xi32> to vector<16xi32>
      %gather3A_1886 = tpu.dynamic_gather %while3A_851[%gather3A_1885] in [0] : vector<16xf32>, vector<16xi32> -> vector<16xf32>
      %get3A_1887 = arith.constant 11 : i64
      %get3A_1888 = arith.index_cast %get3A_1887 : i64 to index
      %get3A_1889 = arith.constant 0 : index
      %get3A_1890 = tpu.vector_load %arg23[%get3A_1888, %get3A_1889] {strides = array<i32>} : memref<16x16xf32, #tpu.memory_space<vmem>>, vector<16xf32>,
      %mul3A_1891 = arith.mulf %gather3A_1886, %get3A_1890 : vector<16xf32>
      %gather3A_1892 = vector.shape_cast %broadcast_in_dim3A_29 : vector<16x1xi32> to vector<16xi32>
      %gather3A_1893 = tpu.dynamic_gather %while3A_848[%gather3A_1892] in [0] : vector<16xf32>, vector<16xi32> -> vector<16xf32>
      %gather3A_1894 = vector.shape_cast %broadcast_in_dim3A_29 : vector<16x1xi32> to vector<16xi32>
      %gather3A_1895 = tpu.dynamic_gather %while3A_849[%gather3A_1894] in [0] : vector<16xf32>, vector<16xi32> -> vector<16xf32>
      %get3A_1896 = arith.constant 12 : i64
      %get3A_1897 = arith.index_cast %get3A_1896 : i64 to index
      %get3A_1898 = arith.constant 0 : index
      %get3A_1899 = tpu.vector_load %arg19[%get3A_1897, %get3A_1898] {strides = array<i32>} : memref<16x16xf32, #tpu.memory_space<vmem>>, vector<16xf32>,
      %get3A_1900 = arith.constant 12 : i64
      %get3A_1901 = arith.index_cast %get3A_1900 : i64 to index
      %get3A_1902 = arith.constant 0 : index
      %get3A_1903 = tpu.vector_load %arg20[%get3A_1901, %get3A_1902] {strides = array<i32>} : memref<16x16xf32, #tpu.memory_space<vmem>>, vector<16xf32>,
      %add3A_1904 = arith.addf %gather3A_1893, %get3A_1899 : vector<16xf32>
      %sub3A_1905 = arith.subf %add3A_1904, %gather3A_1893 : vector<16xf32>
      %sub3A_1906 = arith.subf %add3A_1904, %sub3A_1905 : vector<16xf32>
      %sub3A_1907 = arith.subf %gather3A_1893, %sub3A_1906 : vector<16xf32>
      %sub3A_1908 = arith.subf %get3A_1899, %sub3A_1905 : vector<16xf32>
      %add3A_1909 = arith.addf %sub3A_1907, %sub3A_1908 : vector<16xf32>
      %add3A_1910 = arith.addf %gather3A_1895, %get3A_1903 : vector<16xf32>
      %add3A_1911 = arith.addf %add3A_1909, %add3A_1910 : vector<16xf32>
      %add3A_1912 = arith.addf %add3A_1904, %add3A_1911 : vector<16xf32>
      %sub3A_1913 = arith.subf %add3A_1912, %add3A_1904 : vector<16xf32>
      %sub3A_1914 = arith.subf %add3A_1911, %sub3A_1913 : vector<16xf32>
      %gather3A_1915 = vector.shape_cast %broadcast_in_dim3A_29 : vector<16x1xi32> to vector<16xi32>
      %gather3A_1916 = tpu.dynamic_gather %while3A_851[%gather3A_1915] in [0] : vector<16xf32>, vector<16xi32> -> vector<16xf32>
      %get3A_1917 = arith.constant 12 : i64
      %get3A_1918 = arith.index_cast %get3A_1917 : i64 to index
      %get3A_1919 = arith.constant 0 : index
      %get3A_1920 = tpu.vector_load %arg23[%get3A_1918, %get3A_1919] {strides = array<i32>} : memref<16x16xf32, #tpu.memory_space<vmem>>, vector<16xf32>,
      %mul3A_1921 = arith.mulf %gather3A_1916, %get3A_1920 : vector<16xf32>
      %gather3A_1922 = vector.shape_cast %broadcast_in_dim3A_31 : vector<16x1xi32> to vector<16xi32>
      %gather3A_1923 = tpu.dynamic_gather %while3A_848[%gather3A_1922] in [0] : vector<16xf32>, vector<16xi32> -> vector<16xf32>
      %gather3A_1924 = vector.shape_cast %broadcast_in_dim3A_31 : vector<16x1xi32> to vector<16xi32>
      %gather3A_1925 = tpu.dynamic_gather %while3A_849[%gather3A_1924] in [0] : vector<16xf32>, vector<16xi32> -> vector<16xf32>
      %get3A_1926 = arith.constant 13 : i64
      %get3A_1927 = arith.index_cast %get3A_1926 : i64 to index
      %get3A_1928 = arith.constant 0 : index
      %get3A_1929 = tpu.vector_load %arg19[%get3A_1927, %get3A_1928] {strides = array<i32>} : memref<16x16xf32, #tpu.memory_space<vmem>>, vector<16xf32>,
      %get3A_1930 = arith.constant 13 : i64
      %get3A_1931 = arith.index_cast %get3A_1930 : i64 to index
      %get3A_1932 = arith.constant 0 : index
      %get3A_1933 = tpu.vector_load %arg20[%get3A_1931, %get3A_1932] {strides = array<i32>} : memref<16x16xf32, #tpu.memory_space<vmem>>, vector<16xf32>,
      %add3A_1934 = arith.addf %gather3A_1923, %get3A_1929 : vector<16xf32>
      %sub3A_1935 = arith.subf %add3A_1934, %gather3A_1923 : vector<16xf32>
      %sub3A_1936 = arith.subf %add3A_1934, %sub3A_1935 : vector<16xf32>
      %sub3A_1937 = arith.subf %gather3A_1923, %sub3A_1936 : vector<16xf32>
      %sub3A_1938 = arith.subf %get3A_1929, %sub3A_1935 : vector<16xf32>
      %add3A_1939 = arith.addf %sub3A_1937, %sub3A_1938 : vector<16xf32>
      %add3A_1940 = arith.addf %gather3A_1925, %get3A_1933 : vector<16xf32>
      %add3A_1941 = arith.addf %add3A_1939, %add3A_1940 : vector<16xf32>
      %add3A_1942 = arith.addf %add3A_1934, %add3A_1941 : vector<16xf32>
      %sub3A_1943 = arith.subf %add3A_1942, %add3A_1934 : vector<16xf32>
      %sub3A_1944 = arith.subf %add3A_1941, %sub3A_1943 : vector<16xf32>
      %gather3A_1945 = vector.shape_cast %broadcast_in_dim3A_31 : vector<16x1xi32> to vector<16xi32>
      %gather3A_1946 = tpu.dynamic_gather %while3A_851[%gather3A_1945] in [0] : vector<16xf32>, vector<16xi32> -> vector<16xf32>
      %get3A_1947 = arith.constant 13 : i64
      %get3A_1948 = arith.index_cast %get3A_1947 : i64 to index
      %get3A_1949 = arith.constant 0 : index
      %get3A_1950 = tpu.vector_load %arg23[%get3A_1948, %get3A_1949] {strides = array<i32>} : memref<16x16xf32, #tpu.memory_space<vmem>>, vector<16xf32>,
      %mul3A_1951 = arith.mulf %gather3A_1946, %get3A_1950 : vector<16xf32>
      %gather3A_1952 = vector.shape_cast %broadcast_in_dim3A_33 : vector<16x1xi32> to vector<16xi32>
      %gather3A_1953 = tpu.dynamic_gather %while3A_848[%gather3A_1952] in [0] : vector<16xf32>, vector<16xi32> -> vector<16xf32>
      %gather3A_1954 = vector.shape_cast %broadcast_in_dim3A_33 : vector<16x1xi32> to vector<16xi32>
      %gather3A_1955 = tpu.dynamic_gather %while3A_849[%gather3A_1954] in [0] : vector<16xf32>, vector<16xi32> -> vector<16xf32>
      %get3A_1956 = arith.constant 14 : i64
      %get3A_1957 = arith.index_cast %get3A_1956 : i64 to index
      %get3A_1958 = arith.constant 0 : index
      %get3A_1959 = tpu.vector_load %arg19[%get3A_1957, %get3A_1958] {strides = array<i32>} : memref<16x16xf32, #tpu.memory_space<vmem>>, vector<16xf32>,
      %get3A_1960 = arith.constant 14 : i64
      %get3A_1961 = arith.index_cast %get3A_1960 : i64 to index
      %get3A_1962 = arith.constant 0 : index
      %get3A_1963 = tpu.vector_load %arg20[%get3A_1961, %get3A_1962] {strides = array<i32>} : memref<16x16xf32, #tpu.memory_space<vmem>>, vector<16xf32>,
      %add3A_1964 = arith.addf %gather3A_1953, %get3A_1959 : vector<16xf32>
      %sub3A_1965 = arith.subf %add3A_1964, %gather3A_1953 : vector<16xf32>
      %sub3A_1966 = arith.subf %add3A_1964, %sub3A_1965 : vector<16xf32>
      %sub3A_1967 = arith.subf %gather3A_1953, %sub3A_1966 : vector<16xf32>
      %sub3A_1968 = arith.subf %get3A_1959, %sub3A_1965 : vector<16xf32>
      %add3A_1969 = arith.addf %sub3A_1967, %sub3A_1968 : vector<16xf32>
      %add3A_1970 = arith.addf %gather3A_1955, %get3A_1963 : vector<16xf32>
      %add3A_1971 = arith.addf %add3A_1969, %add3A_1970 : vector<16xf32>
      %add3A_1972 = arith.addf %add3A_1964, %add3A_1971 : vector<16xf32>
      %sub3A_1973 = arith.subf %add3A_1972, %add3A_1964 : vector<16xf32>
      %sub3A_1974 = arith.subf %add3A_1971, %sub3A_1973 : vector<16xf32>
      %gather3A_1975 = vector.shape_cast %broadcast_in_dim3A_33 : vector<16x1xi32> to vector<16xi32>
      %gather3A_1976 = tpu.dynamic_gather %while3A_851[%gather3A_1975] in [0] : vector<16xf32>, vector<16xi32> -> vector<16xf32>
      %get3A_1977 = arith.constant 14 : i64
      %get3A_1978 = arith.index_cast %get3A_1977 : i64 to index
      %get3A_1979 = arith.constant 0 : index
      %get3A_1980 = tpu.vector_load %arg23[%get3A_1978, %get3A_1979] {strides = array<i32>} : memref<16x16xf32, #tpu.memory_space<vmem>>, vector<16xf32>,
      %mul3A_1981 = arith.mulf %gather3A_1976, %get3A_1980 : vector<16xf32>
      %gather3A_1982 = vector.shape_cast %broadcast_in_dim3A_35 : vector<16x1xi32> to vector<16xi32>
      %gather3A_1983 = tpu.dynamic_gather %while3A_848[%gather3A_1982] in [0] : vector<16xf32>, vector<16xi32> -> vector<16xf32>
      %gather3A_1984 = vector.shape_cast %broadcast_in_dim3A_35 : vector<16x1xi32> to vector<16xi32>
      %gather3A_1985 = tpu.dynamic_gather %while3A_849[%gather3A_1984] in [0] : vector<16xf32>, vector<16xi32> -> vector<16xf32>
      %get3A_1986 = arith.constant 15 : i64
      %get3A_1987 = arith.index_cast %get3A_1986 : i64 to index
      %get3A_1988 = arith.constant 0 : index
      %get3A_1989 = tpu.vector_load %arg19[%get3A_1987, %get3A_1988] {strides = array<i32>} : memref<16x16xf32, #tpu.memory_space<vmem>>, vector<16xf32>,
      %get3A_1990 = arith.constant 15 : i64
      %get3A_1991 = arith.index_cast %get3A_1990 : i64 to index
      %get3A_1992 = arith.constant 0 : index
      %get3A_1993 = tpu.vector_load %arg20[%get3A_1991, %get3A_1992] {strides = array<i32>} : memref<16x16xf32, #tpu.memory_space<vmem>>, vector<16xf32>,
      %add3A_1994 = arith.addf %gather3A_1983, %get3A_1989 : vector<16xf32>
      %sub3A_1995 = arith.subf %add3A_1994, %gather3A_1983 : vector<16xf32>
      %sub3A_1996 = arith.subf %add3A_1994, %sub3A_1995 : vector<16xf32>
      %sub3A_1997 = arith.subf %gather3A_1983, %sub3A_1996 : vector<16xf32>
      %sub3A_1998 = arith.subf %get3A_1989, %sub3A_1995 : vector<16xf32>
      %add3A_1999 = arith.addf %sub3A_1997, %sub3A_1998 : vector<16xf32>
      %add3A_2000 = arith.addf %gather3A_1985, %get3A_1993 : vector<16xf32>
      %add3A_2001 = arith.addf %add3A_1999, %add3A_2000 : vector<16xf32>
      %add3A_2002 = arith.addf %add3A_1994, %add3A_2001 : vector<16xf32>
      %sub3A_2003 = arith.subf %add3A_2002, %add3A_1994 : vector<16xf32>
      %sub3A_2004 = arith.subf %add3A_2001, %sub3A_2003 : vector<16xf32>
      %gather3A_2005 = vector.shape_cast %broadcast_in_dim3A_35 : vector<16x1xi32> to vector<16xi32>
      %gather3A_2006 = tpu.dynamic_gather %while3A_851[%gather3A_2005] in [0] : vector<16xf32>, vector<16xi32> -> vector<16xf32>
      %get3A_2007 = arith.constant 15 : i64
      %get3A_2008 = arith.index_cast %get3A_2007 : i64 to index
      %get3A_2009 = arith.constant 0 : index
      %get3A_2010 = tpu.vector_load %arg23[%get3A_2008, %get3A_2009] {strides = array<i32>} : memref<16x16xf32, #tpu.memory_space<vmem>>, vector<16xf32>,
      %mul3A_2011 = arith.mulf %gather3A_2006, %get3A_2010 : vector<16xf32>
      %gt3A_2012 = arith.cmpf ogt, %add3A_1582, %add3A_1552 : vector<16xf32>
      %eq3A_2013 = arith.cmpf oeq, %add3A_1582, %add3A_1552 : vector<16xf32>
      %gt3A_2014 = arith.cmpf ogt, %sub3A_1584, %sub3A_1554 : vector<16xf32>
      %and3A_2015 = arith.andi %eq3A_2013, %gt3A_2014 : vector<16xi1>
      %or3A_2016 = arith.ori %gt3A_2012, %and3A_2015 : vector<16xi1>
      %select_n3A_2017 = arith.select %or3A_2016, %add3A_1582, %add3A_1552 : vector<16xi1>, vector<16xf32>
      %select_n3A_2018 = arith.select %or3A_2016, %sub3A_1584, %sub3A_1554 : vector<16xi1>, vector<16xf32>
      %gt3A_2019 = arith.cmpf ogt, %add3A_1642, %add3A_1612 : vector<16xf32>
      %eq3A_2020 = arith.cmpf oeq, %add3A_1642, %add3A_1612 : vector<16xf32>
      %gt3A_2021 = arith.cmpf ogt, %sub3A_1644, %sub3A_1614 : vector<16xf32>
      %and3A_2022 = arith.andi %eq3A_2020, %gt3A_2021 : vector<16xi1>
      %or3A_2023 = arith.ori %gt3A_2019, %and3A_2022 : vector<16xi1>
      %select_n3A_2024 = arith.select %or3A_2023, %add3A_1642, %add3A_1612 : vector<16xi1>, vector<16xf32>
      %select_n3A_2025 = arith.select %or3A_2023, %sub3A_1644, %sub3A_1614 : vector<16xi1>, vector<16xf32>
      %gt3A_2026 = arith.cmpf ogt, %add3A_1702, %add3A_1672 : vector<16xf32>
      %eq3A_2027 = arith.cmpf oeq, %add3A_1702, %add3A_1672 : vector<16xf32>
      %gt3A_2028 = arith.cmpf ogt, %sub3A_1704, %sub3A_1674 : vector<16xf32>
      %and3A_2029 = arith.andi %eq3A_2027, %gt3A_2028 : vector<16xi1>
      %or3A_2030 = arith.ori %gt3A_2026, %and3A_2029 : vector<16xi1>
      %select_n3A_2031 = arith.select %or3A_2030, %add3A_1702, %add3A_1672 : vector<16xi1>, vector<16xf32>
      %select_n3A_2032 = arith.select %or3A_2030, %sub3A_1704, %sub3A_1674 : vector<16xi1>, vector<16xf32>
      %gt3A_2033 = arith.cmpf ogt, %add3A_1762, %add3A_1732 : vector<16xf32>
      %eq3A_2034 = arith.cmpf oeq, %add3A_1762, %add3A_1732 : vector<16xf32>
      %gt3A_2035 = arith.cmpf ogt, %sub3A_1764, %sub3A_1734 : vector<16xf32>
      %and3A_2036 = arith.andi %eq3A_2034, %gt3A_2035 : vector<16xi1>
      %or3A_2037 = arith.ori %gt3A_2033, %and3A_2036 : vector<16xi1>
      %select_n3A_2038 = arith.select %or3A_2037, %add3A_1762, %add3A_1732 : vector<16xi1>, vector<16xf32>
      %select_n3A_2039 = arith.select %or3A_2037, %sub3A_1764, %sub3A_1734 : vector<16xi1>, vector<16xf32>
      %gt3A_2040 = arith.cmpf ogt, %add3A_1822, %add3A_1792 : vector<16xf32>
      %eq3A_2041 = arith.cmpf oeq, %add3A_1822, %add3A_1792 : vector<16xf32>
      %gt3A_2042 = arith.cmpf ogt, %sub3A_1824, %sub3A_1794 : vector<16xf32>
      %and3A_2043 = arith.andi %eq3A_2041, %gt3A_2042 : vector<16xi1>
      %or3A_2044 = arith.ori %gt3A_2040, %and3A_2043 : vector<16xi1>
      %select_n3A_2045 = arith.select %or3A_2044, %add3A_1822, %add3A_1792 : vector<16xi1>, vector<16xf32>
      %select_n3A_2046 = arith.select %or3A_2044, %sub3A_1824, %sub3A_1794 : vector<16xi1>, vector<16xf32>
      %gt3A_2047 = arith.cmpf ogt, %add3A_1882, %add3A_1852 : vector<16xf32>
      %eq3A_2048 = arith.cmpf oeq, %add3A_1882, %add3A_1852 : vector<16xf32>
      %gt3A_2049 = arith.cmpf ogt, %sub3A_1884, %sub3A_1854 : vector<16xf32>
      %and3A_2050 = arith.andi %eq3A_2048, %gt3A_2049 : vector<16xi1>
      %or3A_2051 = arith.ori %gt3A_2047, %and3A_2050 : vector<16xi1>
      %select_n3A_2052 = arith.select %or3A_2051, %add3A_1882, %add3A_1852 : vector<16xi1>, vector<16xf32>
      %select_n3A_2053 = arith.select %or3A_2051, %sub3A_1884, %sub3A_1854 : vector<16xi1>, vector<16xf32>
      %gt3A_2054 = arith.cmpf ogt, %add3A_1942, %add3A_1912 : vector<16xf32>
      %eq3A_2055 = arith.cmpf oeq, %add3A_1942, %add3A_1912 : vector<16xf32>
      %gt3A_2056 = arith.cmpf ogt, %sub3A_1944, %sub3A_1914 : vector<16xf32>
      %and3A_2057 = arith.andi %eq3A_2055, %gt3A_2056 : vector<16xi1>
      %or3A_2058 = arith.ori %gt3A_2054, %and3A_2057 : vector<16xi1>
      %select_n3A_2059 = arith.select %or3A_2058, %add3A_1942, %add3A_1912 : vector<16xi1>, vector<16xf32>
      %select_n3A_2060 = arith.select %or3A_2058, %sub3A_1944, %sub3A_1914 : vector<16xi1>, vector<16xf32>
      %gt3A_2061 = arith.cmpf ogt, %add3A_2002, %add3A_1972 : vector<16xf32>
      %eq3A_2062 = arith.cmpf oeq, %add3A_2002, %add3A_1972 : vector<16xf32>
      %gt3A_2063 = arith.cmpf ogt, %sub3A_2004, %sub3A_1974 : vector<16xf32>
      %and3A_2064 = arith.andi %eq3A_2062, %gt3A_2063 : vector<16xi1>
      %or3A_2065 = arith.ori %gt3A_2061, %and3A_2064 : vector<16xi1>
      %select_n3A_2066 = arith.select %or3A_2065, %add3A_2002, %add3A_1972 : vector<16xi1>, vector<16xf32>
      %select_n3A_2067 = arith.select %or3A_2065, %sub3A_2004, %sub3A_1974 : vector<16xi1>, vector<16xf32>
      %gt3A_2068 = arith.cmpf ogt, %select_n3A_2024, %select_n3A_2017 : vector<16xf32>
      %eq3A_2069 = arith.cmpf oeq, %select_n3A_2024, %select_n3A_2017 : vector<16xf32>
      %gt3A_2070 = arith.cmpf ogt, %select_n3A_2025, %select_n3A_2018 : vector<16xf32>
      %and3A_2071 = arith.andi %eq3A_2069, %gt3A_2070 : vector<16xi1>
      %or3A_2072 = arith.ori %gt3A_2068, %and3A_2071 : vector<16xi1>
      %select_n3A_2073 = arith.select %or3A_2072, %select_n3A_2024, %select_n3A_2017 : vector<16xi1>, vector<16xf32>
      %select_n3A_2074 = arith.select %or3A_2072, %select_n3A_2025, %select_n3A_2018 : vector<16xi1>, vector<16xf32>
      %gt3A_2075 = arith.cmpf ogt, %select_n3A_2038, %select_n3A_2031 : vector<16xf32>
      %eq3A_2076 = arith.cmpf oeq, %select_n3A_2038, %select_n3A_2031 : vector<16xf32>
      %gt3A_2077 = arith.cmpf ogt, %select_n3A_2039, %select_n3A_2032 : vector<16xf32>
      %and3A_2078 = arith.andi %eq3A_2076, %gt3A_2077 : vector<16xi1>
      %or3A_2079 = arith.ori %gt3A_2075, %and3A_2078 : vector<16xi1>
      %select_n3A_2080 = arith.select %or3A_2079, %select_n3A_2038, %select_n3A_2031 : vector<16xi1>, vector<16xf32>
      %select_n3A_2081 = arith.select %or3A_2079, %select_n3A_2039, %select_n3A_2032 : vector<16xi1>, vector<16xf32>
      %gt3A_2082 = arith.cmpf ogt, %select_n3A_2052, %select_n3A_2045 : vector<16xf32>
      %eq3A_2083 = arith.cmpf oeq, %select_n3A_2052, %select_n3A_2045 : vector<16xf32>
      %gt3A_2084 = arith.cmpf ogt, %select_n3A_2053, %select_n3A_2046 : vector<16xf32>
      %and3A_2085 = arith.andi %eq3A_2083, %gt3A_2084 : vector<16xi1>
      %or3A_2086 = arith.ori %gt3A_2082, %and3A_2085 : vector<16xi1>
      %select_n3A_2087 = arith.select %or3A_2086, %select_n3A_2052, %select_n3A_2045 : vector<16xi1>, vector<16xf32>
      %select_n3A_2088 = arith.select %or3A_2086, %select_n3A_2053, %select_n3A_2046 : vector<16xi1>, vector<16xf32>
      %gt3A_2089 = arith.cmpf ogt, %select_n3A_2066, %select_n3A_2059 : vector<16xf32>
      %eq3A_2090 = arith.cmpf oeq, %select_n3A_2066, %select_n3A_2059 : vector<16xf32>
      %gt3A_2091 = arith.cmpf ogt, %select_n3A_2067, %select_n3A_2060 : vector<16xf32>
      %and3A_2092 = arith.andi %eq3A_2090, %gt3A_2091 : vector<16xi1>
      %or3A_2093 = arith.ori %gt3A_2089, %and3A_2092 : vector<16xi1>
      %select_n3A_2094 = arith.select %or3A_2093, %select_n3A_2066, %select_n3A_2059 : vector<16xi1>, vector<16xf32>
      %select_n3A_2095 = arith.select %or3A_2093, %select_n3A_2067, %select_n3A_2060 : vector<16xi1>, vector<16xf32>
      %gt3A_2096 = arith.cmpf ogt, %select_n3A_2080, %select_n3A_2073 : vector<16xf32>
      %eq3A_2097 = arith.cmpf oeq, %select_n3A_2080, %select_n3A_2073 : vector<16xf32>
      %gt3A_2098 = arith.cmpf ogt, %select_n3A_2081, %select_n3A_2074 : vector<16xf32>
      %and3A_2099 = arith.andi %eq3A_2097, %gt3A_2098 : vector<16xi1>
      %or3A_2100 = arith.ori %gt3A_2096, %and3A_2099 : vector<16xi1>
      %select_n3A_2101 = arith.select %or3A_2100, %select_n3A_2080, %select_n3A_2073 : vector<16xi1>, vector<16xf32>
      %select_n3A_2102 = arith.select %or3A_2100, %select_n3A_2081, %select_n3A_2074 : vector<16xi1>, vector<16xf32>
      %gt3A_2103 = arith.cmpf ogt, %select_n3A_2094, %select_n3A_2087 : vector<16xf32>
      %eq3A_2104 = arith.cmpf oeq, %select_n3A_2094, %select_n3A_2087 : vector<16xf32>
      %gt3A_2105 = arith.cmpf ogt, %select_n3A_2095, %select_n3A_2088 : vector<16xf32>
      %and3A_2106 = arith.andi %eq3A_2104, %gt3A_2105 : vector<16xi1>
      %or3A_2107 = arith.ori %gt3A_2103, %and3A_2106 : vector<16xi1>
      %select_n3A_2108 = arith.select %or3A_2107, %select_n3A_2094, %select_n3A_2087 : vector<16xi1>, vector<16xf32>
      %select_n3A_2109 = arith.select %or3A_2107, %select_n3A_2095, %select_n3A_2088 : vector<16xi1>, vector<16xf32>
      %gt3A_2110 = arith.cmpf ogt, %select_n3A_2108, %select_n3A_2101 : vector<16xf32>
      %eq3A_2111 = arith.cmpf oeq, %select_n3A_2108, %select_n3A_2101 : vector<16xf32>
      %gt3A_2112 = arith.cmpf ogt, %select_n3A_2109, %select_n3A_2102 : vector<16xf32>
      %and3A_2113 = arith.andi %eq3A_2111, %gt3A_2112 : vector<16xi1>
      %or3A_2114 = arith.ori %gt3A_2110, %and3A_2113 : vector<16xi1>
      %select_n3A_2115 = arith.select %or3A_2114, %select_n3A_2108, %select_n3A_2101 : vector<16xi1>, vector<16xf32>
      %select_n3A_2116 = arith.select %or3A_2114, %select_n3A_2109, %select_n3A_2102 : vector<16xi1>, vector<16xf32>
      %add3A_2117 = arith.addf %mul3A_1561, %mul3A_1591 : vector<16xf32>
      %add3A_2118 = arith.addf %mul3A_1621, %mul3A_1651 : vector<16xf32>
      %add3A_2119 = arith.addf %mul3A_1681, %mul3A_1711 : vector<16xf32>
      %add3A_2120 = arith.addf %mul3A_1741, %mul3A_1771 : vector<16xf32>
      %add3A_2121 = arith.addf %mul3A_1801, %mul3A_1831 : vector<16xf32>
      %add3A_2122 = arith.addf %mul3A_1861, %mul3A_1891 : vector<16xf32>
      %add3A_2123 = arith.addf %mul3A_1921, %mul3A_1951 : vector<16xf32>
      %add3A_2124 = arith.addf %mul3A_1981, %mul3A_2011 : vector<16xf32>
      %add3A_2125 = arith.addf %add3A_2117, %add3A_2118 : vector<16xf32>
      %add3A_2126 = arith.addf %add3A_2119, %add3A_2120 : vector<16xf32>
      %add3A_2127 = arith.addf %add3A_2121, %add3A_2122 : vector<16xf32>
      %add3A_2128 = arith.addf %add3A_2123, %add3A_2124 : vector<16xf32>
      %add3A_2129 = arith.addf %add3A_2125, %add3A_2126 : vector<16xf32>
      %add3A_2130 = arith.addf %add3A_2127, %add3A_2128 : vector<16xf32>
      %add3A_2131 = arith.addf %add3A_2129, %add3A_2130 : vector<16xf32>
      %add3A_2132 = arith.addf %select_n3A_2115, %get3A_1528 : vector<16xf32>
      %sub3A_2133 = arith.subf %add3A_2132, %select_n3A_2115 : vector<16xf32>
      %sub3A_2134 = arith.subf %add3A_2132, %sub3A_2133 : vector<16xf32>
      %sub3A_2135 = arith.subf %select_n3A_2115, %sub3A_2134 : vector<16xf32>
      %sub3A_2136 = arith.subf %get3A_1528, %sub3A_2133 : vector<16xf32>
      %add3A_2137 = arith.addf %sub3A_2135, %sub3A_2136 : vector<16xf32>
      %add3A_2138 = arith.addf %select_n3A_2116, %get3A_1531 : vector<16xf32>
      %add3A_2139 = arith.addf %add3A_2137, %add3A_2138 : vector<16xf32>
      %add3A_2140 = arith.addf %add3A_2132, %add3A_2139 : vector<16xf32>
      %sub3A_2141 = arith.subf %add3A_2140, %add3A_2132 : vector<16xf32>
      %sub3A_2142 = arith.subf %add3A_2139, %sub3A_2141 : vector<16xf32>
      %add3A_2143 = arith.constant 1 : i32
      %add3A_2144 = arith.addi %while3A_845, %add3A_2143 : i32
      %swap3A_2145 = arith.index_cast %add3A_2144 : i32 to index
      %swap3A_2146 = arith.constant 0 : index
      %swap3A_2147 = tpu.vector_load %arg27[%swap3A_2145, %swap3A_2146] {strides = array<i32>} : memref<64x16xf32, #tpu.memory_space<vmem>>, vector<16xf32>,
      tpu.vector_store %arg27[%swap3A_2145, %swap3A_2146], %add3A_2140 {strides = array<i32>} : memref<64x16xf32, #tpu.memory_space<vmem>>, vector<16xf32>,
      %add3A_2148 = arith.constant 1 : i32
      %add3A_2149 = arith.addi %while3A_845, %add3A_2148 : i32
      %swap3A_2150 = arith.index_cast %add3A_2149 : i32 to index
      %swap3A_2151 = arith.constant 0 : index
      %swap3A_2152 = tpu.vector_load %arg28[%swap3A_2150, %swap3A_2151] {strides = array<i32>} : memref<64x16xf32, #tpu.memory_space<vmem>>, vector<16xf32>,
      tpu.vector_store %arg28[%swap3A_2150, %swap3A_2151], %sub3A_2142 {strides = array<i32>} : memref<64x16xf32, #tpu.memory_space<vmem>>, vector<16xf32>,
      %exp3A_2153 = math.exp %get3A_1528 : vector<16xf32>
      %mul3A_2154 = arith.mulf %exp3A_2153, %add3A_2131 : vector<16xf32>
      %xor3A_2155 = arith.constant 1 : i32
      %xor3A_2156 = vector.broadcast %xor3A_2155 : i32 to vector<16xi32>
      %xor3A_2157 = arith.xori %iota3A, %xor3A_2156 : vector<16xi32>
      %reshape3A_2158 = vector.shape_cast %xor3A_2157 : vector<16xi32> to vector<16x1xi32>
      %gather3A_2159 = vector.shape_cast %reshape3A_2158 : vector<16x1xi32> to vector<16xi32>
      %gather3A_2160 = tpu.dynamic_gather %mul3A_2154[%gather3A_2159] in [0] : vector<16xf32>, vector<16xi32> -> vector<16xf32>
      %max3A_2161 = arith.maximumf %mul3A_2154, %gather3A_2160 : vector<16xf32>
      %xor3A_2162 = arith.constant 2 : i32
      %xor3A_2163 = vector.broadcast %xor3A_2162 : i32 to vector<16xi32>
      %xor3A_2164 = arith.xori %iota3A, %xor3A_2163 : vector<16xi32>
      %reshape3A_2165 = vector.shape_cast %xor3A_2164 : vector<16xi32> to vector<16x1xi32>
      %gather3A_2166 = vector.shape_cast %reshape3A_2165 : vector<16x1xi32> to vector<16xi32>
      %gather3A_2167 = tpu.dynamic_gather %max3A_2161[%gather3A_2166] in [0] : vector<16xf32>, vector<16xi32> -> vector<16xf32>
      %max3A_2168 = arith.maximumf %max3A_2161, %gather3A_2167 : vector<16xf32>
      %xor3A_2169 = arith.constant 4 : i32
      %xor3A_2170 = vector.broadcast %xor3A_2169 : i32 to vector<16xi32>
      %xor3A_2171 = arith.xori %iota3A, %xor3A_2170 : vector<16xi32>
      %reshape3A_2172 = vector.shape_cast %xor3A_2171 : vector<16xi32> to vector<16x1xi32>
      %gather3A_2173 = vector.shape_cast %reshape3A_2172 : vector<16x1xi32> to vector<16xi32>
      %gather3A_2174 = tpu.dynamic_gather %max3A_2168[%gather3A_2173] in [0] : vector<16xf32>, vector<16xi32> -> vector<16xf32>
      %max3A_2175 = arith.maximumf %max3A_2168, %gather3A_2174 : vector<16xf32>
      %xor3A_2176 = arith.constant 8 : i32
      %xor3A_2177 = vector.broadcast %xor3A_2176 : i32 to vector<16xi32>
      %xor3A_2178 = arith.xori %iota3A, %xor3A_2177 : vector<16xi32>
      %reshape3A_2179 = vector.shape_cast %xor3A_2178 : vector<16xi32> to vector<16x1xi32>
      %gather3A_2180 = vector.shape_cast %reshape3A_2179 : vector<16x1xi32> to vector<16xi32>
      %gather3A_2181 = tpu.dynamic_gather %max3A_2175[%gather3A_2180] in [0] : vector<16xf32>, vector<16xi32> -> vector<16xf32>
      %max3A_2182 = arith.maximumf %max3A_2175, %gather3A_2181 : vector<16xf32>
      %bitcast_convert_type3A_2183 = tpu.bitcast %max3A_2182 : vector<16xf32> -> vector<16xi32>
      %shift_right_arithmetic3A_2184 = arith.constant 23 : i32
      %shift_right_arithmetic3A_2185 = vector.broadcast %shift_right_arithmetic3A_2184 : i32 to vector<16xi32>
      %shift_right_arithmetic3A_2186 = arith.shrsi %bitcast_convert_type3A_2183, %shift_right_arithmetic3A_2185 : vector<16xi32>
      %and3A_2187 = arith.constant 255 : i32
      %and3A_2188 = vector.broadcast %and3A_2187 : i32 to vector<16xi32>
      %and3A_2189 = arith.andi %shift_right_arithmetic3A_2186, %and3A_2188 : vector<16xi32>
      %sub3A_2190 = arith.constant 127 : i32
      %sub3A_2191 = vector.broadcast %sub3A_2190 : i32 to vector<16xi32>
      %sub3A_2192 = arith.subi %and3A_2189, %sub3A_2191 : vector<16xi32>
      %sub3A_2193 = arith.constant 127 : i32
      %sub3A_2194 = vector.broadcast %sub3A_2193 : i32 to vector<16xi32>
      %sub3A_2195 = arith.subi %sub3A_2194, %sub3A_2192 : vector<16xi32>
      %shift_left3A_2196 = arith.constant 23 : i32
      %shift_left3A_2197 = vector.broadcast %shift_left3A_2196 : i32 to vector<16xi32>
      %shift_left3A_2198 = arith.shli %sub3A_2195, %shift_left3A_2197 : vector<16xi32>
      %bitcast_convert_type3A_2199 = tpu.bitcast %shift_left3A_2198 : vector<16xi32> -> vector<16xf32>
      %mul3A_2200 = arith.mulf %mul3A_2154, %bitcast_convert_type3A_2199 : vector<16xf32>
      %add3A_2201 = arith.constant 1 : i32
      %add3A_2202 = arith.addi %while3A_845, %add3A_2201 : i32
      %add3A_2203 = arith.addi %while3A_852, %sub3A_1518 : vector<16xi32>
      %add3A_2204 = arith.addi %while3A_853, %sub3A_2192 : vector<16xi32>
      scf.yield %add3A_2202, %add3A_1468, %sub3A_1470, %add3A_2140, %sub3A_2142, %mul3A_1525, %mul3A_2200, %add3A_2203, %add3A_2204 : i32, vector<16xf32>, vector<16xf32>, vector<16xf32>, vector<16xf32>, vector<16xf32>, vector<16xf32>, vector<16xi32>, vector<16xi32>
    }
    %eq3A = arith.constant 0 : i32
    %eq3A_178 = vector.broadcast %eq3A : i32 to vector<16xi32>
    %eq3A_179 = arith.cmpi eq, %iota3A, %eq3A_178 : vector<16xi32>
    %broadcast_in_dim3A_180 = arith.constant 0 : i32
    %broadcast_in_dim3A_181 = vector.broadcast %broadcast_in_dim3A_180 : i32 to vector<16xi32>
    %swap3A_182 = arith.constant 0 : index
    %swap3A_183 = tpu.vector_load %arg29[%swap3A_182] {strides = array<i32>} : memref<80xi32, #tpu.memory_space<vmem>>, vector<16xi32>,
    tpu.vector_store %arg29[%swap3A_182], %broadcast_in_dim3A_181 {strides = array<i32>} : memref<80xi32, #tpu.memory_space<vmem>>, vector<16xi32>,
    %broadcast_in_dim3A_184 = arith.constant 0 : i32
    %broadcast_in_dim3A_185 = vector.broadcast %broadcast_in_dim3A_184 : i32 to vector<16xi32>
    %swap3A_186 = arith.constant 16 : index
    %swap3A_187 = tpu.vector_load %arg29[%swap3A_186] {strides = array<i32>} : memref<80xi32, #tpu.memory_space<vmem>>, vector<16xi32>,
    tpu.vector_store %arg29[%swap3A_186], %broadcast_in_dim3A_185 {strides = array<i32>} : memref<80xi32, #tpu.memory_space<vmem>>, vector<16xi32>,
    %broadcast_in_dim3A_188 = arith.constant 0 : i32
    %broadcast_in_dim3A_189 = vector.broadcast %broadcast_in_dim3A_188 : i32 to vector<16xi32>
    %swap3A_190 = arith.constant 32 : index
    %swap3A_191 = tpu.vector_load %arg29[%swap3A_190] {strides = array<i32>} : memref<80xi32, #tpu.memory_space<vmem>>, vector<16xi32>,
    tpu.vector_store %arg29[%swap3A_190], %broadcast_in_dim3A_189 {strides = array<i32>} : memref<80xi32, #tpu.memory_space<vmem>>, vector<16xi32>,
    %broadcast_in_dim3A_192 = arith.constant 0 : i32
    %broadcast_in_dim3A_193 = vector.broadcast %broadcast_in_dim3A_192 : i32 to vector<16xi32>
    %swap3A_194 = arith.constant 48 : index
    %swap3A_195 = tpu.vector_load %arg29[%swap3A_194] {strides = array<i32>} : memref<80xi32, #tpu.memory_space<vmem>>, vector<16xi32>,
    tpu.vector_store %arg29[%swap3A_194], %broadcast_in_dim3A_193 {strides = array<i32>} : memref<80xi32, #tpu.memory_space<vmem>>, vector<16xi32>,
    %get3A_196 = arith.constant 63 : i64
    %get3A_197 = arith.index_cast %get3A_196 : i64 to index
    %get3A_198 = arith.constant 0 : index
    %get3A_199 = tpu.vector_load %arg25[%get3A_197, %get3A_198] {strides = array<i32>} : memref<64x16xf32, #tpu.memory_space<vmem>>, vector<16xf32>,
    %get3A_200 = arith.constant 63 : i64
    %get3A_201 = arith.index_cast %get3A_200 : i64 to index
    %get3A_202 = arith.constant 0 : index
    %get3A_203 = tpu.vector_load %arg26[%get3A_201, %get3A_202] {strides = array<i32>} : memref<64x16xf32, #tpu.memory_space<vmem>>, vector<16xf32>,
    %xor3A = arith.constant 1 : i32
    %xor3A_204 = vector.broadcast %xor3A : i32 to vector<16xi32>
    %xor3A_205 = arith.xori %iota3A, %xor3A_204 : vector<16xi32>
    %reshape3A = vector.shape_cast %xor3A_205 : vector<16xi32> to vector<16x1xi32>
    %gather3A = vector.shape_cast %reshape3A : vector<16x1xi32> to vector<16xi32>
    %gather3A_206 = tpu.dynamic_gather %get3A_199[%gather3A] in [0] : vector<16xf32>, vector<16xi32> -> vector<16xf32>
    %max3A = arith.maximumf %get3A_199, %gather3A_206 : vector<16xf32>
    %xor3A_207 = arith.constant 2 : i32
    %xor3A_208 = vector.broadcast %xor3A_207 : i32 to vector<16xi32>
    %xor3A_209 = arith.xori %iota3A, %xor3A_208 : vector<16xi32>
    %reshape3A_210 = vector.shape_cast %xor3A_209 : vector<16xi32> to vector<16x1xi32>
    %gather3A_211 = vector.shape_cast %reshape3A_210 : vector<16x1xi32> to vector<16xi32>
    %gather3A_212 = tpu.dynamic_gather %max3A[%gather3A_211] in [0] : vector<16xf32>, vector<16xi32> -> vector<16xf32>
    %max3A_213 = arith.maximumf %max3A, %gather3A_212 : vector<16xf32>
    %xor3A_214 = arith.constant 4 : i32
    %xor3A_215 = vector.broadcast %xor3A_214 : i32 to vector<16xi32>
    %xor3A_216 = arith.xori %iota3A, %xor3A_215 : vector<16xi32>
    %reshape3A_217 = vector.shape_cast %xor3A_216 : vector<16xi32> to vector<16x1xi32>
    %gather3A_218 = vector.shape_cast %reshape3A_217 : vector<16x1xi32> to vector<16xi32>
    %gather3A_219 = tpu.dynamic_gather %max3A_213[%gather3A_218] in [0] : vector<16xf32>, vector<16xi32> -> vector<16xf32>
    %max3A_220 = arith.maximumf %max3A_213, %gather3A_219 : vector<16xf32>
    %xor3A_221 = arith.constant 8 : i32
    %xor3A_222 = vector.broadcast %xor3A_221 : i32 to vector<16xi32>
    %xor3A_223 = arith.xori %iota3A, %xor3A_222 : vector<16xi32>
    %reshape3A_224 = vector.shape_cast %xor3A_223 : vector<16xi32> to vector<16x1xi32>
    %gather3A_225 = vector.shape_cast %reshape3A_224 : vector<16x1xi32> to vector<16xi32>
    %gather3A_226 = tpu.dynamic_gather %max3A_220[%gather3A_225] in [0] : vector<16xf32>, vector<16xi32> -> vector<16xf32>
    %max3A_227 = arith.maximumf %max3A_220, %gather3A_226 : vector<16xf32>
    %eq3A_228 = arith.cmpf oeq, %get3A_199, %max3A_227 : vector<16xf32>
    %select_n3A = arith.select %eq3A_228, %get3A_203, %broadcast_in_dim3A_3 : vector<16xi1>, vector<16xf32>
    %xor3A_229 = arith.constant 1 : i32
    %xor3A_230 = vector.broadcast %xor3A_229 : i32 to vector<16xi32>
    %xor3A_231 = arith.xori %iota3A, %xor3A_230 : vector<16xi32>
    %reshape3A_232 = vector.shape_cast %xor3A_231 : vector<16xi32> to vector<16x1xi32>
    %gather3A_233 = vector.shape_cast %reshape3A_232 : vector<16x1xi32> to vector<16xi32>
    %gather3A_234 = tpu.dynamic_gather %select_n3A[%gather3A_233] in [0] : vector<16xf32>, vector<16xi32> -> vector<16xf32>
    %max3A_235 = arith.maximumf %select_n3A, %gather3A_234 : vector<16xf32>
    %xor3A_236 = arith.constant 2 : i32
    %xor3A_237 = vector.broadcast %xor3A_236 : i32 to vector<16xi32>
    %xor3A_238 = arith.xori %iota3A, %xor3A_237 : vector<16xi32>
    %reshape3A_239 = vector.shape_cast %xor3A_238 : vector<16xi32> to vector<16x1xi32>
    %gather3A_240 = vector.shape_cast %reshape3A_239 : vector<16x1xi32> to vector<16xi32>
    %gather3A_241 = tpu.dynamic_gather %max3A_235[%gather3A_240] in [0] : vector<16xf32>, vector<16xi32> -> vector<16xf32>
    %max3A_242 = arith.maximumf %max3A_235, %gather3A_241 : vector<16xf32>
    %xor3A_243 = arith.constant 4 : i32
    %xor3A_244 = vector.broadcast %xor3A_243 : i32 to vector<16xi32>
    %xor3A_245 = arith.xori %iota3A, %xor3A_244 : vector<16xi32>
    %reshape3A_246 = vector.shape_cast %xor3A_245 : vector<16xi32> to vector<16x1xi32>
    %gather3A_247 = vector.shape_cast %reshape3A_246 : vector<16x1xi32> to vector<16xi32>
    %gather3A_248 = tpu.dynamic_gather %max3A_242[%gather3A_247] in [0] : vector<16xf32>, vector<16xi32> -> vector<16xf32>
    %max3A_249 = arith.maximumf %max3A_242, %gather3A_248 : vector<16xf32>
    %xor3A_250 = arith.constant 8 : i32
    %xor3A_251 = vector.broadcast %xor3A_250 : i32 to vector<16xi32>
    %xor3A_252 = arith.xori %iota3A, %xor3A_251 : vector<16xi32>
    %reshape3A_253 = vector.shape_cast %xor3A_252 : vector<16xi32> to vector<16x1xi32>
    %gather3A_254 = vector.shape_cast %reshape3A_253 : vector<16x1xi32> to vector<16xi32>
    %gather3A_255 = tpu.dynamic_gather %max3A_249[%gather3A_254] in [0] : vector<16xf32>, vector<16xi32> -> vector<16xf32>
    %max3A_256 = arith.maximumf %max3A_249, %gather3A_255 : vector<16xf32>
    %eq3A_257 = arith.cmpf oeq, %select_n3A, %max3A_256 : vector<16xf32>
    %and3A = arith.andi %eq3A_228, %eq3A_257 : vector<16xi1>
    %broadcast_in_dim3A_258 = arith.constant 99 : i32
    %broadcast_in_dim3A_259 = vector.broadcast %broadcast_in_dim3A_258 : i32 to vector<16xi32>
    %select_n3A_260 = arith.select %and3A, %iota3A, %broadcast_in_dim3A_259 : vector<16xi1>, vector<16xi32>
    %xor3A_261 = arith.constant 1 : i32
    %xor3A_262 = vector.broadcast %xor3A_261 : i32 to vector<16xi32>
    %xor3A_263 = arith.xori %iota3A, %xor3A_262 : vector<16xi32>
    %reshape3A_264 = vector.shape_cast %xor3A_263 : vector<16xi32> to vector<16x1xi32>
    %gather3A_265 = vector.shape_cast %reshape3A_264 : vector<16x1xi32> to vector<16xi32>
    %gather3A_266 = tpu.dynamic_gather %select_n3A_260[%gather3A_265] in [0] : vector<16xi32>, vector<16xi32> -> vector<16xi32>
    %min3A = arith.minsi %select_n3A_260, %gather3A_266 : vector<16xi32>
    %xor3A_267 = arith.constant 2 : i32
    %xor3A_268 = vector.broadcast %xor3A_267 : i32 to vector<16xi32>
    %xor3A_269 = arith.xori %iota3A, %xor3A_268 : vector<16xi32>
    %reshape3A_270 = vector.shape_cast %xor3A_269 : vector<16xi32> to vector<16x1xi32>
    %gather3A_271 = vector.shape_cast %reshape3A_270 : vector<16x1xi32> to vector<16xi32>
    %gather3A_272 = tpu.dynamic_gather %min3A[%gather3A_271] in [0] : vector<16xi32>, vector<16xi32> -> vector<16xi32>
    %min3A_273 = arith.minsi %min3A, %gather3A_272 : vector<16xi32>
    %xor3A_274 = arith.constant 4 : i32
    %xor3A_275 = vector.broadcast %xor3A_274 : i32 to vector<16xi32>
    %xor3A_276 = arith.xori %iota3A, %xor3A_275 : vector<16xi32>
    %reshape3A_277 = vector.shape_cast %xor3A_276 : vector<16xi32> to vector<16x1xi32>
    %gather3A_278 = vector.shape_cast %reshape3A_277 : vector<16x1xi32> to vector<16xi32>
    %gather3A_279 = tpu.dynamic_gather %min3A_273[%gather3A_278] in [0] : vector<16xi32>, vector<16xi32> -> vector<16xi32>
    %min3A_280 = arith.minsi %min3A_273, %gather3A_279 : vector<16xi32>
    %xor3A_281 = arith.constant 8 : i32
    %xor3A_282 = vector.broadcast %xor3A_281 : i32 to vector<16xi32>
    %xor3A_283 = arith.xori %iota3A, %xor3A_282 : vector<16xi32>
    %reshape3A_284 = vector.shape_cast %xor3A_283 : vector<16xi32> to vector<16x1xi32>
    %gather3A_285 = vector.shape_cast %reshape3A_284 : vector<16x1xi32> to vector<16xi32>
    %gather3A_286 = tpu.dynamic_gather %min3A_280[%gather3A_285] in [0] : vector<16xi32>, vector<16xi32> -> vector<16xi32>
    %min3A_287 = arith.minsi %min3A_280, %gather3A_286 : vector<16xi32>
    %slice3A = vector.extract_strided_slice %min3A_287 {offsets = [0], sizes = [1], strides = [1]} : vector<16xi32> to vector<1xi32>
    %squeeze3A = vector.extract %slice3A[0] : i32 from vector<1xi32>
    %add3A_288 = arith.constant 1 : i32
    %add3A_289 = arith.addi %squeeze3A, %add3A_288 : i32
    %eq3A_290 = arith.constant 0 : i32
    %eq3A_291 = vector.broadcast %eq3A_290 : i32 to vector<16xi32>
    %eq3A_292 = arith.cmpi eq, %iota3A, %eq3A_291 : vector<16xi32>
    %broadcast_in_dim3A_293 = vector.broadcast %add3A_289 : i32 to vector<16xi32>
    %eq3A_294 = arith.constant 1 : i32
    %eq3A_295 = vector.broadcast %eq3A_294 : i32 to vector<16xi32>
    %eq3A_296 = arith.cmpi eq, %iota3A, %eq3A_295 : vector<16xi32>
    %broadcast_in_dim3A_297 = arith.constant 17 : i32
    %broadcast_in_dim3A_298 = vector.broadcast %broadcast_in_dim3A_297 : i32 to vector<16xi32>
    %broadcast_in_dim3A_299 = arith.constant 0 : i32
    %broadcast_in_dim3A_300 = vector.broadcast %broadcast_in_dim3A_299 : i32 to vector<16xi32>
    %select_n3A_301 = arith.select %eq3A_296, %broadcast_in_dim3A_298, %broadcast_in_dim3A_300 : vector<16xi1>, vector<16xi32>
    %select_n3A_302 = arith.select %eq3A_292, %broadcast_in_dim3A_293, %select_n3A_301 : vector<16xi1>, vector<16xi32>
    %swap3A_303 = arith.constant 64 : index
    %swap3A_304 = tpu.vector_load %arg29[%swap3A_303] {strides = array<i32>} : memref<80xi32, #tpu.memory_space<vmem>>, vector<16xi32>,
    tpu.vector_store %arg29[%swap3A_303], %select_n3A_302 {strides = array<i32>} : memref<80xi32, #tpu.memory_space<vmem>>, vector<16xi32>,
    %while3A_305 = arith.constant 63 : i32
    %while3A_306:2 = scf.while (%while3A_845 = %while3A_305, %while3A_846 = %add3A_289) : (i32, i32) -> (i32, i32) {
      %ge3A_847 = arith.constant 1 : i32
      %ge3A_848 = arith.cmpi sge, %while3A_845, %ge3A_847 : i32
      scf.condition(%ge3A_848) %while3A_845, %while3A_846 : i32, i32
    } do {
    ^bb0(%while3A_845: i32, %while3A_846: i32):
      %sub3A_847 = arith.constant 1 : i32
      %sub3A_848 = arith.subi %while3A_845, %sub3A_847 : i32
      %get3A_849 = arith.index_cast %sub3A_848 : i32 to index
      %get3A_850 = arith.constant 0 : index
      %get3A_851 = tpu.vector_load %arg25[%get3A_849, %get3A_850] {strides = array<i32>} : memref<64x16xf32, #tpu.memory_space<vmem>>, vector<16xf32>,
      %sub3A_852 = arith.constant 1 : i32
      %sub3A_853 = arith.subi %while3A_845, %sub3A_852 : i32
      %get3A_854 = arith.index_cast %sub3A_853 : i32 to index
      %get3A_855 = arith.constant 0 : index
      %get3A_856 = tpu.vector_load %arg26[%get3A_854, %get3A_855] {strides = array<i32>} : memref<64x16xf32, #tpu.memory_space<vmem>>, vector<16xf32>,
      %sub3A_857 = arith.constant 1 : i32
      %sub3A_858 = arith.subi %while3A_846, %sub3A_857 : i32
      %get3A_859 = arith.index_cast %sub3A_858 : i32 to index
      %get3A_860 = arith.constant 0 : index
      %get3A_861 = tpu.vector_load %arg21[%get3A_859, %get3A_860] {strides = array<i32>} : memref<16x16xf32, #tpu.memory_space<vmem>>, vector<16xf32>,
      %sub3A_862 = arith.constant 1 : i32
      %sub3A_863 = arith.subi %while3A_846, %sub3A_862 : i32
      %get3A_864 = arith.index_cast %sub3A_863 : i32 to index
      %get3A_865 = arith.constant 0 : index
      %get3A_866 = tpu.vector_load %arg22[%get3A_864, %get3A_865] {strides = array<i32>} : memref<16x16xf32, #tpu.memory_space<vmem>>, vector<16xf32>,
      %add3A_867 = arith.addf %get3A_851, %get3A_861 : vector<16xf32>
      %sub3A_868 = arith.subf %add3A_867, %get3A_851 : vector<16xf32>
      %sub3A_869 = arith.subf %add3A_867, %sub3A_868 : vector<16xf32>
      %sub3A_870 = arith.subf %get3A_851, %sub3A_869 : vector<16xf32>
      %sub3A_871 = arith.subf %get3A_861, %sub3A_868 : vector<16xf32>
      %add3A_872 = arith.addf %sub3A_870, %sub3A_871 : vector<16xf32>
      %add3A_873 = arith.addf %get3A_856, %get3A_866 : vector<16xf32>
      %add3A_874 = arith.addf %add3A_872, %add3A_873 : vector<16xf32>
      %add3A_875 = arith.addf %add3A_867, %add3A_874 : vector<16xf32>
      %sub3A_876 = arith.subf %add3A_875, %add3A_867 : vector<16xf32>
      %sub3A_877 = arith.subf %add3A_874, %sub3A_876 : vector<16xf32>
      %xor3A_878 = arith.constant 1 : i32
      %xor3A_879 = vector.broadcast %xor3A_878 : i32 to vector<16xi32>
      %xor3A_880 = arith.xori %iota3A, %xor3A_879 : vector<16xi32>
      %reshape3A_881 = vector.shape_cast %xor3A_880 : vector<16xi32> to vector<16x1xi32>
      %gather3A_882 = vector.shape_cast %reshape3A_881 : vector<16x1xi32> to vector<16xi32>
      %gather3A_883 = tpu.dynamic_gather %add3A_875[%gather3A_882] in [0] : vector<16xf32>, vector<16xi32> -> vector<16xf32>
      %max3A_884 = arith.maximumf %add3A_875, %gather3A_883 : vector<16xf32>
      %xor3A_885 = arith.constant 2 : i32
      %xor3A_886 = vector.broadcast %xor3A_885 : i32 to vector<16xi32>
      %xor3A_887 = arith.xori %iota3A, %xor3A_886 : vector<16xi32>
      %reshape3A_888 = vector.shape_cast %xor3A_887 : vector<16xi32> to vector<16x1xi32>
      %gather3A_889 = vector.shape_cast %reshape3A_888 : vector<16x1xi32> to vector<16xi32>
      %gather3A_890 = tpu.dynamic_gather %max3A_884[%gather3A_889] in [0] : vector<16xf32>, vector<16xi32> -> vector<16xf32>
      %max3A_891 = arith.maximumf %max3A_884, %gather3A_890 : vector<16xf32>
      %xor3A_892 = arith.constant 4 : i32
      %xor3A_893 = vector.broadcast %xor3A_892 : i32 to vector<16xi32>
      %xor3A_894 = arith.xori %iota3A, %xor3A_893 : vector<16xi32>
      %reshape3A_895 = vector.shape_cast %xor3A_894 : vector<16xi32> to vector<16x1xi32>
      %gather3A_896 = vector.shape_cast %reshape3A_895 : vector<16x1xi32> to vector<16xi32>
      %gather3A_897 = tpu.dynamic_gather %max3A_891[%gather3A_896] in [0] : vector<16xf32>, vector<16xi32> -> vector<16xf32>
      %max3A_898 = arith.maximumf %max3A_891, %gather3A_897 : vector<16xf32>
      %xor3A_899 = arith.constant 8 : i32
      %xor3A_900 = vector.broadcast %xor3A_899 : i32 to vector<16xi32>
      %xor3A_901 = arith.xori %iota3A, %xor3A_900 : vector<16xi32>
      %reshape3A_902 = vector.shape_cast %xor3A_901 : vector<16xi32> to vector<16x1xi32>
      %gather3A_903 = vector.shape_cast %reshape3A_902 : vector<16x1xi32> to vector<16xi32>
      %gather3A_904 = tpu.dynamic_gather %max3A_898[%gather3A_903] in [0] : vector<16xf32>, vector<16xi32> -> vector<16xf32>
      %max3A_905 = arith.maximumf %max3A_898, %gather3A_904 : vector<16xf32>
      %eq3A_906 = arith.cmpf oeq, %add3A_875, %max3A_905 : vector<16xf32>
      %select_n3A_907 = arith.select %eq3A_906, %sub3A_877, %broadcast_in_dim3A_3 : vector<16xi1>, vector<16xf32>
      %xor3A_908 = arith.constant 1 : i32
      %xor3A_909 = vector.broadcast %xor3A_908 : i32 to vector<16xi32>
      %xor3A_910 = arith.xori %iota3A, %xor3A_909 : vector<16xi32>
      %reshape3A_911 = vector.shape_cast %xor3A_910 : vector<16xi32> to vector<16x1xi32>
      %gather3A_912 = vector.shape_cast %reshape3A_911 : vector<16x1xi32> to vector<16xi32>
      %gather3A_913 = tpu.dynamic_gather %select_n3A_907[%gather3A_912] in [0] : vector<16xf32>, vector<16xi32> -> vector<16xf32>
      %max3A_914 = arith.maximumf %select_n3A_907, %gather3A_913 : vector<16xf32>
      %xor3A_915 = arith.constant 2 : i32
      %xor3A_916 = vector.broadcast %xor3A_915 : i32 to vector<16xi32>
      %xor3A_917 = arith.xori %iota3A, %xor3A_916 : vector<16xi32>
      %reshape3A_918 = vector.shape_cast %xor3A_917 : vector<16xi32> to vector<16x1xi32>
      %gather3A_919 = vector.shape_cast %reshape3A_918 : vector<16x1xi32> to vector<16xi32>
      %gather3A_920 = tpu.dynamic_gather %max3A_914[%gather3A_919] in [0] : vector<16xf32>, vector<16xi32> -> vector<16xf32>
      %max3A_921 = arith.maximumf %max3A_914, %gather3A_920 : vector<16xf32>
      %xor3A_922 = arith.constant 4 : i32
      %xor3A_923 = vector.broadcast %xor3A_922 : i32 to vector<16xi32>
      %xor3A_924 = arith.xori %iota3A, %xor3A_923 : vector<16xi32>
      %reshape3A_925 = vector.shape_cast %xor3A_924 : vector<16xi32> to vector<16x1xi32>
      %gather3A_926 = vector.shape_cast %reshape3A_925 : vector<16x1xi32> to vector<16xi32>
      %gather3A_927 = tpu.dynamic_gather %max3A_921[%gather3A_926] in [0] : vector<16xf32>, vector<16xi32> -> vector<16xf32>
      %max3A_928 = arith.maximumf %max3A_921, %gather3A_927 : vector<16xf32>
      %xor3A_929 = arith.constant 8 : i32
      %xor3A_930 = vector.broadcast %xor3A_929 : i32 to vector<16xi32>
      %xor3A_931 = arith.xori %iota3A, %xor3A_930 : vector<16xi32>
      %reshape3A_932 = vector.shape_cast %xor3A_931 : vector<16xi32> to vector<16x1xi32>
      %gather3A_933 = vector.shape_cast %reshape3A_932 : vector<16x1xi32> to vector<16xi32>
      %gather3A_934 = tpu.dynamic_gather %max3A_928[%gather3A_933] in [0] : vector<16xf32>, vector<16xi32> -> vector<16xf32>
      %max3A_935 = arith.maximumf %max3A_928, %gather3A_934 : vector<16xf32>
      %eq3A_936 = arith.cmpf oeq, %select_n3A_907, %max3A_935 : vector<16xf32>
      %and3A_937 = arith.andi %eq3A_906, %eq3A_936 : vector<16xi1>
      %broadcast_in_dim3A_938 = arith.constant 99 : i32
      %broadcast_in_dim3A_939 = vector.broadcast %broadcast_in_dim3A_938 : i32 to vector<16xi32>
      %select_n3A_940 = arith.select %and3A_937, %iota3A, %broadcast_in_dim3A_939 : vector<16xi1>, vector<16xi32>
      %xor3A_941 = arith.constant 1 : i32
      %xor3A_942 = vector.broadcast %xor3A_941 : i32 to vector<16xi32>
      %xor3A_943 = arith.xori %iota3A, %xor3A_942 : vector<16xi32>
      %reshape3A_944 = vector.shape_cast %xor3A_943 : vector<16xi32> to vector<16x1xi32>
      %gather3A_945 = vector.shape_cast %reshape3A_944 : vector<16x1xi32> to vector<16xi32>
      %gather3A_946 = tpu.dynamic_gather %select_n3A_940[%gather3A_945] in [0] : vector<16xi32>, vector<16xi32> -> vector<16xi32>
      %min3A_947 = arith.minsi %select_n3A_940, %gather3A_946 : vector<16xi32>
      %xor3A_948 = arith.constant 2 : i32
      %xor3A_949 = vector.broadcast %xor3A_948 : i32 to vector<16xi32>
      %xor3A_950 = arith.xori %iota3A, %xor3A_949 : vector<16xi32>
      %reshape3A_951 = vector.shape_cast %xor3A_950 : vector<16xi32> to vector<16x1xi32>
      %gather3A_952 = vector.shape_cast %reshape3A_951 : vector<16x1xi32> to vector<16xi32>
      %gather3A_953 = tpu.dynamic_gather %min3A_947[%gather3A_952] in [0] : vector<16xi32>, vector<16xi32> -> vector<16xi32>
      %min3A_954 = arith.minsi %min3A_947, %gather3A_953 : vector<16xi32>
      %xor3A_955 = arith.constant 4 : i32
      %xor3A_956 = vector.broadcast %xor3A_955 : i32 to vector<16xi32>
      %xor3A_957 = arith.xori %iota3A, %xor3A_956 : vector<16xi32>
      %reshape3A_958 = vector.shape_cast %xor3A_957 : vector<16xi32> to vector<16x1xi32>
      %gather3A_959 = vector.shape_cast %reshape3A_958 : vector<16x1xi32> to vector<16xi32>
      %gather3A_960 = tpu.dynamic_gather %min3A_954[%gather3A_959] in [0] : vector<16xi32>, vector<16xi32> -> vector<16xi32>
      %min3A_961 = arith.minsi %min3A_954, %gather3A_960 : vector<16xi32>
      %xor3A_962 = arith.constant 8 : i32
      %xor3A_963 = vector.broadcast %xor3A_962 : i32 to vector<16xi32>
      %xor3A_964 = arith.xori %iota3A, %xor3A_963 : vector<16xi32>
      %reshape3A_965 = vector.shape_cast %xor3A_964 : vector<16xi32> to vector<16x1xi32>
      %gather3A_966 = vector.shape_cast %reshape3A_965 : vector<16x1xi32> to vector<16xi32>
      %gather3A_967 = tpu.dynamic_gather %min3A_961[%gather3A_966] in [0] : vector<16xi32>, vector<16xi32> -> vector<16xi32>
      %min3A_968 = arith.minsi %min3A_961, %gather3A_967 : vector<16xi32>
      %slice3A_969 = vector.extract_strided_slice %min3A_968 {offsets = [0], sizes = [1], strides = [1]} : vector<16xi32> to vector<1xi32>
      %squeeze3A_970 = vector.extract %slice3A_969[0] : i32 from vector<1xi32>
      %add3A_971 = arith.constant 1 : i32
      %add3A_972 = arith.addi %squeeze3A_970, %add3A_971 : i32
      %broadcast_in_dim3A_973 = vector.broadcast %while3A_845 : i32 to vector<16xi32>
      %broadcast_in_dim3A_974 = vector.broadcast %add3A_972 : i32 to vector<16xi32>
      tpu.vector_store_idx %arg29[%broadcast_in_dim3A_973], %broadcast_in_dim3A_974 masked %eq3A_179 : memref<80xi32, #tpu.memory_space<vmem>>[vector<16xi32>], vector<16xi32>, vector<16xi1>
      %sub3A_975 = arith.constant 1 : i32
      %sub3A_976 = arith.subi %while3A_845, %sub3A_975 : i32
      scf.yield %sub3A_976, %add3A_972 : i32, i32
    }
    %xor3A_307 = arith.constant 1 : i32
    %xor3A_308 = vector.broadcast %xor3A_307 : i32 to vector<16xi32>
    %xor3A_309 = arith.xori %iota3A, %xor3A_308 : vector<16xi32>
    %reshape3A_310 = vector.shape_cast %xor3A_309 : vector<16xi32> to vector<16x1xi32>
    %gather3A_311 = vector.shape_cast %reshape3A_310 : vector<16x1xi32> to vector<16xi32>
    %gather3A_312 = tpu.dynamic_gather %while3A_177#5[%gather3A_311] in [0] : vector<16xf32>, vector<16xi32> -> vector<16xf32>
    %add3A_313 = arith.addf %while3A_177#5, %gather3A_312 : vector<16xf32>
    %xor3A_314 = arith.constant 2 : i32
    %xor3A_315 = vector.broadcast %xor3A_314 : i32 to vector<16xi32>
    %xor3A_316 = arith.xori %iota3A, %xor3A_315 : vector<16xi32>
    %reshape3A_317 = vector.shape_cast %xor3A_316 : vector<16xi32> to vector<16x1xi32>
    %gather3A_318 = vector.shape_cast %reshape3A_317 : vector<16x1xi32> to vector<16xi32>
    %gather3A_319 = tpu.dynamic_gather %add3A_313[%gather3A_318] in [0] : vector<16xf32>, vector<16xi32> -> vector<16xf32>
    %add3A_320 = arith.addf %add3A_313, %gather3A_319 : vector<16xf32>
    %xor3A_321 = arith.constant 4 : i32
    %xor3A_322 = vector.broadcast %xor3A_321 : i32 to vector<16xi32>
    %xor3A_323 = arith.xori %iota3A, %xor3A_322 : vector<16xi32>
    %reshape3A_324 = vector.shape_cast %xor3A_323 : vector<16xi32> to vector<16x1xi32>
    %gather3A_325 = vector.shape_cast %reshape3A_324 : vector<16x1xi32> to vector<16xi32>
    %gather3A_326 = tpu.dynamic_gather %add3A_320[%gather3A_325] in [0] : vector<16xf32>, vector<16xi32> -> vector<16xf32>
    %add3A_327 = arith.addf %add3A_320, %gather3A_326 : vector<16xf32>
    %xor3A_328 = arith.constant 8 : i32
    %xor3A_329 = vector.broadcast %xor3A_328 : i32 to vector<16xi32>
    %xor3A_330 = arith.xori %iota3A, %xor3A_329 : vector<16xi32>
    %reshape3A_331 = vector.shape_cast %xor3A_330 : vector<16xi32> to vector<16x1xi32>
    %gather3A_332 = vector.shape_cast %reshape3A_331 : vector<16x1xi32> to vector<16xi32>
    %gather3A_333 = tpu.dynamic_gather %add3A_327[%gather3A_332] in [0] : vector<16xf32>, vector<16xi32> -> vector<16xf32>
    %add3A_334 = arith.addf %add3A_327, %gather3A_333 : vector<16xf32>
    %add3A_335 = arith.constant 1 : i32
    %add3A_336 = vector.broadcast %add3A_335 : i32 to vector<16xi32>
    %add3A_337 = arith.addi %iota3A, %add3A_336 : vector<16xi32>
    %gather3A_338 = tpu.vector_load_idx %arg17[%add3A_337] : memref<80xi32, #tpu.memory_space<vmem>>[vector<16xi32>], vector<16xi32>,
    %ge3A = arith.constant 1 : i32
    %ge3A_339 = vector.broadcast %ge3A : i32 to vector<16xi32>
    %ge3A_340 = arith.cmpi sge, %gather3A_338, %ge3A_339 : vector<16xi32>
    %le3A = arith.constant 16 : i32
    %le3A_341 = vector.broadcast %le3A : i32 to vector<16xi32>
    %le3A_342 = arith.cmpi sle, %gather3A_338, %le3A_341 : vector<16xi32>
    %and3A_343 = arith.andi %ge3A_340, %le3A_342 : vector<16xi1>
    %sub3A = arith.constant 1 : i32
    %sub3A_344 = vector.broadcast %sub3A : i32 to vector<16xi32>
    %sub3A_345 = arith.subi %gather3A_338, %sub3A_344 : vector<16xi32>
    %max3A_346 = arith.constant 0 : i32
    %max3A_347 = vector.broadcast %max3A_346 : i32 to vector<16xi32>
    %max3A_348 = arith.maxsi %sub3A_345, %max3A_347 : vector<16xi32>
    %min3A_349 = arith.constant 15 : i32
    %min3A_350 = vector.broadcast %min3A_349 : i32 to vector<16xi32>
    %min3A_351 = arith.minsi %max3A_348, %min3A_350 : vector<16xi32>
    %gather3A_352 = tpu.vector_load_idx %arg13[%add3A_337, %min3A_351] : memref<65x16xf32, #tpu.memory_space<vmem>>[vector<16xi32>, vector<16xi32>], vector<16xf32>,
    %select_n3A_353 = arith.select %and3A_343, %gather3A_352, %broadcast_in_dim3A_1 : vector<16xi1>, vector<16xf32>
    %add3A_354 = arith.addf %broadcast_in_dim3A_1, %select_n3A_353 : vector<16xf32>
    %le3A_355 = arith.constant 63 : i32
    %le3A_356 = vector.broadcast %le3A_355 : i32 to vector<16xi32>
    %le3A_357 = arith.cmpi sle, %add3A_337, %le3A_356 : vector<16xi32>
    %add3A_358 = arith.constant 1 : i32
    %add3A_359 = vector.broadcast %add3A_358 : i32 to vector<16xi32>
    %add3A_360 = arith.addi %add3A_337, %add3A_359 : vector<16xi32>
    %gather3A_361 = tpu.vector_load_idx %arg17[%add3A_360] : memref<80xi32, #tpu.memory_space<vmem>>[vector<16xi32>], vector<16xi32>,
    %gather3A_362 = tpu.vector_load_idx %arg24[%gather3A_338, %gather3A_361] : memref<18x18xf32, #tpu.memory_space<vmem>>[vector<16xi32>, vector<16xi32>], vector<16xf32>,
    %select_n3A_363 = arith.select %le3A_357, %gather3A_362, %broadcast_in_dim3A_1 : vector<16xi1>, vector<16xf32>
    %add3A_364 = arith.addf %add3A_354, %select_n3A_363 : vector<16xf32>
    %add3A_365 = arith.constant 17 : i32
    %add3A_366 = vector.broadcast %add3A_365 : i32 to vector<16xi32>
    %add3A_367 = arith.addi %iota3A, %add3A_366 : vector<16xi32>
    %gather3A_368 = tpu.vector_load_idx %arg17[%add3A_367] : memref<80xi32, #tpu.memory_space<vmem>>[vector<16xi32>], vector<16xi32>,
    %ge3A_369 = arith.constant 1 : i32
    %ge3A_370 = vector.broadcast %ge3A_369 : i32 to vector<16xi32>
    %ge3A_371 = arith.cmpi sge, %gather3A_368, %ge3A_370 : vector<16xi32>
    %le3A_372 = arith.constant 16 : i32
    %le3A_373 = vector.broadcast %le3A_372 : i32 to vector<16xi32>
    %le3A_374 = arith.cmpi sle, %gather3A_368, %le3A_373 : vector<16xi32>
    %and3A_375 = arith.andi %ge3A_371, %le3A_374 : vector<16xi1>
    %sub3A_376 = arith.constant 1 : i32
    %sub3A_377 = vector.broadcast %sub3A_376 : i32 to vector<16xi32>
    %sub3A_378 = arith.subi %gather3A_368, %sub3A_377 : vector<16xi32>
    %max3A_379 = arith.constant 0 : i32
    %max3A_380 = vector.broadcast %max3A_379 : i32 to vector<16xi32>
    %max3A_381 = arith.maxsi %sub3A_378, %max3A_380 : vector<16xi32>
    %min3A_382 = arith.constant 15 : i32
    %min3A_383 = vector.broadcast %min3A_382 : i32 to vector<16xi32>
    %min3A_384 = arith.minsi %max3A_381, %min3A_383 : vector<16xi32>
    %gather3A_385 = tpu.vector_load_idx %arg13[%add3A_367, %min3A_384] : memref<65x16xf32, #tpu.memory_space<vmem>>[vector<16xi32>, vector<16xi32>], vector<16xf32>,
    %select_n3A_386 = arith.select %and3A_375, %gather3A_385, %broadcast_in_dim3A_1 : vector<16xi1>, vector<16xf32>
    %add3A_387 = arith.addf %add3A_364, %select_n3A_386 : vector<16xf32>
    %le3A_388 = arith.constant 63 : i32
    %le3A_389 = vector.broadcast %le3A_388 : i32 to vector<16xi32>
    %le3A_390 = arith.cmpi sle, %add3A_367, %le3A_389 : vector<16xi32>
    %add3A_391 = arith.constant 1 : i32
    %add3A_392 = vector.broadcast %add3A_391 : i32 to vector<16xi32>
    %add3A_393 = arith.addi %add3A_367, %add3A_392 : vector<16xi32>
    %gather3A_394 = tpu.vector_load_idx %arg17[%add3A_393] : memref<80xi32, #tpu.memory_space<vmem>>[vector<16xi32>], vector<16xi32>,
    %gather3A_395 = tpu.vector_load_idx %arg24[%gather3A_368, %gather3A_394] : memref<18x18xf32, #tpu.memory_space<vmem>>[vector<16xi32>, vector<16xi32>], vector<16xf32>,
    %select_n3A_396 = arith.select %le3A_390, %gather3A_395, %broadcast_in_dim3A_1 : vector<16xi1>, vector<16xf32>
    %add3A_397 = arith.addf %add3A_387, %select_n3A_396 : vector<16xf32>
    %add3A_398 = arith.constant 33 : i32
    %add3A_399 = vector.broadcast %add3A_398 : i32 to vector<16xi32>
    %add3A_400 = arith.addi %iota3A, %add3A_399 : vector<16xi32>
    %gather3A_401 = tpu.vector_load_idx %arg17[%add3A_400] : memref<80xi32, #tpu.memory_space<vmem>>[vector<16xi32>], vector<16xi32>,
    %ge3A_402 = arith.constant 1 : i32
    %ge3A_403 = vector.broadcast %ge3A_402 : i32 to vector<16xi32>
    %ge3A_404 = arith.cmpi sge, %gather3A_401, %ge3A_403 : vector<16xi32>
    %le3A_405 = arith.constant 16 : i32
    %le3A_406 = vector.broadcast %le3A_405 : i32 to vector<16xi32>
    %le3A_407 = arith.cmpi sle, %gather3A_401, %le3A_406 : vector<16xi32>
    %and3A_408 = arith.andi %ge3A_404, %le3A_407 : vector<16xi1>
    %sub3A_409 = arith.constant 1 : i32
    %sub3A_410 = vector.broadcast %sub3A_409 : i32 to vector<16xi32>
    %sub3A_411 = arith.subi %gather3A_401, %sub3A_410 : vector<16xi32>
    %max3A_412 = arith.constant 0 : i32
    %max3A_413 = vector.broadcast %max3A_412 : i32 to vector<16xi32>
    %max3A_414 = arith.maxsi %sub3A_411, %max3A_413 : vector<16xi32>
    %min3A_415 = arith.constant 15 : i32
    %min3A_416 = vector.broadcast %min3A_415 : i32 to vector<16xi32>
    %min3A_417 = arith.minsi %max3A_414, %min3A_416 : vector<16xi32>
    %gather3A_418 = tpu.vector_load_idx %arg13[%add3A_400, %min3A_417] : memref<65x16xf32, #tpu.memory_space<vmem>>[vector<16xi32>, vector<16xi32>], vector<16xf32>,
    %select_n3A_419 = arith.select %and3A_408, %gather3A_418, %broadcast_in_dim3A_1 : vector<16xi1>, vector<16xf32>
    %add3A_420 = arith.addf %add3A_397, %select_n3A_419 : vector<16xf32>
    %le3A_421 = arith.constant 63 : i32
    %le3A_422 = vector.broadcast %le3A_421 : i32 to vector<16xi32>
    %le3A_423 = arith.cmpi sle, %add3A_400, %le3A_422 : vector<16xi32>
    %add3A_424 = arith.constant 1 : i32
    %add3A_425 = vector.broadcast %add3A_424 : i32 to vector<16xi32>
    %add3A_426 = arith.addi %add3A_400, %add3A_425 : vector<16xi32>
    %gather3A_427 = tpu.vector_load_idx %arg17[%add3A_426] : memref<80xi32, #tpu.memory_space<vmem>>[vector<16xi32>], vector<16xi32>,
    %gather3A_428 = tpu.vector_load_idx %arg24[%gather3A_401, %gather3A_427] : memref<18x18xf32, #tpu.memory_space<vmem>>[vector<16xi32>, vector<16xi32>], vector<16xf32>,
    %select_n3A_429 = arith.select %le3A_423, %gather3A_428, %broadcast_in_dim3A_1 : vector<16xi1>, vector<16xf32>
    %add3A_430 = arith.addf %add3A_420, %select_n3A_429 : vector<16xf32>
    %add3A_431 = arith.constant 49 : i32
    %add3A_432 = vector.broadcast %add3A_431 : i32 to vector<16xi32>
    %add3A_433 = arith.addi %iota3A, %add3A_432 : vector<16xi32>
    %gather3A_434 = tpu.vector_load_idx %arg17[%add3A_433] : memref<80xi32, #tpu.memory_space<vmem>>[vector<16xi32>], vector<16xi32>,
    %ge3A_435 = arith.constant 1 : i32
    %ge3A_436 = vector.broadcast %ge3A_435 : i32 to vector<16xi32>
    %ge3A_437 = arith.cmpi sge, %gather3A_434, %ge3A_436 : vector<16xi32>
    %le3A_438 = arith.constant 16 : i32
    %le3A_439 = vector.broadcast %le3A_438 : i32 to vector<16xi32>
    %le3A_440 = arith.cmpi sle, %gather3A_434, %le3A_439 : vector<16xi32>
    %and3A_441 = arith.andi %ge3A_437, %le3A_440 : vector<16xi1>
    %sub3A_442 = arith.constant 1 : i32
    %sub3A_443 = vector.broadcast %sub3A_442 : i32 to vector<16xi32>
    %sub3A_444 = arith.subi %gather3A_434, %sub3A_443 : vector<16xi32>
    %max3A_445 = arith.constant 0 : i32
    %max3A_446 = vector.broadcast %max3A_445 : i32 to vector<16xi32>
    %max3A_447 = arith.maxsi %sub3A_444, %max3A_446 : vector<16xi32>
    %min3A_448 = arith.constant 15 : i32
    %min3A_449 = vector.broadcast %min3A_448 : i32 to vector<16xi32>
    %min3A_450 = arith.minsi %max3A_447, %min3A_449 : vector<16xi32>
    %gather3A_451 = tpu.vector_load_idx %arg13[%add3A_433, %min3A_450] : memref<65x16xf32, #tpu.memory_space<vmem>>[vector<16xi32>, vector<16xi32>], vector<16xf32>,
    %select_n3A_452 = arith.select %and3A_441, %gather3A_451, %broadcast_in_dim3A_1 : vector<16xi1>, vector<16xf32>
    %add3A_453 = arith.addf %add3A_430, %select_n3A_452 : vector<16xf32>
    %le3A_454 = arith.constant 63 : i32
    %le3A_455 = vector.broadcast %le3A_454 : i32 to vector<16xi32>
    %le3A_456 = arith.cmpi sle, %add3A_433, %le3A_455 : vector<16xi32>
    %add3A_457 = arith.constant 1 : i32
    %add3A_458 = vector.broadcast %add3A_457 : i32 to vector<16xi32>
    %add3A_459 = arith.addi %add3A_433, %add3A_458 : vector<16xi32>
    %gather3A_460 = tpu.vector_load_idx %arg17[%add3A_459] : memref<80xi32, #tpu.memory_space<vmem>>[vector<16xi32>], vector<16xi32>,
    %gather3A_461 = tpu.vector_load_idx %arg24[%gather3A_434, %gather3A_460] : memref<18x18xf32, #tpu.memory_space<vmem>>[vector<16xi32>, vector<16xi32>], vector<16xf32>,
    %select_n3A_462 = arith.select %le3A_456, %gather3A_461, %broadcast_in_dim3A_1 : vector<16xi1>, vector<16xf32>
    %add3A_463 = arith.addf %add3A_453, %select_n3A_462 : vector<16xf32>
    %xor3A_464 = arith.constant 1 : i32
    %xor3A_465 = vector.broadcast %xor3A_464 : i32 to vector<16xi32>
    %xor3A_466 = arith.xori %iota3A, %xor3A_465 : vector<16xi32>
    %reshape3A_467 = vector.shape_cast %xor3A_466 : vector<16xi32> to vector<16x1xi32>
    %gather3A_468 = vector.shape_cast %reshape3A_467 : vector<16x1xi32> to vector<16xi32>
    %gather3A_469 = tpu.dynamic_gather %add3A_463[%gather3A_468] in [0] : vector<16xf32>, vector<16xi32> -> vector<16xf32>
    %add3A_470 = arith.addf %add3A_463, %gather3A_469 : vector<16xf32>
    %xor3A_471 = arith.constant 2 : i32
    %xor3A_472 = vector.broadcast %xor3A_471 : i32 to vector<16xi32>
    %xor3A_473 = arith.xori %iota3A, %xor3A_472 : vector<16xi32>
    %reshape3A_474 = vector.shape_cast %xor3A_473 : vector<16xi32> to vector<16x1xi32>
    %gather3A_475 = vector.shape_cast %reshape3A_474 : vector<16x1xi32> to vector<16xi32>
    %gather3A_476 = tpu.dynamic_gather %add3A_470[%gather3A_475] in [0] : vector<16xf32>, vector<16xi32> -> vector<16xf32>
    %add3A_477 = arith.addf %add3A_470, %gather3A_476 : vector<16xf32>
    %xor3A_478 = arith.constant 4 : i32
    %xor3A_479 = vector.broadcast %xor3A_478 : i32 to vector<16xi32>
    %xor3A_480 = arith.xori %iota3A, %xor3A_479 : vector<16xi32>
    %reshape3A_481 = vector.shape_cast %xor3A_480 : vector<16xi32> to vector<16x1xi32>
    %gather3A_482 = vector.shape_cast %reshape3A_481 : vector<16x1xi32> to vector<16xi32>
    %gather3A_483 = tpu.dynamic_gather %add3A_477[%gather3A_482] in [0] : vector<16xf32>, vector<16xi32> -> vector<16xf32>
    %add3A_484 = arith.addf %add3A_477, %gather3A_483 : vector<16xf32>
    %xor3A_485 = arith.constant 8 : i32
    %xor3A_486 = vector.broadcast %xor3A_485 : i32 to vector<16xi32>
    %xor3A_487 = arith.xori %iota3A, %xor3A_486 : vector<16xi32>
    %reshape3A_488 = vector.shape_cast %xor3A_487 : vector<16xi32> to vector<16x1xi32>
    %gather3A_489 = vector.shape_cast %reshape3A_488 : vector<16x1xi32> to vector<16xi32>
    %gather3A_490 = tpu.dynamic_gather %add3A_484[%gather3A_489] in [0] : vector<16xf32>, vector<16xi32> -> vector<16xf32>
    %add3A_491 = arith.addf %add3A_484, %gather3A_490 : vector<16xf32>
    %eq3A_492 = arith.constant 0 : i32
    %eq3A_493 = vector.broadcast %eq3A_492 : i32 to vector<16xi32>
    %eq3A_494 = arith.cmpi eq, %iota3A, %eq3A_493 : vector<16xi32>
    %eq3A_495 = arith.constant 1 : i32
    %eq3A_496 = vector.broadcast %eq3A_495 : i32 to vector<16xi32>
    %eq3A_497 = arith.cmpi eq, %iota3A, %eq3A_496 : vector<16xi32>
    %eq3A_498 = arith.constant 2 : i32
    %eq3A_499 = vector.broadcast %eq3A_498 : i32 to vector<16xi32>
    %eq3A_500 = arith.cmpi eq, %iota3A, %eq3A_499 : vector<16xi32>
    %convert_element_type3A = arith.sitofp %while3A_177#7 : vector<16xi32> to vector<16xf32>
    %select_n3A_501 = arith.select %eq3A_500, %convert_element_type3A, %broadcast_in_dim3A_1 : vector<16xi1>, vector<16xf32>
    %select_n3A_502 = arith.select %eq3A_497, %add3A_334, %select_n3A_501 : vector<16xi1>, vector<16xf32>
    %select_n3A_503 = arith.select %eq3A_494, %add3A_491, %select_n3A_502 : vector<16xi1>, vector<16xf32>
    %swap3A_504 = arith.constant 0 : index
    %swap3A_505 = tpu.vector_load %arg30[%swap3A_504] {strides = array<i32>} : memref<16xf32, #tpu.memory_space<vmem>>, vector<16xf32>,
    tpu.vector_store %arg30[%swap3A_504], %select_n3A_503 {strides = array<i32>} : memref<16xf32, #tpu.memory_space<vmem>>, vector<16xf32>,
    "tpu.region"() ({
      %run_scoped3A = tpu.sem_alloc : memref<!tpu.dma_semaphore, #tpu.memory_space<semaphore_mem>>
      %dma_start3A_845 = arith.constant 0 : i32
      %dma_start3A_846 = tpu.memref_slice %arg11[%mul3A_37, %dma_start3A_845] : memref<64x80xi32, #tpu.memory_space<hbm>> -> memref<1x80xi32, #tpu.memory_space<hbm>>
      %dma_start3A_847 = tpu.memref_squeeze %dma_start3A_846 : memref<1x80xi32, #tpu.memory_space<hbm>> -> memref<80xi32, #tpu.memory_space<hbm>>
      %dma_start3A_848 = arith.constant 0 : i32
      %dma_start3A_849 = tpu.memref_slice %arg11[%mul3A_37, %dma_start3A_848] : memref<64x80xi32, #tpu.memory_space<hbm>> -> memref<1x80xi32, #tpu.memory_space<hbm>>
      %dma_start3A_850 = tpu.memref_squeeze %dma_start3A_849 : memref<1x80xi32, #tpu.memory_space<hbm>> -> memref<80xi32, #tpu.memory_space<hbm>>
      tpu.enqueue_dma source(%arg29 : memref<80xi32, #tpu.memory_space<vmem>>) target(%dma_start3A_850 : memref<80xi32, #tpu.memory_space<hbm>>) target_semaphore(%run_scoped3A : memref<!tpu.dma_semaphore, #tpu.memory_space<semaphore_mem>>)
      %dma_wait3A_851 = arith.constant 0 : i32
      %dma_wait3A_852 = tpu.memref_slice %arg11[%mul3A_37, %dma_wait3A_851] : memref<64x80xi32, #tpu.memory_space<hbm>> -> memref<1x80xi32, #tpu.memory_space<hbm>>
      %dma_wait3A_853 = tpu.memref_squeeze %dma_wait3A_852 : memref<1x80xi32, #tpu.memory_space<hbm>> -> memref<80xi32, #tpu.memory_space<hbm>>
      %dma_wait3A_854 = arith.constant 0 : i32
      %dma_wait3A_855 = tpu.memref_slice %arg11[%mul3A_37, %dma_wait3A_854] : memref<64x80xi32, #tpu.memory_space<hbm>> -> memref<1x80xi32, #tpu.memory_space<hbm>>
      %dma_wait3A_856 = tpu.memref_squeeze %dma_wait3A_855 : memref<1x80xi32, #tpu.memory_space<hbm>> -> memref<80xi32, #tpu.memory_space<hbm>>
      tpu.wait_dma2 semaphore(%run_scoped3A : memref<!tpu.dma_semaphore, #tpu.memory_space<semaphore_mem>>) src(%arg29 : memref<80xi32, #tpu.memory_space<vmem>>) dst(%dma_wait3A_856 : memref<80xi32, #tpu.memory_space<hbm>>)
      tpu.yield
    }) : () -> ()
    "tpu.region"() ({
      %run_scoped3A = tpu.sem_alloc : memref<!tpu.dma_semaphore, #tpu.memory_space<semaphore_mem>>
      %dma_start3A_845 = arith.constant 0 : i32
      %dma_start3A_846 = tpu.memref_slice %arg12[%mul3A_37, %dma_start3A_845] : memref<64x16xf32, #tpu.memory_space<hbm>> -> memref<1x16xf32, #tpu.memory_space<hbm>>
      %dma_start3A_847 = tpu.memref_squeeze %dma_start3A_846 : memref<1x16xf32, #tpu.memory_space<hbm>> -> memref<16xf32, #tpu.memory_space<hbm>>
      %dma_start3A_848 = arith.constant 0 : i32
      %dma_start3A_849 = tpu.memref_slice %arg12[%mul3A_37, %dma_start3A_848] : memref<64x16xf32, #tpu.memory_space<hbm>> -> memref<1x16xf32, #tpu.memory_space<hbm>>
      %dma_start3A_850 = tpu.memref_squeeze %dma_start3A_849 : memref<1x16xf32, #tpu.memory_space<hbm>> -> memref<16xf32, #tpu.memory_space<hbm>>
      tpu.enqueue_dma source(%arg30 : memref<16xf32, #tpu.memory_space<vmem>>) target(%dma_start3A_850 : memref<16xf32, #tpu.memory_space<hbm>>) target_semaphore(%run_scoped3A : memref<!tpu.dma_semaphore, #tpu.memory_space<semaphore_mem>>)
      %dma_wait3A_851 = arith.constant 0 : i32
      %dma_wait3A_852 = tpu.memref_slice %arg12[%mul3A_37, %dma_wait3A_851] : memref<64x16xf32, #tpu.memory_space<hbm>> -> memref<1x16xf32, #tpu.memory_space<hbm>>
      %dma_wait3A_853 = tpu.memref_squeeze %dma_wait3A_852 : memref<1x16xf32, #tpu.memory_space<hbm>> -> memref<16xf32, #tpu.memory_space<hbm>>
      %dma_wait3A_854 = arith.constant 0 : i32
      %dma_wait3A_855 = tpu.memref_slice %arg12[%mul3A_37, %dma_wait3A_854] : memref<64x16xf32, #tpu.memory_space<hbm>> -> memref<1x16xf32, #tpu.memory_space<hbm>>
      %dma_wait3A_856 = tpu.memref_squeeze %dma_wait3A_855 : memref<1x16xf32, #tpu.memory_space<hbm>> -> memref<16xf32, #tpu.memory_space<hbm>>
      tpu.wait_dma2 semaphore(%run_scoped3A : memref<!tpu.dma_semaphore, #tpu.memory_space<semaphore_mem>>) src(%arg30 : memref<16xf32, #tpu.memory_space<vmem>>) dst(%dma_wait3A_856 : memref<16xf32, #tpu.memory_space<hbm>>)
      tpu.yield
    }) : () -> ()
    %broadcast_in_dim3A_506 = arith.constant 0 : i32
    %broadcast_in_dim3A_507 = vector.broadcast %broadcast_in_dim3A_506 : i32 to vector<16xi32>
    %swap3A_508 = arith.constant 0 : index
    %swap3A_509 = tpu.vector_load %arg29[%swap3A_508] {strides = array<i32>} : memref<80xi32, #tpu.memory_space<vmem>>, vector<16xi32>,
    tpu.vector_store %arg29[%swap3A_508], %broadcast_in_dim3A_507 {strides = array<i32>} : memref<80xi32, #tpu.memory_space<vmem>>, vector<16xi32>,
    %broadcast_in_dim3A_510 = arith.constant 0 : i32
    %broadcast_in_dim3A_511 = vector.broadcast %broadcast_in_dim3A_510 : i32 to vector<16xi32>
    %swap3A_512 = arith.constant 16 : index
    %swap3A_513 = tpu.vector_load %arg29[%swap3A_512] {strides = array<i32>} : memref<80xi32, #tpu.memory_space<vmem>>, vector<16xi32>,
    tpu.vector_store %arg29[%swap3A_512], %broadcast_in_dim3A_511 {strides = array<i32>} : memref<80xi32, #tpu.memory_space<vmem>>, vector<16xi32>,
    %broadcast_in_dim3A_514 = arith.constant 0 : i32
    %broadcast_in_dim3A_515 = vector.broadcast %broadcast_in_dim3A_514 : i32 to vector<16xi32>
    %swap3A_516 = arith.constant 32 : index
    %swap3A_517 = tpu.vector_load %arg29[%swap3A_516] {strides = array<i32>} : memref<80xi32, #tpu.memory_space<vmem>>, vector<16xi32>,
    tpu.vector_store %arg29[%swap3A_516], %broadcast_in_dim3A_515 {strides = array<i32>} : memref<80xi32, #tpu.memory_space<vmem>>, vector<16xi32>,
    %broadcast_in_dim3A_518 = arith.constant 0 : i32
    %broadcast_in_dim3A_519 = vector.broadcast %broadcast_in_dim3A_518 : i32 to vector<16xi32>
    %swap3A_520 = arith.constant 48 : index
    %swap3A_521 = tpu.vector_load %arg29[%swap3A_520] {strides = array<i32>} : memref<80xi32, #tpu.memory_space<vmem>>, vector<16xi32>,
    tpu.vector_store %arg29[%swap3A_520], %broadcast_in_dim3A_519 {strides = array<i32>} : memref<80xi32, #tpu.memory_space<vmem>>, vector<16xi32>,
    %get3A_522 = arith.constant 63 : i64
    %get3A_523 = arith.index_cast %get3A_522 : i64 to index
    %get3A_524 = arith.constant 0 : index
    %get3A_525 = tpu.vector_load %arg27[%get3A_523, %get3A_524] {strides = array<i32>} : memref<64x16xf32, #tpu.memory_space<vmem>>, vector<16xf32>,
    %get3A_526 = arith.constant 63 : i64
    %get3A_527 = arith.index_cast %get3A_526 : i64 to index
    %get3A_528 = arith.constant 0 : index
    %get3A_529 = tpu.vector_load %arg28[%get3A_527, %get3A_528] {strides = array<i32>} : memref<64x16xf32, #tpu.memory_space<vmem>>, vector<16xf32>,
    %xor3A_530 = arith.constant 1 : i32
    %xor3A_531 = vector.broadcast %xor3A_530 : i32 to vector<16xi32>
    %xor3A_532 = arith.xori %iota3A, %xor3A_531 : vector<16xi32>
    %reshape3A_533 = vector.shape_cast %xor3A_532 : vector<16xi32> to vector<16x1xi32>
    %gather3A_534 = vector.shape_cast %reshape3A_533 : vector<16x1xi32> to vector<16xi32>
    %gather3A_535 = tpu.dynamic_gather %get3A_525[%gather3A_534] in [0] : vector<16xf32>, vector<16xi32> -> vector<16xf32>
    %max3A_536 = arith.maximumf %get3A_525, %gather3A_535 : vector<16xf32>
    %xor3A_537 = arith.constant 2 : i32
    %xor3A_538 = vector.broadcast %xor3A_537 : i32 to vector<16xi32>
    %xor3A_539 = arith.xori %iota3A, %xor3A_538 : vector<16xi32>
    %reshape3A_540 = vector.shape_cast %xor3A_539 : vector<16xi32> to vector<16x1xi32>
    %gather3A_541 = vector.shape_cast %reshape3A_540 : vector<16x1xi32> to vector<16xi32>
    %gather3A_542 = tpu.dynamic_gather %max3A_536[%gather3A_541] in [0] : vector<16xf32>, vector<16xi32> -> vector<16xf32>
    %max3A_543 = arith.maximumf %max3A_536, %gather3A_542 : vector<16xf32>
    %xor3A_544 = arith.constant 4 : i32
    %xor3A_545 = vector.broadcast %xor3A_544 : i32 to vector<16xi32>
    %xor3A_546 = arith.xori %iota3A, %xor3A_545 : vector<16xi32>
    %reshape3A_547 = vector.shape_cast %xor3A_546 : vector<16xi32> to vector<16x1xi32>
    %gather3A_548 = vector.shape_cast %reshape3A_547 : vector<16x1xi32> to vector<16xi32>
    %gather3A_549 = tpu.dynamic_gather %max3A_543[%gather3A_548] in [0] : vector<16xf32>, vector<16xi32> -> vector<16xf32>
    %max3A_550 = arith.maximumf %max3A_543, %gather3A_549 : vector<16xf32>
    %xor3A_551 = arith.constant 8 : i32
    %xor3A_552 = vector.broadcast %xor3A_551 : i32 to vector<16xi32>
    %xor3A_553 = arith.xori %iota3A, %xor3A_552 : vector<16xi32>
    %reshape3A_554 = vector.shape_cast %xor3A_553 : vector<16xi32> to vector<16x1xi32>
    %gather3A_555 = vector.shape_cast %reshape3A_554 : vector<16x1xi32> to vector<16xi32>
    %gather3A_556 = tpu.dynamic_gather %max3A_550[%gather3A_555] in [0] : vector<16xf32>, vector<16xi32> -> vector<16xf32>
    %max3A_557 = arith.maximumf %max3A_550, %gather3A_556 : vector<16xf32>
    %eq3A_558 = arith.cmpf oeq, %get3A_525, %max3A_557 : vector<16xf32>
    %select_n3A_559 = arith.select %eq3A_558, %get3A_529, %broadcast_in_dim3A_3 : vector<16xi1>, vector<16xf32>
    %xor3A_560 = arith.constant 1 : i32
    %xor3A_561 = vector.broadcast %xor3A_560 : i32 to vector<16xi32>
    %xor3A_562 = arith.xori %iota3A, %xor3A_561 : vector<16xi32>
    %reshape3A_563 = vector.shape_cast %xor3A_562 : vector<16xi32> to vector<16x1xi32>
    %gather3A_564 = vector.shape_cast %reshape3A_563 : vector<16x1xi32> to vector<16xi32>
    %gather3A_565 = tpu.dynamic_gather %select_n3A_559[%gather3A_564] in [0] : vector<16xf32>, vector<16xi32> -> vector<16xf32>
    %max3A_566 = arith.maximumf %select_n3A_559, %gather3A_565 : vector<16xf32>
    %xor3A_567 = arith.constant 2 : i32
    %xor3A_568 = vector.broadcast %xor3A_567 : i32 to vector<16xi32>
    %xor3A_569 = arith.xori %iota3A, %xor3A_568 : vector<16xi32>
    %reshape3A_570 = vector.shape_cast %xor3A_569 : vector<16xi32> to vector<16x1xi32>
    %gather3A_571 = vector.shape_cast %reshape3A_570 : vector<16x1xi32> to vector<16xi32>
    %gather3A_572 = tpu.dynamic_gather %max3A_566[%gather3A_571] in [0] : vector<16xf32>, vector<16xi32> -> vector<16xf32>
    %max3A_573 = arith.maximumf %max3A_566, %gather3A_572 : vector<16xf32>
    %xor3A_574 = arith.constant 4 : i32
    %xor3A_575 = vector.broadcast %xor3A_574 : i32 to vector<16xi32>
    %xor3A_576 = arith.xori %iota3A, %xor3A_575 : vector<16xi32>
    %reshape3A_577 = vector.shape_cast %xor3A_576 : vector<16xi32> to vector<16x1xi32>
    %gather3A_578 = vector.shape_cast %reshape3A_577 : vector<16x1xi32> to vector<16xi32>
    %gather3A_579 = tpu.dynamic_gather %max3A_573[%gather3A_578] in [0] : vector<16xf32>, vector<16xi32> -> vector<16xf32>
    %max3A_580 = arith.maximumf %max3A_573, %gather3A_579 : vector<16xf32>
    %xor3A_581 = arith.constant 8 : i32
    %xor3A_582 = vector.broadcast %xor3A_581 : i32 to vector<16xi32>
    %xor3A_583 = arith.xori %iota3A, %xor3A_582 : vector<16xi32>
    %reshape3A_584 = vector.shape_cast %xor3A_583 : vector<16xi32> to vector<16x1xi32>
    %gather3A_585 = vector.shape_cast %reshape3A_584 : vector<16x1xi32> to vector<16xi32>
    %gather3A_586 = tpu.dynamic_gather %max3A_580[%gather3A_585] in [0] : vector<16xf32>, vector<16xi32> -> vector<16xf32>
    %max3A_587 = arith.maximumf %max3A_580, %gather3A_586 : vector<16xf32>
    %eq3A_588 = arith.cmpf oeq, %select_n3A_559, %max3A_587 : vector<16xf32>
    %and3A_589 = arith.andi %eq3A_558, %eq3A_588 : vector<16xi1>
    %broadcast_in_dim3A_590 = arith.constant 99 : i32
    %broadcast_in_dim3A_591 = vector.broadcast %broadcast_in_dim3A_590 : i32 to vector<16xi32>
    %select_n3A_592 = arith.select %and3A_589, %iota3A, %broadcast_in_dim3A_591 : vector<16xi1>, vector<16xi32>
    %xor3A_593 = arith.constant 1 : i32
    %xor3A_594 = vector.broadcast %xor3A_593 : i32 to vector<16xi32>
    %xor3A_595 = arith.xori %iota3A, %xor3A_594 : vector<16xi32>
    %reshape3A_596 = vector.shape_cast %xor3A_595 : vector<16xi32> to vector<16x1xi32>
    %gather3A_597 = vector.shape_cast %reshape3A_596 : vector<16x1xi32> to vector<16xi32>
    %gather3A_598 = tpu.dynamic_gather %select_n3A_592[%gather3A_597] in [0] : vector<16xi32>, vector<16xi32> -> vector<16xi32>
    %min3A_599 = arith.minsi %select_n3A_592, %gather3A_598 : vector<16xi32>
    %xor3A_600 = arith.constant 2 : i32
    %xor3A_601 = vector.broadcast %xor3A_600 : i32 to vector<16xi32>
    %xor3A_602 = arith.xori %iota3A, %xor3A_601 : vector<16xi32>
    %reshape3A_603 = vector.shape_cast %xor3A_602 : vector<16xi32> to vector<16x1xi32>
    %gather3A_604 = vector.shape_cast %reshape3A_603 : vector<16x1xi32> to vector<16xi32>
    %gather3A_605 = tpu.dynamic_gather %min3A_599[%gather3A_604] in [0] : vector<16xi32>, vector<16xi32> -> vector<16xi32>
    %min3A_606 = arith.minsi %min3A_599, %gather3A_605 : vector<16xi32>
    %xor3A_607 = arith.constant 4 : i32
    %xor3A_608 = vector.broadcast %xor3A_607 : i32 to vector<16xi32>
    %xor3A_609 = arith.xori %iota3A, %xor3A_608 : vector<16xi32>
    %reshape3A_610 = vector.shape_cast %xor3A_609 : vector<16xi32> to vector<16x1xi32>
    %gather3A_611 = vector.shape_cast %reshape3A_610 : vector<16x1xi32> to vector<16xi32>
    %gather3A_612 = tpu.dynamic_gather %min3A_606[%gather3A_611] in [0] : vector<16xi32>, vector<16xi32> -> vector<16xi32>
    %min3A_613 = arith.minsi %min3A_606, %gather3A_612 : vector<16xi32>
    %xor3A_614 = arith.constant 8 : i32
    %xor3A_615 = vector.broadcast %xor3A_614 : i32 to vector<16xi32>
    %xor3A_616 = arith.xori %iota3A, %xor3A_615 : vector<16xi32>
    %reshape3A_617 = vector.shape_cast %xor3A_616 : vector<16xi32> to vector<16x1xi32>
    %gather3A_618 = vector.shape_cast %reshape3A_617 : vector<16x1xi32> to vector<16xi32>
    %gather3A_619 = tpu.dynamic_gather %min3A_613[%gather3A_618] in [0] : vector<16xi32>, vector<16xi32> -> vector<16xi32>
    %min3A_620 = arith.minsi %min3A_613, %gather3A_619 : vector<16xi32>
    %slice3A_621 = vector.extract_strided_slice %min3A_620 {offsets = [0], sizes = [1], strides = [1]} : vector<16xi32> to vector<1xi32>
    %squeeze3A_622 = vector.extract %slice3A_621[0] : i32 from vector<1xi32>
    %add3A_623 = arith.constant 1 : i32
    %add3A_624 = arith.addi %squeeze3A_622, %add3A_623 : i32
    %eq3A_625 = arith.constant 0 : i32
    %eq3A_626 = vector.broadcast %eq3A_625 : i32 to vector<16xi32>
    %eq3A_627 = arith.cmpi eq, %iota3A, %eq3A_626 : vector<16xi32>
    %broadcast_in_dim3A_628 = vector.broadcast %add3A_624 : i32 to vector<16xi32>
    %eq3A_629 = arith.constant 1 : i32
    %eq3A_630 = vector.broadcast %eq3A_629 : i32 to vector<16xi32>
    %eq3A_631 = arith.cmpi eq, %iota3A, %eq3A_630 : vector<16xi32>
    %broadcast_in_dim3A_632 = arith.constant 17 : i32
    %broadcast_in_dim3A_633 = vector.broadcast %broadcast_in_dim3A_632 : i32 to vector<16xi32>
    %broadcast_in_dim3A_634 = arith.constant 0 : i32
    %broadcast_in_dim3A_635 = vector.broadcast %broadcast_in_dim3A_634 : i32 to vector<16xi32>
    %select_n3A_636 = arith.select %eq3A_631, %broadcast_in_dim3A_633, %broadcast_in_dim3A_635 : vector<16xi1>, vector<16xi32>
    %select_n3A_637 = arith.select %eq3A_627, %broadcast_in_dim3A_628, %select_n3A_636 : vector<16xi1>, vector<16xi32>
    %swap3A_638 = arith.constant 64 : index
    %swap3A_639 = tpu.vector_load %arg29[%swap3A_638] {strides = array<i32>} : memref<80xi32, #tpu.memory_space<vmem>>, vector<16xi32>,
    tpu.vector_store %arg29[%swap3A_638], %select_n3A_637 {strides = array<i32>} : memref<80xi32, #tpu.memory_space<vmem>>, vector<16xi32>,
    %while3A_640 = arith.constant 63 : i32
    %while3A_641:2 = scf.while (%while3A_845 = %while3A_640, %while3A_846 = %add3A_624) : (i32, i32) -> (i32, i32) {
      %ge3A_847 = arith.constant 1 : i32
      %ge3A_848 = arith.cmpi sge, %while3A_845, %ge3A_847 : i32
      scf.condition(%ge3A_848) %while3A_845, %while3A_846 : i32, i32
    } do {
    ^bb0(%while3A_845: i32, %while3A_846: i32):
      %sub3A_847 = arith.constant 1 : i32
      %sub3A_848 = arith.subi %while3A_845, %sub3A_847 : i32
      %get3A_849 = arith.index_cast %sub3A_848 : i32 to index
      %get3A_850 = arith.constant 0 : index
      %get3A_851 = tpu.vector_load %arg27[%get3A_849, %get3A_850] {strides = array<i32>} : memref<64x16xf32, #tpu.memory_space<vmem>>, vector<16xf32>,
      %sub3A_852 = arith.constant 1 : i32
      %sub3A_853 = arith.subi %while3A_845, %sub3A_852 : i32
      %get3A_854 = arith.index_cast %sub3A_853 : i32 to index
      %get3A_855 = arith.constant 0 : index
      %get3A_856 = tpu.vector_load %arg28[%get3A_854, %get3A_855] {strides = array<i32>} : memref<64x16xf32, #tpu.memory_space<vmem>>, vector<16xf32>,
      %sub3A_857 = arith.constant 1 : i32
      %sub3A_858 = arith.subi %while3A_846, %sub3A_857 : i32
      %get3A_859 = arith.index_cast %sub3A_858 : i32 to index
      %get3A_860 = arith.constant 0 : index
      %get3A_861 = tpu.vector_load %arg21[%get3A_859, %get3A_860] {strides = array<i32>} : memref<16x16xf32, #tpu.memory_space<vmem>>, vector<16xf32>,
      %sub3A_862 = arith.constant 1 : i32
      %sub3A_863 = arith.subi %while3A_846, %sub3A_862 : i32
      %get3A_864 = arith.index_cast %sub3A_863 : i32 to index
      %get3A_865 = arith.constant 0 : index
      %get3A_866 = tpu.vector_load %arg22[%get3A_864, %get3A_865] {strides = array<i32>} : memref<16x16xf32, #tpu.memory_space<vmem>>, vector<16xf32>,
      %add3A_867 = arith.addf %get3A_851, %get3A_861 : vector<16xf32>
      %sub3A_868 = arith.subf %add3A_867, %get3A_851 : vector<16xf32>
      %sub3A_869 = arith.subf %add3A_867, %sub3A_868 : vector<16xf32>
      %sub3A_870 = arith.subf %get3A_851, %sub3A_869 : vector<16xf32>
      %sub3A_871 = arith.subf %get3A_861, %sub3A_868 : vector<16xf32>
      %add3A_872 = arith.addf %sub3A_870, %sub3A_871 : vector<16xf32>
      %add3A_873 = arith.addf %get3A_856, %get3A_866 : vector<16xf32>
      %add3A_874 = arith.addf %add3A_872, %add3A_873 : vector<16xf32>
      %add3A_875 = arith.addf %add3A_867, %add3A_874 : vector<16xf32>
      %sub3A_876 = arith.subf %add3A_875, %add3A_867 : vector<16xf32>
      %sub3A_877 = arith.subf %add3A_874, %sub3A_876 : vector<16xf32>
      %xor3A_878 = arith.constant 1 : i32
      %xor3A_879 = vector.broadcast %xor3A_878 : i32 to vector<16xi32>
      %xor3A_880 = arith.xori %iota3A, %xor3A_879 : vector<16xi32>
      %reshape3A_881 = vector.shape_cast %xor3A_880 : vector<16xi32> to vector<16x1xi32>
      %gather3A_882 = vector.shape_cast %reshape3A_881 : vector<16x1xi32> to vector<16xi32>
      %gather3A_883 = tpu.dynamic_gather %add3A_875[%gather3A_882] in [0] : vector<16xf32>, vector<16xi32> -> vector<16xf32>
      %max3A_884 = arith.maximumf %add3A_875, %gather3A_883 : vector<16xf32>
      %xor3A_885 = arith.constant 2 : i32
      %xor3A_886 = vector.broadcast %xor3A_885 : i32 to vector<16xi32>
      %xor3A_887 = arith.xori %iota3A, %xor3A_886 : vector<16xi32>
      %reshape3A_888 = vector.shape_cast %xor3A_887 : vector<16xi32> to vector<16x1xi32>
      %gather3A_889 = vector.shape_cast %reshape3A_888 : vector<16x1xi32> to vector<16xi32>
      %gather3A_890 = tpu.dynamic_gather %max3A_884[%gather3A_889] in [0] : vector<16xf32>, vector<16xi32> -> vector<16xf32>
      %max3A_891 = arith.maximumf %max3A_884, %gather3A_890 : vector<16xf32>
      %xor3A_892 = arith.constant 4 : i32
      %xor3A_893 = vector.broadcast %xor3A_892 : i32 to vector<16xi32>
      %xor3A_894 = arith.xori %iota3A, %xor3A_893 : vector<16xi32>
      %reshape3A_895 = vector.shape_cast %xor3A_894 : vector<16xi32> to vector<16x1xi32>
      %gather3A_896 = vector.shape_cast %reshape3A_895 : vector<16x1xi32> to vector<16xi32>
      %gather3A_897 = tpu.dynamic_gather %max3A_891[%gather3A_896] in [0] : vector<16xf32>, vector<16xi32> -> vector<16xf32>
      %max3A_898 = arith.maximumf %max3A_891, %gather3A_897 : vector<16xf32>
      %xor3A_899 = arith.constant 8 : i32
      %xor3A_900 = vector.broadcast %xor3A_899 : i32 to vector<16xi32>
      %xor3A_901 = arith.xori %iota3A, %xor3A_900 : vector<16xi32>
      %reshape3A_902 = vector.shape_cast %xor3A_901 : vector<16xi32> to vector<16x1xi32>
      %gather3A_903 = vector.shape_cast %reshape3A_902 : vector<16x1xi32> to vector<16xi32>
      %gather3A_904 = tpu.dynamic_gather %max3A_898[%gather3A_903] in [0] : vector<16xf32>, vector<16xi32> -> vector<16xf32>
      %max3A_905 = arith.maximumf %max3A_898, %gather3A_904 : vector<16xf32>
      %eq3A_906 = arith.cmpf oeq, %add3A_875, %max3A_905 : vector<16xf32>
      %select_n3A_907 = arith.select %eq3A_906, %sub3A_877, %broadcast_in_dim3A_3 : vector<16xi1>, vector<16xf32>
      %xor3A_908 = arith.constant 1 : i32
      %xor3A_909 = vector.broadcast %xor3A_908 : i32 to vector<16xi32>
      %xor3A_910 = arith.xori %iota3A, %xor3A_909 : vector<16xi32>
      %reshape3A_911 = vector.shape_cast %xor3A_910 : vector<16xi32> to vector<16x1xi32>
      %gather3A_912 = vector.shape_cast %reshape3A_911 : vector<16x1xi32> to vector<16xi32>
      %gather3A_913 = tpu.dynamic_gather %select_n3A_907[%gather3A_912] in [0] : vector<16xf32>, vector<16xi32> -> vector<16xf32>
      %max3A_914 = arith.maximumf %select_n3A_907, %gather3A_913 : vector<16xf32>
      %xor3A_915 = arith.constant 2 : i32
      %xor3A_916 = vector.broadcast %xor3A_915 : i32 to vector<16xi32>
      %xor3A_917 = arith.xori %iota3A, %xor3A_916 : vector<16xi32>
      %reshape3A_918 = vector.shape_cast %xor3A_917 : vector<16xi32> to vector<16x1xi32>
      %gather3A_919 = vector.shape_cast %reshape3A_918 : vector<16x1xi32> to vector<16xi32>
      %gather3A_920 = tpu.dynamic_gather %max3A_914[%gather3A_919] in [0] : vector<16xf32>, vector<16xi32> -> vector<16xf32>
      %max3A_921 = arith.maximumf %max3A_914, %gather3A_920 : vector<16xf32>
      %xor3A_922 = arith.constant 4 : i32
      %xor3A_923 = vector.broadcast %xor3A_922 : i32 to vector<16xi32>
      %xor3A_924 = arith.xori %iota3A, %xor3A_923 : vector<16xi32>
      %reshape3A_925 = vector.shape_cast %xor3A_924 : vector<16xi32> to vector<16x1xi32>
      %gather3A_926 = vector.shape_cast %reshape3A_925 : vector<16x1xi32> to vector<16xi32>
      %gather3A_927 = tpu.dynamic_gather %max3A_921[%gather3A_926] in [0] : vector<16xf32>, vector<16xi32> -> vector<16xf32>
      %max3A_928 = arith.maximumf %max3A_921, %gather3A_927 : vector<16xf32>
      %xor3A_929 = arith.constant 8 : i32
      %xor3A_930 = vector.broadcast %xor3A_929 : i32 to vector<16xi32>
      %xor3A_931 = arith.xori %iota3A, %xor3A_930 : vector<16xi32>
      %reshape3A_932 = vector.shape_cast %xor3A_931 : vector<16xi32> to vector<16x1xi32>
      %gather3A_933 = vector.shape_cast %reshape3A_932 : vector<16x1xi32> to vector<16xi32>
      %gather3A_934 = tpu.dynamic_gather %max3A_928[%gather3A_933] in [0] : vector<16xf32>, vector<16xi32> -> vector<16xf32>
      %max3A_935 = arith.maximumf %max3A_928, %gather3A_934 : vector<16xf32>
      %eq3A_936 = arith.cmpf oeq, %select_n3A_907, %max3A_935 : vector<16xf32>
      %and3A_937 = arith.andi %eq3A_906, %eq3A_936 : vector<16xi1>
      %broadcast_in_dim3A_938 = arith.constant 99 : i32
      %broadcast_in_dim3A_939 = vector.broadcast %broadcast_in_dim3A_938 : i32 to vector<16xi32>
      %select_n3A_940 = arith.select %and3A_937, %iota3A, %broadcast_in_dim3A_939 : vector<16xi1>, vector<16xi32>
      %xor3A_941 = arith.constant 1 : i32
      %xor3A_942 = vector.broadcast %xor3A_941 : i32 to vector<16xi32>
      %xor3A_943 = arith.xori %iota3A, %xor3A_942 : vector<16xi32>
      %reshape3A_944 = vector.shape_cast %xor3A_943 : vector<16xi32> to vector<16x1xi32>
      %gather3A_945 = vector.shape_cast %reshape3A_944 : vector<16x1xi32> to vector<16xi32>
      %gather3A_946 = tpu.dynamic_gather %select_n3A_940[%gather3A_945] in [0] : vector<16xi32>, vector<16xi32> -> vector<16xi32>
      %min3A_947 = arith.minsi %select_n3A_940, %gather3A_946 : vector<16xi32>
      %xor3A_948 = arith.constant 2 : i32
      %xor3A_949 = vector.broadcast %xor3A_948 : i32 to vector<16xi32>
      %xor3A_950 = arith.xori %iota3A, %xor3A_949 : vector<16xi32>
      %reshape3A_951 = vector.shape_cast %xor3A_950 : vector<16xi32> to vector<16x1xi32>
      %gather3A_952 = vector.shape_cast %reshape3A_951 : vector<16x1xi32> to vector<16xi32>
      %gather3A_953 = tpu.dynamic_gather %min3A_947[%gather3A_952] in [0] : vector<16xi32>, vector<16xi32> -> vector<16xi32>
      %min3A_954 = arith.minsi %min3A_947, %gather3A_953 : vector<16xi32>
      %xor3A_955 = arith.constant 4 : i32
      %xor3A_956 = vector.broadcast %xor3A_955 : i32 to vector<16xi32>
      %xor3A_957 = arith.xori %iota3A, %xor3A_956 : vector<16xi32>
      %reshape3A_958 = vector.shape_cast %xor3A_957 : vector<16xi32> to vector<16x1xi32>
      %gather3A_959 = vector.shape_cast %reshape3A_958 : vector<16x1xi32> to vector<16xi32>
      %gather3A_960 = tpu.dynamic_gather %min3A_954[%gather3A_959] in [0] : vector<16xi32>, vector<16xi32> -> vector<16xi32>
      %min3A_961 = arith.minsi %min3A_954, %gather3A_960 : vector<16xi32>
      %xor3A_962 = arith.constant 8 : i32
      %xor3A_963 = vector.broadcast %xor3A_962 : i32 to vector<16xi32>
      %xor3A_964 = arith.xori %iota3A, %xor3A_963 : vector<16xi32>
      %reshape3A_965 = vector.shape_cast %xor3A_964 : vector<16xi32> to vector<16x1xi32>
      %gather3A_966 = vector.shape_cast %reshape3A_965 : vector<16x1xi32> to vector<16xi32>
      %gather3A_967 = tpu.dynamic_gather %min3A_961[%gather3A_966] in [0] : vector<16xi32>, vector<16xi32> -> vector<16xi32>
      %min3A_968 = arith.minsi %min3A_961, %gather3A_967 : vector<16xi32>
      %slice3A_969 = vector.extract_strided_slice %min3A_968 {offsets = [0], sizes = [1], strides = [1]} : vector<16xi32> to vector<1xi32>
      %squeeze3A_970 = vector.extract %slice3A_969[0] : i32 from vector<1xi32>
      %add3A_971 = arith.constant 1 : i32
      %add3A_972 = arith.addi %squeeze3A_970, %add3A_971 : i32
      %broadcast_in_dim3A_973 = vector.broadcast %while3A_845 : i32 to vector<16xi32>
      %broadcast_in_dim3A_974 = vector.broadcast %add3A_972 : i32 to vector<16xi32>
      tpu.vector_store_idx %arg29[%broadcast_in_dim3A_973], %broadcast_in_dim3A_974 masked %eq3A_179 : memref<80xi32, #tpu.memory_space<vmem>>[vector<16xi32>], vector<16xi32>, vector<16xi1>
      %sub3A_975 = arith.constant 1 : i32
      %sub3A_976 = arith.subi %while3A_845, %sub3A_975 : i32
      scf.yield %sub3A_976, %add3A_972 : i32, i32
    }
    %xor3A_642 = arith.constant 1 : i32
    %xor3A_643 = vector.broadcast %xor3A_642 : i32 to vector<16xi32>
    %xor3A_644 = arith.xori %iota3A, %xor3A_643 : vector<16xi32>
    %reshape3A_645 = vector.shape_cast %xor3A_644 : vector<16xi32> to vector<16x1xi32>
    %gather3A_646 = vector.shape_cast %reshape3A_645 : vector<16x1xi32> to vector<16xi32>
    %gather3A_647 = tpu.dynamic_gather %while3A_177#6[%gather3A_646] in [0] : vector<16xf32>, vector<16xi32> -> vector<16xf32>
    %add3A_648 = arith.addf %while3A_177#6, %gather3A_647 : vector<16xf32>
    %xor3A_649 = arith.constant 2 : i32
    %xor3A_650 = vector.broadcast %xor3A_649 : i32 to vector<16xi32>
    %xor3A_651 = arith.xori %iota3A, %xor3A_650 : vector<16xi32>
    %reshape3A_652 = vector.shape_cast %xor3A_651 : vector<16xi32> to vector<16x1xi32>
    %gather3A_653 = vector.shape_cast %reshape3A_652 : vector<16x1xi32> to vector<16xi32>
    %gather3A_654 = tpu.dynamic_gather %add3A_648[%gather3A_653] in [0] : vector<16xf32>, vector<16xi32> -> vector<16xf32>
    %add3A_655 = arith.addf %add3A_648, %gather3A_654 : vector<16xf32>
    %xor3A_656 = arith.constant 4 : i32
    %xor3A_657 = vector.broadcast %xor3A_656 : i32 to vector<16xi32>
    %xor3A_658 = arith.xori %iota3A, %xor3A_657 : vector<16xi32>
    %reshape3A_659 = vector.shape_cast %xor3A_658 : vector<16xi32> to vector<16x1xi32>
    %gather3A_660 = vector.shape_cast %reshape3A_659 : vector<16x1xi32> to vector<16xi32>
    %gather3A_661 = tpu.dynamic_gather %add3A_655[%gather3A_660] in [0] : vector<16xf32>, vector<16xi32> -> vector<16xf32>
    %add3A_662 = arith.addf %add3A_655, %gather3A_661 : vector<16xf32>
    %xor3A_663 = arith.constant 8 : i32
    %xor3A_664 = vector.broadcast %xor3A_663 : i32 to vector<16xi32>
    %xor3A_665 = arith.xori %iota3A, %xor3A_664 : vector<16xi32>
    %reshape3A_666 = vector.shape_cast %xor3A_665 : vector<16xi32> to vector<16x1xi32>
    %gather3A_667 = vector.shape_cast %reshape3A_666 : vector<16x1xi32> to vector<16xi32>
    %gather3A_668 = tpu.dynamic_gather %add3A_662[%gather3A_667] in [0] : vector<16xf32>, vector<16xi32> -> vector<16xf32>
    %add3A_669 = arith.addf %add3A_662, %gather3A_668 : vector<16xf32>
    %add3A_670 = arith.constant 1 : i32
    %add3A_671 = vector.broadcast %add3A_670 : i32 to vector<16xi32>
    %add3A_672 = arith.addi %iota3A, %add3A_671 : vector<16xi32>
    %gather3A_673 = tpu.vector_load_idx %arg18[%add3A_672] : memref<80xi32, #tpu.memory_space<vmem>>[vector<16xi32>], vector<16xi32>,
    %ge3A_674 = arith.constant 1 : i32
    %ge3A_675 = vector.broadcast %ge3A_674 : i32 to vector<16xi32>
    %ge3A_676 = arith.cmpi sge, %gather3A_673, %ge3A_675 : vector<16xi32>
    %le3A_677 = arith.constant 16 : i32
    %le3A_678 = vector.broadcast %le3A_677 : i32 to vector<16xi32>
    %le3A_679 = arith.cmpi sle, %gather3A_673, %le3A_678 : vector<16xi32>
    %and3A_680 = arith.andi %ge3A_676, %le3A_679 : vector<16xi1>
    %sub3A_681 = arith.constant 1 : i32
    %sub3A_682 = vector.broadcast %sub3A_681 : i32 to vector<16xi32>
    %sub3A_683 = arith.subi %gather3A_673, %sub3A_682 : vector<16xi32>
    %max3A_684 = arith.constant 0 : i32
    %max3A_685 = vector.broadcast %max3A_684 : i32 to vector<16xi32>
    %max3A_686 = arith.maxsi %sub3A_683, %max3A_685 : vector<16xi32>
    %min3A_687 = arith.constant 15 : i32
    %min3A_688 = vector.broadcast %min3A_687 : i32 to vector<16xi32>
    %min3A_689 = arith.minsi %max3A_686, %min3A_688 : vector<16xi32>
    %gather3A_690 = tpu.vector_load_idx %arg15[%add3A_672, %min3A_689] : memref<65x16xf32, #tpu.memory_space<vmem>>[vector<16xi32>, vector<16xi32>], vector<16xf32>,
    %select_n3A_691 = arith.select %and3A_680, %gather3A_690, %broadcast_in_dim3A_1 : vector<16xi1>, vector<16xf32>
    %add3A_692 = arith.addf %broadcast_in_dim3A_1, %select_n3A_691 : vector<16xf32>
    %le3A_693 = arith.constant 63 : i32
    %le3A_694 = vector.broadcast %le3A_693 : i32 to vector<16xi32>
    %le3A_695 = arith.cmpi sle, %add3A_672, %le3A_694 : vector<16xi32>
    %add3A_696 = arith.constant 1 : i32
    %add3A_697 = vector.broadcast %add3A_696 : i32 to vector<16xi32>
    %add3A_698 = arith.addi %add3A_672, %add3A_697 : vector<16xi32>
    %gather3A_699 = tpu.vector_load_idx %arg18[%add3A_698] : memref<80xi32, #tpu.memory_space<vmem>>[vector<16xi32>], vector<16xi32>,
    %gather3A_700 = tpu.vector_load_idx %arg24[%gather3A_673, %gather3A_699] : memref<18x18xf32, #tpu.memory_space<vmem>>[vector<16xi32>, vector<16xi32>], vector<16xf32>,
    %select_n3A_701 = arith.select %le3A_695, %gather3A_700, %broadcast_in_dim3A_1 : vector<16xi1>, vector<16xf32>
    %add3A_702 = arith.addf %add3A_692, %select_n3A_701 : vector<16xf32>
    %add3A_703 = arith.constant 17 : i32
    %add3A_704 = vector.broadcast %add3A_703 : i32 to vector<16xi32>
    %add3A_705 = arith.addi %iota3A, %add3A_704 : vector<16xi32>
    %gather3A_706 = tpu.vector_load_idx %arg18[%add3A_705] : memref<80xi32, #tpu.memory_space<vmem>>[vector<16xi32>], vector<16xi32>,
    %ge3A_707 = arith.constant 1 : i32
    %ge3A_708 = vector.broadcast %ge3A_707 : i32 to vector<16xi32>
    %ge3A_709 = arith.cmpi sge, %gather3A_706, %ge3A_708 : vector<16xi32>
    %le3A_710 = arith.constant 16 : i32
    %le3A_711 = vector.broadcast %le3A_710 : i32 to vector<16xi32>
    %le3A_712 = arith.cmpi sle, %gather3A_706, %le3A_711 : vector<16xi32>
    %and3A_713 = arith.andi %ge3A_709, %le3A_712 : vector<16xi1>
    %sub3A_714 = arith.constant 1 : i32
    %sub3A_715 = vector.broadcast %sub3A_714 : i32 to vector<16xi32>
    %sub3A_716 = arith.subi %gather3A_706, %sub3A_715 : vector<16xi32>
    %max3A_717 = arith.constant 0 : i32
    %max3A_718 = vector.broadcast %max3A_717 : i32 to vector<16xi32>
    %max3A_719 = arith.maxsi %sub3A_716, %max3A_718 : vector<16xi32>
    %min3A_720 = arith.constant 15 : i32
    %min3A_721 = vector.broadcast %min3A_720 : i32 to vector<16xi32>
    %min3A_722 = arith.minsi %max3A_719, %min3A_721 : vector<16xi32>
    %gather3A_723 = tpu.vector_load_idx %arg15[%add3A_705, %min3A_722] : memref<65x16xf32, #tpu.memory_space<vmem>>[vector<16xi32>, vector<16xi32>], vector<16xf32>,
    %select_n3A_724 = arith.select %and3A_713, %gather3A_723, %broadcast_in_dim3A_1 : vector<16xi1>, vector<16xf32>
    %add3A_725 = arith.addf %add3A_702, %select_n3A_724 : vector<16xf32>
    %le3A_726 = arith.constant 63 : i32
    %le3A_727 = vector.broadcast %le3A_726 : i32 to vector<16xi32>
    %le3A_728 = arith.cmpi sle, %add3A_705, %le3A_727 : vector<16xi32>
    %add3A_729 = arith.constant 1 : i32
    %add3A_730 = vector.broadcast %add3A_729 : i32 to vector<16xi32>
    %add3A_731 = arith.addi %add3A_705, %add3A_730 : vector<16xi32>
    %gather3A_732 = tpu.vector_load_idx %arg18[%add3A_731] : memref<80xi32, #tpu.memory_space<vmem>>[vector<16xi32>], vector<16xi32>,
    %gather3A_733 = tpu.vector_load_idx %arg24[%gather3A_706, %gather3A_732] : memref<18x18xf32, #tpu.memory_space<vmem>>[vector<16xi32>, vector<16xi32>], vector<16xf32>,
    %select_n3A_734 = arith.select %le3A_728, %gather3A_733, %broadcast_in_dim3A_1 : vector<16xi1>, vector<16xf32>
    %add3A_735 = arith.addf %add3A_725, %select_n3A_734 : vector<16xf32>
    %add3A_736 = arith.constant 33 : i32
    %add3A_737 = vector.broadcast %add3A_736 : i32 to vector<16xi32>
    %add3A_738 = arith.addi %iota3A, %add3A_737 : vector<16xi32>
    %gather3A_739 = tpu.vector_load_idx %arg18[%add3A_738] : memref<80xi32, #tpu.memory_space<vmem>>[vector<16xi32>], vector<16xi32>,
    %ge3A_740 = arith.constant 1 : i32
    %ge3A_741 = vector.broadcast %ge3A_740 : i32 to vector<16xi32>
    %ge3A_742 = arith.cmpi sge, %gather3A_739, %ge3A_741 : vector<16xi32>
    %le3A_743 = arith.constant 16 : i32
    %le3A_744 = vector.broadcast %le3A_743 : i32 to vector<16xi32>
    %le3A_745 = arith.cmpi sle, %gather3A_739, %le3A_744 : vector<16xi32>
    %and3A_746 = arith.andi %ge3A_742, %le3A_745 : vector<16xi1>
    %sub3A_747 = arith.constant 1 : i32
    %sub3A_748 = vector.broadcast %sub3A_747 : i32 to vector<16xi32>
    %sub3A_749 = arith.subi %gather3A_739, %sub3A_748 : vector<16xi32>
    %max3A_750 = arith.constant 0 : i32
    %max3A_751 = vector.broadcast %max3A_750 : i32 to vector<16xi32>
    %max3A_752 = arith.maxsi %sub3A_749, %max3A_751 : vector<16xi32>
    %min3A_753 = arith.constant 15 : i32
    %min3A_754 = vector.broadcast %min3A_753 : i32 to vector<16xi32>
    %min3A_755 = arith.minsi %max3A_752, %min3A_754 : vector<16xi32>
    %gather3A_756 = tpu.vector_load_idx %arg15[%add3A_738, %min3A_755] : memref<65x16xf32, #tpu.memory_space<vmem>>[vector<16xi32>, vector<16xi32>], vector<16xf32>,
    %select_n3A_757 = arith.select %and3A_746, %gather3A_756, %broadcast_in_dim3A_1 : vector<16xi1>, vector<16xf32>
    %add3A_758 = arith.addf %add3A_735, %select_n3A_757 : vector<16xf32>
    %le3A_759 = arith.constant 63 : i32
    %le3A_760 = vector.broadcast %le3A_759 : i32 to vector<16xi32>
    %le3A_761 = arith.cmpi sle, %add3A_738, %le3A_760 : vector<16xi32>
    %add3A_762 = arith.constant 1 : i32
    %add3A_763 = vector.broadcast %add3A_762 : i32 to vector<16xi32>
    %add3A_764 = arith.addi %add3A_738, %add3A_763 : vector<16xi32>
    %gather3A_765 = tpu.vector_load_idx %arg18[%add3A_764] : memref<80xi32, #tpu.memory_space<vmem>>[vector<16xi32>], vector<16xi32>,
    %gather3A_766 = tpu.vector_load_idx %arg24[%gather3A_739, %gather3A_765] : memref<18x18xf32, #tpu.memory_space<vmem>>[vector<16xi32>, vector<16xi32>], vector<16xf32>,
    %select_n3A_767 = arith.select %le3A_761, %gather3A_766, %broadcast_in_dim3A_1 : vector<16xi1>, vector<16xf32>
    %add3A_768 = arith.addf %add3A_758, %select_n3A_767 : vector<16xf32>
    %add3A_769 = arith.constant 49 : i32
    %add3A_770 = vector.broadcast %add3A_769 : i32 to vector<16xi32>
    %add3A_771 = arith.addi %iota3A, %add3A_770 : vector<16xi32>
    %gather3A_772 = tpu.vector_load_idx %arg18[%add3A_771] : memref<80xi32, #tpu.memory_space<vmem>>[vector<16xi32>], vector<16xi32>,
    %ge3A_773 = arith.constant 1 : i32
    %ge3A_774 = vector.broadcast %ge3A_773 : i32 to vector<16xi32>
    %ge3A_775 = arith.cmpi sge, %gather3A_772, %ge3A_774 : vector<16xi32>
    %le3A_776 = arith.constant 16 : i32
    %le3A_777 = vector.broadcast %le3A_776 : i32 to vector<16xi32>
    %le3A_778 = arith.cmpi sle, %gather3A_772, %le3A_777 : vector<16xi32>
    %and3A_779 = arith.andi %ge3A_775, %le3A_778 : vector<16xi1>
    %sub3A_780 = arith.constant 1 : i32
    %sub3A_781 = vector.broadcast %sub3A_780 : i32 to vector<16xi32>
    %sub3A_782 = arith.subi %gather3A_772, %sub3A_781 : vector<16xi32>
    %max3A_783 = arith.constant 0 : i32
    %max3A_784 = vector.broadcast %max3A_783 : i32 to vector<16xi32>
    %max3A_785 = arith.maxsi %sub3A_782, %max3A_784 : vector<16xi32>
    %min3A_786 = arith.constant 15 : i32
    %min3A_787 = vector.broadcast %min3A_786 : i32 to vector<16xi32>
    %min3A_788 = arith.minsi %max3A_785, %min3A_787 : vector<16xi32>
    %gather3A_789 = tpu.vector_load_idx %arg15[%add3A_771, %min3A_788] : memref<65x16xf32, #tpu.memory_space<vmem>>[vector<16xi32>, vector<16xi32>], vector<16xf32>,
    %select_n3A_790 = arith.select %and3A_779, %gather3A_789, %broadcast_in_dim3A_1 : vector<16xi1>, vector<16xf32>
    %add3A_791 = arith.addf %add3A_768, %select_n3A_790 : vector<16xf32>
    %le3A_792 = arith.constant 63 : i32
    %le3A_793 = vector.broadcast %le3A_792 : i32 to vector<16xi32>
    %le3A_794 = arith.cmpi sle, %add3A_771, %le3A_793 : vector<16xi32>
    %add3A_795 = arith.constant 1 : i32
    %add3A_796 = vector.broadcast %add3A_795 : i32 to vector<16xi32>
    %add3A_797 = arith.addi %add3A_771, %add3A_796 : vector<16xi32>
    %gather3A_798 = tpu.vector_load_idx %arg18[%add3A_797] : memref<80xi32, #tpu.memory_space<vmem>>[vector<16xi32>], vector<16xi32>,
    %gather3A_799 = tpu.vector_load_idx %arg24[%gather3A_772, %gather3A_798] : memref<18x18xf32, #tpu.memory_space<vmem>>[vector<16xi32>, vector<16xi32>], vector<16xf32>,
    %select_n3A_800 = arith.select %le3A_794, %gather3A_799, %broadcast_in_dim3A_1 : vector<16xi1>, vector<16xf32>
    %add3A_801 = arith.addf %add3A_791, %select_n3A_800 : vector<16xf32>
    %xor3A_802 = arith.constant 1 : i32
    %xor3A_803 = vector.broadcast %xor3A_802 : i32 to vector<16xi32>
    %xor3A_804 = arith.xori %iota3A, %xor3A_803 : vector<16xi32>
    %reshape3A_805 = vector.shape_cast %xor3A_804 : vector<16xi32> to vector<16x1xi32>
    %gather3A_806 = vector.shape_cast %reshape3A_805 : vector<16x1xi32> to vector<16xi32>
    %gather3A_807 = tpu.dynamic_gather %add3A_801[%gather3A_806] in [0] : vector<16xf32>, vector<16xi32> -> vector<16xf32>
    %add3A_808 = arith.addf %add3A_801, %gather3A_807 : vector<16xf32>
    %xor3A_809 = arith.constant 2 : i32
    %xor3A_810 = vector.broadcast %xor3A_809 : i32 to vector<16xi32>
    %xor3A_811 = arith.xori %iota3A, %xor3A_810 : vector<16xi32>
    %reshape3A_812 = vector.shape_cast %xor3A_811 : vector<16xi32> to vector<16x1xi32>
    %gather3A_813 = vector.shape_cast %reshape3A_812 : vector<16x1xi32> to vector<16xi32>
    %gather3A_814 = tpu.dynamic_gather %add3A_808[%gather3A_813] in [0] : vector<16xf32>, vector<16xi32> -> vector<16xf32>
    %add3A_815 = arith.addf %add3A_808, %gather3A_814 : vector<16xf32>
    %xor3A_816 = arith.constant 4 : i32
    %xor3A_817 = vector.broadcast %xor3A_816 : i32 to vector<16xi32>
    %xor3A_818 = arith.xori %iota3A, %xor3A_817 : vector<16xi32>
    %reshape3A_819 = vector.shape_cast %xor3A_818 : vector<16xi32> to vector<16x1xi32>
    %gather3A_820 = vector.shape_cast %reshape3A_819 : vector<16x1xi32> to vector<16xi32>
    %gather3A_821 = tpu.dynamic_gather %add3A_815[%gather3A_820] in [0] : vector<16xf32>, vector<16xi32> -> vector<16xf32>
    %add3A_822 = arith.addf %add3A_815, %gather3A_821 : vector<16xf32>
    %xor3A_823 = arith.constant 8 : i32
    %xor3A_824 = vector.broadcast %xor3A_823 : i32 to vector<16xi32>
    %xor3A_825 = arith.xori %iota3A, %xor3A_824 : vector<16xi32>
    %reshape3A_826 = vector.shape_cast %xor3A_825 : vector<16xi32> to vector<16x1xi32>
    %gather3A_827 = vector.shape_cast %reshape3A_826 : vector<16x1xi32> to vector<16xi32>
    %gather3A_828 = tpu.dynamic_gather %add3A_822[%gather3A_827] in [0] : vector<16xf32>, vector<16xi32> -> vector<16xf32>
    %add3A_829 = arith.addf %add3A_822, %gather3A_828 : vector<16xf32>
    %eq3A_830 = arith.constant 0 : i32
    %eq3A_831 = vector.broadcast %eq3A_830 : i32 to vector<16xi32>
    %eq3A_832 = arith.cmpi eq, %iota3A, %eq3A_831 : vector<16xi32>
    %eq3A_833 = arith.constant 1 : i32
    %eq3A_834 = vector.broadcast %eq3A_833 : i32 to vector<16xi32>
    %eq3A_835 = arith.cmpi eq, %iota3A, %eq3A_834 : vector<16xi32>
    %eq3A_836 = arith.constant 2 : i32
    %eq3A_837 = vector.broadcast %eq3A_836 : i32 to vector<16xi32>
    %eq3A_838 = arith.cmpi eq, %iota3A, %eq3A_837 : vector<16xi32>
    %convert_element_type3A_839 = arith.sitofp %while3A_177#8 : vector<16xi32> to vector<16xf32>
    %select_n3A_840 = arith.select %eq3A_838, %convert_element_type3A_839, %broadcast_in_dim3A_1 : vector<16xi1>, vector<16xf32>
    %select_n3A_841 = arith.select %eq3A_835, %add3A_669, %select_n3A_840 : vector<16xi1>, vector<16xf32>
    %select_n3A_842 = arith.select %eq3A_832, %add3A_829, %select_n3A_841 : vector<16xi1>, vector<16xf32>
    %swap3A_843 = arith.constant 0 : index
    %swap3A_844 = tpu.vector_load %arg30[%swap3A_843] {strides = array<i32>} : memref<16xf32, #tpu.memory_space<vmem>>, vector<16xf32>,
    tpu.vector_store %arg30[%swap3A_843], %select_n3A_842 {strides = array<i32>} : memref<16xf32, #tpu.memory_space<vmem>>, vector<16xf32>,
    "tpu.region"() ({
      %run_scoped3A = tpu.sem_alloc : memref<!tpu.dma_semaphore, #tpu.memory_space<semaphore_mem>>
      %dma_start3A_845 = arith.constant 0 : i32
      %dma_start3A_846 = tpu.memref_slice %arg11[%add3A_39, %dma_start3A_845] : memref<64x80xi32, #tpu.memory_space<hbm>> -> memref<1x80xi32, #tpu.memory_space<hbm>>
      %dma_start3A_847 = tpu.memref_squeeze %dma_start3A_846 : memref<1x80xi32, #tpu.memory_space<hbm>> -> memref<80xi32, #tpu.memory_space<hbm>>
      %dma_start3A_848 = arith.constant 0 : i32
      %dma_start3A_849 = tpu.memref_slice %arg11[%add3A_39, %dma_start3A_848] : memref<64x80xi32, #tpu.memory_space<hbm>> -> memref<1x80xi32, #tpu.memory_space<hbm>>
      %dma_start3A_850 = tpu.memref_squeeze %dma_start3A_849 : memref<1x80xi32, #tpu.memory_space<hbm>> -> memref<80xi32, #tpu.memory_space<hbm>>
      tpu.enqueue_dma source(%arg29 : memref<80xi32, #tpu.memory_space<vmem>>) target(%dma_start3A_850 : memref<80xi32, #tpu.memory_space<hbm>>) target_semaphore(%run_scoped3A : memref<!tpu.dma_semaphore, #tpu.memory_space<semaphore_mem>>)
      %dma_wait3A_851 = arith.constant 0 : i32
      %dma_wait3A_852 = tpu.memref_slice %arg11[%add3A_39, %dma_wait3A_851] : memref<64x80xi32, #tpu.memory_space<hbm>> -> memref<1x80xi32, #tpu.memory_space<hbm>>
      %dma_wait3A_853 = tpu.memref_squeeze %dma_wait3A_852 : memref<1x80xi32, #tpu.memory_space<hbm>> -> memref<80xi32, #tpu.memory_space<hbm>>
      %dma_wait3A_854 = arith.constant 0 : i32
      %dma_wait3A_855 = tpu.memref_slice %arg11[%add3A_39, %dma_wait3A_854] : memref<64x80xi32, #tpu.memory_space<hbm>> -> memref<1x80xi32, #tpu.memory_space<hbm>>
      %dma_wait3A_856 = tpu.memref_squeeze %dma_wait3A_855 : memref<1x80xi32, #tpu.memory_space<hbm>> -> memref<80xi32, #tpu.memory_space<hbm>>
      tpu.wait_dma2 semaphore(%run_scoped3A : memref<!tpu.dma_semaphore, #tpu.memory_space<semaphore_mem>>) src(%arg29 : memref<80xi32, #tpu.memory_space<vmem>>) dst(%dma_wait3A_856 : memref<80xi32, #tpu.memory_space<hbm>>)
      tpu.yield
    }) : () -> ()
    "tpu.region"() ({
      %run_scoped3A = tpu.sem_alloc : memref<!tpu.dma_semaphore, #tpu.memory_space<semaphore_mem>>
      %dma_start3A_845 = arith.constant 0 : i32
      %dma_start3A_846 = tpu.memref_slice %arg12[%add3A_39, %dma_start3A_845] : memref<64x16xf32, #tpu.memory_space<hbm>> -> memref<1x16xf32, #tpu.memory_space<hbm>>
      %dma_start3A_847 = tpu.memref_squeeze %dma_start3A_846 : memref<1x16xf32, #tpu.memory_space<hbm>> -> memref<16xf32, #tpu.memory_space<hbm>>
      %dma_start3A_848 = arith.constant 0 : i32
      %dma_start3A_849 = tpu.memref_slice %arg12[%add3A_39, %dma_start3A_848] : memref<64x16xf32, #tpu.memory_space<hbm>> -> memref<1x16xf32, #tpu.memory_space<hbm>>
      %dma_start3A_850 = tpu.memref_squeeze %dma_start3A_849 : memref<1x16xf32, #tpu.memory_space<hbm>> -> memref<16xf32, #tpu.memory_space<hbm>>
      tpu.enqueue_dma source(%arg30 : memref<16xf32, #tpu.memory_space<vmem>>) target(%dma_start3A_850 : memref<16xf32, #tpu.memory_space<hbm>>) target_semaphore(%run_scoped3A : memref<!tpu.dma_semaphore, #tpu.memory_space<semaphore_mem>>)
      %dma_wait3A_851 = arith.constant 0 : i32
      %dma_wait3A_852 = tpu.memref_slice %arg12[%add3A_39, %dma_wait3A_851] : memref<64x16xf32, #tpu.memory_space<hbm>> -> memref<1x16xf32, #tpu.memory_space<hbm>>
      %dma_wait3A_853 = tpu.memref_squeeze %dma_wait3A_852 : memref<1x16xf32, #tpu.memory_space<hbm>> -> memref<16xf32, #tpu.memory_space<hbm>>
      %dma_wait3A_854 = arith.constant 0 : i32
      %dma_wait3A_855 = tpu.memref_slice %arg12[%add3A_39, %dma_wait3A_854] : memref<64x16xf32, #tpu.memory_space<hbm>> -> memref<1x16xf32, #tpu.memory_space<hbm>>
      %dma_wait3A_856 = tpu.memref_squeeze %dma_wait3A_855 : memref<1x16xf32, #tpu.memory_space<hbm>> -> memref<16xf32, #tpu.memory_space<hbm>>
      tpu.wait_dma2 semaphore(%run_scoped3A : memref<!tpu.dma_semaphore, #tpu.memory_space<semaphore_mem>>) src(%arg30 : memref<16xf32, #tpu.memory_space<vmem>>) dst(%dma_wait3A_856 : memref<16xf32, #tpu.memory_space<hbm>>)
      tpu.yield
    }) : () -> ()
    return
  }
}

module attributes {stable_mosaic.version = 14 : i64} {
  func.func @_u_body(%arg0: i32, %arg1: memref<416x128xf32, #tpu.memory_space<vmem>>, %arg2: memref<128x16xf32, #tpu.memory_space<vmem>>, %arg3: memref<128x16xf32, #tpu.memory_space<vmem>>, %arg4: memref<416x16xf32, #tpu.memory_space<vmem>>, %arg5: memref<416x16xf32, #tpu.memory_space<vmem>>) attributes {dimension_semantics = [#tpu.dimension_semantics<arbitrary>], iteration_bounds = array<i64: 10>, scalar_prefetch = 0 : i64, scratch_operands = 0 : i64, tpu.core_type = #tpu.core_type<tc>, window_params = [{transform_indices = @transform_0, window_bounds = array<i64: 416, 128>}, {transform_indices = @transform_1, window_bounds = array<i64: 128, 16>}, {transform_indices = @transform_2, window_bounds = array<i64: 128, 16>}, {transform_indices = @transform_3, window_bounds = array<i64: 416, 16>}, {transform_indices = @transform_4, window_bounds = array<i64: 416, 16>}]} {
    %get3A = arith.constant 0 : index
    %get3A_0 = arith.constant 0 : index
    %get3A_1 = vector.load %arg1[%get3A, %get3A_0] : memref<416x128xf32, #tpu.memory_space<vmem>>, vector<416x128xf32>
    %transpose3A = tpu.transpose %get3A_1, [1, 0] : vector<416x128xf32> -> vector<128x416xf32>
    %bitcast_convert_type3A = tpu.bitcast %transpose3A : vector<128x416xf32> -> vector<128x416xi32>
    %and3A = arith.constant -4096 : i32
    %and3A_2 = vector.broadcast %and3A : i32 to vector<128x416xi32>
    %and3A_3 = arith.andi %bitcast_convert_type3A, %and3A_2 : vector<128x416xi32>
    %bitcast_convert_type3A_4 = tpu.bitcast %and3A_3 : vector<128x416xi32> -> vector<128x416xf32>
    %sub3A = arith.subf %transpose3A, %bitcast_convert_type3A_4 : vector<128x416xf32>
    %get3A_5 = arith.constant 0 : index
    %get3A_6 = arith.constant 0 : index
    %get3A_7 = vector.load %arg2[%get3A_5, %get3A_6] : memref<128x16xf32, #tpu.memory_space<vmem>>, vector<128x1xf32>
    %get3A_8 = arith.constant 0 : index
    %get3A_9 = arith.constant 0 : index
    %get3A_10 = vector.load %arg3[%get3A_8, %get3A_9] : memref<128x16xf32, #tpu.memory_space<vmem>>, vector<128x1xf32>
    %bitcast_convert_type3A_11 = tpu.bitcast %get3A_7 : vector<128x1xf32> -> vector<128x1xi32>
    %and3A_12 = arith.constant -4096 : i32
    %and3A_13 = vector.broadcast %and3A_12 : i32 to vector<128x1xi32>
    %and3A_14 = arith.andi %bitcast_convert_type3A_11, %and3A_13 : vector<128x1xi32>
    %bitcast_convert_type3A_15 = tpu.bitcast %and3A_14 : vector<128x1xi32> -> vector<128x1xf32>
    %sub3A_16 = arith.subf %get3A_7, %bitcast_convert_type3A_15 : vector<128x1xf32>
    %mul3A = vector.broadcast %bitcast_convert_type3A_15 : vector<128x1xf32> to vector<128x416xf32>
    %mul3A_17 = arith.mulf %bitcast_convert_type3A_4, %mul3A : vector<128x416xf32>
    %mul3A_18 = vector.broadcast %sub3A_16 : vector<128x1xf32> to vector<128x416xf32>
    %mul3A_19 = arith.mulf %bitcast_convert_type3A_4, %mul3A_18 : vector<128x416xf32>
    %mul3A_20 = vector.broadcast %get3A_7 : vector<128x1xf32> to vector<128x416xf32>
    %mul3A_21 = arith.mulf %sub3A, %mul3A_20 : vector<128x416xf32>
    %add3A = arith.addf %mul3A_19, %mul3A_21 : vector<128x416xf32>
    %mul3A_22 = vector.broadcast %get3A_10 : vector<128x1xf32> to vector<128x416xf32>
    %mul3A_23 = arith.mulf %transpose3A, %mul3A_22 : vector<128x416xf32>
    %add3A_24 = arith.addf %add3A, %mul3A_23 : vector<128x416xf32>
    %slice3A = vector.extract_strided_slice %mul3A_17 {offsets = [0, 0], sizes = [64, 416], strides = [1, 1]} : vector<128x416xf32> to vector<64x416xf32>
    %slice3A_25 = vector.extract_strided_slice %add3A_24 {offsets = [0, 0], sizes = [64, 416], strides = [1, 1]} : vector<128x416xf32> to vector<64x416xf32>
    %slice3A_26 = vector.extract_strided_slice %mul3A_17 {offsets = [64, 0], sizes = [64, 416], strides = [1, 1]} : vector<128x416xf32> to vector<64x416xf32>
    %slice3A_27 = vector.extract_strided_slice %add3A_24 {offsets = [64, 0], sizes = [64, 416], strides = [1, 1]} : vector<128x416xf32> to vector<64x416xf32>
    %add3A_28 = arith.addf %slice3A, %slice3A_26 : vector<64x416xf32>
    %sub3A_29 = arith.subf %add3A_28, %slice3A : vector<64x416xf32>
    %sub3A_30 = arith.subf %add3A_28, %sub3A_29 : vector<64x416xf32>
    %sub3A_31 = arith.subf %slice3A, %sub3A_30 : vector<64x416xf32>
    %sub3A_32 = arith.subf %slice3A_26, %sub3A_29 : vector<64x416xf32>
    %add3A_33 = arith.addf %sub3A_31, %sub3A_32 : vector<64x416xf32>
    %add3A_34 = arith.addf %slice3A_25, %slice3A_27 : vector<64x416xf32>
    %add3A_35 = arith.addf %add3A_33, %add3A_34 : vector<64x416xf32>
    %add3A_36 = arith.addf %add3A_28, %add3A_35 : vector<64x416xf32>
    %sub3A_37 = arith.subf %add3A_36, %add3A_28 : vector<64x416xf32>
    %sub3A_38 = arith.subf %add3A_35, %sub3A_37 : vector<64x416xf32>
    %slice3A_39 = vector.extract_strided_slice %add3A_36 {offsets = [0, 0], sizes = [32, 416], strides = [1, 1]} : vector<64x416xf32> to vector<32x416xf32>
    %slice3A_40 = vector.extract_strided_slice %sub3A_38 {offsets = [0, 0], sizes = [32, 416], strides = [1, 1]} : vector<64x416xf32> to vector<32x416xf32>
    %slice3A_41 = vector.extract_strided_slice %add3A_36 {offsets = [32, 0], sizes = [32, 416], strides = [1, 1]} : vector<64x416xf32> to vector<32x416xf32>
    %slice3A_42 = vector.extract_strided_slice %sub3A_38 {offsets = [32, 0], sizes = [32, 416], strides = [1, 1]} : vector<64x416xf32> to vector<32x416xf32>
    %add3A_43 = arith.addf %slice3A_39, %slice3A_41 : vector<32x416xf32>
    %sub3A_44 = arith.subf %add3A_43, %slice3A_39 : vector<32x416xf32>
    %sub3A_45 = arith.subf %add3A_43, %sub3A_44 : vector<32x416xf32>
    %sub3A_46 = arith.subf %slice3A_39, %sub3A_45 : vector<32x416xf32>
    %sub3A_47 = arith.subf %slice3A_41, %sub3A_44 : vector<32x416xf32>
    %add3A_48 = arith.addf %sub3A_46, %sub3A_47 : vector<32x416xf32>
    %add3A_49 = arith.addf %slice3A_40, %slice3A_42 : vector<32x416xf32>
    %add3A_50 = arith.addf %add3A_48, %add3A_49 : vector<32x416xf32>
    %add3A_51 = arith.addf %add3A_43, %add3A_50 : vector<32x416xf32>
    %sub3A_52 = arith.subf %add3A_51, %add3A_43 : vector<32x416xf32>
    %sub3A_53 = arith.subf %add3A_50, %sub3A_52 : vector<32x416xf32>
    %slice3A_54 = vector.extract_strided_slice %add3A_51 {offsets = [0, 0], sizes = [16, 416], strides = [1, 1]} : vector<32x416xf32> to vector<16x416xf32>
    %slice3A_55 = vector.extract_strided_slice %sub3A_53 {offsets = [0, 0], sizes = [16, 416], strides = [1, 1]} : vector<32x416xf32> to vector<16x416xf32>
    %slice3A_56 = vector.extract_strided_slice %add3A_51 {offsets = [16, 0], sizes = [16, 416], strides = [1, 1]} : vector<32x416xf32> to vector<16x416xf32>
    %slice3A_57 = vector.extract_strided_slice %sub3A_53 {offsets = [16, 0], sizes = [16, 416], strides = [1, 1]} : vector<32x416xf32> to vector<16x416xf32>
    %add3A_58 = arith.addf %slice3A_54, %slice3A_56 : vector<16x416xf32>
    %sub3A_59 = arith.subf %add3A_58, %slice3A_54 : vector<16x416xf32>
    %sub3A_60 = arith.subf %add3A_58, %sub3A_59 : vector<16x416xf32>
    %sub3A_61 = arith.subf %slice3A_54, %sub3A_60 : vector<16x416xf32>
    %sub3A_62 = arith.subf %slice3A_56, %sub3A_59 : vector<16x416xf32>
    %add3A_63 = arith.addf %sub3A_61, %sub3A_62 : vector<16x416xf32>
    %add3A_64 = arith.addf %slice3A_55, %slice3A_57 : vector<16x416xf32>
    %add3A_65 = arith.addf %add3A_63, %add3A_64 : vector<16x416xf32>
    %add3A_66 = arith.addf %add3A_58, %add3A_65 : vector<16x416xf32>
    %sub3A_67 = arith.subf %add3A_66, %add3A_58 : vector<16x416xf32>
    %sub3A_68 = arith.subf %add3A_65, %sub3A_67 : vector<16x416xf32>
    %slice3A_69 = vector.extract_strided_slice %add3A_66 {offsets = [0, 0], sizes = [8, 416], strides = [1, 1]} : vector<16x416xf32> to vector<8x416xf32>
    %slice3A_70 = vector.extract_strided_slice %sub3A_68 {offsets = [0, 0], sizes = [8, 416], strides = [1, 1]} : vector<16x416xf32> to vector<8x416xf32>
    %slice3A_71 = vector.extract_strided_slice %add3A_66 {offsets = [8, 0], sizes = [8, 416], strides = [1, 1]} : vector<16x416xf32> to vector<8x416xf32>
    %slice3A_72 = vector.extract_strided_slice %sub3A_68 {offsets = [8, 0], sizes = [8, 416], strides = [1, 1]} : vector<16x416xf32> to vector<8x416xf32>
    %add3A_73 = arith.addf %slice3A_69, %slice3A_71 : vector<8x416xf32>
    %sub3A_74 = arith.subf %add3A_73, %slice3A_69 : vector<8x416xf32>
    %sub3A_75 = arith.subf %add3A_73, %sub3A_74 : vector<8x416xf32>
    %sub3A_76 = arith.subf %slice3A_69, %sub3A_75 : vector<8x416xf32>
    %sub3A_77 = arith.subf %slice3A_71, %sub3A_74 : vector<8x416xf32>
    %add3A_78 = arith.addf %sub3A_76, %sub3A_77 : vector<8x416xf32>
    %add3A_79 = arith.addf %slice3A_70, %slice3A_72 : vector<8x416xf32>
    %add3A_80 = arith.addf %add3A_78, %add3A_79 : vector<8x416xf32>
    %add3A_81 = arith.addf %add3A_73, %add3A_80 : vector<8x416xf32>
    %sub3A_82 = arith.subf %add3A_81, %add3A_73 : vector<8x416xf32>
    %sub3A_83 = arith.subf %add3A_80, %sub3A_82 : vector<8x416xf32>
    %slice3A_84 = vector.extract_strided_slice %add3A_81 {offsets = [0, 0], sizes = [4, 416], strides = [1, 1]} : vector<8x416xf32> to vector<4x416xf32>
    %slice3A_85 = vector.extract_strided_slice %sub3A_83 {offsets = [0, 0], sizes = [4, 416], strides = [1, 1]} : vector<8x416xf32> to vector<4x416xf32>
    %slice3A_86 = vector.extract_strided_slice %add3A_81 {offsets = [4, 0], sizes = [4, 416], strides = [1, 1]} : vector<8x416xf32> to vector<4x416xf32>
    %slice3A_87 = vector.extract_strided_slice %sub3A_83 {offsets = [4, 0], sizes = [4, 416], strides = [1, 1]} : vector<8x416xf32> to vector<4x416xf32>
    %add3A_88 = arith.addf %slice3A_84, %slice3A_86 : vector<4x416xf32>
    %sub3A_89 = arith.subf %add3A_88, %slice3A_84 : vector<4x416xf32>
    %sub3A_90 = arith.subf %add3A_88, %sub3A_89 : vector<4x416xf32>
    %sub3A_91 = arith.subf %slice3A_84, %sub3A_90 : vector<4x416xf32>
    %sub3A_92 = arith.subf %slice3A_86, %sub3A_89 : vector<4x416xf32>
    %add3A_93 = arith.addf %sub3A_91, %sub3A_92 : vector<4x416xf32>
    %add3A_94 = arith.addf %slice3A_85, %slice3A_87 : vector<4x416xf32>
    %add3A_95 = arith.addf %add3A_93, %add3A_94 : vector<4x416xf32>
    %add3A_96 = arith.addf %add3A_88, %add3A_95 : vector<4x416xf32>
    %sub3A_97 = arith.subf %add3A_96, %add3A_88 : vector<4x416xf32>
    %sub3A_98 = arith.subf %add3A_95, %sub3A_97 : vector<4x416xf32>
    %slice3A_99 = vector.extract_strided_slice %add3A_96 {offsets = [0, 0], sizes = [2, 416], strides = [1, 1]} : vector<4x416xf32> to vector<2x416xf32>
    %slice3A_100 = vector.extract_strided_slice %sub3A_98 {offsets = [0, 0], sizes = [2, 416], strides = [1, 1]} : vector<4x416xf32> to vector<2x416xf32>
    %slice3A_101 = vector.extract_strided_slice %add3A_96 {offsets = [2, 0], sizes = [2, 416], strides = [1, 1]} : vector<4x416xf32> to vector<2x416xf32>
    %slice3A_102 = vector.extract_strided_slice %sub3A_98 {offsets = [2, 0], sizes = [2, 416], strides = [1, 1]} : vector<4x416xf32> to vector<2x416xf32>
    %add3A_103 = arith.addf %slice3A_99, %slice3A_101 : vector<2x416xf32>
    %sub3A_104 = arith.subf %add3A_103, %slice3A_99 : vector<2x416xf32>
    %sub3A_105 = arith.subf %add3A_103, %sub3A_104 : vector<2x416xf32>
    %sub3A_106 = arith.subf %slice3A_99, %sub3A_105 : vector<2x416xf32>
    %sub3A_107 = arith.subf %slice3A_101, %sub3A_104 : vector<2x416xf32>
    %add3A_108 = arith.addf %sub3A_106, %sub3A_107 : vector<2x416xf32>
    %add3A_109 = arith.addf %slice3A_100, %slice3A_102 : vector<2x416xf32>
    %add3A_110 = arith.addf %add3A_108, %add3A_109 : vector<2x416xf32>
    %add3A_111 = arith.addf %add3A_103, %add3A_110 : vector<2x416xf32>
    %sub3A_112 = arith.subf %add3A_111, %add3A_103 : vector<2x416xf32>
    %sub3A_113 = arith.subf %add3A_110, %sub3A_112 : vector<2x416xf32>
    %slice3A_114 = vector.extract_strided_slice %add3A_111 {offsets = [0, 0], sizes = [1, 416], strides = [1, 1]} : vector<2x416xf32> to vector<1x416xf32>
    %slice3A_115 = vector.extract_strided_slice %sub3A_113 {offsets = [0, 0], sizes = [1, 416], strides = [1, 1]} : vector<2x416xf32> to vector<1x416xf32>
    %slice3A_116 = vector.extract_strided_slice %add3A_111 {offsets = [1, 0], sizes = [1, 416], strides = [1, 1]} : vector<2x416xf32> to vector<1x416xf32>
    %slice3A_117 = vector.extract_strided_slice %sub3A_113 {offsets = [1, 0], sizes = [1, 416], strides = [1, 1]} : vector<2x416xf32> to vector<1x416xf32>
    %add3A_118 = arith.addf %slice3A_114, %slice3A_116 : vector<1x416xf32>
    %sub3A_119 = arith.subf %add3A_118, %slice3A_114 : vector<1x416xf32>
    %sub3A_120 = arith.subf %add3A_118, %sub3A_119 : vector<1x416xf32>
    %sub3A_121 = arith.subf %slice3A_114, %sub3A_120 : vector<1x416xf32>
    %sub3A_122 = arith.subf %slice3A_116, %sub3A_119 : vector<1x416xf32>
    %add3A_123 = arith.addf %sub3A_121, %sub3A_122 : vector<1x416xf32>
    %add3A_124 = arith.addf %slice3A_115, %slice3A_117 : vector<1x416xf32>
    %add3A_125 = arith.addf %add3A_123, %add3A_124 : vector<1x416xf32>
    %add3A_126 = arith.addf %add3A_118, %add3A_125 : vector<1x416xf32>
    %sub3A_127 = arith.subf %add3A_126, %add3A_118 : vector<1x416xf32>
    %sub3A_128 = arith.subf %add3A_125, %sub3A_127 : vector<1x416xf32>
    %get3A_129 = arith.constant 0 : index
    %get3A_130 = arith.constant 1 : index
    %get3A_131 = vector.load %arg2[%get3A_129, %get3A_130] : memref<128x16xf32, #tpu.memory_space<vmem>>, vector<128x1xf32>
    %get3A_132 = arith.constant 0 : index
    %get3A_133 = arith.constant 1 : index
    %get3A_134 = vector.load %arg3[%get3A_132, %get3A_133] : memref<128x16xf32, #tpu.memory_space<vmem>>, vector<128x1xf32>
    %bitcast_convert_type3A_135 = tpu.bitcast %get3A_131 : vector<128x1xf32> -> vector<128x1xi32>
    %and3A_136 = arith.constant -4096 : i32
    %and3A_137 = vector.broadcast %and3A_136 : i32 to vector<128x1xi32>
    %and3A_138 = arith.andi %bitcast_convert_type3A_135, %and3A_137 : vector<128x1xi32>
    %bitcast_convert_type3A_139 = tpu.bitcast %and3A_138 : vector<128x1xi32> -> vector<128x1xf32>
    %sub3A_140 = arith.subf %get3A_131, %bitcast_convert_type3A_139 : vector<128x1xf32>
    %mul3A_141 = vector.broadcast %bitcast_convert_type3A_139 : vector<128x1xf32> to vector<128x416xf32>
    %mul3A_142 = arith.mulf %bitcast_convert_type3A_4, %mul3A_141 : vector<128x416xf32>
    %mul3A_143 = vector.broadcast %sub3A_140 : vector<128x1xf32> to vector<128x416xf32>
    %mul3A_144 = arith.mulf %bitcast_convert_type3A_4, %mul3A_143 : vector<128x416xf32>
    %mul3A_145 = vector.broadcast %get3A_131 : vector<128x1xf32> to vector<128x416xf32>
    %mul3A_146 = arith.mulf %sub3A, %mul3A_145 : vector<128x416xf32>
    %add3A_147 = arith.addf %mul3A_144, %mul3A_146 : vector<128x416xf32>
    %mul3A_148 = vector.broadcast %get3A_134 : vector<128x1xf32> to vector<128x416xf32>
    %mul3A_149 = arith.mulf %transpose3A, %mul3A_148 : vector<128x416xf32>
    %add3A_150 = arith.addf %add3A_147, %mul3A_149 : vector<128x416xf32>
    %slice3A_151 = vector.extract_strided_slice %mul3A_142 {offsets = [0, 0], sizes = [64, 416], strides = [1, 1]} : vector<128x416xf32> to vector<64x416xf32>
    %slice3A_152 = vector.extract_strided_slice %add3A_150 {offsets = [0, 0], sizes = [64, 416], strides = [1, 1]} : vector<128x416xf32> to vector<64x416xf32>
    %slice3A_153 = vector.extract_strided_slice %mul3A_142 {offsets = [64, 0], sizes = [64, 416], strides = [1, 1]} : vector<128x416xf32> to vector<64x416xf32>
    %slice3A_154 = vector.extract_strided_slice %add3A_150 {offsets = [64, 0], sizes = [64, 416], strides = [1, 1]} : vector<128x416xf32> to vector<64x416xf32>
    %add3A_155 = arith.addf %slice3A_151, %slice3A_153 : vector<64x416xf32>
    %sub3A_156 = arith.subf %add3A_155, %slice3A_151 : vector<64x416xf32>
    %sub3A_157 = arith.subf %add3A_155, %sub3A_156 : vector<64x416xf32>
    %sub3A_158 = arith.subf %slice3A_151, %sub3A_157 : vector<64x416xf32>
    %sub3A_159 = arith.subf %slice3A_153, %sub3A_156 : vector<64x416xf32>
    %add3A_160 = arith.addf %sub3A_158, %sub3A_159 : vector<64x416xf32>
    %add3A_161 = arith.addf %slice3A_152, %slice3A_154 : vector<64x416xf32>
    %add3A_162 = arith.addf %add3A_160, %add3A_161 : vector<64x416xf32>
    %add3A_163 = arith.addf %add3A_155, %add3A_162 : vector<64x416xf32>
    %sub3A_164 = arith.subf %add3A_163, %add3A_155 : vector<64x416xf32>
    %sub3A_165 = arith.subf %add3A_162, %sub3A_164 : vector<64x416xf32>
    %slice3A_166 = vector.extract_strided_slice %add3A_163 {offsets = [0, 0], sizes = [32, 416], strides = [1, 1]} : vector<64x416xf32> to vector<32x416xf32>
    %slice3A_167 = vector.extract_strided_slice %sub3A_165 {offsets = [0, 0], sizes = [32, 416], strides = [1, 1]} : vector<64x416xf32> to vector<32x416xf32>
    %slice3A_168 = vector.extract_strided_slice %add3A_163 {offsets = [32, 0], sizes = [32, 416], strides = [1, 1]} : vector<64x416xf32> to vector<32x416xf32>
    %slice3A_169 = vector.extract_strided_slice %sub3A_165 {offsets = [32, 0], sizes = [32, 416], strides = [1, 1]} : vector<64x416xf32> to vector<32x416xf32>
    %add3A_170 = arith.addf %slice3A_166, %slice3A_168 : vector<32x416xf32>
    %sub3A_171 = arith.subf %add3A_170, %slice3A_166 : vector<32x416xf32>
    %sub3A_172 = arith.subf %add3A_170, %sub3A_171 : vector<32x416xf32>
    %sub3A_173 = arith.subf %slice3A_166, %sub3A_172 : vector<32x416xf32>
    %sub3A_174 = arith.subf %slice3A_168, %sub3A_171 : vector<32x416xf32>
    %add3A_175 = arith.addf %sub3A_173, %sub3A_174 : vector<32x416xf32>
    %add3A_176 = arith.addf %slice3A_167, %slice3A_169 : vector<32x416xf32>
    %add3A_177 = arith.addf %add3A_175, %add3A_176 : vector<32x416xf32>
    %add3A_178 = arith.addf %add3A_170, %add3A_177 : vector<32x416xf32>
    %sub3A_179 = arith.subf %add3A_178, %add3A_170 : vector<32x416xf32>
    %sub3A_180 = arith.subf %add3A_177, %sub3A_179 : vector<32x416xf32>
    %slice3A_181 = vector.extract_strided_slice %add3A_178 {offsets = [0, 0], sizes = [16, 416], strides = [1, 1]} : vector<32x416xf32> to vector<16x416xf32>
    %slice3A_182 = vector.extract_strided_slice %sub3A_180 {offsets = [0, 0], sizes = [16, 416], strides = [1, 1]} : vector<32x416xf32> to vector<16x416xf32>
    %slice3A_183 = vector.extract_strided_slice %add3A_178 {offsets = [16, 0], sizes = [16, 416], strides = [1, 1]} : vector<32x416xf32> to vector<16x416xf32>
    %slice3A_184 = vector.extract_strided_slice %sub3A_180 {offsets = [16, 0], sizes = [16, 416], strides = [1, 1]} : vector<32x416xf32> to vector<16x416xf32>
    %add3A_185 = arith.addf %slice3A_181, %slice3A_183 : vector<16x416xf32>
    %sub3A_186 = arith.subf %add3A_185, %slice3A_181 : vector<16x416xf32>
    %sub3A_187 = arith.subf %add3A_185, %sub3A_186 : vector<16x416xf32>
    %sub3A_188 = arith.subf %slice3A_181, %sub3A_187 : vector<16x416xf32>
    %sub3A_189 = arith.subf %slice3A_183, %sub3A_186 : vector<16x416xf32>
    %add3A_190 = arith.addf %sub3A_188, %sub3A_189 : vector<16x416xf32>
    %add3A_191 = arith.addf %slice3A_182, %slice3A_184 : vector<16x416xf32>
    %add3A_192 = arith.addf %add3A_190, %add3A_191 : vector<16x416xf32>
    %add3A_193 = arith.addf %add3A_185, %add3A_192 : vector<16x416xf32>
    %sub3A_194 = arith.subf %add3A_193, %add3A_185 : vector<16x416xf32>
    %sub3A_195 = arith.subf %add3A_192, %sub3A_194 : vector<16x416xf32>
    %slice3A_196 = vector.extract_strided_slice %add3A_193 {offsets = [0, 0], sizes = [8, 416], strides = [1, 1]} : vector<16x416xf32> to vector<8x416xf32>
    %slice3A_197 = vector.extract_strided_slice %sub3A_195 {offsets = [0, 0], sizes = [8, 416], strides = [1, 1]} : vector<16x416xf32> to vector<8x416xf32>
    %slice3A_198 = vector.extract_strided_slice %add3A_193 {offsets = [8, 0], sizes = [8, 416], strides = [1, 1]} : vector<16x416xf32> to vector<8x416xf32>
    %slice3A_199 = vector.extract_strided_slice %sub3A_195 {offsets = [8, 0], sizes = [8, 416], strides = [1, 1]} : vector<16x416xf32> to vector<8x416xf32>
    %add3A_200 = arith.addf %slice3A_196, %slice3A_198 : vector<8x416xf32>
    %sub3A_201 = arith.subf %add3A_200, %slice3A_196 : vector<8x416xf32>
    %sub3A_202 = arith.subf %add3A_200, %sub3A_201 : vector<8x416xf32>
    %sub3A_203 = arith.subf %slice3A_196, %sub3A_202 : vector<8x416xf32>
    %sub3A_204 = arith.subf %slice3A_198, %sub3A_201 : vector<8x416xf32>
    %add3A_205 = arith.addf %sub3A_203, %sub3A_204 : vector<8x416xf32>
    %add3A_206 = arith.addf %slice3A_197, %slice3A_199 : vector<8x416xf32>
    %add3A_207 = arith.addf %add3A_205, %add3A_206 : vector<8x416xf32>
    %add3A_208 = arith.addf %add3A_200, %add3A_207 : vector<8x416xf32>
    %sub3A_209 = arith.subf %add3A_208, %add3A_200 : vector<8x416xf32>
    %sub3A_210 = arith.subf %add3A_207, %sub3A_209 : vector<8x416xf32>
    %slice3A_211 = vector.extract_strided_slice %add3A_208 {offsets = [0, 0], sizes = [4, 416], strides = [1, 1]} : vector<8x416xf32> to vector<4x416xf32>
    %slice3A_212 = vector.extract_strided_slice %sub3A_210 {offsets = [0, 0], sizes = [4, 416], strides = [1, 1]} : vector<8x416xf32> to vector<4x416xf32>
    %slice3A_213 = vector.extract_strided_slice %add3A_208 {offsets = [4, 0], sizes = [4, 416], strides = [1, 1]} : vector<8x416xf32> to vector<4x416xf32>
    %slice3A_214 = vector.extract_strided_slice %sub3A_210 {offsets = [4, 0], sizes = [4, 416], strides = [1, 1]} : vector<8x416xf32> to vector<4x416xf32>
    %add3A_215 = arith.addf %slice3A_211, %slice3A_213 : vector<4x416xf32>
    %sub3A_216 = arith.subf %add3A_215, %slice3A_211 : vector<4x416xf32>
    %sub3A_217 = arith.subf %add3A_215, %sub3A_216 : vector<4x416xf32>
    %sub3A_218 = arith.subf %slice3A_211, %sub3A_217 : vector<4x416xf32>
    %sub3A_219 = arith.subf %slice3A_213, %sub3A_216 : vector<4x416xf32>
    %add3A_220 = arith.addf %sub3A_218, %sub3A_219 : vector<4x416xf32>
    %add3A_221 = arith.addf %slice3A_212, %slice3A_214 : vector<4x416xf32>
    %add3A_222 = arith.addf %add3A_220, %add3A_221 : vector<4x416xf32>
    %add3A_223 = arith.addf %add3A_215, %add3A_222 : vector<4x416xf32>
    %sub3A_224 = arith.subf %add3A_223, %add3A_215 : vector<4x416xf32>
    %sub3A_225 = arith.subf %add3A_222, %sub3A_224 : vector<4x416xf32>
    %slice3A_226 = vector.extract_strided_slice %add3A_223 {offsets = [0, 0], sizes = [2, 416], strides = [1, 1]} : vector<4x416xf32> to vector<2x416xf32>
    %slice3A_227 = vector.extract_strided_slice %sub3A_225 {offsets = [0, 0], sizes = [2, 416], strides = [1, 1]} : vector<4x416xf32> to vector<2x416xf32>
    %slice3A_228 = vector.extract_strided_slice %add3A_223 {offsets = [2, 0], sizes = [2, 416], strides = [1, 1]} : vector<4x416xf32> to vector<2x416xf32>
    %slice3A_229 = vector.extract_strided_slice %sub3A_225 {offsets = [2, 0], sizes = [2, 416], strides = [1, 1]} : vector<4x416xf32> to vector<2x416xf32>
    %add3A_230 = arith.addf %slice3A_226, %slice3A_228 : vector<2x416xf32>
    %sub3A_231 = arith.subf %add3A_230, %slice3A_226 : vector<2x416xf32>
    %sub3A_232 = arith.subf %add3A_230, %sub3A_231 : vector<2x416xf32>
    %sub3A_233 = arith.subf %slice3A_226, %sub3A_232 : vector<2x416xf32>
    %sub3A_234 = arith.subf %slice3A_228, %sub3A_231 : vector<2x416xf32>
    %add3A_235 = arith.addf %sub3A_233, %sub3A_234 : vector<2x416xf32>
    %add3A_236 = arith.addf %slice3A_227, %slice3A_229 : vector<2x416xf32>
    %add3A_237 = arith.addf %add3A_235, %add3A_236 : vector<2x416xf32>
    %add3A_238 = arith.addf %add3A_230, %add3A_237 : vector<2x416xf32>
    %sub3A_239 = arith.subf %add3A_238, %add3A_230 : vector<2x416xf32>
    %sub3A_240 = arith.subf %add3A_237, %sub3A_239 : vector<2x416xf32>
    %slice3A_241 = vector.extract_strided_slice %add3A_238 {offsets = [0, 0], sizes = [1, 416], strides = [1, 1]} : vector<2x416xf32> to vector<1x416xf32>
    %slice3A_242 = vector.extract_strided_slice %sub3A_240 {offsets = [0, 0], sizes = [1, 416], strides = [1, 1]} : vector<2x416xf32> to vector<1x416xf32>
    %slice3A_243 = vector.extract_strided_slice %add3A_238 {offsets = [1, 0], sizes = [1, 416], strides = [1, 1]} : vector<2x416xf32> to vector<1x416xf32>
    %slice3A_244 = vector.extract_strided_slice %sub3A_240 {offsets = [1, 0], sizes = [1, 416], strides = [1, 1]} : vector<2x416xf32> to vector<1x416xf32>
    %add3A_245 = arith.addf %slice3A_241, %slice3A_243 : vector<1x416xf32>
    %sub3A_246 = arith.subf %add3A_245, %slice3A_241 : vector<1x416xf32>
    %sub3A_247 = arith.subf %add3A_245, %sub3A_246 : vector<1x416xf32>
    %sub3A_248 = arith.subf %slice3A_241, %sub3A_247 : vector<1x416xf32>
    %sub3A_249 = arith.subf %slice3A_243, %sub3A_246 : vector<1x416xf32>
    %add3A_250 = arith.addf %sub3A_248, %sub3A_249 : vector<1x416xf32>
    %add3A_251 = arith.addf %slice3A_242, %slice3A_244 : vector<1x416xf32>
    %add3A_252 = arith.addf %add3A_250, %add3A_251 : vector<1x416xf32>
    %add3A_253 = arith.addf %add3A_245, %add3A_252 : vector<1x416xf32>
    %sub3A_254 = arith.subf %add3A_253, %add3A_245 : vector<1x416xf32>
    %sub3A_255 = arith.subf %add3A_252, %sub3A_254 : vector<1x416xf32>
    %get3A_256 = arith.constant 0 : index
    %get3A_257 = arith.constant 2 : index
    %get3A_258 = vector.load %arg2[%get3A_256, %get3A_257] : memref<128x16xf32, #tpu.memory_space<vmem>>, vector<128x1xf32>
    %get3A_259 = arith.constant 0 : index
    %get3A_260 = arith.constant 2 : index
    %get3A_261 = vector.load %arg3[%get3A_259, %get3A_260] : memref<128x16xf32, #tpu.memory_space<vmem>>, vector<128x1xf32>
    %bitcast_convert_type3A_262 = tpu.bitcast %get3A_258 : vector<128x1xf32> -> vector<128x1xi32>
    %and3A_263 = arith.constant -4096 : i32
    %and3A_264 = vector.broadcast %and3A_263 : i32 to vector<128x1xi32>
    %and3A_265 = arith.andi %bitcast_convert_type3A_262, %and3A_264 : vector<128x1xi32>
    %bitcast_convert_type3A_266 = tpu.bitcast %and3A_265 : vector<128x1xi32> -> vector<128x1xf32>
    %sub3A_267 = arith.subf %get3A_258, %bitcast_convert_type3A_266 : vector<128x1xf32>
    %mul3A_268 = vector.broadcast %bitcast_convert_type3A_266 : vector<128x1xf32> to vector<128x416xf32>
    %mul3A_269 = arith.mulf %bitcast_convert_type3A_4, %mul3A_268 : vector<128x416xf32>
    %mul3A_270 = vector.broadcast %sub3A_267 : vector<128x1xf32> to vector<128x416xf32>
    %mul3A_271 = arith.mulf %bitcast_convert_type3A_4, %mul3A_270 : vector<128x416xf32>
    %mul3A_272 = vector.broadcast %get3A_258 : vector<128x1xf32> to vector<128x416xf32>
    %mul3A_273 = arith.mulf %sub3A, %mul3A_272 : vector<128x416xf32>
    %add3A_274 = arith.addf %mul3A_271, %mul3A_273 : vector<128x416xf32>
    %mul3A_275 = vector.broadcast %get3A_261 : vector<128x1xf32> to vector<128x416xf32>
    %mul3A_276 = arith.mulf %transpose3A, %mul3A_275 : vector<128x416xf32>
    %add3A_277 = arith.addf %add3A_274, %mul3A_276 : vector<128x416xf32>
    %slice3A_278 = vector.extract_strided_slice %mul3A_269 {offsets = [0, 0], sizes = [64, 416], strides = [1, 1]} : vector<128x416xf32> to vector<64x416xf32>
    %slice3A_279 = vector.extract_strided_slice %add3A_277 {offsets = [0, 0], sizes = [64, 416], strides = [1, 1]} : vector<128x416xf32> to vector<64x416xf32>
    %slice3A_280 = vector.extract_strided_slice %mul3A_269 {offsets = [64, 0], sizes = [64, 416], strides = [1, 1]} : vector<128x416xf32> to vector<64x416xf32>
    %slice3A_281 = vector.extract_strided_slice %add3A_277 {offsets = [64, 0], sizes = [64, 416], strides = [1, 1]} : vector<128x416xf32> to vector<64x416xf32>
    %add3A_282 = arith.addf %slice3A_278, %slice3A_280 : vector<64x416xf32>
    %sub3A_283 = arith.subf %add3A_282, %slice3A_278 : vector<64x416xf32>
    %sub3A_284 = arith.subf %add3A_282, %sub3A_283 : vector<64x416xf32>
    %sub3A_285 = arith.subf %slice3A_278, %sub3A_284 : vector<64x416xf32>
    %sub3A_286 = arith.subf %slice3A_280, %sub3A_283 : vector<64x416xf32>
    %add3A_287 = arith.addf %sub3A_285, %sub3A_286 : vector<64x416xf32>
    %add3A_288 = arith.addf %slice3A_279, %slice3A_281 : vector<64x416xf32>
    %add3A_289 = arith.addf %add3A_287, %add3A_288 : vector<64x416xf32>
    %add3A_290 = arith.addf %add3A_282, %add3A_289 : vector<64x416xf32>
    %sub3A_291 = arith.subf %add3A_290, %add3A_282 : vector<64x416xf32>
    %sub3A_292 = arith.subf %add3A_289, %sub3A_291 : vector<64x416xf32>
    %slice3A_293 = vector.extract_strided_slice %add3A_290 {offsets = [0, 0], sizes = [32, 416], strides = [1, 1]} : vector<64x416xf32> to vector<32x416xf32>
    %slice3A_294 = vector.extract_strided_slice %sub3A_292 {offsets = [0, 0], sizes = [32, 416], strides = [1, 1]} : vector<64x416xf32> to vector<32x416xf32>
    %slice3A_295 = vector.extract_strided_slice %add3A_290 {offsets = [32, 0], sizes = [32, 416], strides = [1, 1]} : vector<64x416xf32> to vector<32x416xf32>
    %slice3A_296 = vector.extract_strided_slice %sub3A_292 {offsets = [32, 0], sizes = [32, 416], strides = [1, 1]} : vector<64x416xf32> to vector<32x416xf32>
    %add3A_297 = arith.addf %slice3A_293, %slice3A_295 : vector<32x416xf32>
    %sub3A_298 = arith.subf %add3A_297, %slice3A_293 : vector<32x416xf32>
    %sub3A_299 = arith.subf %add3A_297, %sub3A_298 : vector<32x416xf32>
    %sub3A_300 = arith.subf %slice3A_293, %sub3A_299 : vector<32x416xf32>
    %sub3A_301 = arith.subf %slice3A_295, %sub3A_298 : vector<32x416xf32>
    %add3A_302 = arith.addf %sub3A_300, %sub3A_301 : vector<32x416xf32>
    %add3A_303 = arith.addf %slice3A_294, %slice3A_296 : vector<32x416xf32>
    %add3A_304 = arith.addf %add3A_302, %add3A_303 : vector<32x416xf32>
    %add3A_305 = arith.addf %add3A_297, %add3A_304 : vector<32x416xf32>
    %sub3A_306 = arith.subf %add3A_305, %add3A_297 : vector<32x416xf32>
    %sub3A_307 = arith.subf %add3A_304, %sub3A_306 : vector<32x416xf32>
    %slice3A_308 = vector.extract_strided_slice %add3A_305 {offsets = [0, 0], sizes = [16, 416], strides = [1, 1]} : vector<32x416xf32> to vector<16x416xf32>
    %slice3A_309 = vector.extract_strided_slice %sub3A_307 {offsets = [0, 0], sizes = [16, 416], strides = [1, 1]} : vector<32x416xf32> to vector<16x416xf32>
    %slice3A_310 = vector.extract_strided_slice %add3A_305 {offsets = [16, 0], sizes = [16, 416], strides = [1, 1]} : vector<32x416xf32> to vector<16x416xf32>
    %slice3A_311 = vector.extract_strided_slice %sub3A_307 {offsets = [16, 0], sizes = [16, 416], strides = [1, 1]} : vector<32x416xf32> to vector<16x416xf32>
    %add3A_312 = arith.addf %slice3A_308, %slice3A_310 : vector<16x416xf32>
    %sub3A_313 = arith.subf %add3A_312, %slice3A_308 : vector<16x416xf32>
    %sub3A_314 = arith.subf %add3A_312, %sub3A_313 : vector<16x416xf32>
    %sub3A_315 = arith.subf %slice3A_308, %sub3A_314 : vector<16x416xf32>
    %sub3A_316 = arith.subf %slice3A_310, %sub3A_313 : vector<16x416xf32>
    %add3A_317 = arith.addf %sub3A_315, %sub3A_316 : vector<16x416xf32>
    %add3A_318 = arith.addf %slice3A_309, %slice3A_311 : vector<16x416xf32>
    %add3A_319 = arith.addf %add3A_317, %add3A_318 : vector<16x416xf32>
    %add3A_320 = arith.addf %add3A_312, %add3A_319 : vector<16x416xf32>
    %sub3A_321 = arith.subf %add3A_320, %add3A_312 : vector<16x416xf32>
    %sub3A_322 = arith.subf %add3A_319, %sub3A_321 : vector<16x416xf32>
    %slice3A_323 = vector.extract_strided_slice %add3A_320 {offsets = [0, 0], sizes = [8, 416], strides = [1, 1]} : vector<16x416xf32> to vector<8x416xf32>
    %slice3A_324 = vector.extract_strided_slice %sub3A_322 {offsets = [0, 0], sizes = [8, 416], strides = [1, 1]} : vector<16x416xf32> to vector<8x416xf32>
    %slice3A_325 = vector.extract_strided_slice %add3A_320 {offsets = [8, 0], sizes = [8, 416], strides = [1, 1]} : vector<16x416xf32> to vector<8x416xf32>
    %slice3A_326 = vector.extract_strided_slice %sub3A_322 {offsets = [8, 0], sizes = [8, 416], strides = [1, 1]} : vector<16x416xf32> to vector<8x416xf32>
    %add3A_327 = arith.addf %slice3A_323, %slice3A_325 : vector<8x416xf32>
    %sub3A_328 = arith.subf %add3A_327, %slice3A_323 : vector<8x416xf32>
    %sub3A_329 = arith.subf %add3A_327, %sub3A_328 : vector<8x416xf32>
    %sub3A_330 = arith.subf %slice3A_323, %sub3A_329 : vector<8x416xf32>
    %sub3A_331 = arith.subf %slice3A_325, %sub3A_328 : vector<8x416xf32>
    %add3A_332 = arith.addf %sub3A_330, %sub3A_331 : vector<8x416xf32>
    %add3A_333 = arith.addf %slice3A_324, %slice3A_326 : vector<8x416xf32>
    %add3A_334 = arith.addf %add3A_332, %add3A_333 : vector<8x416xf32>
    %add3A_335 = arith.addf %add3A_327, %add3A_334 : vector<8x416xf32>
    %sub3A_336 = arith.subf %add3A_335, %add3A_327 : vector<8x416xf32>
    %sub3A_337 = arith.subf %add3A_334, %sub3A_336 : vector<8x416xf32>
    %slice3A_338 = vector.extract_strided_slice %add3A_335 {offsets = [0, 0], sizes = [4, 416], strides = [1, 1]} : vector<8x416xf32> to vector<4x416xf32>
    %slice3A_339 = vector.extract_strided_slice %sub3A_337 {offsets = [0, 0], sizes = [4, 416], strides = [1, 1]} : vector<8x416xf32> to vector<4x416xf32>
    %slice3A_340 = vector.extract_strided_slice %add3A_335 {offsets = [4, 0], sizes = [4, 416], strides = [1, 1]} : vector<8x416xf32> to vector<4x416xf32>
    %slice3A_341 = vector.extract_strided_slice %sub3A_337 {offsets = [4, 0], sizes = [4, 416], strides = [1, 1]} : vector<8x416xf32> to vector<4x416xf32>
    %add3A_342 = arith.addf %slice3A_338, %slice3A_340 : vector<4x416xf32>
    %sub3A_343 = arith.subf %add3A_342, %slice3A_338 : vector<4x416xf32>
    %sub3A_344 = arith.subf %add3A_342, %sub3A_343 : vector<4x416xf32>
    %sub3A_345 = arith.subf %slice3A_338, %sub3A_344 : vector<4x416xf32>
    %sub3A_346 = arith.subf %slice3A_340, %sub3A_343 : vector<4x416xf32>
    %add3A_347 = arith.addf %sub3A_345, %sub3A_346 : vector<4x416xf32>
    %add3A_348 = arith.addf %slice3A_339, %slice3A_341 : vector<4x416xf32>
    %add3A_349 = arith.addf %add3A_347, %add3A_348 : vector<4x416xf32>
    %add3A_350 = arith.addf %add3A_342, %add3A_349 : vector<4x416xf32>
    %sub3A_351 = arith.subf %add3A_350, %add3A_342 : vector<4x416xf32>
    %sub3A_352 = arith.subf %add3A_349, %sub3A_351 : vector<4x416xf32>
    %slice3A_353 = vector.extract_strided_slice %add3A_350 {offsets = [0, 0], sizes = [2, 416], strides = [1, 1]} : vector<4x416xf32> to vector<2x416xf32>
    %slice3A_354 = vector.extract_strided_slice %sub3A_352 {offsets = [0, 0], sizes = [2, 416], strides = [1, 1]} : vector<4x416xf32> to vector<2x416xf32>
    %slice3A_355 = vector.extract_strided_slice %add3A_350 {offsets = [2, 0], sizes = [2, 416], strides = [1, 1]} : vector<4x416xf32> to vector<2x416xf32>
    %slice3A_356 = vector.extract_strided_slice %sub3A_352 {offsets = [2, 0], sizes = [2, 416], strides = [1, 1]} : vector<4x416xf32> to vector<2x416xf32>
    %add3A_357 = arith.addf %slice3A_353, %slice3A_355 : vector<2x416xf32>
    %sub3A_358 = arith.subf %add3A_357, %slice3A_353 : vector<2x416xf32>
    %sub3A_359 = arith.subf %add3A_357, %sub3A_358 : vector<2x416xf32>
    %sub3A_360 = arith.subf %slice3A_353, %sub3A_359 : vector<2x416xf32>
    %sub3A_361 = arith.subf %slice3A_355, %sub3A_358 : vector<2x416xf32>
    %add3A_362 = arith.addf %sub3A_360, %sub3A_361 : vector<2x416xf32>
    %add3A_363 = arith.addf %slice3A_354, %slice3A_356 : vector<2x416xf32>
    %add3A_364 = arith.addf %add3A_362, %add3A_363 : vector<2x416xf32>
    %add3A_365 = arith.addf %add3A_357, %add3A_364 : vector<2x416xf32>
    %sub3A_366 = arith.subf %add3A_365, %add3A_357 : vector<2x416xf32>
    %sub3A_367 = arith.subf %add3A_364, %sub3A_366 : vector<2x416xf32>
    %slice3A_368 = vector.extract_strided_slice %add3A_365 {offsets = [0, 0], sizes = [1, 416], strides = [1, 1]} : vector<2x416xf32> to vector<1x416xf32>
    %slice3A_369 = vector.extract_strided_slice %sub3A_367 {offsets = [0, 0], sizes = [1, 416], strides = [1, 1]} : vector<2x416xf32> to vector<1x416xf32>
    %slice3A_370 = vector.extract_strided_slice %add3A_365 {offsets = [1, 0], sizes = [1, 416], strides = [1, 1]} : vector<2x416xf32> to vector<1x416xf32>
    %slice3A_371 = vector.extract_strided_slice %sub3A_367 {offsets = [1, 0], sizes = [1, 416], strides = [1, 1]} : vector<2x416xf32> to vector<1x416xf32>
    %add3A_372 = arith.addf %slice3A_368, %slice3A_370 : vector<1x416xf32>
    %sub3A_373 = arith.subf %add3A_372, %slice3A_368 : vector<1x416xf32>
    %sub3A_374 = arith.subf %add3A_372, %sub3A_373 : vector<1x416xf32>
    %sub3A_375 = arith.subf %slice3A_368, %sub3A_374 : vector<1x416xf32>
    %sub3A_376 = arith.subf %slice3A_370, %sub3A_373 : vector<1x416xf32>
    %add3A_377 = arith.addf %sub3A_375, %sub3A_376 : vector<1x416xf32>
    %add3A_378 = arith.addf %slice3A_369, %slice3A_371 : vector<1x416xf32>
    %add3A_379 = arith.addf %add3A_377, %add3A_378 : vector<1x416xf32>
    %add3A_380 = arith.addf %add3A_372, %add3A_379 : vector<1x416xf32>
    %sub3A_381 = arith.subf %add3A_380, %add3A_372 : vector<1x416xf32>
    %sub3A_382 = arith.subf %add3A_379, %sub3A_381 : vector<1x416xf32>
    %get3A_383 = arith.constant 0 : index
    %get3A_384 = arith.constant 3 : index
    %get3A_385 = vector.load %arg2[%get3A_383, %get3A_384] : memref<128x16xf32, #tpu.memory_space<vmem>>, vector<128x1xf32>
    %get3A_386 = arith.constant 0 : index
    %get3A_387 = arith.constant 3 : index
    %get3A_388 = vector.load %arg3[%get3A_386, %get3A_387] : memref<128x16xf32, #tpu.memory_space<vmem>>, vector<128x1xf32>
    %bitcast_convert_type3A_389 = tpu.bitcast %get3A_385 : vector<128x1xf32> -> vector<128x1xi32>
    %and3A_390 = arith.constant -4096 : i32
    %and3A_391 = vector.broadcast %and3A_390 : i32 to vector<128x1xi32>
    %and3A_392 = arith.andi %bitcast_convert_type3A_389, %and3A_391 : vector<128x1xi32>
    %bitcast_convert_type3A_393 = tpu.bitcast %and3A_392 : vector<128x1xi32> -> vector<128x1xf32>
    %sub3A_394 = arith.subf %get3A_385, %bitcast_convert_type3A_393 : vector<128x1xf32>
    %mul3A_395 = vector.broadcast %bitcast_convert_type3A_393 : vector<128x1xf32> to vector<128x416xf32>
    %mul3A_396 = arith.mulf %bitcast_convert_type3A_4, %mul3A_395 : vector<128x416xf32>
    %mul3A_397 = vector.broadcast %sub3A_394 : vector<128x1xf32> to vector<128x416xf32>
    %mul3A_398 = arith.mulf %bitcast_convert_type3A_4, %mul3A_397 : vector<128x416xf32>
    %mul3A_399 = vector.broadcast %get3A_385 : vector<128x1xf32> to vector<128x416xf32>
    %mul3A_400 = arith.mulf %sub3A, %mul3A_399 : vector<128x416xf32>
    %add3A_401 = arith.addf %mul3A_398, %mul3A_400 : vector<128x416xf32>
    %mul3A_402 = vector.broadcast %get3A_388 : vector<128x1xf32> to vector<128x416xf32>
    %mul3A_403 = arith.mulf %transpose3A, %mul3A_402 : vector<128x416xf32>
    %add3A_404 = arith.addf %add3A_401, %mul3A_403 : vector<128x416xf32>
    %slice3A_405 = vector.extract_strided_slice %mul3A_396 {offsets = [0, 0], sizes = [64, 416], strides = [1, 1]} : vector<128x416xf32> to vector<64x416xf32>
    %slice3A_406 = vector.extract_strided_slice %add3A_404 {offsets = [0, 0], sizes = [64, 416], strides = [1, 1]} : vector<128x416xf32> to vector<64x416xf32>
    %slice3A_407 = vector.extract_strided_slice %mul3A_396 {offsets = [64, 0], sizes = [64, 416], strides = [1, 1]} : vector<128x416xf32> to vector<64x416xf32>
    %slice3A_408 = vector.extract_strided_slice %add3A_404 {offsets = [64, 0], sizes = [64, 416], strides = [1, 1]} : vector<128x416xf32> to vector<64x416xf32>
    %add3A_409 = arith.addf %slice3A_405, %slice3A_407 : vector<64x416xf32>
    %sub3A_410 = arith.subf %add3A_409, %slice3A_405 : vector<64x416xf32>
    %sub3A_411 = arith.subf %add3A_409, %sub3A_410 : vector<64x416xf32>
    %sub3A_412 = arith.subf %slice3A_405, %sub3A_411 : vector<64x416xf32>
    %sub3A_413 = arith.subf %slice3A_407, %sub3A_410 : vector<64x416xf32>
    %add3A_414 = arith.addf %sub3A_412, %sub3A_413 : vector<64x416xf32>
    %add3A_415 = arith.addf %slice3A_406, %slice3A_408 : vector<64x416xf32>
    %add3A_416 = arith.addf %add3A_414, %add3A_415 : vector<64x416xf32>
    %add3A_417 = arith.addf %add3A_409, %add3A_416 : vector<64x416xf32>
    %sub3A_418 = arith.subf %add3A_417, %add3A_409 : vector<64x416xf32>
    %sub3A_419 = arith.subf %add3A_416, %sub3A_418 : vector<64x416xf32>
    %slice3A_420 = vector.extract_strided_slice %add3A_417 {offsets = [0, 0], sizes = [32, 416], strides = [1, 1]} : vector<64x416xf32> to vector<32x416xf32>
    %slice3A_421 = vector.extract_strided_slice %sub3A_419 {offsets = [0, 0], sizes = [32, 416], strides = [1, 1]} : vector<64x416xf32> to vector<32x416xf32>
    %slice3A_422 = vector.extract_strided_slice %add3A_417 {offsets = [32, 0], sizes = [32, 416], strides = [1, 1]} : vector<64x416xf32> to vector<32x416xf32>
    %slice3A_423 = vector.extract_strided_slice %sub3A_419 {offsets = [32, 0], sizes = [32, 416], strides = [1, 1]} : vector<64x416xf32> to vector<32x416xf32>
    %add3A_424 = arith.addf %slice3A_420, %slice3A_422 : vector<32x416xf32>
    %sub3A_425 = arith.subf %add3A_424, %slice3A_420 : vector<32x416xf32>
    %sub3A_426 = arith.subf %add3A_424, %sub3A_425 : vector<32x416xf32>
    %sub3A_427 = arith.subf %slice3A_420, %sub3A_426 : vector<32x416xf32>
    %sub3A_428 = arith.subf %slice3A_422, %sub3A_425 : vector<32x416xf32>
    %add3A_429 = arith.addf %sub3A_427, %sub3A_428 : vector<32x416xf32>
    %add3A_430 = arith.addf %slice3A_421, %slice3A_423 : vector<32x416xf32>
    %add3A_431 = arith.addf %add3A_429, %add3A_430 : vector<32x416xf32>
    %add3A_432 = arith.addf %add3A_424, %add3A_431 : vector<32x416xf32>
    %sub3A_433 = arith.subf %add3A_432, %add3A_424 : vector<32x416xf32>
    %sub3A_434 = arith.subf %add3A_431, %sub3A_433 : vector<32x416xf32>
    %slice3A_435 = vector.extract_strided_slice %add3A_432 {offsets = [0, 0], sizes = [16, 416], strides = [1, 1]} : vector<32x416xf32> to vector<16x416xf32>
    %slice3A_436 = vector.extract_strided_slice %sub3A_434 {offsets = [0, 0], sizes = [16, 416], strides = [1, 1]} : vector<32x416xf32> to vector<16x416xf32>
    %slice3A_437 = vector.extract_strided_slice %add3A_432 {offsets = [16, 0], sizes = [16, 416], strides = [1, 1]} : vector<32x416xf32> to vector<16x416xf32>
    %slice3A_438 = vector.extract_strided_slice %sub3A_434 {offsets = [16, 0], sizes = [16, 416], strides = [1, 1]} : vector<32x416xf32> to vector<16x416xf32>
    %add3A_439 = arith.addf %slice3A_435, %slice3A_437 : vector<16x416xf32>
    %sub3A_440 = arith.subf %add3A_439, %slice3A_435 : vector<16x416xf32>
    %sub3A_441 = arith.subf %add3A_439, %sub3A_440 : vector<16x416xf32>
    %sub3A_442 = arith.subf %slice3A_435, %sub3A_441 : vector<16x416xf32>
    %sub3A_443 = arith.subf %slice3A_437, %sub3A_440 : vector<16x416xf32>
    %add3A_444 = arith.addf %sub3A_442, %sub3A_443 : vector<16x416xf32>
    %add3A_445 = arith.addf %slice3A_436, %slice3A_438 : vector<16x416xf32>
    %add3A_446 = arith.addf %add3A_444, %add3A_445 : vector<16x416xf32>
    %add3A_447 = arith.addf %add3A_439, %add3A_446 : vector<16x416xf32>
    %sub3A_448 = arith.subf %add3A_447, %add3A_439 : vector<16x416xf32>
    %sub3A_449 = arith.subf %add3A_446, %sub3A_448 : vector<16x416xf32>
    %slice3A_450 = vector.extract_strided_slice %add3A_447 {offsets = [0, 0], sizes = [8, 416], strides = [1, 1]} : vector<16x416xf32> to vector<8x416xf32>
    %slice3A_451 = vector.extract_strided_slice %sub3A_449 {offsets = [0, 0], sizes = [8, 416], strides = [1, 1]} : vector<16x416xf32> to vector<8x416xf32>
    %slice3A_452 = vector.extract_strided_slice %add3A_447 {offsets = [8, 0], sizes = [8, 416], strides = [1, 1]} : vector<16x416xf32> to vector<8x416xf32>
    %slice3A_453 = vector.extract_strided_slice %sub3A_449 {offsets = [8, 0], sizes = [8, 416], strides = [1, 1]} : vector<16x416xf32> to vector<8x416xf32>
    %add3A_454 = arith.addf %slice3A_450, %slice3A_452 : vector<8x416xf32>
    %sub3A_455 = arith.subf %add3A_454, %slice3A_450 : vector<8x416xf32>
    %sub3A_456 = arith.subf %add3A_454, %sub3A_455 : vector<8x416xf32>
    %sub3A_457 = arith.subf %slice3A_450, %sub3A_456 : vector<8x416xf32>
    %sub3A_458 = arith.subf %slice3A_452, %sub3A_455 : vector<8x416xf32>
    %add3A_459 = arith.addf %sub3A_457, %sub3A_458 : vector<8x416xf32>
    %add3A_460 = arith.addf %slice3A_451, %slice3A_453 : vector<8x416xf32>
    %add3A_461 = arith.addf %add3A_459, %add3A_460 : vector<8x416xf32>
    %add3A_462 = arith.addf %add3A_454, %add3A_461 : vector<8x416xf32>
    %sub3A_463 = arith.subf %add3A_462, %add3A_454 : vector<8x416xf32>
    %sub3A_464 = arith.subf %add3A_461, %sub3A_463 : vector<8x416xf32>
    %slice3A_465 = vector.extract_strided_slice %add3A_462 {offsets = [0, 0], sizes = [4, 416], strides = [1, 1]} : vector<8x416xf32> to vector<4x416xf32>
    %slice3A_466 = vector.extract_strided_slice %sub3A_464 {offsets = [0, 0], sizes = [4, 416], strides = [1, 1]} : vector<8x416xf32> to vector<4x416xf32>
    %slice3A_467 = vector.extract_strided_slice %add3A_462 {offsets = [4, 0], sizes = [4, 416], strides = [1, 1]} : vector<8x416xf32> to vector<4x416xf32>
    %slice3A_468 = vector.extract_strided_slice %sub3A_464 {offsets = [4, 0], sizes = [4, 416], strides = [1, 1]} : vector<8x416xf32> to vector<4x416xf32>
    %add3A_469 = arith.addf %slice3A_465, %slice3A_467 : vector<4x416xf32>
    %sub3A_470 = arith.subf %add3A_469, %slice3A_465 : vector<4x416xf32>
    %sub3A_471 = arith.subf %add3A_469, %sub3A_470 : vector<4x416xf32>
    %sub3A_472 = arith.subf %slice3A_465, %sub3A_471 : vector<4x416xf32>
    %sub3A_473 = arith.subf %slice3A_467, %sub3A_470 : vector<4x416xf32>
    %add3A_474 = arith.addf %sub3A_472, %sub3A_473 : vector<4x416xf32>
    %add3A_475 = arith.addf %slice3A_466, %slice3A_468 : vector<4x416xf32>
    %add3A_476 = arith.addf %add3A_474, %add3A_475 : vector<4x416xf32>
    %add3A_477 = arith.addf %add3A_469, %add3A_476 : vector<4x416xf32>
    %sub3A_478 = arith.subf %add3A_477, %add3A_469 : vector<4x416xf32>
    %sub3A_479 = arith.subf %add3A_476, %sub3A_478 : vector<4x416xf32>
    %slice3A_480 = vector.extract_strided_slice %add3A_477 {offsets = [0, 0], sizes = [2, 416], strides = [1, 1]} : vector<4x416xf32> to vector<2x416xf32>
    %slice3A_481 = vector.extract_strided_slice %sub3A_479 {offsets = [0, 0], sizes = [2, 416], strides = [1, 1]} : vector<4x416xf32> to vector<2x416xf32>
    %slice3A_482 = vector.extract_strided_slice %add3A_477 {offsets = [2, 0], sizes = [2, 416], strides = [1, 1]} : vector<4x416xf32> to vector<2x416xf32>
    %slice3A_483 = vector.extract_strided_slice %sub3A_479 {offsets = [2, 0], sizes = [2, 416], strides = [1, 1]} : vector<4x416xf32> to vector<2x416xf32>
    %add3A_484 = arith.addf %slice3A_480, %slice3A_482 : vector<2x416xf32>
    %sub3A_485 = arith.subf %add3A_484, %slice3A_480 : vector<2x416xf32>
    %sub3A_486 = arith.subf %add3A_484, %sub3A_485 : vector<2x416xf32>
    %sub3A_487 = arith.subf %slice3A_480, %sub3A_486 : vector<2x416xf32>
    %sub3A_488 = arith.subf %slice3A_482, %sub3A_485 : vector<2x416xf32>
    %add3A_489 = arith.addf %sub3A_487, %sub3A_488 : vector<2x416xf32>
    %add3A_490 = arith.addf %slice3A_481, %slice3A_483 : vector<2x416xf32>
    %add3A_491 = arith.addf %add3A_489, %add3A_490 : vector<2x416xf32>
    %add3A_492 = arith.addf %add3A_484, %add3A_491 : vector<2x416xf32>
    %sub3A_493 = arith.subf %add3A_492, %add3A_484 : vector<2x416xf32>
    %sub3A_494 = arith.subf %add3A_491, %sub3A_493 : vector<2x416xf32>
    %slice3A_495 = vector.extract_strided_slice %add3A_492 {offsets = [0, 0], sizes = [1, 416], strides = [1, 1]} : vector<2x416xf32> to vector<1x416xf32>
    %slice3A_496 = vector.extract_strided_slice %sub3A_494 {offsets = [0, 0], sizes = [1, 416], strides = [1, 1]} : vector<2x416xf32> to vector<1x416xf32>
    %slice3A_497 = vector.extract_strided_slice %add3A_492 {offsets = [1, 0], sizes = [1, 416], strides = [1, 1]} : vector<2x416xf32> to vector<1x416xf32>
    %slice3A_498 = vector.extract_strided_slice %sub3A_494 {offsets = [1, 0], sizes = [1, 416], strides = [1, 1]} : vector<2x416xf32> to vector<1x416xf32>
    %add3A_499 = arith.addf %slice3A_495, %slice3A_497 : vector<1x416xf32>
    %sub3A_500 = arith.subf %add3A_499, %slice3A_495 : vector<1x416xf32>
    %sub3A_501 = arith.subf %add3A_499, %sub3A_500 : vector<1x416xf32>
    %sub3A_502 = arith.subf %slice3A_495, %sub3A_501 : vector<1x416xf32>
    %sub3A_503 = arith.subf %slice3A_497, %sub3A_500 : vector<1x416xf32>
    %add3A_504 = arith.addf %sub3A_502, %sub3A_503 : vector<1x416xf32>
    %add3A_505 = arith.addf %slice3A_496, %slice3A_498 : vector<1x416xf32>
    %add3A_506 = arith.addf %add3A_504, %add3A_505 : vector<1x416xf32>
    %add3A_507 = arith.addf %add3A_499, %add3A_506 : vector<1x416xf32>
    %sub3A_508 = arith.subf %add3A_507, %add3A_499 : vector<1x416xf32>
    %sub3A_509 = arith.subf %add3A_506, %sub3A_508 : vector<1x416xf32>
    %get3A_510 = arith.constant 0 : index
    %get3A_511 = arith.constant 4 : index
    %get3A_512 = vector.load %arg2[%get3A_510, %get3A_511] : memref<128x16xf32, #tpu.memory_space<vmem>>, vector<128x1xf32>
    %get3A_513 = arith.constant 0 : index
    %get3A_514 = arith.constant 4 : index
    %get3A_515 = vector.load %arg3[%get3A_513, %get3A_514] : memref<128x16xf32, #tpu.memory_space<vmem>>, vector<128x1xf32>
    %bitcast_convert_type3A_516 = tpu.bitcast %get3A_512 : vector<128x1xf32> -> vector<128x1xi32>
    %and3A_517 = arith.constant -4096 : i32
    %and3A_518 = vector.broadcast %and3A_517 : i32 to vector<128x1xi32>
    %and3A_519 = arith.andi %bitcast_convert_type3A_516, %and3A_518 : vector<128x1xi32>
    %bitcast_convert_type3A_520 = tpu.bitcast %and3A_519 : vector<128x1xi32> -> vector<128x1xf32>
    %sub3A_521 = arith.subf %get3A_512, %bitcast_convert_type3A_520 : vector<128x1xf32>
    %mul3A_522 = vector.broadcast %bitcast_convert_type3A_520 : vector<128x1xf32> to vector<128x416xf32>
    %mul3A_523 = arith.mulf %bitcast_convert_type3A_4, %mul3A_522 : vector<128x416xf32>
    %mul3A_524 = vector.broadcast %sub3A_521 : vector<128x1xf32> to vector<128x416xf32>
    %mul3A_525 = arith.mulf %bitcast_convert_type3A_4, %mul3A_524 : vector<128x416xf32>
    %mul3A_526 = vector.broadcast %get3A_512 : vector<128x1xf32> to vector<128x416xf32>
    %mul3A_527 = arith.mulf %sub3A, %mul3A_526 : vector<128x416xf32>
    %add3A_528 = arith.addf %mul3A_525, %mul3A_527 : vector<128x416xf32>
    %mul3A_529 = vector.broadcast %get3A_515 : vector<128x1xf32> to vector<128x416xf32>
    %mul3A_530 = arith.mulf %transpose3A, %mul3A_529 : vector<128x416xf32>
    %add3A_531 = arith.addf %add3A_528, %mul3A_530 : vector<128x416xf32>
    %slice3A_532 = vector.extract_strided_slice %mul3A_523 {offsets = [0, 0], sizes = [64, 416], strides = [1, 1]} : vector<128x416xf32> to vector<64x416xf32>
    %slice3A_533 = vector.extract_strided_slice %add3A_531 {offsets = [0, 0], sizes = [64, 416], strides = [1, 1]} : vector<128x416xf32> to vector<64x416xf32>
    %slice3A_534 = vector.extract_strided_slice %mul3A_523 {offsets = [64, 0], sizes = [64, 416], strides = [1, 1]} : vector<128x416xf32> to vector<64x416xf32>
    %slice3A_535 = vector.extract_strided_slice %add3A_531 {offsets = [64, 0], sizes = [64, 416], strides = [1, 1]} : vector<128x416xf32> to vector<64x416xf32>
    %add3A_536 = arith.addf %slice3A_532, %slice3A_534 : vector<64x416xf32>
    %sub3A_537 = arith.subf %add3A_536, %slice3A_532 : vector<64x416xf32>
    %sub3A_538 = arith.subf %add3A_536, %sub3A_537 : vector<64x416xf32>
    %sub3A_539 = arith.subf %slice3A_532, %sub3A_538 : vector<64x416xf32>
    %sub3A_540 = arith.subf %slice3A_534, %sub3A_537 : vector<64x416xf32>
    %add3A_541 = arith.addf %sub3A_539, %sub3A_540 : vector<64x416xf32>
    %add3A_542 = arith.addf %slice3A_533, %slice3A_535 : vector<64x416xf32>
    %add3A_543 = arith.addf %add3A_541, %add3A_542 : vector<64x416xf32>
    %add3A_544 = arith.addf %add3A_536, %add3A_543 : vector<64x416xf32>
    %sub3A_545 = arith.subf %add3A_544, %add3A_536 : vector<64x416xf32>
    %sub3A_546 = arith.subf %add3A_543, %sub3A_545 : vector<64x416xf32>
    %slice3A_547 = vector.extract_strided_slice %add3A_544 {offsets = [0, 0], sizes = [32, 416], strides = [1, 1]} : vector<64x416xf32> to vector<32x416xf32>
    %slice3A_548 = vector.extract_strided_slice %sub3A_546 {offsets = [0, 0], sizes = [32, 416], strides = [1, 1]} : vector<64x416xf32> to vector<32x416xf32>
    %slice3A_549 = vector.extract_strided_slice %add3A_544 {offsets = [32, 0], sizes = [32, 416], strides = [1, 1]} : vector<64x416xf32> to vector<32x416xf32>
    %slice3A_550 = vector.extract_strided_slice %sub3A_546 {offsets = [32, 0], sizes = [32, 416], strides = [1, 1]} : vector<64x416xf32> to vector<32x416xf32>
    %add3A_551 = arith.addf %slice3A_547, %slice3A_549 : vector<32x416xf32>
    %sub3A_552 = arith.subf %add3A_551, %slice3A_547 : vector<32x416xf32>
    %sub3A_553 = arith.subf %add3A_551, %sub3A_552 : vector<32x416xf32>
    %sub3A_554 = arith.subf %slice3A_547, %sub3A_553 : vector<32x416xf32>
    %sub3A_555 = arith.subf %slice3A_549, %sub3A_552 : vector<32x416xf32>
    %add3A_556 = arith.addf %sub3A_554, %sub3A_555 : vector<32x416xf32>
    %add3A_557 = arith.addf %slice3A_548, %slice3A_550 : vector<32x416xf32>
    %add3A_558 = arith.addf %add3A_556, %add3A_557 : vector<32x416xf32>
    %add3A_559 = arith.addf %add3A_551, %add3A_558 : vector<32x416xf32>
    %sub3A_560 = arith.subf %add3A_559, %add3A_551 : vector<32x416xf32>
    %sub3A_561 = arith.subf %add3A_558, %sub3A_560 : vector<32x416xf32>
    %slice3A_562 = vector.extract_strided_slice %add3A_559 {offsets = [0, 0], sizes = [16, 416], strides = [1, 1]} : vector<32x416xf32> to vector<16x416xf32>
    %slice3A_563 = vector.extract_strided_slice %sub3A_561 {offsets = [0, 0], sizes = [16, 416], strides = [1, 1]} : vector<32x416xf32> to vector<16x416xf32>
    %slice3A_564 = vector.extract_strided_slice %add3A_559 {offsets = [16, 0], sizes = [16, 416], strides = [1, 1]} : vector<32x416xf32> to vector<16x416xf32>
    %slice3A_565 = vector.extract_strided_slice %sub3A_561 {offsets = [16, 0], sizes = [16, 416], strides = [1, 1]} : vector<32x416xf32> to vector<16x416xf32>
    %add3A_566 = arith.addf %slice3A_562, %slice3A_564 : vector<16x416xf32>
    %sub3A_567 = arith.subf %add3A_566, %slice3A_562 : vector<16x416xf32>
    %sub3A_568 = arith.subf %add3A_566, %sub3A_567 : vector<16x416xf32>
    %sub3A_569 = arith.subf %slice3A_562, %sub3A_568 : vector<16x416xf32>
    %sub3A_570 = arith.subf %slice3A_564, %sub3A_567 : vector<16x416xf32>
    %add3A_571 = arith.addf %sub3A_569, %sub3A_570 : vector<16x416xf32>
    %add3A_572 = arith.addf %slice3A_563, %slice3A_565 : vector<16x416xf32>
    %add3A_573 = arith.addf %add3A_571, %add3A_572 : vector<16x416xf32>
    %add3A_574 = arith.addf %add3A_566, %add3A_573 : vector<16x416xf32>
    %sub3A_575 = arith.subf %add3A_574, %add3A_566 : vector<16x416xf32>
    %sub3A_576 = arith.subf %add3A_573, %sub3A_575 : vector<16x416xf32>
    %slice3A_577 = vector.extract_strided_slice %add3A_574 {offsets = [0, 0], sizes = [8, 416], strides = [1, 1]} : vector<16x416xf32> to vector<8x416xf32>
    %slice3A_578 = vector.extract_strided_slice %sub3A_576 {offsets = [0, 0], sizes = [8, 416], strides = [1, 1]} : vector<16x416xf32> to vector<8x416xf32>
    %slice3A_579 = vector.extract_strided_slice %add3A_574 {offsets = [8, 0], sizes = [8, 416], strides = [1, 1]} : vector<16x416xf32> to vector<8x416xf32>
    %slice3A_580 = vector.extract_strided_slice %sub3A_576 {offsets = [8, 0], sizes = [8, 416], strides = [1, 1]} : vector<16x416xf32> to vector<8x416xf32>
    %add3A_581 = arith.addf %slice3A_577, %slice3A_579 : vector<8x416xf32>
    %sub3A_582 = arith.subf %add3A_581, %slice3A_577 : vector<8x416xf32>
    %sub3A_583 = arith.subf %add3A_581, %sub3A_582 : vector<8x416xf32>
    %sub3A_584 = arith.subf %slice3A_577, %sub3A_583 : vector<8x416xf32>
    %sub3A_585 = arith.subf %slice3A_579, %sub3A_582 : vector<8x416xf32>
    %add3A_586 = arith.addf %sub3A_584, %sub3A_585 : vector<8x416xf32>
    %add3A_587 = arith.addf %slice3A_578, %slice3A_580 : vector<8x416xf32>
    %add3A_588 = arith.addf %add3A_586, %add3A_587 : vector<8x416xf32>
    %add3A_589 = arith.addf %add3A_581, %add3A_588 : vector<8x416xf32>
    %sub3A_590 = arith.subf %add3A_589, %add3A_581 : vector<8x416xf32>
    %sub3A_591 = arith.subf %add3A_588, %sub3A_590 : vector<8x416xf32>
    %slice3A_592 = vector.extract_strided_slice %add3A_589 {offsets = [0, 0], sizes = [4, 416], strides = [1, 1]} : vector<8x416xf32> to vector<4x416xf32>
    %slice3A_593 = vector.extract_strided_slice %sub3A_591 {offsets = [0, 0], sizes = [4, 416], strides = [1, 1]} : vector<8x416xf32> to vector<4x416xf32>
    %slice3A_594 = vector.extract_strided_slice %add3A_589 {offsets = [4, 0], sizes = [4, 416], strides = [1, 1]} : vector<8x416xf32> to vector<4x416xf32>
    %slice3A_595 = vector.extract_strided_slice %sub3A_591 {offsets = [4, 0], sizes = [4, 416], strides = [1, 1]} : vector<8x416xf32> to vector<4x416xf32>
    %add3A_596 = arith.addf %slice3A_592, %slice3A_594 : vector<4x416xf32>
    %sub3A_597 = arith.subf %add3A_596, %slice3A_592 : vector<4x416xf32>
    %sub3A_598 = arith.subf %add3A_596, %sub3A_597 : vector<4x416xf32>
    %sub3A_599 = arith.subf %slice3A_592, %sub3A_598 : vector<4x416xf32>
    %sub3A_600 = arith.subf %slice3A_594, %sub3A_597 : vector<4x416xf32>
    %add3A_601 = arith.addf %sub3A_599, %sub3A_600 : vector<4x416xf32>
    %add3A_602 = arith.addf %slice3A_593, %slice3A_595 : vector<4x416xf32>
    %add3A_603 = arith.addf %add3A_601, %add3A_602 : vector<4x416xf32>
    %add3A_604 = arith.addf %add3A_596, %add3A_603 : vector<4x416xf32>
    %sub3A_605 = arith.subf %add3A_604, %add3A_596 : vector<4x416xf32>
    %sub3A_606 = arith.subf %add3A_603, %sub3A_605 : vector<4x416xf32>
    %slice3A_607 = vector.extract_strided_slice %add3A_604 {offsets = [0, 0], sizes = [2, 416], strides = [1, 1]} : vector<4x416xf32> to vector<2x416xf32>
    %slice3A_608 = vector.extract_strided_slice %sub3A_606 {offsets = [0, 0], sizes = [2, 416], strides = [1, 1]} : vector<4x416xf32> to vector<2x416xf32>
    %slice3A_609 = vector.extract_strided_slice %add3A_604 {offsets = [2, 0], sizes = [2, 416], strides = [1, 1]} : vector<4x416xf32> to vector<2x416xf32>
    %slice3A_610 = vector.extract_strided_slice %sub3A_606 {offsets = [2, 0], sizes = [2, 416], strides = [1, 1]} : vector<4x416xf32> to vector<2x416xf32>
    %add3A_611 = arith.addf %slice3A_607, %slice3A_609 : vector<2x416xf32>
    %sub3A_612 = arith.subf %add3A_611, %slice3A_607 : vector<2x416xf32>
    %sub3A_613 = arith.subf %add3A_611, %sub3A_612 : vector<2x416xf32>
    %sub3A_614 = arith.subf %slice3A_607, %sub3A_613 : vector<2x416xf32>
    %sub3A_615 = arith.subf %slice3A_609, %sub3A_612 : vector<2x416xf32>
    %add3A_616 = arith.addf %sub3A_614, %sub3A_615 : vector<2x416xf32>
    %add3A_617 = arith.addf %slice3A_608, %slice3A_610 : vector<2x416xf32>
    %add3A_618 = arith.addf %add3A_616, %add3A_617 : vector<2x416xf32>
    %add3A_619 = arith.addf %add3A_611, %add3A_618 : vector<2x416xf32>
    %sub3A_620 = arith.subf %add3A_619, %add3A_611 : vector<2x416xf32>
    %sub3A_621 = arith.subf %add3A_618, %sub3A_620 : vector<2x416xf32>
    %slice3A_622 = vector.extract_strided_slice %add3A_619 {offsets = [0, 0], sizes = [1, 416], strides = [1, 1]} : vector<2x416xf32> to vector<1x416xf32>
    %slice3A_623 = vector.extract_strided_slice %sub3A_621 {offsets = [0, 0], sizes = [1, 416], strides = [1, 1]} : vector<2x416xf32> to vector<1x416xf32>
    %slice3A_624 = vector.extract_strided_slice %add3A_619 {offsets = [1, 0], sizes = [1, 416], strides = [1, 1]} : vector<2x416xf32> to vector<1x416xf32>
    %slice3A_625 = vector.extract_strided_slice %sub3A_621 {offsets = [1, 0], sizes = [1, 416], strides = [1, 1]} : vector<2x416xf32> to vector<1x416xf32>
    %add3A_626 = arith.addf %slice3A_622, %slice3A_624 : vector<1x416xf32>
    %sub3A_627 = arith.subf %add3A_626, %slice3A_622 : vector<1x416xf32>
    %sub3A_628 = arith.subf %add3A_626, %sub3A_627 : vector<1x416xf32>
    %sub3A_629 = arith.subf %slice3A_622, %sub3A_628 : vector<1x416xf32>
    %sub3A_630 = arith.subf %slice3A_624, %sub3A_627 : vector<1x416xf32>
    %add3A_631 = arith.addf %sub3A_629, %sub3A_630 : vector<1x416xf32>
    %add3A_632 = arith.addf %slice3A_623, %slice3A_625 : vector<1x416xf32>
    %add3A_633 = arith.addf %add3A_631, %add3A_632 : vector<1x416xf32>
    %add3A_634 = arith.addf %add3A_626, %add3A_633 : vector<1x416xf32>
    %sub3A_635 = arith.subf %add3A_634, %add3A_626 : vector<1x416xf32>
    %sub3A_636 = arith.subf %add3A_633, %sub3A_635 : vector<1x416xf32>
    %get3A_637 = arith.constant 0 : index
    %get3A_638 = arith.constant 5 : index
    %get3A_639 = vector.load %arg2[%get3A_637, %get3A_638] : memref<128x16xf32, #tpu.memory_space<vmem>>, vector<128x1xf32>
    %get3A_640 = arith.constant 0 : index
    %get3A_641 = arith.constant 5 : index
    %get3A_642 = vector.load %arg3[%get3A_640, %get3A_641] : memref<128x16xf32, #tpu.memory_space<vmem>>, vector<128x1xf32>
    %bitcast_convert_type3A_643 = tpu.bitcast %get3A_639 : vector<128x1xf32> -> vector<128x1xi32>
    %and3A_644 = arith.constant -4096 : i32
    %and3A_645 = vector.broadcast %and3A_644 : i32 to vector<128x1xi32>
    %and3A_646 = arith.andi %bitcast_convert_type3A_643, %and3A_645 : vector<128x1xi32>
    %bitcast_convert_type3A_647 = tpu.bitcast %and3A_646 : vector<128x1xi32> -> vector<128x1xf32>
    %sub3A_648 = arith.subf %get3A_639, %bitcast_convert_type3A_647 : vector<128x1xf32>
    %mul3A_649 = vector.broadcast %bitcast_convert_type3A_647 : vector<128x1xf32> to vector<128x416xf32>
    %mul3A_650 = arith.mulf %bitcast_convert_type3A_4, %mul3A_649 : vector<128x416xf32>
    %mul3A_651 = vector.broadcast %sub3A_648 : vector<128x1xf32> to vector<128x416xf32>
    %mul3A_652 = arith.mulf %bitcast_convert_type3A_4, %mul3A_651 : vector<128x416xf32>
    %mul3A_653 = vector.broadcast %get3A_639 : vector<128x1xf32> to vector<128x416xf32>
    %mul3A_654 = arith.mulf %sub3A, %mul3A_653 : vector<128x416xf32>
    %add3A_655 = arith.addf %mul3A_652, %mul3A_654 : vector<128x416xf32>
    %mul3A_656 = vector.broadcast %get3A_642 : vector<128x1xf32> to vector<128x416xf32>
    %mul3A_657 = arith.mulf %transpose3A, %mul3A_656 : vector<128x416xf32>
    %add3A_658 = arith.addf %add3A_655, %mul3A_657 : vector<128x416xf32>
    %slice3A_659 = vector.extract_strided_slice %mul3A_650 {offsets = [0, 0], sizes = [64, 416], strides = [1, 1]} : vector<128x416xf32> to vector<64x416xf32>
    %slice3A_660 = vector.extract_strided_slice %add3A_658 {offsets = [0, 0], sizes = [64, 416], strides = [1, 1]} : vector<128x416xf32> to vector<64x416xf32>
    %slice3A_661 = vector.extract_strided_slice %mul3A_650 {offsets = [64, 0], sizes = [64, 416], strides = [1, 1]} : vector<128x416xf32> to vector<64x416xf32>
    %slice3A_662 = vector.extract_strided_slice %add3A_658 {offsets = [64, 0], sizes = [64, 416], strides = [1, 1]} : vector<128x416xf32> to vector<64x416xf32>
    %add3A_663 = arith.addf %slice3A_659, %slice3A_661 : vector<64x416xf32>
    %sub3A_664 = arith.subf %add3A_663, %slice3A_659 : vector<64x416xf32>
    %sub3A_665 = arith.subf %add3A_663, %sub3A_664 : vector<64x416xf32>
    %sub3A_666 = arith.subf %slice3A_659, %sub3A_665 : vector<64x416xf32>
    %sub3A_667 = arith.subf %slice3A_661, %sub3A_664 : vector<64x416xf32>
    %add3A_668 = arith.addf %sub3A_666, %sub3A_667 : vector<64x416xf32>
    %add3A_669 = arith.addf %slice3A_660, %slice3A_662 : vector<64x416xf32>
    %add3A_670 = arith.addf %add3A_668, %add3A_669 : vector<64x416xf32>
    %add3A_671 = arith.addf %add3A_663, %add3A_670 : vector<64x416xf32>
    %sub3A_672 = arith.subf %add3A_671, %add3A_663 : vector<64x416xf32>
    %sub3A_673 = arith.subf %add3A_670, %sub3A_672 : vector<64x416xf32>
    %slice3A_674 = vector.extract_strided_slice %add3A_671 {offsets = [0, 0], sizes = [32, 416], strides = [1, 1]} : vector<64x416xf32> to vector<32x416xf32>
    %slice3A_675 = vector.extract_strided_slice %sub3A_673 {offsets = [0, 0], sizes = [32, 416], strides = [1, 1]} : vector<64x416xf32> to vector<32x416xf32>
    %slice3A_676 = vector.extract_strided_slice %add3A_671 {offsets = [32, 0], sizes = [32, 416], strides = [1, 1]} : vector<64x416xf32> to vector<32x416xf32>
    %slice3A_677 = vector.extract_strided_slice %sub3A_673 {offsets = [32, 0], sizes = [32, 416], strides = [1, 1]} : vector<64x416xf32> to vector<32x416xf32>
    %add3A_678 = arith.addf %slice3A_674, %slice3A_676 : vector<32x416xf32>
    %sub3A_679 = arith.subf %add3A_678, %slice3A_674 : vector<32x416xf32>
    %sub3A_680 = arith.subf %add3A_678, %sub3A_679 : vector<32x416xf32>
    %sub3A_681 = arith.subf %slice3A_674, %sub3A_680 : vector<32x416xf32>
    %sub3A_682 = arith.subf %slice3A_676, %sub3A_679 : vector<32x416xf32>
    %add3A_683 = arith.addf %sub3A_681, %sub3A_682 : vector<32x416xf32>
    %add3A_684 = arith.addf %slice3A_675, %slice3A_677 : vector<32x416xf32>
    %add3A_685 = arith.addf %add3A_683, %add3A_684 : vector<32x416xf32>
    %add3A_686 = arith.addf %add3A_678, %add3A_685 : vector<32x416xf32>
    %sub3A_687 = arith.subf %add3A_686, %add3A_678 : vector<32x416xf32>
    %sub3A_688 = arith.subf %add3A_685, %sub3A_687 : vector<32x416xf32>
    %slice3A_689 = vector.extract_strided_slice %add3A_686 {offsets = [0, 0], sizes = [16, 416], strides = [1, 1]} : vector<32x416xf32> to vector<16x416xf32>
    %slice3A_690 = vector.extract_strided_slice %sub3A_688 {offsets = [0, 0], sizes = [16, 416], strides = [1, 1]} : vector<32x416xf32> to vector<16x416xf32>
    %slice3A_691 = vector.extract_strided_slice %add3A_686 {offsets = [16, 0], sizes = [16, 416], strides = [1, 1]} : vector<32x416xf32> to vector<16x416xf32>
    %slice3A_692 = vector.extract_strided_slice %sub3A_688 {offsets = [16, 0], sizes = [16, 416], strides = [1, 1]} : vector<32x416xf32> to vector<16x416xf32>
    %add3A_693 = arith.addf %slice3A_689, %slice3A_691 : vector<16x416xf32>
    %sub3A_694 = arith.subf %add3A_693, %slice3A_689 : vector<16x416xf32>
    %sub3A_695 = arith.subf %add3A_693, %sub3A_694 : vector<16x416xf32>
    %sub3A_696 = arith.subf %slice3A_689, %sub3A_695 : vector<16x416xf32>
    %sub3A_697 = arith.subf %slice3A_691, %sub3A_694 : vector<16x416xf32>
    %add3A_698 = arith.addf %sub3A_696, %sub3A_697 : vector<16x416xf32>
    %add3A_699 = arith.addf %slice3A_690, %slice3A_692 : vector<16x416xf32>
    %add3A_700 = arith.addf %add3A_698, %add3A_699 : vector<16x416xf32>
    %add3A_701 = arith.addf %add3A_693, %add3A_700 : vector<16x416xf32>
    %sub3A_702 = arith.subf %add3A_701, %add3A_693 : vector<16x416xf32>
    %sub3A_703 = arith.subf %add3A_700, %sub3A_702 : vector<16x416xf32>
    %slice3A_704 = vector.extract_strided_slice %add3A_701 {offsets = [0, 0], sizes = [8, 416], strides = [1, 1]} : vector<16x416xf32> to vector<8x416xf32>
    %slice3A_705 = vector.extract_strided_slice %sub3A_703 {offsets = [0, 0], sizes = [8, 416], strides = [1, 1]} : vector<16x416xf32> to vector<8x416xf32>
    %slice3A_706 = vector.extract_strided_slice %add3A_701 {offsets = [8, 0], sizes = [8, 416], strides = [1, 1]} : vector<16x416xf32> to vector<8x416xf32>
    %slice3A_707 = vector.extract_strided_slice %sub3A_703 {offsets = [8, 0], sizes = [8, 416], strides = [1, 1]} : vector<16x416xf32> to vector<8x416xf32>
    %add3A_708 = arith.addf %slice3A_704, %slice3A_706 : vector<8x416xf32>
    %sub3A_709 = arith.subf %add3A_708, %slice3A_704 : vector<8x416xf32>
    %sub3A_710 = arith.subf %add3A_708, %sub3A_709 : vector<8x416xf32>
    %sub3A_711 = arith.subf %slice3A_704, %sub3A_710 : vector<8x416xf32>
    %sub3A_712 = arith.subf %slice3A_706, %sub3A_709 : vector<8x416xf32>
    %add3A_713 = arith.addf %sub3A_711, %sub3A_712 : vector<8x416xf32>
    %add3A_714 = arith.addf %slice3A_705, %slice3A_707 : vector<8x416xf32>
    %add3A_715 = arith.addf %add3A_713, %add3A_714 : vector<8x416xf32>
    %add3A_716 = arith.addf %add3A_708, %add3A_715 : vector<8x416xf32>
    %sub3A_717 = arith.subf %add3A_716, %add3A_708 : vector<8x416xf32>
    %sub3A_718 = arith.subf %add3A_715, %sub3A_717 : vector<8x416xf32>
    %slice3A_719 = vector.extract_strided_slice %add3A_716 {offsets = [0, 0], sizes = [4, 416], strides = [1, 1]} : vector<8x416xf32> to vector<4x416xf32>
    %slice3A_720 = vector.extract_strided_slice %sub3A_718 {offsets = [0, 0], sizes = [4, 416], strides = [1, 1]} : vector<8x416xf32> to vector<4x416xf32>
    %slice3A_721 = vector.extract_strided_slice %add3A_716 {offsets = [4, 0], sizes = [4, 416], strides = [1, 1]} : vector<8x416xf32> to vector<4x416xf32>
    %slice3A_722 = vector.extract_strided_slice %sub3A_718 {offsets = [4, 0], sizes = [4, 416], strides = [1, 1]} : vector<8x416xf32> to vector<4x416xf32>
    %add3A_723 = arith.addf %slice3A_719, %slice3A_721 : vector<4x416xf32>
    %sub3A_724 = arith.subf %add3A_723, %slice3A_719 : vector<4x416xf32>
    %sub3A_725 = arith.subf %add3A_723, %sub3A_724 : vector<4x416xf32>
    %sub3A_726 = arith.subf %slice3A_719, %sub3A_725 : vector<4x416xf32>
    %sub3A_727 = arith.subf %slice3A_721, %sub3A_724 : vector<4x416xf32>
    %add3A_728 = arith.addf %sub3A_726, %sub3A_727 : vector<4x416xf32>
    %add3A_729 = arith.addf %slice3A_720, %slice3A_722 : vector<4x416xf32>
    %add3A_730 = arith.addf %add3A_728, %add3A_729 : vector<4x416xf32>
    %add3A_731 = arith.addf %add3A_723, %add3A_730 : vector<4x416xf32>
    %sub3A_732 = arith.subf %add3A_731, %add3A_723 : vector<4x416xf32>
    %sub3A_733 = arith.subf %add3A_730, %sub3A_732 : vector<4x416xf32>
    %slice3A_734 = vector.extract_strided_slice %add3A_731 {offsets = [0, 0], sizes = [2, 416], strides = [1, 1]} : vector<4x416xf32> to vector<2x416xf32>
    %slice3A_735 = vector.extract_strided_slice %sub3A_733 {offsets = [0, 0], sizes = [2, 416], strides = [1, 1]} : vector<4x416xf32> to vector<2x416xf32>
    %slice3A_736 = vector.extract_strided_slice %add3A_731 {offsets = [2, 0], sizes = [2, 416], strides = [1, 1]} : vector<4x416xf32> to vector<2x416xf32>
    %slice3A_737 = vector.extract_strided_slice %sub3A_733 {offsets = [2, 0], sizes = [2, 416], strides = [1, 1]} : vector<4x416xf32> to vector<2x416xf32>
    %add3A_738 = arith.addf %slice3A_734, %slice3A_736 : vector<2x416xf32>
    %sub3A_739 = arith.subf %add3A_738, %slice3A_734 : vector<2x416xf32>
    %sub3A_740 = arith.subf %add3A_738, %sub3A_739 : vector<2x416xf32>
    %sub3A_741 = arith.subf %slice3A_734, %sub3A_740 : vector<2x416xf32>
    %sub3A_742 = arith.subf %slice3A_736, %sub3A_739 : vector<2x416xf32>
    %add3A_743 = arith.addf %sub3A_741, %sub3A_742 : vector<2x416xf32>
    %add3A_744 = arith.addf %slice3A_735, %slice3A_737 : vector<2x416xf32>
    %add3A_745 = arith.addf %add3A_743, %add3A_744 : vector<2x416xf32>
    %add3A_746 = arith.addf %add3A_738, %add3A_745 : vector<2x416xf32>
    %sub3A_747 = arith.subf %add3A_746, %add3A_738 : vector<2x416xf32>
    %sub3A_748 = arith.subf %add3A_745, %sub3A_747 : vector<2x416xf32>
    %slice3A_749 = vector.extract_strided_slice %add3A_746 {offsets = [0, 0], sizes = [1, 416], strides = [1, 1]} : vector<2x416xf32> to vector<1x416xf32>
    %slice3A_750 = vector.extract_strided_slice %sub3A_748 {offsets = [0, 0], sizes = [1, 416], strides = [1, 1]} : vector<2x416xf32> to vector<1x416xf32>
    %slice3A_751 = vector.extract_strided_slice %add3A_746 {offsets = [1, 0], sizes = [1, 416], strides = [1, 1]} : vector<2x416xf32> to vector<1x416xf32>
    %slice3A_752 = vector.extract_strided_slice %sub3A_748 {offsets = [1, 0], sizes = [1, 416], strides = [1, 1]} : vector<2x416xf32> to vector<1x416xf32>
    %add3A_753 = arith.addf %slice3A_749, %slice3A_751 : vector<1x416xf32>
    %sub3A_754 = arith.subf %add3A_753, %slice3A_749 : vector<1x416xf32>
    %sub3A_755 = arith.subf %add3A_753, %sub3A_754 : vector<1x416xf32>
    %sub3A_756 = arith.subf %slice3A_749, %sub3A_755 : vector<1x416xf32>
    %sub3A_757 = arith.subf %slice3A_751, %sub3A_754 : vector<1x416xf32>
    %add3A_758 = arith.addf %sub3A_756, %sub3A_757 : vector<1x416xf32>
    %add3A_759 = arith.addf %slice3A_750, %slice3A_752 : vector<1x416xf32>
    %add3A_760 = arith.addf %add3A_758, %add3A_759 : vector<1x416xf32>
    %add3A_761 = arith.addf %add3A_753, %add3A_760 : vector<1x416xf32>
    %sub3A_762 = arith.subf %add3A_761, %add3A_753 : vector<1x416xf32>
    %sub3A_763 = arith.subf %add3A_760, %sub3A_762 : vector<1x416xf32>
    %get3A_764 = arith.constant 0 : index
    %get3A_765 = arith.constant 6 : index
    %get3A_766 = vector.load %arg2[%get3A_764, %get3A_765] : memref<128x16xf32, #tpu.memory_space<vmem>>, vector<128x1xf32>
    %get3A_767 = arith.constant 0 : index
    %get3A_768 = arith.constant 6 : index
    %get3A_769 = vector.load %arg3[%get3A_767, %get3A_768] : memref<128x16xf32, #tpu.memory_space<vmem>>, vector<128x1xf32>
    %bitcast_convert_type3A_770 = tpu.bitcast %get3A_766 : vector<128x1xf32> -> vector<128x1xi32>
    %and3A_771 = arith.constant -4096 : i32
    %and3A_772 = vector.broadcast %and3A_771 : i32 to vector<128x1xi32>
    %and3A_773 = arith.andi %bitcast_convert_type3A_770, %and3A_772 : vector<128x1xi32>
    %bitcast_convert_type3A_774 = tpu.bitcast %and3A_773 : vector<128x1xi32> -> vector<128x1xf32>
    %sub3A_775 = arith.subf %get3A_766, %bitcast_convert_type3A_774 : vector<128x1xf32>
    %mul3A_776 = vector.broadcast %bitcast_convert_type3A_774 : vector<128x1xf32> to vector<128x416xf32>
    %mul3A_777 = arith.mulf %bitcast_convert_type3A_4, %mul3A_776 : vector<128x416xf32>
    %mul3A_778 = vector.broadcast %sub3A_775 : vector<128x1xf32> to vector<128x416xf32>
    %mul3A_779 = arith.mulf %bitcast_convert_type3A_4, %mul3A_778 : vector<128x416xf32>
    %mul3A_780 = vector.broadcast %get3A_766 : vector<128x1xf32> to vector<128x416xf32>
    %mul3A_781 = arith.mulf %sub3A, %mul3A_780 : vector<128x416xf32>
    %add3A_782 = arith.addf %mul3A_779, %mul3A_781 : vector<128x416xf32>
    %mul3A_783 = vector.broadcast %get3A_769 : vector<128x1xf32> to vector<128x416xf32>
    %mul3A_784 = arith.mulf %transpose3A, %mul3A_783 : vector<128x416xf32>
    %add3A_785 = arith.addf %add3A_782, %mul3A_784 : vector<128x416xf32>
    %slice3A_786 = vector.extract_strided_slice %mul3A_777 {offsets = [0, 0], sizes = [64, 416], strides = [1, 1]} : vector<128x416xf32> to vector<64x416xf32>
    %slice3A_787 = vector.extract_strided_slice %add3A_785 {offsets = [0, 0], sizes = [64, 416], strides = [1, 1]} : vector<128x416xf32> to vector<64x416xf32>
    %slice3A_788 = vector.extract_strided_slice %mul3A_777 {offsets = [64, 0], sizes = [64, 416], strides = [1, 1]} : vector<128x416xf32> to vector<64x416xf32>
    %slice3A_789 = vector.extract_strided_slice %add3A_785 {offsets = [64, 0], sizes = [64, 416], strides = [1, 1]} : vector<128x416xf32> to vector<64x416xf32>
    %add3A_790 = arith.addf %slice3A_786, %slice3A_788 : vector<64x416xf32>
    %sub3A_791 = arith.subf %add3A_790, %slice3A_786 : vector<64x416xf32>
    %sub3A_792 = arith.subf %add3A_790, %sub3A_791 : vector<64x416xf32>
    %sub3A_793 = arith.subf %slice3A_786, %sub3A_792 : vector<64x416xf32>
    %sub3A_794 = arith.subf %slice3A_788, %sub3A_791 : vector<64x416xf32>
    %add3A_795 = arith.addf %sub3A_793, %sub3A_794 : vector<64x416xf32>
    %add3A_796 = arith.addf %slice3A_787, %slice3A_789 : vector<64x416xf32>
    %add3A_797 = arith.addf %add3A_795, %add3A_796 : vector<64x416xf32>
    %add3A_798 = arith.addf %add3A_790, %add3A_797 : vector<64x416xf32>
    %sub3A_799 = arith.subf %add3A_798, %add3A_790 : vector<64x416xf32>
    %sub3A_800 = arith.subf %add3A_797, %sub3A_799 : vector<64x416xf32>
    %slice3A_801 = vector.extract_strided_slice %add3A_798 {offsets = [0, 0], sizes = [32, 416], strides = [1, 1]} : vector<64x416xf32> to vector<32x416xf32>
    %slice3A_802 = vector.extract_strided_slice %sub3A_800 {offsets = [0, 0], sizes = [32, 416], strides = [1, 1]} : vector<64x416xf32> to vector<32x416xf32>
    %slice3A_803 = vector.extract_strided_slice %add3A_798 {offsets = [32, 0], sizes = [32, 416], strides = [1, 1]} : vector<64x416xf32> to vector<32x416xf32>
    %slice3A_804 = vector.extract_strided_slice %sub3A_800 {offsets = [32, 0], sizes = [32, 416], strides = [1, 1]} : vector<64x416xf32> to vector<32x416xf32>
    %add3A_805 = arith.addf %slice3A_801, %slice3A_803 : vector<32x416xf32>
    %sub3A_806 = arith.subf %add3A_805, %slice3A_801 : vector<32x416xf32>
    %sub3A_807 = arith.subf %add3A_805, %sub3A_806 : vector<32x416xf32>
    %sub3A_808 = arith.subf %slice3A_801, %sub3A_807 : vector<32x416xf32>
    %sub3A_809 = arith.subf %slice3A_803, %sub3A_806 : vector<32x416xf32>
    %add3A_810 = arith.addf %sub3A_808, %sub3A_809 : vector<32x416xf32>
    %add3A_811 = arith.addf %slice3A_802, %slice3A_804 : vector<32x416xf32>
    %add3A_812 = arith.addf %add3A_810, %add3A_811 : vector<32x416xf32>
    %add3A_813 = arith.addf %add3A_805, %add3A_812 : vector<32x416xf32>
    %sub3A_814 = arith.subf %add3A_813, %add3A_805 : vector<32x416xf32>
    %sub3A_815 = arith.subf %add3A_812, %sub3A_814 : vector<32x416xf32>
    %slice3A_816 = vector.extract_strided_slice %add3A_813 {offsets = [0, 0], sizes = [16, 416], strides = [1, 1]} : vector<32x416xf32> to vector<16x416xf32>
    %slice3A_817 = vector.extract_strided_slice %sub3A_815 {offsets = [0, 0], sizes = [16, 416], strides = [1, 1]} : vector<32x416xf32> to vector<16x416xf32>
    %slice3A_818 = vector.extract_strided_slice %add3A_813 {offsets = [16, 0], sizes = [16, 416], strides = [1, 1]} : vector<32x416xf32> to vector<16x416xf32>
    %slice3A_819 = vector.extract_strided_slice %sub3A_815 {offsets = [16, 0], sizes = [16, 416], strides = [1, 1]} : vector<32x416xf32> to vector<16x416xf32>
    %add3A_820 = arith.addf %slice3A_816, %slice3A_818 : vector<16x416xf32>
    %sub3A_821 = arith.subf %add3A_820, %slice3A_816 : vector<16x416xf32>
    %sub3A_822 = arith.subf %add3A_820, %sub3A_821 : vector<16x416xf32>
    %sub3A_823 = arith.subf %slice3A_816, %sub3A_822 : vector<16x416xf32>
    %sub3A_824 = arith.subf %slice3A_818, %sub3A_821 : vector<16x416xf32>
    %add3A_825 = arith.addf %sub3A_823, %sub3A_824 : vector<16x416xf32>
    %add3A_826 = arith.addf %slice3A_817, %slice3A_819 : vector<16x416xf32>
    %add3A_827 = arith.addf %add3A_825, %add3A_826 : vector<16x416xf32>
    %add3A_828 = arith.addf %add3A_820, %add3A_827 : vector<16x416xf32>
    %sub3A_829 = arith.subf %add3A_828, %add3A_820 : vector<16x416xf32>
    %sub3A_830 = arith.subf %add3A_827, %sub3A_829 : vector<16x416xf32>
    %slice3A_831 = vector.extract_strided_slice %add3A_828 {offsets = [0, 0], sizes = [8, 416], strides = [1, 1]} : vector<16x416xf32> to vector<8x416xf32>
    %slice3A_832 = vector.extract_strided_slice %sub3A_830 {offsets = [0, 0], sizes = [8, 416], strides = [1, 1]} : vector<16x416xf32> to vector<8x416xf32>
    %slice3A_833 = vector.extract_strided_slice %add3A_828 {offsets = [8, 0], sizes = [8, 416], strides = [1, 1]} : vector<16x416xf32> to vector<8x416xf32>
    %slice3A_834 = vector.extract_strided_slice %sub3A_830 {offsets = [8, 0], sizes = [8, 416], strides = [1, 1]} : vector<16x416xf32> to vector<8x416xf32>
    %add3A_835 = arith.addf %slice3A_831, %slice3A_833 : vector<8x416xf32>
    %sub3A_836 = arith.subf %add3A_835, %slice3A_831 : vector<8x416xf32>
    %sub3A_837 = arith.subf %add3A_835, %sub3A_836 : vector<8x416xf32>
    %sub3A_838 = arith.subf %slice3A_831, %sub3A_837 : vector<8x416xf32>
    %sub3A_839 = arith.subf %slice3A_833, %sub3A_836 : vector<8x416xf32>
    %add3A_840 = arith.addf %sub3A_838, %sub3A_839 : vector<8x416xf32>
    %add3A_841 = arith.addf %slice3A_832, %slice3A_834 : vector<8x416xf32>
    %add3A_842 = arith.addf %add3A_840, %add3A_841 : vector<8x416xf32>
    %add3A_843 = arith.addf %add3A_835, %add3A_842 : vector<8x416xf32>
    %sub3A_844 = arith.subf %add3A_843, %add3A_835 : vector<8x416xf32>
    %sub3A_845 = arith.subf %add3A_842, %sub3A_844 : vector<8x416xf32>
    %slice3A_846 = vector.extract_strided_slice %add3A_843 {offsets = [0, 0], sizes = [4, 416], strides = [1, 1]} : vector<8x416xf32> to vector<4x416xf32>
    %slice3A_847 = vector.extract_strided_slice %sub3A_845 {offsets = [0, 0], sizes = [4, 416], strides = [1, 1]} : vector<8x416xf32> to vector<4x416xf32>
    %slice3A_848 = vector.extract_strided_slice %add3A_843 {offsets = [4, 0], sizes = [4, 416], strides = [1, 1]} : vector<8x416xf32> to vector<4x416xf32>
    %slice3A_849 = vector.extract_strided_slice %sub3A_845 {offsets = [4, 0], sizes = [4, 416], strides = [1, 1]} : vector<8x416xf32> to vector<4x416xf32>
    %add3A_850 = arith.addf %slice3A_846, %slice3A_848 : vector<4x416xf32>
    %sub3A_851 = arith.subf %add3A_850, %slice3A_846 : vector<4x416xf32>
    %sub3A_852 = arith.subf %add3A_850, %sub3A_851 : vector<4x416xf32>
    %sub3A_853 = arith.subf %slice3A_846, %sub3A_852 : vector<4x416xf32>
    %sub3A_854 = arith.subf %slice3A_848, %sub3A_851 : vector<4x416xf32>
    %add3A_855 = arith.addf %sub3A_853, %sub3A_854 : vector<4x416xf32>
    %add3A_856 = arith.addf %slice3A_847, %slice3A_849 : vector<4x416xf32>
    %add3A_857 = arith.addf %add3A_855, %add3A_856 : vector<4x416xf32>
    %add3A_858 = arith.addf %add3A_850, %add3A_857 : vector<4x416xf32>
    %sub3A_859 = arith.subf %add3A_858, %add3A_850 : vector<4x416xf32>
    %sub3A_860 = arith.subf %add3A_857, %sub3A_859 : vector<4x416xf32>
    %slice3A_861 = vector.extract_strided_slice %add3A_858 {offsets = [0, 0], sizes = [2, 416], strides = [1, 1]} : vector<4x416xf32> to vector<2x416xf32>
    %slice3A_862 = vector.extract_strided_slice %sub3A_860 {offsets = [0, 0], sizes = [2, 416], strides = [1, 1]} : vector<4x416xf32> to vector<2x416xf32>
    %slice3A_863 = vector.extract_strided_slice %add3A_858 {offsets = [2, 0], sizes = [2, 416], strides = [1, 1]} : vector<4x416xf32> to vector<2x416xf32>
    %slice3A_864 = vector.extract_strided_slice %sub3A_860 {offsets = [2, 0], sizes = [2, 416], strides = [1, 1]} : vector<4x416xf32> to vector<2x416xf32>
    %add3A_865 = arith.addf %slice3A_861, %slice3A_863 : vector<2x416xf32>
    %sub3A_866 = arith.subf %add3A_865, %slice3A_861 : vector<2x416xf32>
    %sub3A_867 = arith.subf %add3A_865, %sub3A_866 : vector<2x416xf32>
    %sub3A_868 = arith.subf %slice3A_861, %sub3A_867 : vector<2x416xf32>
    %sub3A_869 = arith.subf %slice3A_863, %sub3A_866 : vector<2x416xf32>
    %add3A_870 = arith.addf %sub3A_868, %sub3A_869 : vector<2x416xf32>
    %add3A_871 = arith.addf %slice3A_862, %slice3A_864 : vector<2x416xf32>
    %add3A_872 = arith.addf %add3A_870, %add3A_871 : vector<2x416xf32>
    %add3A_873 = arith.addf %add3A_865, %add3A_872 : vector<2x416xf32>
    %sub3A_874 = arith.subf %add3A_873, %add3A_865 : vector<2x416xf32>
    %sub3A_875 = arith.subf %add3A_872, %sub3A_874 : vector<2x416xf32>
    %slice3A_876 = vector.extract_strided_slice %add3A_873 {offsets = [0, 0], sizes = [1, 416], strides = [1, 1]} : vector<2x416xf32> to vector<1x416xf32>
    %slice3A_877 = vector.extract_strided_slice %sub3A_875 {offsets = [0, 0], sizes = [1, 416], strides = [1, 1]} : vector<2x416xf32> to vector<1x416xf32>
    %slice3A_878 = vector.extract_strided_slice %add3A_873 {offsets = [1, 0], sizes = [1, 416], strides = [1, 1]} : vector<2x416xf32> to vector<1x416xf32>
    %slice3A_879 = vector.extract_strided_slice %sub3A_875 {offsets = [1, 0], sizes = [1, 416], strides = [1, 1]} : vector<2x416xf32> to vector<1x416xf32>
    %add3A_880 = arith.addf %slice3A_876, %slice3A_878 : vector<1x416xf32>
    %sub3A_881 = arith.subf %add3A_880, %slice3A_876 : vector<1x416xf32>
    %sub3A_882 = arith.subf %add3A_880, %sub3A_881 : vector<1x416xf32>
    %sub3A_883 = arith.subf %slice3A_876, %sub3A_882 : vector<1x416xf32>
    %sub3A_884 = arith.subf %slice3A_878, %sub3A_881 : vector<1x416xf32>
    %add3A_885 = arith.addf %sub3A_883, %sub3A_884 : vector<1x416xf32>
    %add3A_886 = arith.addf %slice3A_877, %slice3A_879 : vector<1x416xf32>
    %add3A_887 = arith.addf %add3A_885, %add3A_886 : vector<1x416xf32>
    %add3A_888 = arith.addf %add3A_880, %add3A_887 : vector<1x416xf32>
    %sub3A_889 = arith.subf %add3A_888, %add3A_880 : vector<1x416xf32>
    %sub3A_890 = arith.subf %add3A_887, %sub3A_889 : vector<1x416xf32>
    %get3A_891 = arith.constant 0 : index
    %get3A_892 = arith.constant 7 : index
    %get3A_893 = vector.load %arg2[%get3A_891, %get3A_892] : memref<128x16xf32, #tpu.memory_space<vmem>>, vector<128x1xf32>
    %get3A_894 = arith.constant 0 : index
    %get3A_895 = arith.constant 7 : index
    %get3A_896 = vector.load %arg3[%get3A_894, %get3A_895] : memref<128x16xf32, #tpu.memory_space<vmem>>, vector<128x1xf32>
    %bitcast_convert_type3A_897 = tpu.bitcast %get3A_893 : vector<128x1xf32> -> vector<128x1xi32>
    %and3A_898 = arith.constant -4096 : i32
    %and3A_899 = vector.broadcast %and3A_898 : i32 to vector<128x1xi32>
    %and3A_900 = arith.andi %bitcast_convert_type3A_897, %and3A_899 : vector<128x1xi32>
    %bitcast_convert_type3A_901 = tpu.bitcast %and3A_900 : vector<128x1xi32> -> vector<128x1xf32>
    %sub3A_902 = arith.subf %get3A_893, %bitcast_convert_type3A_901 : vector<128x1xf32>
    %mul3A_903 = vector.broadcast %bitcast_convert_type3A_901 : vector<128x1xf32> to vector<128x416xf32>
    %mul3A_904 = arith.mulf %bitcast_convert_type3A_4, %mul3A_903 : vector<128x416xf32>
    %mul3A_905 = vector.broadcast %sub3A_902 : vector<128x1xf32> to vector<128x416xf32>
    %mul3A_906 = arith.mulf %bitcast_convert_type3A_4, %mul3A_905 : vector<128x416xf32>
    %mul3A_907 = vector.broadcast %get3A_893 : vector<128x1xf32> to vector<128x416xf32>
    %mul3A_908 = arith.mulf %sub3A, %mul3A_907 : vector<128x416xf32>
    %add3A_909 = arith.addf %mul3A_906, %mul3A_908 : vector<128x416xf32>
    %mul3A_910 = vector.broadcast %get3A_896 : vector<128x1xf32> to vector<128x416xf32>
    %mul3A_911 = arith.mulf %transpose3A, %mul3A_910 : vector<128x416xf32>
    %add3A_912 = arith.addf %add3A_909, %mul3A_911 : vector<128x416xf32>
    %slice3A_913 = vector.extract_strided_slice %mul3A_904 {offsets = [0, 0], sizes = [64, 416], strides = [1, 1]} : vector<128x416xf32> to vector<64x416xf32>
    %slice3A_914 = vector.extract_strided_slice %add3A_912 {offsets = [0, 0], sizes = [64, 416], strides = [1, 1]} : vector<128x416xf32> to vector<64x416xf32>
    %slice3A_915 = vector.extract_strided_slice %mul3A_904 {offsets = [64, 0], sizes = [64, 416], strides = [1, 1]} : vector<128x416xf32> to vector<64x416xf32>
    %slice3A_916 = vector.extract_strided_slice %add3A_912 {offsets = [64, 0], sizes = [64, 416], strides = [1, 1]} : vector<128x416xf32> to vector<64x416xf32>
    %add3A_917 = arith.addf %slice3A_913, %slice3A_915 : vector<64x416xf32>
    %sub3A_918 = arith.subf %add3A_917, %slice3A_913 : vector<64x416xf32>
    %sub3A_919 = arith.subf %add3A_917, %sub3A_918 : vector<64x416xf32>
    %sub3A_920 = arith.subf %slice3A_913, %sub3A_919 : vector<64x416xf32>
    %sub3A_921 = arith.subf %slice3A_915, %sub3A_918 : vector<64x416xf32>
    %add3A_922 = arith.addf %sub3A_920, %sub3A_921 : vector<64x416xf32>
    %add3A_923 = arith.addf %slice3A_914, %slice3A_916 : vector<64x416xf32>
    %add3A_924 = arith.addf %add3A_922, %add3A_923 : vector<64x416xf32>
    %add3A_925 = arith.addf %add3A_917, %add3A_924 : vector<64x416xf32>
    %sub3A_926 = arith.subf %add3A_925, %add3A_917 : vector<64x416xf32>
    %sub3A_927 = arith.subf %add3A_924, %sub3A_926 : vector<64x416xf32>
    %slice3A_928 = vector.extract_strided_slice %add3A_925 {offsets = [0, 0], sizes = [32, 416], strides = [1, 1]} : vector<64x416xf32> to vector<32x416xf32>
    %slice3A_929 = vector.extract_strided_slice %sub3A_927 {offsets = [0, 0], sizes = [32, 416], strides = [1, 1]} : vector<64x416xf32> to vector<32x416xf32>
    %slice3A_930 = vector.extract_strided_slice %add3A_925 {offsets = [32, 0], sizes = [32, 416], strides = [1, 1]} : vector<64x416xf32> to vector<32x416xf32>
    %slice3A_931 = vector.extract_strided_slice %sub3A_927 {offsets = [32, 0], sizes = [32, 416], strides = [1, 1]} : vector<64x416xf32> to vector<32x416xf32>
    %add3A_932 = arith.addf %slice3A_928, %slice3A_930 : vector<32x416xf32>
    %sub3A_933 = arith.subf %add3A_932, %slice3A_928 : vector<32x416xf32>
    %sub3A_934 = arith.subf %add3A_932, %sub3A_933 : vector<32x416xf32>
    %sub3A_935 = arith.subf %slice3A_928, %sub3A_934 : vector<32x416xf32>
    %sub3A_936 = arith.subf %slice3A_930, %sub3A_933 : vector<32x416xf32>
    %add3A_937 = arith.addf %sub3A_935, %sub3A_936 : vector<32x416xf32>
    %add3A_938 = arith.addf %slice3A_929, %slice3A_931 : vector<32x416xf32>
    %add3A_939 = arith.addf %add3A_937, %add3A_938 : vector<32x416xf32>
    %add3A_940 = arith.addf %add3A_932, %add3A_939 : vector<32x416xf32>
    %sub3A_941 = arith.subf %add3A_940, %add3A_932 : vector<32x416xf32>
    %sub3A_942 = arith.subf %add3A_939, %sub3A_941 : vector<32x416xf32>
    %slice3A_943 = vector.extract_strided_slice %add3A_940 {offsets = [0, 0], sizes = [16, 416], strides = [1, 1]} : vector<32x416xf32> to vector<16x416xf32>
    %slice3A_944 = vector.extract_strided_slice %sub3A_942 {offsets = [0, 0], sizes = [16, 416], strides = [1, 1]} : vector<32x416xf32> to vector<16x416xf32>
    %slice3A_945 = vector.extract_strided_slice %add3A_940 {offsets = [16, 0], sizes = [16, 416], strides = [1, 1]} : vector<32x416xf32> to vector<16x416xf32>
    %slice3A_946 = vector.extract_strided_slice %sub3A_942 {offsets = [16, 0], sizes = [16, 416], strides = [1, 1]} : vector<32x416xf32> to vector<16x416xf32>
    %add3A_947 = arith.addf %slice3A_943, %slice3A_945 : vector<16x416xf32>
    %sub3A_948 = arith.subf %add3A_947, %slice3A_943 : vector<16x416xf32>
    %sub3A_949 = arith.subf %add3A_947, %sub3A_948 : vector<16x416xf32>
    %sub3A_950 = arith.subf %slice3A_943, %sub3A_949 : vector<16x416xf32>
    %sub3A_951 = arith.subf %slice3A_945, %sub3A_948 : vector<16x416xf32>
    %add3A_952 = arith.addf %sub3A_950, %sub3A_951 : vector<16x416xf32>
    %add3A_953 = arith.addf %slice3A_944, %slice3A_946 : vector<16x416xf32>
    %add3A_954 = arith.addf %add3A_952, %add3A_953 : vector<16x416xf32>
    %add3A_955 = arith.addf %add3A_947, %add3A_954 : vector<16x416xf32>
    %sub3A_956 = arith.subf %add3A_955, %add3A_947 : vector<16x416xf32>
    %sub3A_957 = arith.subf %add3A_954, %sub3A_956 : vector<16x416xf32>
    %slice3A_958 = vector.extract_strided_slice %add3A_955 {offsets = [0, 0], sizes = [8, 416], strides = [1, 1]} : vector<16x416xf32> to vector<8x416xf32>
    %slice3A_959 = vector.extract_strided_slice %sub3A_957 {offsets = [0, 0], sizes = [8, 416], strides = [1, 1]} : vector<16x416xf32> to vector<8x416xf32>
    %slice3A_960 = vector.extract_strided_slice %add3A_955 {offsets = [8, 0], sizes = [8, 416], strides = [1, 1]} : vector<16x416xf32> to vector<8x416xf32>
    %slice3A_961 = vector.extract_strided_slice %sub3A_957 {offsets = [8, 0], sizes = [8, 416], strides = [1, 1]} : vector<16x416xf32> to vector<8x416xf32>
    %add3A_962 = arith.addf %slice3A_958, %slice3A_960 : vector<8x416xf32>
    %sub3A_963 = arith.subf %add3A_962, %slice3A_958 : vector<8x416xf32>
    %sub3A_964 = arith.subf %add3A_962, %sub3A_963 : vector<8x416xf32>
    %sub3A_965 = arith.subf %slice3A_958, %sub3A_964 : vector<8x416xf32>
    %sub3A_966 = arith.subf %slice3A_960, %sub3A_963 : vector<8x416xf32>
    %add3A_967 = arith.addf %sub3A_965, %sub3A_966 : vector<8x416xf32>
    %add3A_968 = arith.addf %slice3A_959, %slice3A_961 : vector<8x416xf32>
    %add3A_969 = arith.addf %add3A_967, %add3A_968 : vector<8x416xf32>
    %add3A_970 = arith.addf %add3A_962, %add3A_969 : vector<8x416xf32>
    %sub3A_971 = arith.subf %add3A_970, %add3A_962 : vector<8x416xf32>
    %sub3A_972 = arith.subf %add3A_969, %sub3A_971 : vector<8x416xf32>
    %slice3A_973 = vector.extract_strided_slice %add3A_970 {offsets = [0, 0], sizes = [4, 416], strides = [1, 1]} : vector<8x416xf32> to vector<4x416xf32>
    %slice3A_974 = vector.extract_strided_slice %sub3A_972 {offsets = [0, 0], sizes = [4, 416], strides = [1, 1]} : vector<8x416xf32> to vector<4x416xf32>
    %slice3A_975 = vector.extract_strided_slice %add3A_970 {offsets = [4, 0], sizes = [4, 416], strides = [1, 1]} : vector<8x416xf32> to vector<4x416xf32>
    %slice3A_976 = vector.extract_strided_slice %sub3A_972 {offsets = [4, 0], sizes = [4, 416], strides = [1, 1]} : vector<8x416xf32> to vector<4x416xf32>
    %add3A_977 = arith.addf %slice3A_973, %slice3A_975 : vector<4x416xf32>
    %sub3A_978 = arith.subf %add3A_977, %slice3A_973 : vector<4x416xf32>
    %sub3A_979 = arith.subf %add3A_977, %sub3A_978 : vector<4x416xf32>
    %sub3A_980 = arith.subf %slice3A_973, %sub3A_979 : vector<4x416xf32>
    %sub3A_981 = arith.subf %slice3A_975, %sub3A_978 : vector<4x416xf32>
    %add3A_982 = arith.addf %sub3A_980, %sub3A_981 : vector<4x416xf32>
    %add3A_983 = arith.addf %slice3A_974, %slice3A_976 : vector<4x416xf32>
    %add3A_984 = arith.addf %add3A_982, %add3A_983 : vector<4x416xf32>
    %add3A_985 = arith.addf %add3A_977, %add3A_984 : vector<4x416xf32>
    %sub3A_986 = arith.subf %add3A_985, %add3A_977 : vector<4x416xf32>
    %sub3A_987 = arith.subf %add3A_984, %sub3A_986 : vector<4x416xf32>
    %slice3A_988 = vector.extract_strided_slice %add3A_985 {offsets = [0, 0], sizes = [2, 416], strides = [1, 1]} : vector<4x416xf32> to vector<2x416xf32>
    %slice3A_989 = vector.extract_strided_slice %sub3A_987 {offsets = [0, 0], sizes = [2, 416], strides = [1, 1]} : vector<4x416xf32> to vector<2x416xf32>
    %slice3A_990 = vector.extract_strided_slice %add3A_985 {offsets = [2, 0], sizes = [2, 416], strides = [1, 1]} : vector<4x416xf32> to vector<2x416xf32>
    %slice3A_991 = vector.extract_strided_slice %sub3A_987 {offsets = [2, 0], sizes = [2, 416], strides = [1, 1]} : vector<4x416xf32> to vector<2x416xf32>
    %add3A_992 = arith.addf %slice3A_988, %slice3A_990 : vector<2x416xf32>
    %sub3A_993 = arith.subf %add3A_992, %slice3A_988 : vector<2x416xf32>
    %sub3A_994 = arith.subf %add3A_992, %sub3A_993 : vector<2x416xf32>
    %sub3A_995 = arith.subf %slice3A_988, %sub3A_994 : vector<2x416xf32>
    %sub3A_996 = arith.subf %slice3A_990, %sub3A_993 : vector<2x416xf32>
    %add3A_997 = arith.addf %sub3A_995, %sub3A_996 : vector<2x416xf32>
    %add3A_998 = arith.addf %slice3A_989, %slice3A_991 : vector<2x416xf32>
    %add3A_999 = arith.addf %add3A_997, %add3A_998 : vector<2x416xf32>
    %add3A_1000 = arith.addf %add3A_992, %add3A_999 : vector<2x416xf32>
    %sub3A_1001 = arith.subf %add3A_1000, %add3A_992 : vector<2x416xf32>
    %sub3A_1002 = arith.subf %add3A_999, %sub3A_1001 : vector<2x416xf32>
    %slice3A_1003 = vector.extract_strided_slice %add3A_1000 {offsets = [0, 0], sizes = [1, 416], strides = [1, 1]} : vector<2x416xf32> to vector<1x416xf32>
    %slice3A_1004 = vector.extract_strided_slice %sub3A_1002 {offsets = [0, 0], sizes = [1, 416], strides = [1, 1]} : vector<2x416xf32> to vector<1x416xf32>
    %slice3A_1005 = vector.extract_strided_slice %add3A_1000 {offsets = [1, 0], sizes = [1, 416], strides = [1, 1]} : vector<2x416xf32> to vector<1x416xf32>
    %slice3A_1006 = vector.extract_strided_slice %sub3A_1002 {offsets = [1, 0], sizes = [1, 416], strides = [1, 1]} : vector<2x416xf32> to vector<1x416xf32>
    %add3A_1007 = arith.addf %slice3A_1003, %slice3A_1005 : vector<1x416xf32>
    %sub3A_1008 = arith.subf %add3A_1007, %slice3A_1003 : vector<1x416xf32>
    %sub3A_1009 = arith.subf %add3A_1007, %sub3A_1008 : vector<1x416xf32>
    %sub3A_1010 = arith.subf %slice3A_1003, %sub3A_1009 : vector<1x416xf32>
    %sub3A_1011 = arith.subf %slice3A_1005, %sub3A_1008 : vector<1x416xf32>
    %add3A_1012 = arith.addf %sub3A_1010, %sub3A_1011 : vector<1x416xf32>
    %add3A_1013 = arith.addf %slice3A_1004, %slice3A_1006 : vector<1x416xf32>
    %add3A_1014 = arith.addf %add3A_1012, %add3A_1013 : vector<1x416xf32>
    %add3A_1015 = arith.addf %add3A_1007, %add3A_1014 : vector<1x416xf32>
    %sub3A_1016 = arith.subf %add3A_1015, %add3A_1007 : vector<1x416xf32>
    %sub3A_1017 = arith.subf %add3A_1014, %sub3A_1016 : vector<1x416xf32>
    %get3A_1018 = arith.constant 0 : index
    %get3A_1019 = arith.constant 8 : index
    %get3A_1020 = vector.load %arg2[%get3A_1018, %get3A_1019] : memref<128x16xf32, #tpu.memory_space<vmem>>, vector<128x1xf32>
    %get3A_1021 = arith.constant 0 : index
    %get3A_1022 = arith.constant 8 : index
    %get3A_1023 = vector.load %arg3[%get3A_1021, %get3A_1022] : memref<128x16xf32, #tpu.memory_space<vmem>>, vector<128x1xf32>
    %bitcast_convert_type3A_1024 = tpu.bitcast %get3A_1020 : vector<128x1xf32> -> vector<128x1xi32>
    %and3A_1025 = arith.constant -4096 : i32
    %and3A_1026 = vector.broadcast %and3A_1025 : i32 to vector<128x1xi32>
    %and3A_1027 = arith.andi %bitcast_convert_type3A_1024, %and3A_1026 : vector<128x1xi32>
    %bitcast_convert_type3A_1028 = tpu.bitcast %and3A_1027 : vector<128x1xi32> -> vector<128x1xf32>
    %sub3A_1029 = arith.subf %get3A_1020, %bitcast_convert_type3A_1028 : vector<128x1xf32>
    %mul3A_1030 = vector.broadcast %bitcast_convert_type3A_1028 : vector<128x1xf32> to vector<128x416xf32>
    %mul3A_1031 = arith.mulf %bitcast_convert_type3A_4, %mul3A_1030 : vector<128x416xf32>
    %mul3A_1032 = vector.broadcast %sub3A_1029 : vector<128x1xf32> to vector<128x416xf32>
    %mul3A_1033 = arith.mulf %bitcast_convert_type3A_4, %mul3A_1032 : vector<128x416xf32>
    %mul3A_1034 = vector.broadcast %get3A_1020 : vector<128x1xf32> to vector<128x416xf32>
    %mul3A_1035 = arith.mulf %sub3A, %mul3A_1034 : vector<128x416xf32>
    %add3A_1036 = arith.addf %mul3A_1033, %mul3A_1035 : vector<128x416xf32>
    %mul3A_1037 = vector.broadcast %get3A_1023 : vector<128x1xf32> to vector<128x416xf32>
    %mul3A_1038 = arith.mulf %transpose3A, %mul3A_1037 : vector<128x416xf32>
    %add3A_1039 = arith.addf %add3A_1036, %mul3A_1038 : vector<128x416xf32>
    %slice3A_1040 = vector.extract_strided_slice %mul3A_1031 {offsets = [0, 0], sizes = [64, 416], strides = [1, 1]} : vector<128x416xf32> to vector<64x416xf32>
    %slice3A_1041 = vector.extract_strided_slice %add3A_1039 {offsets = [0, 0], sizes = [64, 416], strides = [1, 1]} : vector<128x416xf32> to vector<64x416xf32>
    %slice3A_1042 = vector.extract_strided_slice %mul3A_1031 {offsets = [64, 0], sizes = [64, 416], strides = [1, 1]} : vector<128x416xf32> to vector<64x416xf32>
    %slice3A_1043 = vector.extract_strided_slice %add3A_1039 {offsets = [64, 0], sizes = [64, 416], strides = [1, 1]} : vector<128x416xf32> to vector<64x416xf32>
    %add3A_1044 = arith.addf %slice3A_1040, %slice3A_1042 : vector<64x416xf32>
    %sub3A_1045 = arith.subf %add3A_1044, %slice3A_1040 : vector<64x416xf32>
    %sub3A_1046 = arith.subf %add3A_1044, %sub3A_1045 : vector<64x416xf32>
    %sub3A_1047 = arith.subf %slice3A_1040, %sub3A_1046 : vector<64x416xf32>
    %sub3A_1048 = arith.subf %slice3A_1042, %sub3A_1045 : vector<64x416xf32>
    %add3A_1049 = arith.addf %sub3A_1047, %sub3A_1048 : vector<64x416xf32>
    %add3A_1050 = arith.addf %slice3A_1041, %slice3A_1043 : vector<64x416xf32>
    %add3A_1051 = arith.addf %add3A_1049, %add3A_1050 : vector<64x416xf32>
    %add3A_1052 = arith.addf %add3A_1044, %add3A_1051 : vector<64x416xf32>
    %sub3A_1053 = arith.subf %add3A_1052, %add3A_1044 : vector<64x416xf32>
    %sub3A_1054 = arith.subf %add3A_1051, %sub3A_1053 : vector<64x416xf32>
    %slice3A_1055 = vector.extract_strided_slice %add3A_1052 {offsets = [0, 0], sizes = [32, 416], strides = [1, 1]} : vector<64x416xf32> to vector<32x416xf32>
    %slice3A_1056 = vector.extract_strided_slice %sub3A_1054 {offsets = [0, 0], sizes = [32, 416], strides = [1, 1]} : vector<64x416xf32> to vector<32x416xf32>
    %slice3A_1057 = vector.extract_strided_slice %add3A_1052 {offsets = [32, 0], sizes = [32, 416], strides = [1, 1]} : vector<64x416xf32> to vector<32x416xf32>
    %slice3A_1058 = vector.extract_strided_slice %sub3A_1054 {offsets = [32, 0], sizes = [32, 416], strides = [1, 1]} : vector<64x416xf32> to vector<32x416xf32>
    %add3A_1059 = arith.addf %slice3A_1055, %slice3A_1057 : vector<32x416xf32>
    %sub3A_1060 = arith.subf %add3A_1059, %slice3A_1055 : vector<32x416xf32>
    %sub3A_1061 = arith.subf %add3A_1059, %sub3A_1060 : vector<32x416xf32>
    %sub3A_1062 = arith.subf %slice3A_1055, %sub3A_1061 : vector<32x416xf32>
    %sub3A_1063 = arith.subf %slice3A_1057, %sub3A_1060 : vector<32x416xf32>
    %add3A_1064 = arith.addf %sub3A_1062, %sub3A_1063 : vector<32x416xf32>
    %add3A_1065 = arith.addf %slice3A_1056, %slice3A_1058 : vector<32x416xf32>
    %add3A_1066 = arith.addf %add3A_1064, %add3A_1065 : vector<32x416xf32>
    %add3A_1067 = arith.addf %add3A_1059, %add3A_1066 : vector<32x416xf32>
    %sub3A_1068 = arith.subf %add3A_1067, %add3A_1059 : vector<32x416xf32>
    %sub3A_1069 = arith.subf %add3A_1066, %sub3A_1068 : vector<32x416xf32>
    %slice3A_1070 = vector.extract_strided_slice %add3A_1067 {offsets = [0, 0], sizes = [16, 416], strides = [1, 1]} : vector<32x416xf32> to vector<16x416xf32>
    %slice3A_1071 = vector.extract_strided_slice %sub3A_1069 {offsets = [0, 0], sizes = [16, 416], strides = [1, 1]} : vector<32x416xf32> to vector<16x416xf32>
    %slice3A_1072 = vector.extract_strided_slice %add3A_1067 {offsets = [16, 0], sizes = [16, 416], strides = [1, 1]} : vector<32x416xf32> to vector<16x416xf32>
    %slice3A_1073 = vector.extract_strided_slice %sub3A_1069 {offsets = [16, 0], sizes = [16, 416], strides = [1, 1]} : vector<32x416xf32> to vector<16x416xf32>
    %add3A_1074 = arith.addf %slice3A_1070, %slice3A_1072 : vector<16x416xf32>
    %sub3A_1075 = arith.subf %add3A_1074, %slice3A_1070 : vector<16x416xf32>
    %sub3A_1076 = arith.subf %add3A_1074, %sub3A_1075 : vector<16x416xf32>
    %sub3A_1077 = arith.subf %slice3A_1070, %sub3A_1076 : vector<16x416xf32>
    %sub3A_1078 = arith.subf %slice3A_1072, %sub3A_1075 : vector<16x416xf32>
    %add3A_1079 = arith.addf %sub3A_1077, %sub3A_1078 : vector<16x416xf32>
    %add3A_1080 = arith.addf %slice3A_1071, %slice3A_1073 : vector<16x416xf32>
    %add3A_1081 = arith.addf %add3A_1079, %add3A_1080 : vector<16x416xf32>
    %add3A_1082 = arith.addf %add3A_1074, %add3A_1081 : vector<16x416xf32>
    %sub3A_1083 = arith.subf %add3A_1082, %add3A_1074 : vector<16x416xf32>
    %sub3A_1084 = arith.subf %add3A_1081, %sub3A_1083 : vector<16x416xf32>
    %slice3A_1085 = vector.extract_strided_slice %add3A_1082 {offsets = [0, 0], sizes = [8, 416], strides = [1, 1]} : vector<16x416xf32> to vector<8x416xf32>
    %slice3A_1086 = vector.extract_strided_slice %sub3A_1084 {offsets = [0, 0], sizes = [8, 416], strides = [1, 1]} : vector<16x416xf32> to vector<8x416xf32>
    %slice3A_1087 = vector.extract_strided_slice %add3A_1082 {offsets = [8, 0], sizes = [8, 416], strides = [1, 1]} : vector<16x416xf32> to vector<8x416xf32>
    %slice3A_1088 = vector.extract_strided_slice %sub3A_1084 {offsets = [8, 0], sizes = [8, 416], strides = [1, 1]} : vector<16x416xf32> to vector<8x416xf32>
    %add3A_1089 = arith.addf %slice3A_1085, %slice3A_1087 : vector<8x416xf32>
    %sub3A_1090 = arith.subf %add3A_1089, %slice3A_1085 : vector<8x416xf32>
    %sub3A_1091 = arith.subf %add3A_1089, %sub3A_1090 : vector<8x416xf32>
    %sub3A_1092 = arith.subf %slice3A_1085, %sub3A_1091 : vector<8x416xf32>
    %sub3A_1093 = arith.subf %slice3A_1087, %sub3A_1090 : vector<8x416xf32>
    %add3A_1094 = arith.addf %sub3A_1092, %sub3A_1093 : vector<8x416xf32>
    %add3A_1095 = arith.addf %slice3A_1086, %slice3A_1088 : vector<8x416xf32>
    %add3A_1096 = arith.addf %add3A_1094, %add3A_1095 : vector<8x416xf32>
    %add3A_1097 = arith.addf %add3A_1089, %add3A_1096 : vector<8x416xf32>
    %sub3A_1098 = arith.subf %add3A_1097, %add3A_1089 : vector<8x416xf32>
    %sub3A_1099 = arith.subf %add3A_1096, %sub3A_1098 : vector<8x416xf32>
    %slice3A_1100 = vector.extract_strided_slice %add3A_1097 {offsets = [0, 0], sizes = [4, 416], strides = [1, 1]} : vector<8x416xf32> to vector<4x416xf32>
    %slice3A_1101 = vector.extract_strided_slice %sub3A_1099 {offsets = [0, 0], sizes = [4, 416], strides = [1, 1]} : vector<8x416xf32> to vector<4x416xf32>
    %slice3A_1102 = vector.extract_strided_slice %add3A_1097 {offsets = [4, 0], sizes = [4, 416], strides = [1, 1]} : vector<8x416xf32> to vector<4x416xf32>
    %slice3A_1103 = vector.extract_strided_slice %sub3A_1099 {offsets = [4, 0], sizes = [4, 416], strides = [1, 1]} : vector<8x416xf32> to vector<4x416xf32>
    %add3A_1104 = arith.addf %slice3A_1100, %slice3A_1102 : vector<4x416xf32>
    %sub3A_1105 = arith.subf %add3A_1104, %slice3A_1100 : vector<4x416xf32>
    %sub3A_1106 = arith.subf %add3A_1104, %sub3A_1105 : vector<4x416xf32>
    %sub3A_1107 = arith.subf %slice3A_1100, %sub3A_1106 : vector<4x416xf32>
    %sub3A_1108 = arith.subf %slice3A_1102, %sub3A_1105 : vector<4x416xf32>
    %add3A_1109 = arith.addf %sub3A_1107, %sub3A_1108 : vector<4x416xf32>
    %add3A_1110 = arith.addf %slice3A_1101, %slice3A_1103 : vector<4x416xf32>
    %add3A_1111 = arith.addf %add3A_1109, %add3A_1110 : vector<4x416xf32>
    %add3A_1112 = arith.addf %add3A_1104, %add3A_1111 : vector<4x416xf32>
    %sub3A_1113 = arith.subf %add3A_1112, %add3A_1104 : vector<4x416xf32>
    %sub3A_1114 = arith.subf %add3A_1111, %sub3A_1113 : vector<4x416xf32>
    %slice3A_1115 = vector.extract_strided_slice %add3A_1112 {offsets = [0, 0], sizes = [2, 416], strides = [1, 1]} : vector<4x416xf32> to vector<2x416xf32>
    %slice3A_1116 = vector.extract_strided_slice %sub3A_1114 {offsets = [0, 0], sizes = [2, 416], strides = [1, 1]} : vector<4x416xf32> to vector<2x416xf32>
    %slice3A_1117 = vector.extract_strided_slice %add3A_1112 {offsets = [2, 0], sizes = [2, 416], strides = [1, 1]} : vector<4x416xf32> to vector<2x416xf32>
    %slice3A_1118 = vector.extract_strided_slice %sub3A_1114 {offsets = [2, 0], sizes = [2, 416], strides = [1, 1]} : vector<4x416xf32> to vector<2x416xf32>
    %add3A_1119 = arith.addf %slice3A_1115, %slice3A_1117 : vector<2x416xf32>
    %sub3A_1120 = arith.subf %add3A_1119, %slice3A_1115 : vector<2x416xf32>
    %sub3A_1121 = arith.subf %add3A_1119, %sub3A_1120 : vector<2x416xf32>
    %sub3A_1122 = arith.subf %slice3A_1115, %sub3A_1121 : vector<2x416xf32>
    %sub3A_1123 = arith.subf %slice3A_1117, %sub3A_1120 : vector<2x416xf32>
    %add3A_1124 = arith.addf %sub3A_1122, %sub3A_1123 : vector<2x416xf32>
    %add3A_1125 = arith.addf %slice3A_1116, %slice3A_1118 : vector<2x416xf32>
    %add3A_1126 = arith.addf %add3A_1124, %add3A_1125 : vector<2x416xf32>
    %add3A_1127 = arith.addf %add3A_1119, %add3A_1126 : vector<2x416xf32>
    %sub3A_1128 = arith.subf %add3A_1127, %add3A_1119 : vector<2x416xf32>
    %sub3A_1129 = arith.subf %add3A_1126, %sub3A_1128 : vector<2x416xf32>
    %slice3A_1130 = vector.extract_strided_slice %add3A_1127 {offsets = [0, 0], sizes = [1, 416], strides = [1, 1]} : vector<2x416xf32> to vector<1x416xf32>
    %slice3A_1131 = vector.extract_strided_slice %sub3A_1129 {offsets = [0, 0], sizes = [1, 416], strides = [1, 1]} : vector<2x416xf32> to vector<1x416xf32>
    %slice3A_1132 = vector.extract_strided_slice %add3A_1127 {offsets = [1, 0], sizes = [1, 416], strides = [1, 1]} : vector<2x416xf32> to vector<1x416xf32>
    %slice3A_1133 = vector.extract_strided_slice %sub3A_1129 {offsets = [1, 0], sizes = [1, 416], strides = [1, 1]} : vector<2x416xf32> to vector<1x416xf32>
    %add3A_1134 = arith.addf %slice3A_1130, %slice3A_1132 : vector<1x416xf32>
    %sub3A_1135 = arith.subf %add3A_1134, %slice3A_1130 : vector<1x416xf32>
    %sub3A_1136 = arith.subf %add3A_1134, %sub3A_1135 : vector<1x416xf32>
    %sub3A_1137 = arith.subf %slice3A_1130, %sub3A_1136 : vector<1x416xf32>
    %sub3A_1138 = arith.subf %slice3A_1132, %sub3A_1135 : vector<1x416xf32>
    %add3A_1139 = arith.addf %sub3A_1137, %sub3A_1138 : vector<1x416xf32>
    %add3A_1140 = arith.addf %slice3A_1131, %slice3A_1133 : vector<1x416xf32>
    %add3A_1141 = arith.addf %add3A_1139, %add3A_1140 : vector<1x416xf32>
    %add3A_1142 = arith.addf %add3A_1134, %add3A_1141 : vector<1x416xf32>
    %sub3A_1143 = arith.subf %add3A_1142, %add3A_1134 : vector<1x416xf32>
    %sub3A_1144 = arith.subf %add3A_1141, %sub3A_1143 : vector<1x416xf32>
    %get3A_1145 = arith.constant 0 : index
    %get3A_1146 = arith.constant 9 : index
    %get3A_1147 = vector.load %arg2[%get3A_1145, %get3A_1146] : memref<128x16xf32, #tpu.memory_space<vmem>>, vector<128x1xf32>
    %get3A_1148 = arith.constant 0 : index
    %get3A_1149 = arith.constant 9 : index
    %get3A_1150 = vector.load %arg3[%get3A_1148, %get3A_1149] : memref<128x16xf32, #tpu.memory_space<vmem>>, vector<128x1xf32>
    %bitcast_convert_type3A_1151 = tpu.bitcast %get3A_1147 : vector<128x1xf32> -> vector<128x1xi32>
    %and3A_1152 = arith.constant -4096 : i32
    %and3A_1153 = vector.broadcast %and3A_1152 : i32 to vector<128x1xi32>
    %and3A_1154 = arith.andi %bitcast_convert_type3A_1151, %and3A_1153 : vector<128x1xi32>
    %bitcast_convert_type3A_1155 = tpu.bitcast %and3A_1154 : vector<128x1xi32> -> vector<128x1xf32>
    %sub3A_1156 = arith.subf %get3A_1147, %bitcast_convert_type3A_1155 : vector<128x1xf32>
    %mul3A_1157 = vector.broadcast %bitcast_convert_type3A_1155 : vector<128x1xf32> to vector<128x416xf32>
    %mul3A_1158 = arith.mulf %bitcast_convert_type3A_4, %mul3A_1157 : vector<128x416xf32>
    %mul3A_1159 = vector.broadcast %sub3A_1156 : vector<128x1xf32> to vector<128x416xf32>
    %mul3A_1160 = arith.mulf %bitcast_convert_type3A_4, %mul3A_1159 : vector<128x416xf32>
    %mul3A_1161 = vector.broadcast %get3A_1147 : vector<128x1xf32> to vector<128x416xf32>
    %mul3A_1162 = arith.mulf %sub3A, %mul3A_1161 : vector<128x416xf32>
    %add3A_1163 = arith.addf %mul3A_1160, %mul3A_1162 : vector<128x416xf32>
    %mul3A_1164 = vector.broadcast %get3A_1150 : vector<128x1xf32> to vector<128x416xf32>
    %mul3A_1165 = arith.mulf %transpose3A, %mul3A_1164 : vector<128x416xf32>
    %add3A_1166 = arith.addf %add3A_1163, %mul3A_1165 : vector<128x416xf32>
    %slice3A_1167 = vector.extract_strided_slice %mul3A_1158 {offsets = [0, 0], sizes = [64, 416], strides = [1, 1]} : vector<128x416xf32> to vector<64x416xf32>
    %slice3A_1168 = vector.extract_strided_slice %add3A_1166 {offsets = [0, 0], sizes = [64, 416], strides = [1, 1]} : vector<128x416xf32> to vector<64x416xf32>
    %slice3A_1169 = vector.extract_strided_slice %mul3A_1158 {offsets = [64, 0], sizes = [64, 416], strides = [1, 1]} : vector<128x416xf32> to vector<64x416xf32>
    %slice3A_1170 = vector.extract_strided_slice %add3A_1166 {offsets = [64, 0], sizes = [64, 416], strides = [1, 1]} : vector<128x416xf32> to vector<64x416xf32>
    %add3A_1171 = arith.addf %slice3A_1167, %slice3A_1169 : vector<64x416xf32>
    %sub3A_1172 = arith.subf %add3A_1171, %slice3A_1167 : vector<64x416xf32>
    %sub3A_1173 = arith.subf %add3A_1171, %sub3A_1172 : vector<64x416xf32>
    %sub3A_1174 = arith.subf %slice3A_1167, %sub3A_1173 : vector<64x416xf32>
    %sub3A_1175 = arith.subf %slice3A_1169, %sub3A_1172 : vector<64x416xf32>
    %add3A_1176 = arith.addf %sub3A_1174, %sub3A_1175 : vector<64x416xf32>
    %add3A_1177 = arith.addf %slice3A_1168, %slice3A_1170 : vector<64x416xf32>
    %add3A_1178 = arith.addf %add3A_1176, %add3A_1177 : vector<64x416xf32>
    %add3A_1179 = arith.addf %add3A_1171, %add3A_1178 : vector<64x416xf32>
    %sub3A_1180 = arith.subf %add3A_1179, %add3A_1171 : vector<64x416xf32>
    %sub3A_1181 = arith.subf %add3A_1178, %sub3A_1180 : vector<64x416xf32>
    %slice3A_1182 = vector.extract_strided_slice %add3A_1179 {offsets = [0, 0], sizes = [32, 416], strides = [1, 1]} : vector<64x416xf32> to vector<32x416xf32>
    %slice3A_1183 = vector.extract_strided_slice %sub3A_1181 {offsets = [0, 0], sizes = [32, 416], strides = [1, 1]} : vector<64x416xf32> to vector<32x416xf32>
    %slice3A_1184 = vector.extract_strided_slice %add3A_1179 {offsets = [32, 0], sizes = [32, 416], strides = [1, 1]} : vector<64x416xf32> to vector<32x416xf32>
    %slice3A_1185 = vector.extract_strided_slice %sub3A_1181 {offsets = [32, 0], sizes = [32, 416], strides = [1, 1]} : vector<64x416xf32> to vector<32x416xf32>
    %add3A_1186 = arith.addf %slice3A_1182, %slice3A_1184 : vector<32x416xf32>
    %sub3A_1187 = arith.subf %add3A_1186, %slice3A_1182 : vector<32x416xf32>
    %sub3A_1188 = arith.subf %add3A_1186, %sub3A_1187 : vector<32x416xf32>
    %sub3A_1189 = arith.subf %slice3A_1182, %sub3A_1188 : vector<32x416xf32>
    %sub3A_1190 = arith.subf %slice3A_1184, %sub3A_1187 : vector<32x416xf32>
    %add3A_1191 = arith.addf %sub3A_1189, %sub3A_1190 : vector<32x416xf32>
    %add3A_1192 = arith.addf %slice3A_1183, %slice3A_1185 : vector<32x416xf32>
    %add3A_1193 = arith.addf %add3A_1191, %add3A_1192 : vector<32x416xf32>
    %add3A_1194 = arith.addf %add3A_1186, %add3A_1193 : vector<32x416xf32>
    %sub3A_1195 = arith.subf %add3A_1194, %add3A_1186 : vector<32x416xf32>
    %sub3A_1196 = arith.subf %add3A_1193, %sub3A_1195 : vector<32x416xf32>
    %slice3A_1197 = vector.extract_strided_slice %add3A_1194 {offsets = [0, 0], sizes = [16, 416], strides = [1, 1]} : vector<32x416xf32> to vector<16x416xf32>
    %slice3A_1198 = vector.extract_strided_slice %sub3A_1196 {offsets = [0, 0], sizes = [16, 416], strides = [1, 1]} : vector<32x416xf32> to vector<16x416xf32>
    %slice3A_1199 = vector.extract_strided_slice %add3A_1194 {offsets = [16, 0], sizes = [16, 416], strides = [1, 1]} : vector<32x416xf32> to vector<16x416xf32>
    %slice3A_1200 = vector.extract_strided_slice %sub3A_1196 {offsets = [16, 0], sizes = [16, 416], strides = [1, 1]} : vector<32x416xf32> to vector<16x416xf32>
    %add3A_1201 = arith.addf %slice3A_1197, %slice3A_1199 : vector<16x416xf32>
    %sub3A_1202 = arith.subf %add3A_1201, %slice3A_1197 : vector<16x416xf32>
    %sub3A_1203 = arith.subf %add3A_1201, %sub3A_1202 : vector<16x416xf32>
    %sub3A_1204 = arith.subf %slice3A_1197, %sub3A_1203 : vector<16x416xf32>
    %sub3A_1205 = arith.subf %slice3A_1199, %sub3A_1202 : vector<16x416xf32>
    %add3A_1206 = arith.addf %sub3A_1204, %sub3A_1205 : vector<16x416xf32>
    %add3A_1207 = arith.addf %slice3A_1198, %slice3A_1200 : vector<16x416xf32>
    %add3A_1208 = arith.addf %add3A_1206, %add3A_1207 : vector<16x416xf32>
    %add3A_1209 = arith.addf %add3A_1201, %add3A_1208 : vector<16x416xf32>
    %sub3A_1210 = arith.subf %add3A_1209, %add3A_1201 : vector<16x416xf32>
    %sub3A_1211 = arith.subf %add3A_1208, %sub3A_1210 : vector<16x416xf32>
    %slice3A_1212 = vector.extract_strided_slice %add3A_1209 {offsets = [0, 0], sizes = [8, 416], strides = [1, 1]} : vector<16x416xf32> to vector<8x416xf32>
    %slice3A_1213 = vector.extract_strided_slice %sub3A_1211 {offsets = [0, 0], sizes = [8, 416], strides = [1, 1]} : vector<16x416xf32> to vector<8x416xf32>
    %slice3A_1214 = vector.extract_strided_slice %add3A_1209 {offsets = [8, 0], sizes = [8, 416], strides = [1, 1]} : vector<16x416xf32> to vector<8x416xf32>
    %slice3A_1215 = vector.extract_strided_slice %sub3A_1211 {offsets = [8, 0], sizes = [8, 416], strides = [1, 1]} : vector<16x416xf32> to vector<8x416xf32>
    %add3A_1216 = arith.addf %slice3A_1212, %slice3A_1214 : vector<8x416xf32>
    %sub3A_1217 = arith.subf %add3A_1216, %slice3A_1212 : vector<8x416xf32>
    %sub3A_1218 = arith.subf %add3A_1216, %sub3A_1217 : vector<8x416xf32>
    %sub3A_1219 = arith.subf %slice3A_1212, %sub3A_1218 : vector<8x416xf32>
    %sub3A_1220 = arith.subf %slice3A_1214, %sub3A_1217 : vector<8x416xf32>
    %add3A_1221 = arith.addf %sub3A_1219, %sub3A_1220 : vector<8x416xf32>
    %add3A_1222 = arith.addf %slice3A_1213, %slice3A_1215 : vector<8x416xf32>
    %add3A_1223 = arith.addf %add3A_1221, %add3A_1222 : vector<8x416xf32>
    %add3A_1224 = arith.addf %add3A_1216, %add3A_1223 : vector<8x416xf32>
    %sub3A_1225 = arith.subf %add3A_1224, %add3A_1216 : vector<8x416xf32>
    %sub3A_1226 = arith.subf %add3A_1223, %sub3A_1225 : vector<8x416xf32>
    %slice3A_1227 = vector.extract_strided_slice %add3A_1224 {offsets = [0, 0], sizes = [4, 416], strides = [1, 1]} : vector<8x416xf32> to vector<4x416xf32>
    %slice3A_1228 = vector.extract_strided_slice %sub3A_1226 {offsets = [0, 0], sizes = [4, 416], strides = [1, 1]} : vector<8x416xf32> to vector<4x416xf32>
    %slice3A_1229 = vector.extract_strided_slice %add3A_1224 {offsets = [4, 0], sizes = [4, 416], strides = [1, 1]} : vector<8x416xf32> to vector<4x416xf32>
    %slice3A_1230 = vector.extract_strided_slice %sub3A_1226 {offsets = [4, 0], sizes = [4, 416], strides = [1, 1]} : vector<8x416xf32> to vector<4x416xf32>
    %add3A_1231 = arith.addf %slice3A_1227, %slice3A_1229 : vector<4x416xf32>
    %sub3A_1232 = arith.subf %add3A_1231, %slice3A_1227 : vector<4x416xf32>
    %sub3A_1233 = arith.subf %add3A_1231, %sub3A_1232 : vector<4x416xf32>
    %sub3A_1234 = arith.subf %slice3A_1227, %sub3A_1233 : vector<4x416xf32>
    %sub3A_1235 = arith.subf %slice3A_1229, %sub3A_1232 : vector<4x416xf32>
    %add3A_1236 = arith.addf %sub3A_1234, %sub3A_1235 : vector<4x416xf32>
    %add3A_1237 = arith.addf %slice3A_1228, %slice3A_1230 : vector<4x416xf32>
    %add3A_1238 = arith.addf %add3A_1236, %add3A_1237 : vector<4x416xf32>
    %add3A_1239 = arith.addf %add3A_1231, %add3A_1238 : vector<4x416xf32>
    %sub3A_1240 = arith.subf %add3A_1239, %add3A_1231 : vector<4x416xf32>
    %sub3A_1241 = arith.subf %add3A_1238, %sub3A_1240 : vector<4x416xf32>
    %slice3A_1242 = vector.extract_strided_slice %add3A_1239 {offsets = [0, 0], sizes = [2, 416], strides = [1, 1]} : vector<4x416xf32> to vector<2x416xf32>
    %slice3A_1243 = vector.extract_strided_slice %sub3A_1241 {offsets = [0, 0], sizes = [2, 416], strides = [1, 1]} : vector<4x416xf32> to vector<2x416xf32>
    %slice3A_1244 = vector.extract_strided_slice %add3A_1239 {offsets = [2, 0], sizes = [2, 416], strides = [1, 1]} : vector<4x416xf32> to vector<2x416xf32>
    %slice3A_1245 = vector.extract_strided_slice %sub3A_1241 {offsets = [2, 0], sizes = [2, 416], strides = [1, 1]} : vector<4x416xf32> to vector<2x416xf32>
    %add3A_1246 = arith.addf %slice3A_1242, %slice3A_1244 : vector<2x416xf32>
    %sub3A_1247 = arith.subf %add3A_1246, %slice3A_1242 : vector<2x416xf32>
    %sub3A_1248 = arith.subf %add3A_1246, %sub3A_1247 : vector<2x416xf32>
    %sub3A_1249 = arith.subf %slice3A_1242, %sub3A_1248 : vector<2x416xf32>
    %sub3A_1250 = arith.subf %slice3A_1244, %sub3A_1247 : vector<2x416xf32>
    %add3A_1251 = arith.addf %sub3A_1249, %sub3A_1250 : vector<2x416xf32>
    %add3A_1252 = arith.addf %slice3A_1243, %slice3A_1245 : vector<2x416xf32>
    %add3A_1253 = arith.addf %add3A_1251, %add3A_1252 : vector<2x416xf32>
    %add3A_1254 = arith.addf %add3A_1246, %add3A_1253 : vector<2x416xf32>
    %sub3A_1255 = arith.subf %add3A_1254, %add3A_1246 : vector<2x416xf32>
    %sub3A_1256 = arith.subf %add3A_1253, %sub3A_1255 : vector<2x416xf32>
    %slice3A_1257 = vector.extract_strided_slice %add3A_1254 {offsets = [0, 0], sizes = [1, 416], strides = [1, 1]} : vector<2x416xf32> to vector<1x416xf32>
    %slice3A_1258 = vector.extract_strided_slice %sub3A_1256 {offsets = [0, 0], sizes = [1, 416], strides = [1, 1]} : vector<2x416xf32> to vector<1x416xf32>
    %slice3A_1259 = vector.extract_strided_slice %add3A_1254 {offsets = [1, 0], sizes = [1, 416], strides = [1, 1]} : vector<2x416xf32> to vector<1x416xf32>
    %slice3A_1260 = vector.extract_strided_slice %sub3A_1256 {offsets = [1, 0], sizes = [1, 416], strides = [1, 1]} : vector<2x416xf32> to vector<1x416xf32>
    %add3A_1261 = arith.addf %slice3A_1257, %slice3A_1259 : vector<1x416xf32>
    %sub3A_1262 = arith.subf %add3A_1261, %slice3A_1257 : vector<1x416xf32>
    %sub3A_1263 = arith.subf %add3A_1261, %sub3A_1262 : vector<1x416xf32>
    %sub3A_1264 = arith.subf %slice3A_1257, %sub3A_1263 : vector<1x416xf32>
    %sub3A_1265 = arith.subf %slice3A_1259, %sub3A_1262 : vector<1x416xf32>
    %add3A_1266 = arith.addf %sub3A_1264, %sub3A_1265 : vector<1x416xf32>
    %add3A_1267 = arith.addf %slice3A_1258, %slice3A_1260 : vector<1x416xf32>
    %add3A_1268 = arith.addf %add3A_1266, %add3A_1267 : vector<1x416xf32>
    %add3A_1269 = arith.addf %add3A_1261, %add3A_1268 : vector<1x416xf32>
    %sub3A_1270 = arith.subf %add3A_1269, %add3A_1261 : vector<1x416xf32>
    %sub3A_1271 = arith.subf %add3A_1268, %sub3A_1270 : vector<1x416xf32>
    %get3A_1272 = arith.constant 0 : index
    %get3A_1273 = arith.constant 10 : index
    %get3A_1274 = vector.load %arg2[%get3A_1272, %get3A_1273] : memref<128x16xf32, #tpu.memory_space<vmem>>, vector<128x1xf32>
    %get3A_1275 = arith.constant 0 : index
    %get3A_1276 = arith.constant 10 : index
    %get3A_1277 = vector.load %arg3[%get3A_1275, %get3A_1276] : memref<128x16xf32, #tpu.memory_space<vmem>>, vector<128x1xf32>
    %bitcast_convert_type3A_1278 = tpu.bitcast %get3A_1274 : vector<128x1xf32> -> vector<128x1xi32>
    %and3A_1279 = arith.constant -4096 : i32
    %and3A_1280 = vector.broadcast %and3A_1279 : i32 to vector<128x1xi32>
    %and3A_1281 = arith.andi %bitcast_convert_type3A_1278, %and3A_1280 : vector<128x1xi32>
    %bitcast_convert_type3A_1282 = tpu.bitcast %and3A_1281 : vector<128x1xi32> -> vector<128x1xf32>
    %sub3A_1283 = arith.subf %get3A_1274, %bitcast_convert_type3A_1282 : vector<128x1xf32>
    %mul3A_1284 = vector.broadcast %bitcast_convert_type3A_1282 : vector<128x1xf32> to vector<128x416xf32>
    %mul3A_1285 = arith.mulf %bitcast_convert_type3A_4, %mul3A_1284 : vector<128x416xf32>
    %mul3A_1286 = vector.broadcast %sub3A_1283 : vector<128x1xf32> to vector<128x416xf32>
    %mul3A_1287 = arith.mulf %bitcast_convert_type3A_4, %mul3A_1286 : vector<128x416xf32>
    %mul3A_1288 = vector.broadcast %get3A_1274 : vector<128x1xf32> to vector<128x416xf32>
    %mul3A_1289 = arith.mulf %sub3A, %mul3A_1288 : vector<128x416xf32>
    %add3A_1290 = arith.addf %mul3A_1287, %mul3A_1289 : vector<128x416xf32>
    %mul3A_1291 = vector.broadcast %get3A_1277 : vector<128x1xf32> to vector<128x416xf32>
    %mul3A_1292 = arith.mulf %transpose3A, %mul3A_1291 : vector<128x416xf32>
    %add3A_1293 = arith.addf %add3A_1290, %mul3A_1292 : vector<128x416xf32>
    %slice3A_1294 = vector.extract_strided_slice %mul3A_1285 {offsets = [0, 0], sizes = [64, 416], strides = [1, 1]} : vector<128x416xf32> to vector<64x416xf32>
    %slice3A_1295 = vector.extract_strided_slice %add3A_1293 {offsets = [0, 0], sizes = [64, 416], strides = [1, 1]} : vector<128x416xf32> to vector<64x416xf32>
    %slice3A_1296 = vector.extract_strided_slice %mul3A_1285 {offsets = [64, 0], sizes = [64, 416], strides = [1, 1]} : vector<128x416xf32> to vector<64x416xf32>
    %slice3A_1297 = vector.extract_strided_slice %add3A_1293 {offsets = [64, 0], sizes = [64, 416], strides = [1, 1]} : vector<128x416xf32> to vector<64x416xf32>
    %add3A_1298 = arith.addf %slice3A_1294, %slice3A_1296 : vector<64x416xf32>
    %sub3A_1299 = arith.subf %add3A_1298, %slice3A_1294 : vector<64x416xf32>
    %sub3A_1300 = arith.subf %add3A_1298, %sub3A_1299 : vector<64x416xf32>
    %sub3A_1301 = arith.subf %slice3A_1294, %sub3A_1300 : vector<64x416xf32>
    %sub3A_1302 = arith.subf %slice3A_1296, %sub3A_1299 : vector<64x416xf32>
    %add3A_1303 = arith.addf %sub3A_1301, %sub3A_1302 : vector<64x416xf32>
    %add3A_1304 = arith.addf %slice3A_1295, %slice3A_1297 : vector<64x416xf32>
    %add3A_1305 = arith.addf %add3A_1303, %add3A_1304 : vector<64x416xf32>
    %add3A_1306 = arith.addf %add3A_1298, %add3A_1305 : vector<64x416xf32>
    %sub3A_1307 = arith.subf %add3A_1306, %add3A_1298 : vector<64x416xf32>
    %sub3A_1308 = arith.subf %add3A_1305, %sub3A_1307 : vector<64x416xf32>
    %slice3A_1309 = vector.extract_strided_slice %add3A_1306 {offsets = [0, 0], sizes = [32, 416], strides = [1, 1]} : vector<64x416xf32> to vector<32x416xf32>
    %slice3A_1310 = vector.extract_strided_slice %sub3A_1308 {offsets = [0, 0], sizes = [32, 416], strides = [1, 1]} : vector<64x416xf32> to vector<32x416xf32>
    %slice3A_1311 = vector.extract_strided_slice %add3A_1306 {offsets = [32, 0], sizes = [32, 416], strides = [1, 1]} : vector<64x416xf32> to vector<32x416xf32>
    %slice3A_1312 = vector.extract_strided_slice %sub3A_1308 {offsets = [32, 0], sizes = [32, 416], strides = [1, 1]} : vector<64x416xf32> to vector<32x416xf32>
    %add3A_1313 = arith.addf %slice3A_1309, %slice3A_1311 : vector<32x416xf32>
    %sub3A_1314 = arith.subf %add3A_1313, %slice3A_1309 : vector<32x416xf32>
    %sub3A_1315 = arith.subf %add3A_1313, %sub3A_1314 : vector<32x416xf32>
    %sub3A_1316 = arith.subf %slice3A_1309, %sub3A_1315 : vector<32x416xf32>
    %sub3A_1317 = arith.subf %slice3A_1311, %sub3A_1314 : vector<32x416xf32>
    %add3A_1318 = arith.addf %sub3A_1316, %sub3A_1317 : vector<32x416xf32>
    %add3A_1319 = arith.addf %slice3A_1310, %slice3A_1312 : vector<32x416xf32>
    %add3A_1320 = arith.addf %add3A_1318, %add3A_1319 : vector<32x416xf32>
    %add3A_1321 = arith.addf %add3A_1313, %add3A_1320 : vector<32x416xf32>
    %sub3A_1322 = arith.subf %add3A_1321, %add3A_1313 : vector<32x416xf32>
    %sub3A_1323 = arith.subf %add3A_1320, %sub3A_1322 : vector<32x416xf32>
    %slice3A_1324 = vector.extract_strided_slice %add3A_1321 {offsets = [0, 0], sizes = [16, 416], strides = [1, 1]} : vector<32x416xf32> to vector<16x416xf32>
    %slice3A_1325 = vector.extract_strided_slice %sub3A_1323 {offsets = [0, 0], sizes = [16, 416], strides = [1, 1]} : vector<32x416xf32> to vector<16x416xf32>
    %slice3A_1326 = vector.extract_strided_slice %add3A_1321 {offsets = [16, 0], sizes = [16, 416], strides = [1, 1]} : vector<32x416xf32> to vector<16x416xf32>
    %slice3A_1327 = vector.extract_strided_slice %sub3A_1323 {offsets = [16, 0], sizes = [16, 416], strides = [1, 1]} : vector<32x416xf32> to vector<16x416xf32>
    %add3A_1328 = arith.addf %slice3A_1324, %slice3A_1326 : vector<16x416xf32>
    %sub3A_1329 = arith.subf %add3A_1328, %slice3A_1324 : vector<16x416xf32>
    %sub3A_1330 = arith.subf %add3A_1328, %sub3A_1329 : vector<16x416xf32>
    %sub3A_1331 = arith.subf %slice3A_1324, %sub3A_1330 : vector<16x416xf32>
    %sub3A_1332 = arith.subf %slice3A_1326, %sub3A_1329 : vector<16x416xf32>
    %add3A_1333 = arith.addf %sub3A_1331, %sub3A_1332 : vector<16x416xf32>
    %add3A_1334 = arith.addf %slice3A_1325, %slice3A_1327 : vector<16x416xf32>
    %add3A_1335 = arith.addf %add3A_1333, %add3A_1334 : vector<16x416xf32>
    %add3A_1336 = arith.addf %add3A_1328, %add3A_1335 : vector<16x416xf32>
    %sub3A_1337 = arith.subf %add3A_1336, %add3A_1328 : vector<16x416xf32>
    %sub3A_1338 = arith.subf %add3A_1335, %sub3A_1337 : vector<16x416xf32>
    %slice3A_1339 = vector.extract_strided_slice %add3A_1336 {offsets = [0, 0], sizes = [8, 416], strides = [1, 1]} : vector<16x416xf32> to vector<8x416xf32>
    %slice3A_1340 = vector.extract_strided_slice %sub3A_1338 {offsets = [0, 0], sizes = [8, 416], strides = [1, 1]} : vector<16x416xf32> to vector<8x416xf32>
    %slice3A_1341 = vector.extract_strided_slice %add3A_1336 {offsets = [8, 0], sizes = [8, 416], strides = [1, 1]} : vector<16x416xf32> to vector<8x416xf32>
    %slice3A_1342 = vector.extract_strided_slice %sub3A_1338 {offsets = [8, 0], sizes = [8, 416], strides = [1, 1]} : vector<16x416xf32> to vector<8x416xf32>
    %add3A_1343 = arith.addf %slice3A_1339, %slice3A_1341 : vector<8x416xf32>
    %sub3A_1344 = arith.subf %add3A_1343, %slice3A_1339 : vector<8x416xf32>
    %sub3A_1345 = arith.subf %add3A_1343, %sub3A_1344 : vector<8x416xf32>
    %sub3A_1346 = arith.subf %slice3A_1339, %sub3A_1345 : vector<8x416xf32>
    %sub3A_1347 = arith.subf %slice3A_1341, %sub3A_1344 : vector<8x416xf32>
    %add3A_1348 = arith.addf %sub3A_1346, %sub3A_1347 : vector<8x416xf32>
    %add3A_1349 = arith.addf %slice3A_1340, %slice3A_1342 : vector<8x416xf32>
    %add3A_1350 = arith.addf %add3A_1348, %add3A_1349 : vector<8x416xf32>
    %add3A_1351 = arith.addf %add3A_1343, %add3A_1350 : vector<8x416xf32>
    %sub3A_1352 = arith.subf %add3A_1351, %add3A_1343 : vector<8x416xf32>
    %sub3A_1353 = arith.subf %add3A_1350, %sub3A_1352 : vector<8x416xf32>
    %slice3A_1354 = vector.extract_strided_slice %add3A_1351 {offsets = [0, 0], sizes = [4, 416], strides = [1, 1]} : vector<8x416xf32> to vector<4x416xf32>
    %slice3A_1355 = vector.extract_strided_slice %sub3A_1353 {offsets = [0, 0], sizes = [4, 416], strides = [1, 1]} : vector<8x416xf32> to vector<4x416xf32>
    %slice3A_1356 = vector.extract_strided_slice %add3A_1351 {offsets = [4, 0], sizes = [4, 416], strides = [1, 1]} : vector<8x416xf32> to vector<4x416xf32>
    %slice3A_1357 = vector.extract_strided_slice %sub3A_1353 {offsets = [4, 0], sizes = [4, 416], strides = [1, 1]} : vector<8x416xf32> to vector<4x416xf32>
    %add3A_1358 = arith.addf %slice3A_1354, %slice3A_1356 : vector<4x416xf32>
    %sub3A_1359 = arith.subf %add3A_1358, %slice3A_1354 : vector<4x416xf32>
    %sub3A_1360 = arith.subf %add3A_1358, %sub3A_1359 : vector<4x416xf32>
    %sub3A_1361 = arith.subf %slice3A_1354, %sub3A_1360 : vector<4x416xf32>
    %sub3A_1362 = arith.subf %slice3A_1356, %sub3A_1359 : vector<4x416xf32>
    %add3A_1363 = arith.addf %sub3A_1361, %sub3A_1362 : vector<4x416xf32>
    %add3A_1364 = arith.addf %slice3A_1355, %slice3A_1357 : vector<4x416xf32>
    %add3A_1365 = arith.addf %add3A_1363, %add3A_1364 : vector<4x416xf32>
    %add3A_1366 = arith.addf %add3A_1358, %add3A_1365 : vector<4x416xf32>
    %sub3A_1367 = arith.subf %add3A_1366, %add3A_1358 : vector<4x416xf32>
    %sub3A_1368 = arith.subf %add3A_1365, %sub3A_1367 : vector<4x416xf32>
    %slice3A_1369 = vector.extract_strided_slice %add3A_1366 {offsets = [0, 0], sizes = [2, 416], strides = [1, 1]} : vector<4x416xf32> to vector<2x416xf32>
    %slice3A_1370 = vector.extract_strided_slice %sub3A_1368 {offsets = [0, 0], sizes = [2, 416], strides = [1, 1]} : vector<4x416xf32> to vector<2x416xf32>
    %slice3A_1371 = vector.extract_strided_slice %add3A_1366 {offsets = [2, 0], sizes = [2, 416], strides = [1, 1]} : vector<4x416xf32> to vector<2x416xf32>
    %slice3A_1372 = vector.extract_strided_slice %sub3A_1368 {offsets = [2, 0], sizes = [2, 416], strides = [1, 1]} : vector<4x416xf32> to vector<2x416xf32>
    %add3A_1373 = arith.addf %slice3A_1369, %slice3A_1371 : vector<2x416xf32>
    %sub3A_1374 = arith.subf %add3A_1373, %slice3A_1369 : vector<2x416xf32>
    %sub3A_1375 = arith.subf %add3A_1373, %sub3A_1374 : vector<2x416xf32>
    %sub3A_1376 = arith.subf %slice3A_1369, %sub3A_1375 : vector<2x416xf32>
    %sub3A_1377 = arith.subf %slice3A_1371, %sub3A_1374 : vector<2x416xf32>
    %add3A_1378 = arith.addf %sub3A_1376, %sub3A_1377 : vector<2x416xf32>
    %add3A_1379 = arith.addf %slice3A_1370, %slice3A_1372 : vector<2x416xf32>
    %add3A_1380 = arith.addf %add3A_1378, %add3A_1379 : vector<2x416xf32>
    %add3A_1381 = arith.addf %add3A_1373, %add3A_1380 : vector<2x416xf32>
    %sub3A_1382 = arith.subf %add3A_1381, %add3A_1373 : vector<2x416xf32>
    %sub3A_1383 = arith.subf %add3A_1380, %sub3A_1382 : vector<2x416xf32>
    %slice3A_1384 = vector.extract_strided_slice %add3A_1381 {offsets = [0, 0], sizes = [1, 416], strides = [1, 1]} : vector<2x416xf32> to vector<1x416xf32>
    %slice3A_1385 = vector.extract_strided_slice %sub3A_1383 {offsets = [0, 0], sizes = [1, 416], strides = [1, 1]} : vector<2x416xf32> to vector<1x416xf32>
    %slice3A_1386 = vector.extract_strided_slice %add3A_1381 {offsets = [1, 0], sizes = [1, 416], strides = [1, 1]} : vector<2x416xf32> to vector<1x416xf32>
    %slice3A_1387 = vector.extract_strided_slice %sub3A_1383 {offsets = [1, 0], sizes = [1, 416], strides = [1, 1]} : vector<2x416xf32> to vector<1x416xf32>
    %add3A_1388 = arith.addf %slice3A_1384, %slice3A_1386 : vector<1x416xf32>
    %sub3A_1389 = arith.subf %add3A_1388, %slice3A_1384 : vector<1x416xf32>
    %sub3A_1390 = arith.subf %add3A_1388, %sub3A_1389 : vector<1x416xf32>
    %sub3A_1391 = arith.subf %slice3A_1384, %sub3A_1390 : vector<1x416xf32>
    %sub3A_1392 = arith.subf %slice3A_1386, %sub3A_1389 : vector<1x416xf32>
    %add3A_1393 = arith.addf %sub3A_1391, %sub3A_1392 : vector<1x416xf32>
    %add3A_1394 = arith.addf %slice3A_1385, %slice3A_1387 : vector<1x416xf32>
    %add3A_1395 = arith.addf %add3A_1393, %add3A_1394 : vector<1x416xf32>
    %add3A_1396 = arith.addf %add3A_1388, %add3A_1395 : vector<1x416xf32>
    %sub3A_1397 = arith.subf %add3A_1396, %add3A_1388 : vector<1x416xf32>
    %sub3A_1398 = arith.subf %add3A_1395, %sub3A_1397 : vector<1x416xf32>
    %get3A_1399 = arith.constant 0 : index
    %get3A_1400 = arith.constant 11 : index
    %get3A_1401 = vector.load %arg2[%get3A_1399, %get3A_1400] : memref<128x16xf32, #tpu.memory_space<vmem>>, vector<128x1xf32>
    %get3A_1402 = arith.constant 0 : index
    %get3A_1403 = arith.constant 11 : index
    %get3A_1404 = vector.load %arg3[%get3A_1402, %get3A_1403] : memref<128x16xf32, #tpu.memory_space<vmem>>, vector<128x1xf32>
    %bitcast_convert_type3A_1405 = tpu.bitcast %get3A_1401 : vector<128x1xf32> -> vector<128x1xi32>
    %and3A_1406 = arith.constant -4096 : i32
    %and3A_1407 = vector.broadcast %and3A_1406 : i32 to vector<128x1xi32>
    %and3A_1408 = arith.andi %bitcast_convert_type3A_1405, %and3A_1407 : vector<128x1xi32>
    %bitcast_convert_type3A_1409 = tpu.bitcast %and3A_1408 : vector<128x1xi32> -> vector<128x1xf32>
    %sub3A_1410 = arith.subf %get3A_1401, %bitcast_convert_type3A_1409 : vector<128x1xf32>
    %mul3A_1411 = vector.broadcast %bitcast_convert_type3A_1409 : vector<128x1xf32> to vector<128x416xf32>
    %mul3A_1412 = arith.mulf %bitcast_convert_type3A_4, %mul3A_1411 : vector<128x416xf32>
    %mul3A_1413 = vector.broadcast %sub3A_1410 : vector<128x1xf32> to vector<128x416xf32>
    %mul3A_1414 = arith.mulf %bitcast_convert_type3A_4, %mul3A_1413 : vector<128x416xf32>
    %mul3A_1415 = vector.broadcast %get3A_1401 : vector<128x1xf32> to vector<128x416xf32>
    %mul3A_1416 = arith.mulf %sub3A, %mul3A_1415 : vector<128x416xf32>
    %add3A_1417 = arith.addf %mul3A_1414, %mul3A_1416 : vector<128x416xf32>
    %mul3A_1418 = vector.broadcast %get3A_1404 : vector<128x1xf32> to vector<128x416xf32>
    %mul3A_1419 = arith.mulf %transpose3A, %mul3A_1418 : vector<128x416xf32>
    %add3A_1420 = arith.addf %add3A_1417, %mul3A_1419 : vector<128x416xf32>
    %slice3A_1421 = vector.extract_strided_slice %mul3A_1412 {offsets = [0, 0], sizes = [64, 416], strides = [1, 1]} : vector<128x416xf32> to vector<64x416xf32>
    %slice3A_1422 = vector.extract_strided_slice %add3A_1420 {offsets = [0, 0], sizes = [64, 416], strides = [1, 1]} : vector<128x416xf32> to vector<64x416xf32>
    %slice3A_1423 = vector.extract_strided_slice %mul3A_1412 {offsets = [64, 0], sizes = [64, 416], strides = [1, 1]} : vector<128x416xf32> to vector<64x416xf32>
    %slice3A_1424 = vector.extract_strided_slice %add3A_1420 {offsets = [64, 0], sizes = [64, 416], strides = [1, 1]} : vector<128x416xf32> to vector<64x416xf32>
    %add3A_1425 = arith.addf %slice3A_1421, %slice3A_1423 : vector<64x416xf32>
    %sub3A_1426 = arith.subf %add3A_1425, %slice3A_1421 : vector<64x416xf32>
    %sub3A_1427 = arith.subf %add3A_1425, %sub3A_1426 : vector<64x416xf32>
    %sub3A_1428 = arith.subf %slice3A_1421, %sub3A_1427 : vector<64x416xf32>
    %sub3A_1429 = arith.subf %slice3A_1423, %sub3A_1426 : vector<64x416xf32>
    %add3A_1430 = arith.addf %sub3A_1428, %sub3A_1429 : vector<64x416xf32>
    %add3A_1431 = arith.addf %slice3A_1422, %slice3A_1424 : vector<64x416xf32>
    %add3A_1432 = arith.addf %add3A_1430, %add3A_1431 : vector<64x416xf32>
    %add3A_1433 = arith.addf %add3A_1425, %add3A_1432 : vector<64x416xf32>
    %sub3A_1434 = arith.subf %add3A_1433, %add3A_1425 : vector<64x416xf32>
    %sub3A_1435 = arith.subf %add3A_1432, %sub3A_1434 : vector<64x416xf32>
    %slice3A_1436 = vector.extract_strided_slice %add3A_1433 {offsets = [0, 0], sizes = [32, 416], strides = [1, 1]} : vector<64x416xf32> to vector<32x416xf32>
    %slice3A_1437 = vector.extract_strided_slice %sub3A_1435 {offsets = [0, 0], sizes = [32, 416], strides = [1, 1]} : vector<64x416xf32> to vector<32x416xf32>
    %slice3A_1438 = vector.extract_strided_slice %add3A_1433 {offsets = [32, 0], sizes = [32, 416], strides = [1, 1]} : vector<64x416xf32> to vector<32x416xf32>
    %slice3A_1439 = vector.extract_strided_slice %sub3A_1435 {offsets = [32, 0], sizes = [32, 416], strides = [1, 1]} : vector<64x416xf32> to vector<32x416xf32>
    %add3A_1440 = arith.addf %slice3A_1436, %slice3A_1438 : vector<32x416xf32>
    %sub3A_1441 = arith.subf %add3A_1440, %slice3A_1436 : vector<32x416xf32>
    %sub3A_1442 = arith.subf %add3A_1440, %sub3A_1441 : vector<32x416xf32>
    %sub3A_1443 = arith.subf %slice3A_1436, %sub3A_1442 : vector<32x416xf32>
    %sub3A_1444 = arith.subf %slice3A_1438, %sub3A_1441 : vector<32x416xf32>
    %add3A_1445 = arith.addf %sub3A_1443, %sub3A_1444 : vector<32x416xf32>
    %add3A_1446 = arith.addf %slice3A_1437, %slice3A_1439 : vector<32x416xf32>
    %add3A_1447 = arith.addf %add3A_1445, %add3A_1446 : vector<32x416xf32>
    %add3A_1448 = arith.addf %add3A_1440, %add3A_1447 : vector<32x416xf32>
    %sub3A_1449 = arith.subf %add3A_1448, %add3A_1440 : vector<32x416xf32>
    %sub3A_1450 = arith.subf %add3A_1447, %sub3A_1449 : vector<32x416xf32>
    %slice3A_1451 = vector.extract_strided_slice %add3A_1448 {offsets = [0, 0], sizes = [16, 416], strides = [1, 1]} : vector<32x416xf32> to vector<16x416xf32>
    %slice3A_1452 = vector.extract_strided_slice %sub3A_1450 {offsets = [0, 0], sizes = [16, 416], strides = [1, 1]} : vector<32x416xf32> to vector<16x416xf32>
    %slice3A_1453 = vector.extract_strided_slice %add3A_1448 {offsets = [16, 0], sizes = [16, 416], strides = [1, 1]} : vector<32x416xf32> to vector<16x416xf32>
    %slice3A_1454 = vector.extract_strided_slice %sub3A_1450 {offsets = [16, 0], sizes = [16, 416], strides = [1, 1]} : vector<32x416xf32> to vector<16x416xf32>
    %add3A_1455 = arith.addf %slice3A_1451, %slice3A_1453 : vector<16x416xf32>
    %sub3A_1456 = arith.subf %add3A_1455, %slice3A_1451 : vector<16x416xf32>
    %sub3A_1457 = arith.subf %add3A_1455, %sub3A_1456 : vector<16x416xf32>
    %sub3A_1458 = arith.subf %slice3A_1451, %sub3A_1457 : vector<16x416xf32>
    %sub3A_1459 = arith.subf %slice3A_1453, %sub3A_1456 : vector<16x416xf32>
    %add3A_1460 = arith.addf %sub3A_1458, %sub3A_1459 : vector<16x416xf32>
    %add3A_1461 = arith.addf %slice3A_1452, %slice3A_1454 : vector<16x416xf32>
    %add3A_1462 = arith.addf %add3A_1460, %add3A_1461 : vector<16x416xf32>
    %add3A_1463 = arith.addf %add3A_1455, %add3A_1462 : vector<16x416xf32>
    %sub3A_1464 = arith.subf %add3A_1463, %add3A_1455 : vector<16x416xf32>
    %sub3A_1465 = arith.subf %add3A_1462, %sub3A_1464 : vector<16x416xf32>
    %slice3A_1466 = vector.extract_strided_slice %add3A_1463 {offsets = [0, 0], sizes = [8, 416], strides = [1, 1]} : vector<16x416xf32> to vector<8x416xf32>
    %slice3A_1467 = vector.extract_strided_slice %sub3A_1465 {offsets = [0, 0], sizes = [8, 416], strides = [1, 1]} : vector<16x416xf32> to vector<8x416xf32>
    %slice3A_1468 = vector.extract_strided_slice %add3A_1463 {offsets = [8, 0], sizes = [8, 416], strides = [1, 1]} : vector<16x416xf32> to vector<8x416xf32>
    %slice3A_1469 = vector.extract_strided_slice %sub3A_1465 {offsets = [8, 0], sizes = [8, 416], strides = [1, 1]} : vector<16x416xf32> to vector<8x416xf32>
    %add3A_1470 = arith.addf %slice3A_1466, %slice3A_1468 : vector<8x416xf32>
    %sub3A_1471 = arith.subf %add3A_1470, %slice3A_1466 : vector<8x416xf32>
    %sub3A_1472 = arith.subf %add3A_1470, %sub3A_1471 : vector<8x416xf32>
    %sub3A_1473 = arith.subf %slice3A_1466, %sub3A_1472 : vector<8x416xf32>
    %sub3A_1474 = arith.subf %slice3A_1468, %sub3A_1471 : vector<8x416xf32>
    %add3A_1475 = arith.addf %sub3A_1473, %sub3A_1474 : vector<8x416xf32>
    %add3A_1476 = arith.addf %slice3A_1467, %slice3A_1469 : vector<8x416xf32>
    %add3A_1477 = arith.addf %add3A_1475, %add3A_1476 : vector<8x416xf32>
    %add3A_1478 = arith.addf %add3A_1470, %add3A_1477 : vector<8x416xf32>
    %sub3A_1479 = arith.subf %add3A_1478, %add3A_1470 : vector<8x416xf32>
    %sub3A_1480 = arith.subf %add3A_1477, %sub3A_1479 : vector<8x416xf32>
    %slice3A_1481 = vector.extract_strided_slice %add3A_1478 {offsets = [0, 0], sizes = [4, 416], strides = [1, 1]} : vector<8x416xf32> to vector<4x416xf32>
    %slice3A_1482 = vector.extract_strided_slice %sub3A_1480 {offsets = [0, 0], sizes = [4, 416], strides = [1, 1]} : vector<8x416xf32> to vector<4x416xf32>
    %slice3A_1483 = vector.extract_strided_slice %add3A_1478 {offsets = [4, 0], sizes = [4, 416], strides = [1, 1]} : vector<8x416xf32> to vector<4x416xf32>
    %slice3A_1484 = vector.extract_strided_slice %sub3A_1480 {offsets = [4, 0], sizes = [4, 416], strides = [1, 1]} : vector<8x416xf32> to vector<4x416xf32>
    %add3A_1485 = arith.addf %slice3A_1481, %slice3A_1483 : vector<4x416xf32>
    %sub3A_1486 = arith.subf %add3A_1485, %slice3A_1481 : vector<4x416xf32>
    %sub3A_1487 = arith.subf %add3A_1485, %sub3A_1486 : vector<4x416xf32>
    %sub3A_1488 = arith.subf %slice3A_1481, %sub3A_1487 : vector<4x416xf32>
    %sub3A_1489 = arith.subf %slice3A_1483, %sub3A_1486 : vector<4x416xf32>
    %add3A_1490 = arith.addf %sub3A_1488, %sub3A_1489 : vector<4x416xf32>
    %add3A_1491 = arith.addf %slice3A_1482, %slice3A_1484 : vector<4x416xf32>
    %add3A_1492 = arith.addf %add3A_1490, %add3A_1491 : vector<4x416xf32>
    %add3A_1493 = arith.addf %add3A_1485, %add3A_1492 : vector<4x416xf32>
    %sub3A_1494 = arith.subf %add3A_1493, %add3A_1485 : vector<4x416xf32>
    %sub3A_1495 = arith.subf %add3A_1492, %sub3A_1494 : vector<4x416xf32>
    %slice3A_1496 = vector.extract_strided_slice %add3A_1493 {offsets = [0, 0], sizes = [2, 416], strides = [1, 1]} : vector<4x416xf32> to vector<2x416xf32>
    %slice3A_1497 = vector.extract_strided_slice %sub3A_1495 {offsets = [0, 0], sizes = [2, 416], strides = [1, 1]} : vector<4x416xf32> to vector<2x416xf32>
    %slice3A_1498 = vector.extract_strided_slice %add3A_1493 {offsets = [2, 0], sizes = [2, 416], strides = [1, 1]} : vector<4x416xf32> to vector<2x416xf32>
    %slice3A_1499 = vector.extract_strided_slice %sub3A_1495 {offsets = [2, 0], sizes = [2, 416], strides = [1, 1]} : vector<4x416xf32> to vector<2x416xf32>
    %add3A_1500 = arith.addf %slice3A_1496, %slice3A_1498 : vector<2x416xf32>
    %sub3A_1501 = arith.subf %add3A_1500, %slice3A_1496 : vector<2x416xf32>
    %sub3A_1502 = arith.subf %add3A_1500, %sub3A_1501 : vector<2x416xf32>
    %sub3A_1503 = arith.subf %slice3A_1496, %sub3A_1502 : vector<2x416xf32>
    %sub3A_1504 = arith.subf %slice3A_1498, %sub3A_1501 : vector<2x416xf32>
    %add3A_1505 = arith.addf %sub3A_1503, %sub3A_1504 : vector<2x416xf32>
    %add3A_1506 = arith.addf %slice3A_1497, %slice3A_1499 : vector<2x416xf32>
    %add3A_1507 = arith.addf %add3A_1505, %add3A_1506 : vector<2x416xf32>
    %add3A_1508 = arith.addf %add3A_1500, %add3A_1507 : vector<2x416xf32>
    %sub3A_1509 = arith.subf %add3A_1508, %add3A_1500 : vector<2x416xf32>
    %sub3A_1510 = arith.subf %add3A_1507, %sub3A_1509 : vector<2x416xf32>
    %slice3A_1511 = vector.extract_strided_slice %add3A_1508 {offsets = [0, 0], sizes = [1, 416], strides = [1, 1]} : vector<2x416xf32> to vector<1x416xf32>
    %slice3A_1512 = vector.extract_strided_slice %sub3A_1510 {offsets = [0, 0], sizes = [1, 416], strides = [1, 1]} : vector<2x416xf32> to vector<1x416xf32>
    %slice3A_1513 = vector.extract_strided_slice %add3A_1508 {offsets = [1, 0], sizes = [1, 416], strides = [1, 1]} : vector<2x416xf32> to vector<1x416xf32>
    %slice3A_1514 = vector.extract_strided_slice %sub3A_1510 {offsets = [1, 0], sizes = [1, 416], strides = [1, 1]} : vector<2x416xf32> to vector<1x416xf32>
    %add3A_1515 = arith.addf %slice3A_1511, %slice3A_1513 : vector<1x416xf32>
    %sub3A_1516 = arith.subf %add3A_1515, %slice3A_1511 : vector<1x416xf32>
    %sub3A_1517 = arith.subf %add3A_1515, %sub3A_1516 : vector<1x416xf32>
    %sub3A_1518 = arith.subf %slice3A_1511, %sub3A_1517 : vector<1x416xf32>
    %sub3A_1519 = arith.subf %slice3A_1513, %sub3A_1516 : vector<1x416xf32>
    %add3A_1520 = arith.addf %sub3A_1518, %sub3A_1519 : vector<1x416xf32>
    %add3A_1521 = arith.addf %slice3A_1512, %slice3A_1514 : vector<1x416xf32>
    %add3A_1522 = arith.addf %add3A_1520, %add3A_1521 : vector<1x416xf32>
    %add3A_1523 = arith.addf %add3A_1515, %add3A_1522 : vector<1x416xf32>
    %sub3A_1524 = arith.subf %add3A_1523, %add3A_1515 : vector<1x416xf32>
    %sub3A_1525 = arith.subf %add3A_1522, %sub3A_1524 : vector<1x416xf32>
    %get3A_1526 = arith.constant 0 : index
    %get3A_1527 = arith.constant 12 : index
    %get3A_1528 = vector.load %arg2[%get3A_1526, %get3A_1527] : memref<128x16xf32, #tpu.memory_space<vmem>>, vector<128x1xf32>
    %get3A_1529 = arith.constant 0 : index
    %get3A_1530 = arith.constant 12 : index
    %get3A_1531 = vector.load %arg3[%get3A_1529, %get3A_1530] : memref<128x16xf32, #tpu.memory_space<vmem>>, vector<128x1xf32>
    %bitcast_convert_type3A_1532 = tpu.bitcast %get3A_1528 : vector<128x1xf32> -> vector<128x1xi32>
    %and3A_1533 = arith.constant -4096 : i32
    %and3A_1534 = vector.broadcast %and3A_1533 : i32 to vector<128x1xi32>
    %and3A_1535 = arith.andi %bitcast_convert_type3A_1532, %and3A_1534 : vector<128x1xi32>
    %bitcast_convert_type3A_1536 = tpu.bitcast %and3A_1535 : vector<128x1xi32> -> vector<128x1xf32>
    %sub3A_1537 = arith.subf %get3A_1528, %bitcast_convert_type3A_1536 : vector<128x1xf32>
    %mul3A_1538 = vector.broadcast %bitcast_convert_type3A_1536 : vector<128x1xf32> to vector<128x416xf32>
    %mul3A_1539 = arith.mulf %bitcast_convert_type3A_4, %mul3A_1538 : vector<128x416xf32>
    %mul3A_1540 = vector.broadcast %sub3A_1537 : vector<128x1xf32> to vector<128x416xf32>
    %mul3A_1541 = arith.mulf %bitcast_convert_type3A_4, %mul3A_1540 : vector<128x416xf32>
    %mul3A_1542 = vector.broadcast %get3A_1528 : vector<128x1xf32> to vector<128x416xf32>
    %mul3A_1543 = arith.mulf %sub3A, %mul3A_1542 : vector<128x416xf32>
    %add3A_1544 = arith.addf %mul3A_1541, %mul3A_1543 : vector<128x416xf32>
    %mul3A_1545 = vector.broadcast %get3A_1531 : vector<128x1xf32> to vector<128x416xf32>
    %mul3A_1546 = arith.mulf %transpose3A, %mul3A_1545 : vector<128x416xf32>
    %add3A_1547 = arith.addf %add3A_1544, %mul3A_1546 : vector<128x416xf32>
    %slice3A_1548 = vector.extract_strided_slice %mul3A_1539 {offsets = [0, 0], sizes = [64, 416], strides = [1, 1]} : vector<128x416xf32> to vector<64x416xf32>
    %slice3A_1549 = vector.extract_strided_slice %add3A_1547 {offsets = [0, 0], sizes = [64, 416], strides = [1, 1]} : vector<128x416xf32> to vector<64x416xf32>
    %slice3A_1550 = vector.extract_strided_slice %mul3A_1539 {offsets = [64, 0], sizes = [64, 416], strides = [1, 1]} : vector<128x416xf32> to vector<64x416xf32>
    %slice3A_1551 = vector.extract_strided_slice %add3A_1547 {offsets = [64, 0], sizes = [64, 416], strides = [1, 1]} : vector<128x416xf32> to vector<64x416xf32>
    %add3A_1552 = arith.addf %slice3A_1548, %slice3A_1550 : vector<64x416xf32>
    %sub3A_1553 = arith.subf %add3A_1552, %slice3A_1548 : vector<64x416xf32>
    %sub3A_1554 = arith.subf %add3A_1552, %sub3A_1553 : vector<64x416xf32>
    %sub3A_1555 = arith.subf %slice3A_1548, %sub3A_1554 : vector<64x416xf32>
    %sub3A_1556 = arith.subf %slice3A_1550, %sub3A_1553 : vector<64x416xf32>
    %add3A_1557 = arith.addf %sub3A_1555, %sub3A_1556 : vector<64x416xf32>
    %add3A_1558 = arith.addf %slice3A_1549, %slice3A_1551 : vector<64x416xf32>
    %add3A_1559 = arith.addf %add3A_1557, %add3A_1558 : vector<64x416xf32>
    %add3A_1560 = arith.addf %add3A_1552, %add3A_1559 : vector<64x416xf32>
    %sub3A_1561 = arith.subf %add3A_1560, %add3A_1552 : vector<64x416xf32>
    %sub3A_1562 = arith.subf %add3A_1559, %sub3A_1561 : vector<64x416xf32>
    %slice3A_1563 = vector.extract_strided_slice %add3A_1560 {offsets = [0, 0], sizes = [32, 416], strides = [1, 1]} : vector<64x416xf32> to vector<32x416xf32>
    %slice3A_1564 = vector.extract_strided_slice %sub3A_1562 {offsets = [0, 0], sizes = [32, 416], strides = [1, 1]} : vector<64x416xf32> to vector<32x416xf32>
    %slice3A_1565 = vector.extract_strided_slice %add3A_1560 {offsets = [32, 0], sizes = [32, 416], strides = [1, 1]} : vector<64x416xf32> to vector<32x416xf32>
    %slice3A_1566 = vector.extract_strided_slice %sub3A_1562 {offsets = [32, 0], sizes = [32, 416], strides = [1, 1]} : vector<64x416xf32> to vector<32x416xf32>
    %add3A_1567 = arith.addf %slice3A_1563, %slice3A_1565 : vector<32x416xf32>
    %sub3A_1568 = arith.subf %add3A_1567, %slice3A_1563 : vector<32x416xf32>
    %sub3A_1569 = arith.subf %add3A_1567, %sub3A_1568 : vector<32x416xf32>
    %sub3A_1570 = arith.subf %slice3A_1563, %sub3A_1569 : vector<32x416xf32>
    %sub3A_1571 = arith.subf %slice3A_1565, %sub3A_1568 : vector<32x416xf32>
    %add3A_1572 = arith.addf %sub3A_1570, %sub3A_1571 : vector<32x416xf32>
    %add3A_1573 = arith.addf %slice3A_1564, %slice3A_1566 : vector<32x416xf32>
    %add3A_1574 = arith.addf %add3A_1572, %add3A_1573 : vector<32x416xf32>
    %add3A_1575 = arith.addf %add3A_1567, %add3A_1574 : vector<32x416xf32>
    %sub3A_1576 = arith.subf %add3A_1575, %add3A_1567 : vector<32x416xf32>
    %sub3A_1577 = arith.subf %add3A_1574, %sub3A_1576 : vector<32x416xf32>
    %slice3A_1578 = vector.extract_strided_slice %add3A_1575 {offsets = [0, 0], sizes = [16, 416], strides = [1, 1]} : vector<32x416xf32> to vector<16x416xf32>
    %slice3A_1579 = vector.extract_strided_slice %sub3A_1577 {offsets = [0, 0], sizes = [16, 416], strides = [1, 1]} : vector<32x416xf32> to vector<16x416xf32>
    %slice3A_1580 = vector.extract_strided_slice %add3A_1575 {offsets = [16, 0], sizes = [16, 416], strides = [1, 1]} : vector<32x416xf32> to vector<16x416xf32>
    %slice3A_1581 = vector.extract_strided_slice %sub3A_1577 {offsets = [16, 0], sizes = [16, 416], strides = [1, 1]} : vector<32x416xf32> to vector<16x416xf32>
    %add3A_1582 = arith.addf %slice3A_1578, %slice3A_1580 : vector<16x416xf32>
    %sub3A_1583 = arith.subf %add3A_1582, %slice3A_1578 : vector<16x416xf32>
    %sub3A_1584 = arith.subf %add3A_1582, %sub3A_1583 : vector<16x416xf32>
    %sub3A_1585 = arith.subf %slice3A_1578, %sub3A_1584 : vector<16x416xf32>
    %sub3A_1586 = arith.subf %slice3A_1580, %sub3A_1583 : vector<16x416xf32>
    %add3A_1587 = arith.addf %sub3A_1585, %sub3A_1586 : vector<16x416xf32>
    %add3A_1588 = arith.addf %slice3A_1579, %slice3A_1581 : vector<16x416xf32>
    %add3A_1589 = arith.addf %add3A_1587, %add3A_1588 : vector<16x416xf32>
    %add3A_1590 = arith.addf %add3A_1582, %add3A_1589 : vector<16x416xf32>
    %sub3A_1591 = arith.subf %add3A_1590, %add3A_1582 : vector<16x416xf32>
    %sub3A_1592 = arith.subf %add3A_1589, %sub3A_1591 : vector<16x416xf32>
    %slice3A_1593 = vector.extract_strided_slice %add3A_1590 {offsets = [0, 0], sizes = [8, 416], strides = [1, 1]} : vector<16x416xf32> to vector<8x416xf32>
    %slice3A_1594 = vector.extract_strided_slice %sub3A_1592 {offsets = [0, 0], sizes = [8, 416], strides = [1, 1]} : vector<16x416xf32> to vector<8x416xf32>
    %slice3A_1595 = vector.extract_strided_slice %add3A_1590 {offsets = [8, 0], sizes = [8, 416], strides = [1, 1]} : vector<16x416xf32> to vector<8x416xf32>
    %slice3A_1596 = vector.extract_strided_slice %sub3A_1592 {offsets = [8, 0], sizes = [8, 416], strides = [1, 1]} : vector<16x416xf32> to vector<8x416xf32>
    %add3A_1597 = arith.addf %slice3A_1593, %slice3A_1595 : vector<8x416xf32>
    %sub3A_1598 = arith.subf %add3A_1597, %slice3A_1593 : vector<8x416xf32>
    %sub3A_1599 = arith.subf %add3A_1597, %sub3A_1598 : vector<8x416xf32>
    %sub3A_1600 = arith.subf %slice3A_1593, %sub3A_1599 : vector<8x416xf32>
    %sub3A_1601 = arith.subf %slice3A_1595, %sub3A_1598 : vector<8x416xf32>
    %add3A_1602 = arith.addf %sub3A_1600, %sub3A_1601 : vector<8x416xf32>
    %add3A_1603 = arith.addf %slice3A_1594, %slice3A_1596 : vector<8x416xf32>
    %add3A_1604 = arith.addf %add3A_1602, %add3A_1603 : vector<8x416xf32>
    %add3A_1605 = arith.addf %add3A_1597, %add3A_1604 : vector<8x416xf32>
    %sub3A_1606 = arith.subf %add3A_1605, %add3A_1597 : vector<8x416xf32>
    %sub3A_1607 = arith.subf %add3A_1604, %sub3A_1606 : vector<8x416xf32>
    %slice3A_1608 = vector.extract_strided_slice %add3A_1605 {offsets = [0, 0], sizes = [4, 416], strides = [1, 1]} : vector<8x416xf32> to vector<4x416xf32>
    %slice3A_1609 = vector.extract_strided_slice %sub3A_1607 {offsets = [0, 0], sizes = [4, 416], strides = [1, 1]} : vector<8x416xf32> to vector<4x416xf32>
    %slice3A_1610 = vector.extract_strided_slice %add3A_1605 {offsets = [4, 0], sizes = [4, 416], strides = [1, 1]} : vector<8x416xf32> to vector<4x416xf32>
    %slice3A_1611 = vector.extract_strided_slice %sub3A_1607 {offsets = [4, 0], sizes = [4, 416], strides = [1, 1]} : vector<8x416xf32> to vector<4x416xf32>
    %add3A_1612 = arith.addf %slice3A_1608, %slice3A_1610 : vector<4x416xf32>
    %sub3A_1613 = arith.subf %add3A_1612, %slice3A_1608 : vector<4x416xf32>
    %sub3A_1614 = arith.subf %add3A_1612, %sub3A_1613 : vector<4x416xf32>
    %sub3A_1615 = arith.subf %slice3A_1608, %sub3A_1614 : vector<4x416xf32>
    %sub3A_1616 = arith.subf %slice3A_1610, %sub3A_1613 : vector<4x416xf32>
    %add3A_1617 = arith.addf %sub3A_1615, %sub3A_1616 : vector<4x416xf32>
    %add3A_1618 = arith.addf %slice3A_1609, %slice3A_1611 : vector<4x416xf32>
    %add3A_1619 = arith.addf %add3A_1617, %add3A_1618 : vector<4x416xf32>
    %add3A_1620 = arith.addf %add3A_1612, %add3A_1619 : vector<4x416xf32>
    %sub3A_1621 = arith.subf %add3A_1620, %add3A_1612 : vector<4x416xf32>
    %sub3A_1622 = arith.subf %add3A_1619, %sub3A_1621 : vector<4x416xf32>
    %slice3A_1623 = vector.extract_strided_slice %add3A_1620 {offsets = [0, 0], sizes = [2, 416], strides = [1, 1]} : vector<4x416xf32> to vector<2x416xf32>
    %slice3A_1624 = vector.extract_strided_slice %sub3A_1622 {offsets = [0, 0], sizes = [2, 416], strides = [1, 1]} : vector<4x416xf32> to vector<2x416xf32>
    %slice3A_1625 = vector.extract_strided_slice %add3A_1620 {offsets = [2, 0], sizes = [2, 416], strides = [1, 1]} : vector<4x416xf32> to vector<2x416xf32>
    %slice3A_1626 = vector.extract_strided_slice %sub3A_1622 {offsets = [2, 0], sizes = [2, 416], strides = [1, 1]} : vector<4x416xf32> to vector<2x416xf32>
    %add3A_1627 = arith.addf %slice3A_1623, %slice3A_1625 : vector<2x416xf32>
    %sub3A_1628 = arith.subf %add3A_1627, %slice3A_1623 : vector<2x416xf32>
    %sub3A_1629 = arith.subf %add3A_1627, %sub3A_1628 : vector<2x416xf32>
    %sub3A_1630 = arith.subf %slice3A_1623, %sub3A_1629 : vector<2x416xf32>
    %sub3A_1631 = arith.subf %slice3A_1625, %sub3A_1628 : vector<2x416xf32>
    %add3A_1632 = arith.addf %sub3A_1630, %sub3A_1631 : vector<2x416xf32>
    %add3A_1633 = arith.addf %slice3A_1624, %slice3A_1626 : vector<2x416xf32>
    %add3A_1634 = arith.addf %add3A_1632, %add3A_1633 : vector<2x416xf32>
    %add3A_1635 = arith.addf %add3A_1627, %add3A_1634 : vector<2x416xf32>
    %sub3A_1636 = arith.subf %add3A_1635, %add3A_1627 : vector<2x416xf32>
    %sub3A_1637 = arith.subf %add3A_1634, %sub3A_1636 : vector<2x416xf32>
    %slice3A_1638 = vector.extract_strided_slice %add3A_1635 {offsets = [0, 0], sizes = [1, 416], strides = [1, 1]} : vector<2x416xf32> to vector<1x416xf32>
    %slice3A_1639 = vector.extract_strided_slice %sub3A_1637 {offsets = [0, 0], sizes = [1, 416], strides = [1, 1]} : vector<2x416xf32> to vector<1x416xf32>
    %slice3A_1640 = vector.extract_strided_slice %add3A_1635 {offsets = [1, 0], sizes = [1, 416], strides = [1, 1]} : vector<2x416xf32> to vector<1x416xf32>
    %slice3A_1641 = vector.extract_strided_slice %sub3A_1637 {offsets = [1, 0], sizes = [1, 416], strides = [1, 1]} : vector<2x416xf32> to vector<1x416xf32>
    %add3A_1642 = arith.addf %slice3A_1638, %slice3A_1640 : vector<1x416xf32>
    %sub3A_1643 = arith.subf %add3A_1642, %slice3A_1638 : vector<1x416xf32>
    %sub3A_1644 = arith.subf %add3A_1642, %sub3A_1643 : vector<1x416xf32>
    %sub3A_1645 = arith.subf %slice3A_1638, %sub3A_1644 : vector<1x416xf32>
    %sub3A_1646 = arith.subf %slice3A_1640, %sub3A_1643 : vector<1x416xf32>
    %add3A_1647 = arith.addf %sub3A_1645, %sub3A_1646 : vector<1x416xf32>
    %add3A_1648 = arith.addf %slice3A_1639, %slice3A_1641 : vector<1x416xf32>
    %add3A_1649 = arith.addf %add3A_1647, %add3A_1648 : vector<1x416xf32>
    %add3A_1650 = arith.addf %add3A_1642, %add3A_1649 : vector<1x416xf32>
    %sub3A_1651 = arith.subf %add3A_1650, %add3A_1642 : vector<1x416xf32>
    %sub3A_1652 = arith.subf %add3A_1649, %sub3A_1651 : vector<1x416xf32>
    %get3A_1653 = arith.constant 0 : index
    %get3A_1654 = arith.constant 13 : index
    %get3A_1655 = vector.load %arg2[%get3A_1653, %get3A_1654] : memref<128x16xf32, #tpu.memory_space<vmem>>, vector<128x1xf32>
    %get3A_1656 = arith.constant 0 : index
    %get3A_1657 = arith.constant 13 : index
    %get3A_1658 = vector.load %arg3[%get3A_1656, %get3A_1657] : memref<128x16xf32, #tpu.memory_space<vmem>>, vector<128x1xf32>
    %bitcast_convert_type3A_1659 = tpu.bitcast %get3A_1655 : vector<128x1xf32> -> vector<128x1xi32>
    %and3A_1660 = arith.constant -4096 : i32
    %and3A_1661 = vector.broadcast %and3A_1660 : i32 to vector<128x1xi32>
    %and3A_1662 = arith.andi %bitcast_convert_type3A_1659, %and3A_1661 : vector<128x1xi32>
    %bitcast_convert_type3A_1663 = tpu.bitcast %and3A_1662 : vector<128x1xi32> -> vector<128x1xf32>
    %sub3A_1664 = arith.subf %get3A_1655, %bitcast_convert_type3A_1663 : vector<128x1xf32>
    %mul3A_1665 = vector.broadcast %bitcast_convert_type3A_1663 : vector<128x1xf32> to vector<128x416xf32>
    %mul3A_1666 = arith.mulf %bitcast_convert_type3A_4, %mul3A_1665 : vector<128x416xf32>
    %mul3A_1667 = vector.broadcast %sub3A_1664 : vector<128x1xf32> to vector<128x416xf32>
    %mul3A_1668 = arith.mulf %bitcast_convert_type3A_4, %mul3A_1667 : vector<128x416xf32>
    %mul3A_1669 = vector.broadcast %get3A_1655 : vector<128x1xf32> to vector<128x416xf32>
    %mul3A_1670 = arith.mulf %sub3A, %mul3A_1669 : vector<128x416xf32>
    %add3A_1671 = arith.addf %mul3A_1668, %mul3A_1670 : vector<128x416xf32>
    %mul3A_1672 = vector.broadcast %get3A_1658 : vector<128x1xf32> to vector<128x416xf32>
    %mul3A_1673 = arith.mulf %transpose3A, %mul3A_1672 : vector<128x416xf32>
    %add3A_1674 = arith.addf %add3A_1671, %mul3A_1673 : vector<128x416xf32>
    %slice3A_1675 = vector.extract_strided_slice %mul3A_1666 {offsets = [0, 0], sizes = [64, 416], strides = [1, 1]} : vector<128x416xf32> to vector<64x416xf32>
    %slice3A_1676 = vector.extract_strided_slice %add3A_1674 {offsets = [0, 0], sizes = [64, 416], strides = [1, 1]} : vector<128x416xf32> to vector<64x416xf32>
    %slice3A_1677 = vector.extract_strided_slice %mul3A_1666 {offsets = [64, 0], sizes = [64, 416], strides = [1, 1]} : vector<128x416xf32> to vector<64x416xf32>
    %slice3A_1678 = vector.extract_strided_slice %add3A_1674 {offsets = [64, 0], sizes = [64, 416], strides = [1, 1]} : vector<128x416xf32> to vector<64x416xf32>
    %add3A_1679 = arith.addf %slice3A_1675, %slice3A_1677 : vector<64x416xf32>
    %sub3A_1680 = arith.subf %add3A_1679, %slice3A_1675 : vector<64x416xf32>
    %sub3A_1681 = arith.subf %add3A_1679, %sub3A_1680 : vector<64x416xf32>
    %sub3A_1682 = arith.subf %slice3A_1675, %sub3A_1681 : vector<64x416xf32>
    %sub3A_1683 = arith.subf %slice3A_1677, %sub3A_1680 : vector<64x416xf32>
    %add3A_1684 = arith.addf %sub3A_1682, %sub3A_1683 : vector<64x416xf32>
    %add3A_1685 = arith.addf %slice3A_1676, %slice3A_1678 : vector<64x416xf32>
    %add3A_1686 = arith.addf %add3A_1684, %add3A_1685 : vector<64x416xf32>
    %add3A_1687 = arith.addf %add3A_1679, %add3A_1686 : vector<64x416xf32>
    %sub3A_1688 = arith.subf %add3A_1687, %add3A_1679 : vector<64x416xf32>
    %sub3A_1689 = arith.subf %add3A_1686, %sub3A_1688 : vector<64x416xf32>
    %slice3A_1690 = vector.extract_strided_slice %add3A_1687 {offsets = [0, 0], sizes = [32, 416], strides = [1, 1]} : vector<64x416xf32> to vector<32x416xf32>
    %slice3A_1691 = vector.extract_strided_slice %sub3A_1689 {offsets = [0, 0], sizes = [32, 416], strides = [1, 1]} : vector<64x416xf32> to vector<32x416xf32>
    %slice3A_1692 = vector.extract_strided_slice %add3A_1687 {offsets = [32, 0], sizes = [32, 416], strides = [1, 1]} : vector<64x416xf32> to vector<32x416xf32>
    %slice3A_1693 = vector.extract_strided_slice %sub3A_1689 {offsets = [32, 0], sizes = [32, 416], strides = [1, 1]} : vector<64x416xf32> to vector<32x416xf32>
    %add3A_1694 = arith.addf %slice3A_1690, %slice3A_1692 : vector<32x416xf32>
    %sub3A_1695 = arith.subf %add3A_1694, %slice3A_1690 : vector<32x416xf32>
    %sub3A_1696 = arith.subf %add3A_1694, %sub3A_1695 : vector<32x416xf32>
    %sub3A_1697 = arith.subf %slice3A_1690, %sub3A_1696 : vector<32x416xf32>
    %sub3A_1698 = arith.subf %slice3A_1692, %sub3A_1695 : vector<32x416xf32>
    %add3A_1699 = arith.addf %sub3A_1697, %sub3A_1698 : vector<32x416xf32>
    %add3A_1700 = arith.addf %slice3A_1691, %slice3A_1693 : vector<32x416xf32>
    %add3A_1701 = arith.addf %add3A_1699, %add3A_1700 : vector<32x416xf32>
    %add3A_1702 = arith.addf %add3A_1694, %add3A_1701 : vector<32x416xf32>
    %sub3A_1703 = arith.subf %add3A_1702, %add3A_1694 : vector<32x416xf32>
    %sub3A_1704 = arith.subf %add3A_1701, %sub3A_1703 : vector<32x416xf32>
    %slice3A_1705 = vector.extract_strided_slice %add3A_1702 {offsets = [0, 0], sizes = [16, 416], strides = [1, 1]} : vector<32x416xf32> to vector<16x416xf32>
    %slice3A_1706 = vector.extract_strided_slice %sub3A_1704 {offsets = [0, 0], sizes = [16, 416], strides = [1, 1]} : vector<32x416xf32> to vector<16x416xf32>
    %slice3A_1707 = vector.extract_strided_slice %add3A_1702 {offsets = [16, 0], sizes = [16, 416], strides = [1, 1]} : vector<32x416xf32> to vector<16x416xf32>
    %slice3A_1708 = vector.extract_strided_slice %sub3A_1704 {offsets = [16, 0], sizes = [16, 416], strides = [1, 1]} : vector<32x416xf32> to vector<16x416xf32>
    %add3A_1709 = arith.addf %slice3A_1705, %slice3A_1707 : vector<16x416xf32>
    %sub3A_1710 = arith.subf %add3A_1709, %slice3A_1705 : vector<16x416xf32>
    %sub3A_1711 = arith.subf %add3A_1709, %sub3A_1710 : vector<16x416xf32>
    %sub3A_1712 = arith.subf %slice3A_1705, %sub3A_1711 : vector<16x416xf32>
    %sub3A_1713 = arith.subf %slice3A_1707, %sub3A_1710 : vector<16x416xf32>
    %add3A_1714 = arith.addf %sub3A_1712, %sub3A_1713 : vector<16x416xf32>
    %add3A_1715 = arith.addf %slice3A_1706, %slice3A_1708 : vector<16x416xf32>
    %add3A_1716 = arith.addf %add3A_1714, %add3A_1715 : vector<16x416xf32>
    %add3A_1717 = arith.addf %add3A_1709, %add3A_1716 : vector<16x416xf32>
    %sub3A_1718 = arith.subf %add3A_1717, %add3A_1709 : vector<16x416xf32>
    %sub3A_1719 = arith.subf %add3A_1716, %sub3A_1718 : vector<16x416xf32>
    %slice3A_1720 = vector.extract_strided_slice %add3A_1717 {offsets = [0, 0], sizes = [8, 416], strides = [1, 1]} : vector<16x416xf32> to vector<8x416xf32>
    %slice3A_1721 = vector.extract_strided_slice %sub3A_1719 {offsets = [0, 0], sizes = [8, 416], strides = [1, 1]} : vector<16x416xf32> to vector<8x416xf32>
    %slice3A_1722 = vector.extract_strided_slice %add3A_1717 {offsets = [8, 0], sizes = [8, 416], strides = [1, 1]} : vector<16x416xf32> to vector<8x416xf32>
    %slice3A_1723 = vector.extract_strided_slice %sub3A_1719 {offsets = [8, 0], sizes = [8, 416], strides = [1, 1]} : vector<16x416xf32> to vector<8x416xf32>
    %add3A_1724 = arith.addf %slice3A_1720, %slice3A_1722 : vector<8x416xf32>
    %sub3A_1725 = arith.subf %add3A_1724, %slice3A_1720 : vector<8x416xf32>
    %sub3A_1726 = arith.subf %add3A_1724, %sub3A_1725 : vector<8x416xf32>
    %sub3A_1727 = arith.subf %slice3A_1720, %sub3A_1726 : vector<8x416xf32>
    %sub3A_1728 = arith.subf %slice3A_1722, %sub3A_1725 : vector<8x416xf32>
    %add3A_1729 = arith.addf %sub3A_1727, %sub3A_1728 : vector<8x416xf32>
    %add3A_1730 = arith.addf %slice3A_1721, %slice3A_1723 : vector<8x416xf32>
    %add3A_1731 = arith.addf %add3A_1729, %add3A_1730 : vector<8x416xf32>
    %add3A_1732 = arith.addf %add3A_1724, %add3A_1731 : vector<8x416xf32>
    %sub3A_1733 = arith.subf %add3A_1732, %add3A_1724 : vector<8x416xf32>
    %sub3A_1734 = arith.subf %add3A_1731, %sub3A_1733 : vector<8x416xf32>
    %slice3A_1735 = vector.extract_strided_slice %add3A_1732 {offsets = [0, 0], sizes = [4, 416], strides = [1, 1]} : vector<8x416xf32> to vector<4x416xf32>
    %slice3A_1736 = vector.extract_strided_slice %sub3A_1734 {offsets = [0, 0], sizes = [4, 416], strides = [1, 1]} : vector<8x416xf32> to vector<4x416xf32>
    %slice3A_1737 = vector.extract_strided_slice %add3A_1732 {offsets = [4, 0], sizes = [4, 416], strides = [1, 1]} : vector<8x416xf32> to vector<4x416xf32>
    %slice3A_1738 = vector.extract_strided_slice %sub3A_1734 {offsets = [4, 0], sizes = [4, 416], strides = [1, 1]} : vector<8x416xf32> to vector<4x416xf32>
    %add3A_1739 = arith.addf %slice3A_1735, %slice3A_1737 : vector<4x416xf32>
    %sub3A_1740 = arith.subf %add3A_1739, %slice3A_1735 : vector<4x416xf32>
    %sub3A_1741 = arith.subf %add3A_1739, %sub3A_1740 : vector<4x416xf32>
    %sub3A_1742 = arith.subf %slice3A_1735, %sub3A_1741 : vector<4x416xf32>
    %sub3A_1743 = arith.subf %slice3A_1737, %sub3A_1740 : vector<4x416xf32>
    %add3A_1744 = arith.addf %sub3A_1742, %sub3A_1743 : vector<4x416xf32>
    %add3A_1745 = arith.addf %slice3A_1736, %slice3A_1738 : vector<4x416xf32>
    %add3A_1746 = arith.addf %add3A_1744, %add3A_1745 : vector<4x416xf32>
    %add3A_1747 = arith.addf %add3A_1739, %add3A_1746 : vector<4x416xf32>
    %sub3A_1748 = arith.subf %add3A_1747, %add3A_1739 : vector<4x416xf32>
    %sub3A_1749 = arith.subf %add3A_1746, %sub3A_1748 : vector<4x416xf32>
    %slice3A_1750 = vector.extract_strided_slice %add3A_1747 {offsets = [0, 0], sizes = [2, 416], strides = [1, 1]} : vector<4x416xf32> to vector<2x416xf32>
    %slice3A_1751 = vector.extract_strided_slice %sub3A_1749 {offsets = [0, 0], sizes = [2, 416], strides = [1, 1]} : vector<4x416xf32> to vector<2x416xf32>
    %slice3A_1752 = vector.extract_strided_slice %add3A_1747 {offsets = [2, 0], sizes = [2, 416], strides = [1, 1]} : vector<4x416xf32> to vector<2x416xf32>
    %slice3A_1753 = vector.extract_strided_slice %sub3A_1749 {offsets = [2, 0], sizes = [2, 416], strides = [1, 1]} : vector<4x416xf32> to vector<2x416xf32>
    %add3A_1754 = arith.addf %slice3A_1750, %slice3A_1752 : vector<2x416xf32>
    %sub3A_1755 = arith.subf %add3A_1754, %slice3A_1750 : vector<2x416xf32>
    %sub3A_1756 = arith.subf %add3A_1754, %sub3A_1755 : vector<2x416xf32>
    %sub3A_1757 = arith.subf %slice3A_1750, %sub3A_1756 : vector<2x416xf32>
    %sub3A_1758 = arith.subf %slice3A_1752, %sub3A_1755 : vector<2x416xf32>
    %add3A_1759 = arith.addf %sub3A_1757, %sub3A_1758 : vector<2x416xf32>
    %add3A_1760 = arith.addf %slice3A_1751, %slice3A_1753 : vector<2x416xf32>
    %add3A_1761 = arith.addf %add3A_1759, %add3A_1760 : vector<2x416xf32>
    %add3A_1762 = arith.addf %add3A_1754, %add3A_1761 : vector<2x416xf32>
    %sub3A_1763 = arith.subf %add3A_1762, %add3A_1754 : vector<2x416xf32>
    %sub3A_1764 = arith.subf %add3A_1761, %sub3A_1763 : vector<2x416xf32>
    %slice3A_1765 = vector.extract_strided_slice %add3A_1762 {offsets = [0, 0], sizes = [1, 416], strides = [1, 1]} : vector<2x416xf32> to vector<1x416xf32>
    %slice3A_1766 = vector.extract_strided_slice %sub3A_1764 {offsets = [0, 0], sizes = [1, 416], strides = [1, 1]} : vector<2x416xf32> to vector<1x416xf32>
    %slice3A_1767 = vector.extract_strided_slice %add3A_1762 {offsets = [1, 0], sizes = [1, 416], strides = [1, 1]} : vector<2x416xf32> to vector<1x416xf32>
    %slice3A_1768 = vector.extract_strided_slice %sub3A_1764 {offsets = [1, 0], sizes = [1, 416], strides = [1, 1]} : vector<2x416xf32> to vector<1x416xf32>
    %add3A_1769 = arith.addf %slice3A_1765, %slice3A_1767 : vector<1x416xf32>
    %sub3A_1770 = arith.subf %add3A_1769, %slice3A_1765 : vector<1x416xf32>
    %sub3A_1771 = arith.subf %add3A_1769, %sub3A_1770 : vector<1x416xf32>
    %sub3A_1772 = arith.subf %slice3A_1765, %sub3A_1771 : vector<1x416xf32>
    %sub3A_1773 = arith.subf %slice3A_1767, %sub3A_1770 : vector<1x416xf32>
    %add3A_1774 = arith.addf %sub3A_1772, %sub3A_1773 : vector<1x416xf32>
    %add3A_1775 = arith.addf %slice3A_1766, %slice3A_1768 : vector<1x416xf32>
    %add3A_1776 = arith.addf %add3A_1774, %add3A_1775 : vector<1x416xf32>
    %add3A_1777 = arith.addf %add3A_1769, %add3A_1776 : vector<1x416xf32>
    %sub3A_1778 = arith.subf %add3A_1777, %add3A_1769 : vector<1x416xf32>
    %sub3A_1779 = arith.subf %add3A_1776, %sub3A_1778 : vector<1x416xf32>
    %get3A_1780 = arith.constant 0 : index
    %get3A_1781 = arith.constant 14 : index
    %get3A_1782 = vector.load %arg2[%get3A_1780, %get3A_1781] : memref<128x16xf32, #tpu.memory_space<vmem>>, vector<128x1xf32>
    %get3A_1783 = arith.constant 0 : index
    %get3A_1784 = arith.constant 14 : index
    %get3A_1785 = vector.load %arg3[%get3A_1783, %get3A_1784] : memref<128x16xf32, #tpu.memory_space<vmem>>, vector<128x1xf32>
    %bitcast_convert_type3A_1786 = tpu.bitcast %get3A_1782 : vector<128x1xf32> -> vector<128x1xi32>
    %and3A_1787 = arith.constant -4096 : i32
    %and3A_1788 = vector.broadcast %and3A_1787 : i32 to vector<128x1xi32>
    %and3A_1789 = arith.andi %bitcast_convert_type3A_1786, %and3A_1788 : vector<128x1xi32>
    %bitcast_convert_type3A_1790 = tpu.bitcast %and3A_1789 : vector<128x1xi32> -> vector<128x1xf32>
    %sub3A_1791 = arith.subf %get3A_1782, %bitcast_convert_type3A_1790 : vector<128x1xf32>
    %mul3A_1792 = vector.broadcast %bitcast_convert_type3A_1790 : vector<128x1xf32> to vector<128x416xf32>
    %mul3A_1793 = arith.mulf %bitcast_convert_type3A_4, %mul3A_1792 : vector<128x416xf32>
    %mul3A_1794 = vector.broadcast %sub3A_1791 : vector<128x1xf32> to vector<128x416xf32>
    %mul3A_1795 = arith.mulf %bitcast_convert_type3A_4, %mul3A_1794 : vector<128x416xf32>
    %mul3A_1796 = vector.broadcast %get3A_1782 : vector<128x1xf32> to vector<128x416xf32>
    %mul3A_1797 = arith.mulf %sub3A, %mul3A_1796 : vector<128x416xf32>
    %add3A_1798 = arith.addf %mul3A_1795, %mul3A_1797 : vector<128x416xf32>
    %mul3A_1799 = vector.broadcast %get3A_1785 : vector<128x1xf32> to vector<128x416xf32>
    %mul3A_1800 = arith.mulf %transpose3A, %mul3A_1799 : vector<128x416xf32>
    %add3A_1801 = arith.addf %add3A_1798, %mul3A_1800 : vector<128x416xf32>
    %slice3A_1802 = vector.extract_strided_slice %mul3A_1793 {offsets = [0, 0], sizes = [64, 416], strides = [1, 1]} : vector<128x416xf32> to vector<64x416xf32>
    %slice3A_1803 = vector.extract_strided_slice %add3A_1801 {offsets = [0, 0], sizes = [64, 416], strides = [1, 1]} : vector<128x416xf32> to vector<64x416xf32>
    %slice3A_1804 = vector.extract_strided_slice %mul3A_1793 {offsets = [64, 0], sizes = [64, 416], strides = [1, 1]} : vector<128x416xf32> to vector<64x416xf32>
    %slice3A_1805 = vector.extract_strided_slice %add3A_1801 {offsets = [64, 0], sizes = [64, 416], strides = [1, 1]} : vector<128x416xf32> to vector<64x416xf32>
    %add3A_1806 = arith.addf %slice3A_1802, %slice3A_1804 : vector<64x416xf32>
    %sub3A_1807 = arith.subf %add3A_1806, %slice3A_1802 : vector<64x416xf32>
    %sub3A_1808 = arith.subf %add3A_1806, %sub3A_1807 : vector<64x416xf32>
    %sub3A_1809 = arith.subf %slice3A_1802, %sub3A_1808 : vector<64x416xf32>
    %sub3A_1810 = arith.subf %slice3A_1804, %sub3A_1807 : vector<64x416xf32>
    %add3A_1811 = arith.addf %sub3A_1809, %sub3A_1810 : vector<64x416xf32>
    %add3A_1812 = arith.addf %slice3A_1803, %slice3A_1805 : vector<64x416xf32>
    %add3A_1813 = arith.addf %add3A_1811, %add3A_1812 : vector<64x416xf32>
    %add3A_1814 = arith.addf %add3A_1806, %add3A_1813 : vector<64x416xf32>
    %sub3A_1815 = arith.subf %add3A_1814, %add3A_1806 : vector<64x416xf32>
    %sub3A_1816 = arith.subf %add3A_1813, %sub3A_1815 : vector<64x416xf32>
    %slice3A_1817 = vector.extract_strided_slice %add3A_1814 {offsets = [0, 0], sizes = [32, 416], strides = [1, 1]} : vector<64x416xf32> to vector<32x416xf32>
    %slice3A_1818 = vector.extract_strided_slice %sub3A_1816 {offsets = [0, 0], sizes = [32, 416], strides = [1, 1]} : vector<64x416xf32> to vector<32x416xf32>
    %slice3A_1819 = vector.extract_strided_slice %add3A_1814 {offsets = [32, 0], sizes = [32, 416], strides = [1, 1]} : vector<64x416xf32> to vector<32x416xf32>
    %slice3A_1820 = vector.extract_strided_slice %sub3A_1816 {offsets = [32, 0], sizes = [32, 416], strides = [1, 1]} : vector<64x416xf32> to vector<32x416xf32>
    %add3A_1821 = arith.addf %slice3A_1817, %slice3A_1819 : vector<32x416xf32>
    %sub3A_1822 = arith.subf %add3A_1821, %slice3A_1817 : vector<32x416xf32>
    %sub3A_1823 = arith.subf %add3A_1821, %sub3A_1822 : vector<32x416xf32>
    %sub3A_1824 = arith.subf %slice3A_1817, %sub3A_1823 : vector<32x416xf32>
    %sub3A_1825 = arith.subf %slice3A_1819, %sub3A_1822 : vector<32x416xf32>
    %add3A_1826 = arith.addf %sub3A_1824, %sub3A_1825 : vector<32x416xf32>
    %add3A_1827 = arith.addf %slice3A_1818, %slice3A_1820 : vector<32x416xf32>
    %add3A_1828 = arith.addf %add3A_1826, %add3A_1827 : vector<32x416xf32>
    %add3A_1829 = arith.addf %add3A_1821, %add3A_1828 : vector<32x416xf32>
    %sub3A_1830 = arith.subf %add3A_1829, %add3A_1821 : vector<32x416xf32>
    %sub3A_1831 = arith.subf %add3A_1828, %sub3A_1830 : vector<32x416xf32>
    %slice3A_1832 = vector.extract_strided_slice %add3A_1829 {offsets = [0, 0], sizes = [16, 416], strides = [1, 1]} : vector<32x416xf32> to vector<16x416xf32>
    %slice3A_1833 = vector.extract_strided_slice %sub3A_1831 {offsets = [0, 0], sizes = [16, 416], strides = [1, 1]} : vector<32x416xf32> to vector<16x416xf32>
    %slice3A_1834 = vector.extract_strided_slice %add3A_1829 {offsets = [16, 0], sizes = [16, 416], strides = [1, 1]} : vector<32x416xf32> to vector<16x416xf32>
    %slice3A_1835 = vector.extract_strided_slice %sub3A_1831 {offsets = [16, 0], sizes = [16, 416], strides = [1, 1]} : vector<32x416xf32> to vector<16x416xf32>
    %add3A_1836 = arith.addf %slice3A_1832, %slice3A_1834 : vector<16x416xf32>
    %sub3A_1837 = arith.subf %add3A_1836, %slice3A_1832 : vector<16x416xf32>
    %sub3A_1838 = arith.subf %add3A_1836, %sub3A_1837 : vector<16x416xf32>
    %sub3A_1839 = arith.subf %slice3A_1832, %sub3A_1838 : vector<16x416xf32>
    %sub3A_1840 = arith.subf %slice3A_1834, %sub3A_1837 : vector<16x416xf32>
    %add3A_1841 = arith.addf %sub3A_1839, %sub3A_1840 : vector<16x416xf32>
    %add3A_1842 = arith.addf %slice3A_1833, %slice3A_1835 : vector<16x416xf32>
    %add3A_1843 = arith.addf %add3A_1841, %add3A_1842 : vector<16x416xf32>
    %add3A_1844 = arith.addf %add3A_1836, %add3A_1843 : vector<16x416xf32>
    %sub3A_1845 = arith.subf %add3A_1844, %add3A_1836 : vector<16x416xf32>
    %sub3A_1846 = arith.subf %add3A_1843, %sub3A_1845 : vector<16x416xf32>
    %slice3A_1847 = vector.extract_strided_slice %add3A_1844 {offsets = [0, 0], sizes = [8, 416], strides = [1, 1]} : vector<16x416xf32> to vector<8x416xf32>
    %slice3A_1848 = vector.extract_strided_slice %sub3A_1846 {offsets = [0, 0], sizes = [8, 416], strides = [1, 1]} : vector<16x416xf32> to vector<8x416xf32>
    %slice3A_1849 = vector.extract_strided_slice %add3A_1844 {offsets = [8, 0], sizes = [8, 416], strides = [1, 1]} : vector<16x416xf32> to vector<8x416xf32>
    %slice3A_1850 = vector.extract_strided_slice %sub3A_1846 {offsets = [8, 0], sizes = [8, 416], strides = [1, 1]} : vector<16x416xf32> to vector<8x416xf32>
    %add3A_1851 = arith.addf %slice3A_1847, %slice3A_1849 : vector<8x416xf32>
    %sub3A_1852 = arith.subf %add3A_1851, %slice3A_1847 : vector<8x416xf32>
    %sub3A_1853 = arith.subf %add3A_1851, %sub3A_1852 : vector<8x416xf32>
    %sub3A_1854 = arith.subf %slice3A_1847, %sub3A_1853 : vector<8x416xf32>
    %sub3A_1855 = arith.subf %slice3A_1849, %sub3A_1852 : vector<8x416xf32>
    %add3A_1856 = arith.addf %sub3A_1854, %sub3A_1855 : vector<8x416xf32>
    %add3A_1857 = arith.addf %slice3A_1848, %slice3A_1850 : vector<8x416xf32>
    %add3A_1858 = arith.addf %add3A_1856, %add3A_1857 : vector<8x416xf32>
    %add3A_1859 = arith.addf %add3A_1851, %add3A_1858 : vector<8x416xf32>
    %sub3A_1860 = arith.subf %add3A_1859, %add3A_1851 : vector<8x416xf32>
    %sub3A_1861 = arith.subf %add3A_1858, %sub3A_1860 : vector<8x416xf32>
    %slice3A_1862 = vector.extract_strided_slice %add3A_1859 {offsets = [0, 0], sizes = [4, 416], strides = [1, 1]} : vector<8x416xf32> to vector<4x416xf32>
    %slice3A_1863 = vector.extract_strided_slice %sub3A_1861 {offsets = [0, 0], sizes = [4, 416], strides = [1, 1]} : vector<8x416xf32> to vector<4x416xf32>
    %slice3A_1864 = vector.extract_strided_slice %add3A_1859 {offsets = [4, 0], sizes = [4, 416], strides = [1, 1]} : vector<8x416xf32> to vector<4x416xf32>
    %slice3A_1865 = vector.extract_strided_slice %sub3A_1861 {offsets = [4, 0], sizes = [4, 416], strides = [1, 1]} : vector<8x416xf32> to vector<4x416xf32>
    %add3A_1866 = arith.addf %slice3A_1862, %slice3A_1864 : vector<4x416xf32>
    %sub3A_1867 = arith.subf %add3A_1866, %slice3A_1862 : vector<4x416xf32>
    %sub3A_1868 = arith.subf %add3A_1866, %sub3A_1867 : vector<4x416xf32>
    %sub3A_1869 = arith.subf %slice3A_1862, %sub3A_1868 : vector<4x416xf32>
    %sub3A_1870 = arith.subf %slice3A_1864, %sub3A_1867 : vector<4x416xf32>
    %add3A_1871 = arith.addf %sub3A_1869, %sub3A_1870 : vector<4x416xf32>
    %add3A_1872 = arith.addf %slice3A_1863, %slice3A_1865 : vector<4x416xf32>
    %add3A_1873 = arith.addf %add3A_1871, %add3A_1872 : vector<4x416xf32>
    %add3A_1874 = arith.addf %add3A_1866, %add3A_1873 : vector<4x416xf32>
    %sub3A_1875 = arith.subf %add3A_1874, %add3A_1866 : vector<4x416xf32>
    %sub3A_1876 = arith.subf %add3A_1873, %sub3A_1875 : vector<4x416xf32>
    %slice3A_1877 = vector.extract_strided_slice %add3A_1874 {offsets = [0, 0], sizes = [2, 416], strides = [1, 1]} : vector<4x416xf32> to vector<2x416xf32>
    %slice3A_1878 = vector.extract_strided_slice %sub3A_1876 {offsets = [0, 0], sizes = [2, 416], strides = [1, 1]} : vector<4x416xf32> to vector<2x416xf32>
    %slice3A_1879 = vector.extract_strided_slice %add3A_1874 {offsets = [2, 0], sizes = [2, 416], strides = [1, 1]} : vector<4x416xf32> to vector<2x416xf32>
    %slice3A_1880 = vector.extract_strided_slice %sub3A_1876 {offsets = [2, 0], sizes = [2, 416], strides = [1, 1]} : vector<4x416xf32> to vector<2x416xf32>
    %add3A_1881 = arith.addf %slice3A_1877, %slice3A_1879 : vector<2x416xf32>
    %sub3A_1882 = arith.subf %add3A_1881, %slice3A_1877 : vector<2x416xf32>
    %sub3A_1883 = arith.subf %add3A_1881, %sub3A_1882 : vector<2x416xf32>
    %sub3A_1884 = arith.subf %slice3A_1877, %sub3A_1883 : vector<2x416xf32>
    %sub3A_1885 = arith.subf %slice3A_1879, %sub3A_1882 : vector<2x416xf32>
    %add3A_1886 = arith.addf %sub3A_1884, %sub3A_1885 : vector<2x416xf32>
    %add3A_1887 = arith.addf %slice3A_1878, %slice3A_1880 : vector<2x416xf32>
    %add3A_1888 = arith.addf %add3A_1886, %add3A_1887 : vector<2x416xf32>
    %add3A_1889 = arith.addf %add3A_1881, %add3A_1888 : vector<2x416xf32>
    %sub3A_1890 = arith.subf %add3A_1889, %add3A_1881 : vector<2x416xf32>
    %sub3A_1891 = arith.subf %add3A_1888, %sub3A_1890 : vector<2x416xf32>
    %slice3A_1892 = vector.extract_strided_slice %add3A_1889 {offsets = [0, 0], sizes = [1, 416], strides = [1, 1]} : vector<2x416xf32> to vector<1x416xf32>
    %slice3A_1893 = vector.extract_strided_slice %sub3A_1891 {offsets = [0, 0], sizes = [1, 416], strides = [1, 1]} : vector<2x416xf32> to vector<1x416xf32>
    %slice3A_1894 = vector.extract_strided_slice %add3A_1889 {offsets = [1, 0], sizes = [1, 416], strides = [1, 1]} : vector<2x416xf32> to vector<1x416xf32>
    %slice3A_1895 = vector.extract_strided_slice %sub3A_1891 {offsets = [1, 0], sizes = [1, 416], strides = [1, 1]} : vector<2x416xf32> to vector<1x416xf32>
    %add3A_1896 = arith.addf %slice3A_1892, %slice3A_1894 : vector<1x416xf32>
    %sub3A_1897 = arith.subf %add3A_1896, %slice3A_1892 : vector<1x416xf32>
    %sub3A_1898 = arith.subf %add3A_1896, %sub3A_1897 : vector<1x416xf32>
    %sub3A_1899 = arith.subf %slice3A_1892, %sub3A_1898 : vector<1x416xf32>
    %sub3A_1900 = arith.subf %slice3A_1894, %sub3A_1897 : vector<1x416xf32>
    %add3A_1901 = arith.addf %sub3A_1899, %sub3A_1900 : vector<1x416xf32>
    %add3A_1902 = arith.addf %slice3A_1893, %slice3A_1895 : vector<1x416xf32>
    %add3A_1903 = arith.addf %add3A_1901, %add3A_1902 : vector<1x416xf32>
    %add3A_1904 = arith.addf %add3A_1896, %add3A_1903 : vector<1x416xf32>
    %sub3A_1905 = arith.subf %add3A_1904, %add3A_1896 : vector<1x416xf32>
    %sub3A_1906 = arith.subf %add3A_1903, %sub3A_1905 : vector<1x416xf32>
    %get3A_1907 = arith.constant 0 : index
    %get3A_1908 = arith.constant 15 : index
    %get3A_1909 = vector.load %arg2[%get3A_1907, %get3A_1908] : memref<128x16xf32, #tpu.memory_space<vmem>>, vector<128x1xf32>
    %get3A_1910 = arith.constant 0 : index
    %get3A_1911 = arith.constant 15 : index
    %get3A_1912 = vector.load %arg3[%get3A_1910, %get3A_1911] : memref<128x16xf32, #tpu.memory_space<vmem>>, vector<128x1xf32>
    %bitcast_convert_type3A_1913 = tpu.bitcast %get3A_1909 : vector<128x1xf32> -> vector<128x1xi32>
    %and3A_1914 = arith.constant -4096 : i32
    %and3A_1915 = vector.broadcast %and3A_1914 : i32 to vector<128x1xi32>
    %and3A_1916 = arith.andi %bitcast_convert_type3A_1913, %and3A_1915 : vector<128x1xi32>
    %bitcast_convert_type3A_1917 = tpu.bitcast %and3A_1916 : vector<128x1xi32> -> vector<128x1xf32>
    %sub3A_1918 = arith.subf %get3A_1909, %bitcast_convert_type3A_1917 : vector<128x1xf32>
    %mul3A_1919 = vector.broadcast %bitcast_convert_type3A_1917 : vector<128x1xf32> to vector<128x416xf32>
    %mul3A_1920 = arith.mulf %bitcast_convert_type3A_4, %mul3A_1919 : vector<128x416xf32>
    %mul3A_1921 = vector.broadcast %sub3A_1918 : vector<128x1xf32> to vector<128x416xf32>
    %mul3A_1922 = arith.mulf %bitcast_convert_type3A_4, %mul3A_1921 : vector<128x416xf32>
    %mul3A_1923 = vector.broadcast %get3A_1909 : vector<128x1xf32> to vector<128x416xf32>
    %mul3A_1924 = arith.mulf %sub3A, %mul3A_1923 : vector<128x416xf32>
    %add3A_1925 = arith.addf %mul3A_1922, %mul3A_1924 : vector<128x416xf32>
    %mul3A_1926 = vector.broadcast %get3A_1912 : vector<128x1xf32> to vector<128x416xf32>
    %mul3A_1927 = arith.mulf %transpose3A, %mul3A_1926 : vector<128x416xf32>
    %add3A_1928 = arith.addf %add3A_1925, %mul3A_1927 : vector<128x416xf32>
    %slice3A_1929 = vector.extract_strided_slice %mul3A_1920 {offsets = [0, 0], sizes = [64, 416], strides = [1, 1]} : vector<128x416xf32> to vector<64x416xf32>
    %slice3A_1930 = vector.extract_strided_slice %add3A_1928 {offsets = [0, 0], sizes = [64, 416], strides = [1, 1]} : vector<128x416xf32> to vector<64x416xf32>
    %slice3A_1931 = vector.extract_strided_slice %mul3A_1920 {offsets = [64, 0], sizes = [64, 416], strides = [1, 1]} : vector<128x416xf32> to vector<64x416xf32>
    %slice3A_1932 = vector.extract_strided_slice %add3A_1928 {offsets = [64, 0], sizes = [64, 416], strides = [1, 1]} : vector<128x416xf32> to vector<64x416xf32>
    %add3A_1933 = arith.addf %slice3A_1929, %slice3A_1931 : vector<64x416xf32>
    %sub3A_1934 = arith.subf %add3A_1933, %slice3A_1929 : vector<64x416xf32>
    %sub3A_1935 = arith.subf %add3A_1933, %sub3A_1934 : vector<64x416xf32>
    %sub3A_1936 = arith.subf %slice3A_1929, %sub3A_1935 : vector<64x416xf32>
    %sub3A_1937 = arith.subf %slice3A_1931, %sub3A_1934 : vector<64x416xf32>
    %add3A_1938 = arith.addf %sub3A_1936, %sub3A_1937 : vector<64x416xf32>
    %add3A_1939 = arith.addf %slice3A_1930, %slice3A_1932 : vector<64x416xf32>
    %add3A_1940 = arith.addf %add3A_1938, %add3A_1939 : vector<64x416xf32>
    %add3A_1941 = arith.addf %add3A_1933, %add3A_1940 : vector<64x416xf32>
    %sub3A_1942 = arith.subf %add3A_1941, %add3A_1933 : vector<64x416xf32>
    %sub3A_1943 = arith.subf %add3A_1940, %sub3A_1942 : vector<64x416xf32>
    %slice3A_1944 = vector.extract_strided_slice %add3A_1941 {offsets = [0, 0], sizes = [32, 416], strides = [1, 1]} : vector<64x416xf32> to vector<32x416xf32>
    %slice3A_1945 = vector.extract_strided_slice %sub3A_1943 {offsets = [0, 0], sizes = [32, 416], strides = [1, 1]} : vector<64x416xf32> to vector<32x416xf32>
    %slice3A_1946 = vector.extract_strided_slice %add3A_1941 {offsets = [32, 0], sizes = [32, 416], strides = [1, 1]} : vector<64x416xf32> to vector<32x416xf32>
    %slice3A_1947 = vector.extract_strided_slice %sub3A_1943 {offsets = [32, 0], sizes = [32, 416], strides = [1, 1]} : vector<64x416xf32> to vector<32x416xf32>
    %add3A_1948 = arith.addf %slice3A_1944, %slice3A_1946 : vector<32x416xf32>
    %sub3A_1949 = arith.subf %add3A_1948, %slice3A_1944 : vector<32x416xf32>
    %sub3A_1950 = arith.subf %add3A_1948, %sub3A_1949 : vector<32x416xf32>
    %sub3A_1951 = arith.subf %slice3A_1944, %sub3A_1950 : vector<32x416xf32>
    %sub3A_1952 = arith.subf %slice3A_1946, %sub3A_1949 : vector<32x416xf32>
    %add3A_1953 = arith.addf %sub3A_1951, %sub3A_1952 : vector<32x416xf32>
    %add3A_1954 = arith.addf %slice3A_1945, %slice3A_1947 : vector<32x416xf32>
    %add3A_1955 = arith.addf %add3A_1953, %add3A_1954 : vector<32x416xf32>
    %add3A_1956 = arith.addf %add3A_1948, %add3A_1955 : vector<32x416xf32>
    %sub3A_1957 = arith.subf %add3A_1956, %add3A_1948 : vector<32x416xf32>
    %sub3A_1958 = arith.subf %add3A_1955, %sub3A_1957 : vector<32x416xf32>
    %slice3A_1959 = vector.extract_strided_slice %add3A_1956 {offsets = [0, 0], sizes = [16, 416], strides = [1, 1]} : vector<32x416xf32> to vector<16x416xf32>
    %slice3A_1960 = vector.extract_strided_slice %sub3A_1958 {offsets = [0, 0], sizes = [16, 416], strides = [1, 1]} : vector<32x416xf32> to vector<16x416xf32>
    %slice3A_1961 = vector.extract_strided_slice %add3A_1956 {offsets = [16, 0], sizes = [16, 416], strides = [1, 1]} : vector<32x416xf32> to vector<16x416xf32>
    %slice3A_1962 = vector.extract_strided_slice %sub3A_1958 {offsets = [16, 0], sizes = [16, 416], strides = [1, 1]} : vector<32x416xf32> to vector<16x416xf32>
    %add3A_1963 = arith.addf %slice3A_1959, %slice3A_1961 : vector<16x416xf32>
    %sub3A_1964 = arith.subf %add3A_1963, %slice3A_1959 : vector<16x416xf32>
    %sub3A_1965 = arith.subf %add3A_1963, %sub3A_1964 : vector<16x416xf32>
    %sub3A_1966 = arith.subf %slice3A_1959, %sub3A_1965 : vector<16x416xf32>
    %sub3A_1967 = arith.subf %slice3A_1961, %sub3A_1964 : vector<16x416xf32>
    %add3A_1968 = arith.addf %sub3A_1966, %sub3A_1967 : vector<16x416xf32>
    %add3A_1969 = arith.addf %slice3A_1960, %slice3A_1962 : vector<16x416xf32>
    %add3A_1970 = arith.addf %add3A_1968, %add3A_1969 : vector<16x416xf32>
    %add3A_1971 = arith.addf %add3A_1963, %add3A_1970 : vector<16x416xf32>
    %sub3A_1972 = arith.subf %add3A_1971, %add3A_1963 : vector<16x416xf32>
    %sub3A_1973 = arith.subf %add3A_1970, %sub3A_1972 : vector<16x416xf32>
    %slice3A_1974 = vector.extract_strided_slice %add3A_1971 {offsets = [0, 0], sizes = [8, 416], strides = [1, 1]} : vector<16x416xf32> to vector<8x416xf32>
    %slice3A_1975 = vector.extract_strided_slice %sub3A_1973 {offsets = [0, 0], sizes = [8, 416], strides = [1, 1]} : vector<16x416xf32> to vector<8x416xf32>
    %slice3A_1976 = vector.extract_strided_slice %add3A_1971 {offsets = [8, 0], sizes = [8, 416], strides = [1, 1]} : vector<16x416xf32> to vector<8x416xf32>
    %slice3A_1977 = vector.extract_strided_slice %sub3A_1973 {offsets = [8, 0], sizes = [8, 416], strides = [1, 1]} : vector<16x416xf32> to vector<8x416xf32>
    %add3A_1978 = arith.addf %slice3A_1974, %slice3A_1976 : vector<8x416xf32>
    %sub3A_1979 = arith.subf %add3A_1978, %slice3A_1974 : vector<8x416xf32>
    %sub3A_1980 = arith.subf %add3A_1978, %sub3A_1979 : vector<8x416xf32>
    %sub3A_1981 = arith.subf %slice3A_1974, %sub3A_1980 : vector<8x416xf32>
    %sub3A_1982 = arith.subf %slice3A_1976, %sub3A_1979 : vector<8x416xf32>
    %add3A_1983 = arith.addf %sub3A_1981, %sub3A_1982 : vector<8x416xf32>
    %add3A_1984 = arith.addf %slice3A_1975, %slice3A_1977 : vector<8x416xf32>
    %add3A_1985 = arith.addf %add3A_1983, %add3A_1984 : vector<8x416xf32>
    %add3A_1986 = arith.addf %add3A_1978, %add3A_1985 : vector<8x416xf32>
    %sub3A_1987 = arith.subf %add3A_1986, %add3A_1978 : vector<8x416xf32>
    %sub3A_1988 = arith.subf %add3A_1985, %sub3A_1987 : vector<8x416xf32>
    %slice3A_1989 = vector.extract_strided_slice %add3A_1986 {offsets = [0, 0], sizes = [4, 416], strides = [1, 1]} : vector<8x416xf32> to vector<4x416xf32>
    %slice3A_1990 = vector.extract_strided_slice %sub3A_1988 {offsets = [0, 0], sizes = [4, 416], strides = [1, 1]} : vector<8x416xf32> to vector<4x416xf32>
    %slice3A_1991 = vector.extract_strided_slice %add3A_1986 {offsets = [4, 0], sizes = [4, 416], strides = [1, 1]} : vector<8x416xf32> to vector<4x416xf32>
    %slice3A_1992 = vector.extract_strided_slice %sub3A_1988 {offsets = [4, 0], sizes = [4, 416], strides = [1, 1]} : vector<8x416xf32> to vector<4x416xf32>
    %add3A_1993 = arith.addf %slice3A_1989, %slice3A_1991 : vector<4x416xf32>
    %sub3A_1994 = arith.subf %add3A_1993, %slice3A_1989 : vector<4x416xf32>
    %sub3A_1995 = arith.subf %add3A_1993, %sub3A_1994 : vector<4x416xf32>
    %sub3A_1996 = arith.subf %slice3A_1989, %sub3A_1995 : vector<4x416xf32>
    %sub3A_1997 = arith.subf %slice3A_1991, %sub3A_1994 : vector<4x416xf32>
    %add3A_1998 = arith.addf %sub3A_1996, %sub3A_1997 : vector<4x416xf32>
    %add3A_1999 = arith.addf %slice3A_1990, %slice3A_1992 : vector<4x416xf32>
    %add3A_2000 = arith.addf %add3A_1998, %add3A_1999 : vector<4x416xf32>
    %add3A_2001 = arith.addf %add3A_1993, %add3A_2000 : vector<4x416xf32>
    %sub3A_2002 = arith.subf %add3A_2001, %add3A_1993 : vector<4x416xf32>
    %sub3A_2003 = arith.subf %add3A_2000, %sub3A_2002 : vector<4x416xf32>
    %slice3A_2004 = vector.extract_strided_slice %add3A_2001 {offsets = [0, 0], sizes = [2, 416], strides = [1, 1]} : vector<4x416xf32> to vector<2x416xf32>
    %slice3A_2005 = vector.extract_strided_slice %sub3A_2003 {offsets = [0, 0], sizes = [2, 416], strides = [1, 1]} : vector<4x416xf32> to vector<2x416xf32>
    %slice3A_2006 = vector.extract_strided_slice %add3A_2001 {offsets = [2, 0], sizes = [2, 416], strides = [1, 1]} : vector<4x416xf32> to vector<2x416xf32>
    %slice3A_2007 = vector.extract_strided_slice %sub3A_2003 {offsets = [2, 0], sizes = [2, 416], strides = [1, 1]} : vector<4x416xf32> to vector<2x416xf32>
    %add3A_2008 = arith.addf %slice3A_2004, %slice3A_2006 : vector<2x416xf32>
    %sub3A_2009 = arith.subf %add3A_2008, %slice3A_2004 : vector<2x416xf32>
    %sub3A_2010 = arith.subf %add3A_2008, %sub3A_2009 : vector<2x416xf32>
    %sub3A_2011 = arith.subf %slice3A_2004, %sub3A_2010 : vector<2x416xf32>
    %sub3A_2012 = arith.subf %slice3A_2006, %sub3A_2009 : vector<2x416xf32>
    %add3A_2013 = arith.addf %sub3A_2011, %sub3A_2012 : vector<2x416xf32>
    %add3A_2014 = arith.addf %slice3A_2005, %slice3A_2007 : vector<2x416xf32>
    %add3A_2015 = arith.addf %add3A_2013, %add3A_2014 : vector<2x416xf32>
    %add3A_2016 = arith.addf %add3A_2008, %add3A_2015 : vector<2x416xf32>
    %sub3A_2017 = arith.subf %add3A_2016, %add3A_2008 : vector<2x416xf32>
    %sub3A_2018 = arith.subf %add3A_2015, %sub3A_2017 : vector<2x416xf32>
    %slice3A_2019 = vector.extract_strided_slice %add3A_2016 {offsets = [0, 0], sizes = [1, 416], strides = [1, 1]} : vector<2x416xf32> to vector<1x416xf32>
    %slice3A_2020 = vector.extract_strided_slice %sub3A_2018 {offsets = [0, 0], sizes = [1, 416], strides = [1, 1]} : vector<2x416xf32> to vector<1x416xf32>
    %slice3A_2021 = vector.extract_strided_slice %add3A_2016 {offsets = [1, 0], sizes = [1, 416], strides = [1, 1]} : vector<2x416xf32> to vector<1x416xf32>
    %slice3A_2022 = vector.extract_strided_slice %sub3A_2018 {offsets = [1, 0], sizes = [1, 416], strides = [1, 1]} : vector<2x416xf32> to vector<1x416xf32>
    %add3A_2023 = arith.addf %slice3A_2019, %slice3A_2021 : vector<1x416xf32>
    %sub3A_2024 = arith.subf %add3A_2023, %slice3A_2019 : vector<1x416xf32>
    %sub3A_2025 = arith.subf %add3A_2023, %sub3A_2024 : vector<1x416xf32>
    %sub3A_2026 = arith.subf %slice3A_2019, %sub3A_2025 : vector<1x416xf32>
    %sub3A_2027 = arith.subf %slice3A_2021, %sub3A_2024 : vector<1x416xf32>
    %add3A_2028 = arith.addf %sub3A_2026, %sub3A_2027 : vector<1x416xf32>
    %add3A_2029 = arith.addf %slice3A_2020, %slice3A_2022 : vector<1x416xf32>
    %add3A_2030 = arith.addf %add3A_2028, %add3A_2029 : vector<1x416xf32>
    %add3A_2031 = arith.addf %add3A_2023, %add3A_2030 : vector<1x416xf32>
    %sub3A_2032 = arith.subf %add3A_2031, %add3A_2023 : vector<1x416xf32>
    %sub3A_2033 = arith.subf %add3A_2030, %sub3A_2032 : vector<1x416xf32>
    %concatenate3A = tpu.concatenate %add3A_126, %add3A_253, %add3A_380, %add3A_507, %add3A_634, %add3A_761, %add3A_888, %add3A_1015, %add3A_1142, %add3A_1269, %add3A_1396, %add3A_1523, %add3A_1650, %add3A_1777, %add3A_1904, %add3A_2031 in 0 : vector<1x416xf32>, vector<1x416xf32>, vector<1x416xf32>, vector<1x416xf32>, vector<1x416xf32>, vector<1x416xf32>, vector<1x416xf32>, vector<1x416xf32>, vector<1x416xf32>, vector<1x416xf32>, vector<1x416xf32>, vector<1x416xf32>, vector<1x416xf32>, vector<1x416xf32>, vector<1x416xf32>, vector<1x416xf32> -> vector<16x416xf32>
    %transpose3A_2034 = tpu.transpose %concatenate3A, [1, 0] : vector<16x416xf32> -> vector<416x16xf32>
    %swap3A = arith.constant 0 : index
    %swap3A_2035 = arith.constant 0 : index
    %swap3A_2036 = vector.load %arg4[%swap3A, %swap3A_2035] : memref<416x16xf32, #tpu.memory_space<vmem>>, vector<416x16xf32>
    tpu.vector_store %arg4[%swap3A, %swap3A_2035], %transpose3A_2034 {strides = array<i32>} : memref<416x16xf32, #tpu.memory_space<vmem>>, vector<416x16xf32>,
    %concatenate3A_2037 = tpu.concatenate %sub3A_128, %sub3A_255, %sub3A_382, %sub3A_509, %sub3A_636, %sub3A_763, %sub3A_890, %sub3A_1017, %sub3A_1144, %sub3A_1271, %sub3A_1398, %sub3A_1525, %sub3A_1652, %sub3A_1779, %sub3A_1906, %sub3A_2033 in 0 : vector<1x416xf32>, vector<1x416xf32>, vector<1x416xf32>, vector<1x416xf32>, vector<1x416xf32>, vector<1x416xf32>, vector<1x416xf32>, vector<1x416xf32>, vector<1x416xf32>, vector<1x416xf32>, vector<1x416xf32>, vector<1x416xf32>, vector<1x416xf32>, vector<1x416xf32>, vector<1x416xf32>, vector<1x416xf32> -> vector<16x416xf32>
    %transpose3A_2038 = tpu.transpose %concatenate3A_2037, [1, 0] : vector<16x416xf32> -> vector<416x16xf32>
    %swap3A_2039 = arith.constant 0 : index
    %swap3A_2040 = arith.constant 0 : index
    %swap3A_2041 = vector.load %arg5[%swap3A_2039, %swap3A_2040] : memref<416x16xf32, #tpu.memory_space<vmem>>, vector<416x16xf32>
    tpu.vector_store %arg5[%swap3A_2039, %swap3A_2040], %transpose3A_2038 {strides = array<i32>} : memref<416x16xf32, #tpu.memory_space<vmem>>, vector<416x16xf32>,
    return
  }
  func.func @transform_0(%arg0: i32) -> (i32, i32) {
    %sub3A = arith.subi %arg0, %arg0 : i32
    %c0_i32 = arith.constant 0 : i32
    return %arg0, %sub3A : i32, i32
  }
  func.func @transform_1(%arg0: i32) -> (i32, i32) {
    %sub3A = arith.subi %arg0, %arg0 : i32
    %sub3A_0 = arith.subi %arg0, %arg0 : i32
    %c0_i32 = arith.constant 0 : i32
    return %sub3A, %sub3A_0 : i32, i32
  }
  func.func @transform_2(%arg0: i32) -> (i32, i32) {
    %sub3A = arith.subi %arg0, %arg0 : i32
    %sub3A_0 = arith.subi %arg0, %arg0 : i32
    %c0_i32 = arith.constant 0 : i32
    return %sub3A, %sub3A_0 : i32, i32
  }
  func.func @transform_3(%arg0: i32) -> (i32, i32) {
    %sub3A = arith.subi %arg0, %arg0 : i32
    %c0_i32 = arith.constant 0 : i32
    return %arg0, %sub3A : i32, i32
  }
  func.func @transform_4(%arg0: i32) -> (i32, i32) {
    %sub3A = arith.subi %arg0, %arg0 : i32
    %c0_i32 = arith.constant 0 : i32
    return %arg0, %sub3A : i32, i32
  }
}

module attributes {stable_mosaic.version = 14 : i64} {
  func.func @_loss_body(%arg0: memref<64x16xf32, #tpu.memory_space<vmem>>, %arg1: memref<1x1xf32, #tpu.memory_space<smem>>) attributes {dimension_semantics = [], scalar_prefetch = 0 : i64, scratch_operands = 0 : i64, tpu.core_type = #tpu.core_type<tc>} {
    %get3A = arith.constant 0 : index
    %get3A_0 = arith.constant 0 : index
    %get3A_1 = vector.load %arg0[%get3A, %get3A_0] : memref<64x16xf32, #tpu.memory_space<vmem>>, vector<64x16xf32>
    %slice3A = vector.extract_strided_slice %get3A_1 {offsets = [0, 0], sizes = [64, 1], strides = [1, 1]} : vector<64x16xf32> to vector<64x1xf32>
    %slice3A_2 = vector.extract_strided_slice %get3A_1 {offsets = [0, 1], sizes = [64, 1], strides = [1, 1]} : vector<64x16xf32> to vector<64x1xf32>
    %slice3A_3 = vector.extract_strided_slice %get3A_1 {offsets = [0, 2], sizes = [64, 1], strides = [1, 1]} : vector<64x16xf32> to vector<64x1xf32>
    %log3A = math.log %slice3A_2 : vector<64x1xf32>
    %mul3A = arith.constant 0.693147182 : f32
    %mul3A_4 = vector.broadcast %mul3A : f32 to vector<64x1xf32>
    %mul3A_5 = arith.mulf %mul3A_4, %slice3A_3 : vector<64x1xf32>
    %add3A = arith.addf %log3A, %mul3A_5 : vector<64x1xf32>
    %sub3A = arith.subf %add3A, %slice3A : vector<64x1xf32>
    %reduce_sum3A = vector.shape_cast %sub3A : vector<64x1xf32> to vector<1x64x1xf32>
    %reduce_sum3A_6 = arith.constant dense<0.000000e+00> : vector<1xf32>
    %reduce_sum3A_7 = vector.multi_reduction <add>, %reduce_sum3A, %reduce_sum3A_6 [1, 2] : vector<1x64x1xf32> to vector<1xf32>
    %reduce_sum3A_8 = vector.shape_cast %reduce_sum3A_7 : vector<1xf32> to vector<1x1x1xf32>
    %reduce_sum3A_9 = vector.extract %reduce_sum3A_8[0, 0, 0] : f32 from vector<1x1x1xf32>
    %mul3A_10 = arith.constant 1.562500e-02 : f32
    %mul3A_11 = arith.mulf %reduce_sum3A_9, %mul3A_10 : f32
    %swap3A = arith.constant 0 : index
    %swap3A_12 = arith.constant 0 : index
    %swap3A_13 = memref.load %arg1[%swap3A, %swap3A_12] : memref<1x1xf32, #tpu.memory_space<smem>>
    memref.store %mul3A_11, %arg1[%swap3A, %swap3A_12] : memref<1x1xf32, #tpu.memory_space<smem>>
    return
  }
}

</mosaic_0001>

<sc_bundles>
// kernel: kernel.5.cloned.1.call-start
scs
__scs_entry_jumppad:
0x0: {  	(pc) =	sbr.rel $0x88, $3  }
0x1: {  	(tag) =	ssettag $0x0;
	lr =	simm.s32 $0x1  }
0x2: {  	[smem:$0x3F9D] =	sst lr;
	_ =	strace $0xD0000000  }
0x3: {  	_ = 	snop  }
0x4: {  	_ = 	snop  }
0x5: {  	_ = 	snop  }
0x6: {  	_ = 	snop  }
0x7: {  	_ = 	snop  }
__scs_overlays_trampoline_lowered:
0x8: {  	[smem:$0x3FAC] =	sst s0  }
0x9: {  	[smem:$0x3FAD] =	sst s1  }
0xa: {  	[smem:$0x3FAE] =	sst s2  }
0xb: {  	[smem:$0x3FAF] =	sst s3  }
0xc: {  	[smem:$0x3FB0] =	sst s4  }
0xd: {  	[smem:$0x3FB1] =	sst s5  }
0xe: {  	[smem:$0x3FB2] =	sst s6  }
0xf: {  	[smem:$0x3FB3] =	sst s7  }
0x10: {  	[smem:$0x3FB4] =	sst s8  }
0x11: {  	[smem:$0x3FB5] =	sst s9;
	s0 =	simm.s32 @!p0 $0x0  }
0x12: {  	s1 =	sld [smem:$0x3F9B];
	s0 =	simm.s32 @p0 $0x1  }
0x13: {  	[smem:$0x3FB6] =	sst s0;
	s0 =	simm.s32 @!p1 $0x0  }
0x14: {  	s2 =	sld [smem:$0x3F9A];
	s0 =	simm.s32 @p1 $0x1  }
0x15: {  	[smem:$0x3FB7] =	sst s0;
	s0 =	simm.s32 @!p2 $0x0  }
0x16: {  	s3 =	sld [smem:$0x3FDB];
	s0 =	simm.s32 @p2 $0x1  }
0x17: {  	s4 =	simm.s32 $0x1BF5;
	[smem:$0x3FB9] =	sst s0  }
0x18: {  	s0 =	sld [smem:$0x3F9C];
	_ =	swait.ge [sflag:s4], $0x0  }
0x19: {  	s7 =	sld [smem:$0x3F9D]  }
0x1a: {  	s8 =	sadd.s32 $0xFFFFE003, lr  }
0x1b: {  	s9 =	sadd.s32 $0xFFFFFEF7, lr;
	s5 =	simm.s32 $0xFFFFFFFF;
	p2 =	slt.u32 s8, $0xFFFFF086  }
0x1c: {  	p1 =	slt.u32 s9, $0xF7A;
	s5 =	simm.s32 @!p2 $0x0  }
0x1d: {  	s5 =	simm.s32 @p1 $0x1;
	p0 =	seq.s32 s7, s2  }
0x1e: {  	s7 =	smul.u32 @!p0 $0xF7A, s2;
	p2 =	seq.s32 @!p0 s5, $0x0  }
0x1f: {  	s9 =	smul.u32 $0xF7A, s1;
	s8 =	simm.s32 @!p0 $0x1BF5;
	p2 =	por !p2, p0  }
0x20: {  	[sflag:s8] =	ssyncset.s32 @!p0 $0xFFFFF086;
	s6 =	sadd.s32 @!p0 s3, s7;
	s7 =	simm.s32 @!p0 $0x108  }
0x21: {  	s3 =	sadd.s32 s3, s9;
	s6 =	sadd.s32 @!p0 $0x88, s6;
	s7 =	simm.s32 @p2 $0x1082  }
0x22: {  	[simem:s7], [sflag:s8] =	dma.local @!p0 [hbm:s6], $0xF7A  }
0x23: {  	s9 =	sor.u32 $0xD0000000, s2;
	s6 =	simm.s32 $0x108;
	_ =	swait.ge @!p0 [sflag:s8], $0x0  }
0x24: {  	s3 =	sadd.s32 $0x88, s3;
	s6 =	simm.s32 @!p1 $0x1082;
	[sflag:s4] =	ssyncset.s32 $0xFFFFF086  }
0x25: {  	[simem:s6], [sflag:s4] =	dma.local [hbm:s3], $0xF7A  }
0x26: {  	[smem:$0x3F9D] =	sst s1;
	(tag) =	ssettag s2;
	_ =	strace s9  }
0x27: {  	s1 =	sld [smem:$0x3FAD]  }
0x28: {  	s2 =	sld [smem:$0x3FAE]  }
0x29: {  	s4 =	sld [smem:$0x3FB0]  }
0x2a: {  	p0 =	seq.s32 s5, $0x0;
	s5 =	sld [smem:$0x3FB1]  }
0x2b: {  	s6 =	sld [smem:$0x3FB2]  }
0x2c: {  	s7 =	sld [smem:$0x3FB3]  }
0x2d: {  	s3 =	simm.s32 $0x108;
	s8 =	sld [smem:$0x3FB4]  }
0x2e: {  	s3 =	simm.s32 @!p0 $0x1082;
	s9 =	sld [smem:$0x3FB5]  }
0x2f: {  	lr =	sadd.s32 s0, s3;
	s0 =	sld [smem:$0x3FAC]  }
0x30: {  	s3 =	sld [smem:$0x3FAF]  }
0x31: {  	[smem:$0x3FB8] =	sst s10  }
0x32: {  	s10 =	sld [smem:$0x3FB6];
	_ =	sdelay $0x3  }
0x33: {  	p0 =	seq.s32 s10, $0x1;
	s10 =	sld [smem:$0x3FB8];
	_ =	sdelay $0x3  }
0x34: {  	[smem:$0x3FB8] =	sst s10  }
0x35: {  	s10 =	sld [smem:$0x3FB7];
	_ =	sdelay $0x3  }
0x36: {  	p1 =	seq.s32 s10, $0x1;
	s10 =	sld [smem:$0x3FB8];
	_ =	sdelay $0x3  }
0x37: {  	[smem:$0x3FB8] =	sst s10  }
0x38: {  	s10 =	sld [smem:$0x3FB9]  }
0x39: {  	_ = 	snop;
	(pc) =	sbr.ind lr, $3  }
0x3a: {  	_ = 	snop  }
0x3b: {  	_ = 	snop  }
0x3c: {  	p2 =	seq.s32 s10, $0x1;
	s10 =	sld [smem:$0x3FB8]  }
0x3d: {  	_ =	shalt  }
0x3e: {  	_ =	shalt  }
0x3f: {  	_ =	shalt  }
0x40: {  	_ =	shalt  }
0x41: {  	_ =	shalt  }
0x42: {  	_ =	shalt  }
0x43: {  	_ =	shalt  }
0x44: {  	_ =	shalt  }
0x45: {  	_ =	shalt  }
0x46: {  	_ =	shalt  }
0x47: {  	_ =	shalt  }
0x48: {  	_ =	shalt  }
0x49: {  	_ =	shalt  }
0x4a: {  	_ =	shalt  }
0x4b: {  	_ =	shalt  }
0x4c: {  	_ =	shalt  }
0x4d: {  	_ =	shalt  }
0x4e: {  	_ =	shalt  }
0x4f: {  	_ =	shalt  }
0x50: {  	_ =	shalt  }
0x51: {  	_ =	shalt  }
0x52: {  	_ =	shalt  }
0x53: {  	_ =	shalt  }
0x54: {  	_ =	shalt  }
0x55: {  	_ =	shalt  }
0x56: {  	_ =	shalt  }
0x57: {  	_ =	shalt  }
0x58: {  	_ =	shalt  }
0x59: {  	_ =	shalt  }
0x5a: {  	_ =	shalt  }
0x5b: {  	_ =	shalt  }
0x5c: {  	_ =	shalt  }
0x5d: {  	_ =	shalt  }
0x5e: {  	_ =	shalt  }
0x5f: {  	_ =	shalt  }
0x60: {  	_ =	shalt  }
0x61: {  	_ =	shalt  }
0x62: {  	_ =	shalt  }
0x63: {  	_ =	shalt  }
0x64: {  	_ =	shalt  }
0x65: {  	_ =	shalt  }
0x66: {  	_ =	shalt  }
0x67: {  	_ =	shalt  }
0x68: {  	_ =	shalt  }
0x69: {  	_ =	shalt  }
0x6a: {  	_ =	shalt  }
0x6b: {  	_ =	shalt  }
0x6c: {  	_ =	shalt  }
0x6d: {  	_ =	shalt  }
0x6e: {  	_ =	shalt  }
0x6f: {  	_ =	shalt  }
0x70: {  	_ =	shalt  }
0x71: {  	_ =	shalt  }
0x72: {  	_ =	shalt  }
0x73: {  	_ =	shalt  }
0x74: {  	_ =	shalt  }
0x75: {  	_ =	shalt  }
0x76: {  	_ =	shalt  }
0x77: {  	_ =	shalt  }
0x78: {  	_ =	shalt  }
0x79: {  	_ =	shalt  }
0x7a: {  	_ =	shalt  }
0x7b: {  	_ =	shalt  }
0x7c: {  	_ =	shalt  }
0x7d: {  	_ =	shalt  }
0x7e: {  	_ =	shalt  }
0x7f: {  	_ =	shalt  }
0x80: {  	_ =	shalt  }
0x81: {  	_ =	shalt  }
0x82: {  	_ =	shalt  }
0x83: {  	_ =	shalt  }
0x84: {  	_ =	shalt  }
0x85: {  	_ =	shalt  }
0x86: {  	_ =	shalt  }
0x87: {  	_ =	shalt  }
.Lfunc_end0:
.L_simem_size_0:
called_computation_lowered:
.L_overlay_start_0:
0x88: {  	s2 =	sld [smem:$0x3FD9]  }
0x89: {  	s3 =	sld [smem:$0x3FFE];
	_ =	sdelay $0x1  }
0x8a: {  	s1 =	srdreg.scid  }
0x8b: {  	s0 =	sand.u32 $0x1, s1  }
0x8c: {  	s14 =	sshll.u32 s0, $0xA;
	s2 =	sadd.s32 s3, s2  }
0x8d: {  	s2 =	sadd.s32 s2, s14  }
0x8e: {  	[smem:$0x3FC4] =	sst s2  }
0x8f: {  	_ = 	snop  }
0x90: {  	s2 =	sld [smem:$0x3FD0];
	_ =	sdelay $0x2  }
0x91: {  	s15 =	simm.s32 $0xA;
	s4 =	simm.s32 $0x10  }
0x92: {  	[smem:s4], [sflag:s15] =	dma.local [hbm:s2], $0x1  }
0x93: {  	_ =	swait.eq [sflag:s15], $0x1  }
0x94: {  	[sflag:s15] =	ssyncset.done $0x0  }
0x95: {  	[sflag:s15] =	ssyncadd.s32 $0xFFFFFFFF  }
0x96: {  	s16 =	sld [smem:$0x10];
	(tm) =	ssettm $0x1  }
0x97: {  	s17 =	sld [smem:$0x3FFB];
	_ =	sdelay $0x3  }
0x98: {  	_ =	strace s17  }
0x99: {  	s3 =	sld [smem:$0x3FFC];
	_ =	sdelay $0x3  }
0x9a: {  	_ =	strace s3  }
0x9b: {  	s3 =	sld [smem:$0x3FFD];
	_ =	sdelay $0x3  }
0x9c: {  	_ =	strace s3  }
0x9d: {  	_ =	strace $0x8FFFFFFF  }
0x9e: {  	s18 =	sld [smem:$0x3FDB];
	_ =	sdelay $0x1  }
0x9f: {  	s19 =	simm.s32 $_scs_section_size  }
0xa0: {  	s5 =	simm.s32 $_size__tile_overlayer_lowered;
	s6 =	simm.s32 $_tile_overlayer_lowered  }
0xa1: {  	s22 =	simm.s32 $0x1BFF;
	s21 =	sshll.u32 s6, $0x1;
	s3 =	sadd.s32 s19, s18  }
0xa2: {  	s7 =	simm.s32 $0x0;
	s20 =	sshll.u32 s5, $0x1;
	s5 =	sadd.s32 s21, s3  }
0xa3: {  	[timem:s7], [sflag:s22] =	dma.local [hbm:s5], s20  }
0xa4: {  	_ =	swait.ge [sflag:s22], s20  }
0xa5: {  	s4 =	ssub.s32 $0x0, s20;
	[sflag:s22] =	ssyncset.done $0x0  }
0xa6: {  	[sflag:s22] =	ssyncadd.s32 s4;
	_ =	sdelay $0x1  }
0xa7: {  	s23 =	simm.s32 $0x1B8B  }
0xa8: {  	_ =	swait.ge [sflag:s23], $0x1  }
0xa9: {  	[sflag:s23] =	ssyncset.done $0x0  }
0xaa: {  	s25 =	simm.s32 $0x1B8E;
	s24 =	sld [smem:$0x3FFE];
	[sflag:s23] =	ssyncadd.s32 $0xFFFFFFFF  }
0xab: {  	s26 =	simm.s32 $execute0_lowered;
	[smem:$0x3FD2] =	sst s25  }
0xac: {  	s5 =	sshll.u32 s26, $0x1;
	_ =	strace $0x80000046;
	[dreg:$0x1] =	wrdreg $0xFFFFFFFF  }
0xad: {  	s28 =	simm.s32 $_size_execute0_lowered;
	s3 =	sadd.s32 s3, s5;
	[dreg:$0x0] =	wrdreg $0x0  }
0xae: {  	s5 =	sshll.u32 s28, $0x1;
	[dreg:$0x2] =	wrdreg s3  }
0xaf: {  	[dreg:$0x3] =	wrdreg s5  }
0xb0: {  	[dreg:$0x4] =	wrdreg $0xC0  }
0xb1: {  	_ =	task [dreg:s7], $0x5FFFF  }
0xb2: {  	[dreg:$0x1] =	wrdreg $0xFFFFFFFF  }
0xb3: {  	[dreg:$0x0] =	wrdreg $0x60  }
0xb4: {  	[dreg:$0x2] =	wrdreg s24  }
0xb5: {  	[dreg:$0x3] =	wrdreg s16  }
0xb6: {  	[dreg:$0x4] =	wrdreg $0x9  }
0xb7: {  	_ =	task.clear_ibuf [dreg:s7], $0x5FFFF;
	_ =	strace $0x90000046  }
0xb8: {  	s29 =	simm.s32 $0x9;
	_ =	strace $0x80000048  }
0xb9: {  	_ =	swait.ge [sflag:s29], $0x1  }
0xba: {  	[sflag:s29] =	ssyncadd.s32 $0xFFFFFFFF  }
0xbb: {  	_ =	strace $0x90000048  }
0xbc: {  	_ =	sfence  }
0xbd: {  	s30 =	sld [smem:$0x0];
	_ =	sdelay $0x2  }
0xbe: {  	s31 =	sshll.u32 s1, $0xD;
	s1 =	sshrl.u32 s1, $0x2  }
0xbf: {  	s3 =	sand.u32 $0x4000, s31;
	s1 =	sadd.s32 s1, s30  }
0xc0: {  	s0 =	sor.u32 s3, s0;
	s1 =	sshll.u32 s1, $0x11  }
0xc1: {  	s0 =	sor.u32 s1, s0  }
0xc2: {  	s0 =	sadd.s32 $0x8F2B, s0  }
0xc3: {  	[sflag:s0] =	ssyncadd.remote.s32 $0x1  }
0xc4: {  	_ =	sfence.sel $0xFFFF  }
0xc5: {  	[dreg:$0x0] =	wrdreg $0xFFFFFFFF;
	(pc) =	sbr.abs _section_cstart, $3  }
0xc6: {  	[dreg:$0x1] =	wrdreg $0xFFFFFFFF  }
0xc7: {  	_ =	task.clear_ibuf [dreg:s7], $0x2FFFF;
	_ =	strace $0x9FFFFFFF  }
0xc8: {  	(tm) =	ssettm $0x7FFFFFFF  }
0xc9: {  	_ =	shalt  }
tec
execute0_lowered:
.L_overlay_start_1:
0x0: {  	(tag) =	ssettag $0x1  }
0x1: {  	s5 =	rddreg [dreg:$0x0]  }
0x2: {  	s0 =	rddreg [dreg:$0x1];
	s1 =	simm.s32 $0x0  }
0x3: {  	s7 =	srdreg.scid;
	s25 =	stileid.u32;
	s28 =	simm.s32 $0x9000  }
0x4: {  	s29 =	simm.s32 $0x4800;
	s31 =	simm.s32 $0x9080;
	s22 =	simm.s32 $0x0  }
0x5: {  	[smem:$0x7FF] =	sst s1;
	s12 =	sadd.s32 $0x1600, s5;
	s13 =	sadd.s32 $0x13600, s5  }
0x6: {  	v8 =	vimm.s32 $0x1;
	s14 =	sadd.s32 $0x25E00, s5;
	s2 =	sadd.s32 $0x25A00, s5;
	s3 =	sadd.s32 $0x25800, s5  }
0x7: {  	v9 =	vimm.s32 $0x2;
	v10 =	vimm.s32 $0xEFCDAB89;
	v11 =	vimm.s32 $0x67452301;
	s4 =	sadd.s32 $0x25C00, s5;
	s6 =	sadd.s32 $0x26200, s5;
	s9 =	sand.u32 $0x1, s7  }
0x8: {  	v15 =	vimm.s32 $0xDCFE98BA;
	s7 =	sadd.s32 $0x25600, s5;
	s10 =	sshll.u32 s25, $0x2;
	s8 =	sadd.s32 $0x1400, s5;
	v13 =	vunpack.c.l.s4.s8 v10;
	v14 =	vunpack.c.l.s4.s8 v11  }
0x9: {  	v12 =	vimm.s32 $0x3;
	v16 =	vimm.s32 $0x54761032;
	v17 =	vimm.s32 $0xBA98FEDC;
	s5 =	sadd.s32 $0x26400, s5;
	s16 =	sshll.u32 s25, $0x6;
	s25 =	simm.s32 $0xB900  }
0xa: {  	v15 =	vunpack.c.l.s4.s8 v15;
	_ =	strace $0x80000047;
	[dreg:$0x3] =	wrdreg s2;
	s11 =	sshll.u32 s9, $0x1;
	v13 =	vunpack.c.0.s8.s32 v13;
	v14 =	vunpack.c.0.s8.s32 v14  }
0xb: {  	v18 =	vimm.s32 $0x32107654;
	v16 =	vunpack.c.l.s4.s8 v16;
	v17 =	vunpack.c.l.s4.s8 v17;
	s9 =	ssub.s32 $0x2, s9;
	s16 =	sand.u32 $0x380, s16;
	s10 =	sor.u32 s11, s10  }
0xc: {  	s26 =	sshrl.u32 s9, $0x1;
	s15 =	smul.u32 $0x480, s10;
	s30 =	sor.u32 $0x1, s10;
	v19 =	vcombine.low v14, v13;
	v14 =	vunpack.c.0.s8.s32 v15;
	v13 =	vunpack.c.l.s4.s8 v18  }
0xd: {  	s19 =	ssub.s32 s9, s26;
	s18 =	sshll.u32 s10, $0x4;
	s17 =	sshll.u32 s30, $0x4;
	v15 =	vunpack.c.0.s8.s32 v16;
	v16 =	vunpack.c.0.s8.s32 v17;
	v17 =	vimm.s32 $0xFEDCBA98  }
0xe: {  	v63 =	vimm.s32 $0xC;
	v20 =	vimm.s32 $0x76543210;
	s20 =	smul.u32 $0x480, s30;
	s11 =	sadd.s32 s14, s18;
	s19 =	smax.u32 s19, $0x1;
	v17 =	vunpack.c.l.s4.s8 v17  }
0xf: {  	vm0 =	vcmask $0x300;
	v20 =	vunpack.c.l.s4.s8 v20;
	s9 =	sadd.s32 s12, s15;
	s17 =	sand.u32 $0x70, s17;
	s10 =	sadd.s32 s13, s15;
	v18 =	vunpack.c.0.s8.s32 v13  }
0x10: {  	vm1 =	vcmask $0x704;
	s15 =	sadd.s32 s0, s18;
	s21 =	sor.u32 s16, s17;
	s12 =	sadd.s32 s12, s20;
	v21 =	vcombine.low v15, v14;
	v22 =	vunpack.c.0.s8.s32 v17  }
0x11: {  	s13 =	sadd.s32 s13, s20;
	s16 =	sadd.s32 s5, s18;
	s20 =	simm.s32 $0x2;
	v18 =	vcombine.low v18, v16;
	v16 =	vand.u32 $0xF, v19;
	v19 =	vunpack.c.0.s8.s32 v20  }
0x12: {  	vm2 =	vcmask $0x3F0C;
	vm3 =	vcmask $0x3F08;
	s14 =	sadd.s32 s14, s21;
	s17 =	sadd.s32 s0, s21;
	s18 =	sadd.s32 s5, s21;
	v20 =	vand.u32 $0xF, v22  }
0x13: {  	s0 =	simm.s32 $0x1;
	s5 =	simm.s32 $0x14500;
	s21 =	simm.s32 $0x14580;
	v17 =	vand.u32 $0xF, v21;
	v18 =	vand.u32 $0xF, v18;
	v19 =	vcombine.low v20, v19  }
.LBB2_1:
0x14: {  	s2 =	rddreg [dreg:$0x3];
	s23 =	simm.s32 $0x9100  }
0x15: {  	[tilespmem:s23], [sflag:$0x1] =	stream.linear.gather [hbm4b:s2+s1], $0x800, $0x38;
	[tilespmem:$0x14600] =	vst v63  }
0x16: {  	s26 =	simm.s32 $0x9900  }
0x17: {  	[tilespmem:s26], [sflag:$0x1] =	stream.linear.gather [hbm4b:s3+s1], $0x800, $0x38;
	[tilespmem:$0x14600] =	vst v63  }
0x18: {  	s30 =	simm.s32 $0xA100  }
0x19: {  	[tilespmem:s30], [sflag:$0x1] =	stream.linear.gather [hbm4b:s4+s1], $0x800, $0x38;
	[tilespmem:$0x14600] =	vst v63  }
0x1a: {  	s23 =	simm.s32 $0xA900  }
0x1b: {  	[tilespmem:s23], [sflag:$0x1] =	stream.linear.gather [hbm4b:s6+s1], $0x800, $0x38;
	[tilespmem:$0x14600] =	vst v63  }
0x1c: {  	s24 =	simm.s32 $0xB100  }
0x1d: {  	[tilespmem:s24], [sflag:$0x1] =	stream.linear.gather [hbm4b:s7+s1], $0x800, $0x38;
	[tilespmem:$0x14600] =	vst v63  }
0x1e: {  	_ = 	snop  }
0x1f: {  	[tilespmem:s25], [sflag:$0x1] =	stream.linear.gather [hbm4b:s8+s1], $0x900, $0x38;
	[tilespmem:$0x14600] =	vst v63  }
0x20: {  	_ = 	snop  }
0x21: {  	[tilespmem:s1], [sflag:$0x1] =	stream.linear.gather [hbm4b:s9+s1], $0x2080, $0x38;
	[tilespmem:$0x14600] =	vst v63  }
0x22: {  	s26 =	simm.s32 $0x2400  }
0x23: {  	[tilespmem:s26], [sflag:$0x1] =	stream.linear.gather [hbm4b:s10+s1], $0x2080, $0x38;
	[tilespmem:$0x14600] =	vst v63  }
0x24: {  	_ = 	snop  }
0x25: {  	[tilespmem:s28], [sflag:$0x1] =	stream.linear.gather [hbm4b:s11+s1], $0x80, $0x38;
	[tilespmem:$0x14600] =	vst v63  }
0x26: {  	_ = 	snop  }
0x27: {  	[tilespmem:s29], [sflag:$0x1] =	stream.linear.gather [hbm4b:s12+s1], $0x2080, $0x38;
	[tilespmem:$0x14600] =	vst v63  }
0x28: {  	s30 =	simm.s32 $0x6C00  }
0x29: {  	[tilespmem:s30], [sflag:$0x1] =	stream.linear.gather [hbm4b:s13+s1], $0x2080, $0x38;
	[tilespmem:$0x14600] =	vst v63  }
0x2a: {  	_ = 	snop  }
0x2b: {  	[tilespmem:s31], [sflag:$0x1] =	stream.linear.gather [hbm4b:s14+s1], $0x80, $0x38;
	[tilespmem:$0x14600] =	vst v63  }
0x2c: {  	_ =	swait.ge [sflag:s0], $0x800  }
0x2d: {  	[sflag:s0] =	ssyncset.done $0x0  }
0x2e: {  	[sflag:s0] =	ssyncadd.s32 $0xFFFFF800  }
0x2f: {  	_ =	swait.ge [sflag:s0], $0x800  }
0x30: {  	[sflag:s0] =	ssyncset.done $0x0  }
0x31: {  	[sflag:s0] =	ssyncadd.s32 $0xFFFFF800  }
0x32: {  	_ =	swait.ge [sflag:s0], $0x800  }
0x33: {  	[sflag:s0] =	ssyncset.done $0x0  }
0x34: {  	[sflag:s0] =	ssyncadd.s32 $0xFFFFF800  }
0x35: {  	_ =	swait.ge [sflag:s0], $0x800  }
0x36: {  	[sflag:s0] =	ssyncset.done $0x0  }
0x37: {  	[sflag:s0] =	ssyncadd.s32 $0xFFFFF800  }
0x38: {  	_ =	swait.ge [sflag:s0], $0x800  }
0x39: {  	[sflag:s0] =	ssyncset.done $0x0  }
0x3a: {  	[sflag:s0] =	ssyncadd.s32 $0xFFFFF800  }
0x3b: {  	_ =	swait.ge [sflag:s0], $0x900  }
0x3c: {  	[sflag:s0] =	ssyncset.done $0x0  }
0x3d: {  	[sflag:s0] =	ssyncadd.s32 $0xFFFFF700  }
0x3e: {  	_ =	swait.ge [sflag:s0], $0x2080  }
0x3f: {  	[sflag:s0] =	ssyncset.done $0x0  }
0x40: {  	[sflag:s0] =	ssyncadd.s32 $0xFFFFDF80  }
0x41: {  	_ =	swait.ge [sflag:s0], $0x2080  }
0x42: {  	[sflag:s0] =	ssyncset.done $0x0  }
0x43: {  	[sflag:s0] =	ssyncadd.s32 $0xFFFFDF80  }
0x44: {  	_ =	swait.ge [sflag:s0], $0x80  }
0x45: {  	[sflag:s0] =	ssyncset.done $0x0  }
0x46: {  	[sflag:s0] =	ssyncadd.s32 $0xFFFFFF80  }
0x47: {  	_ =	swait.ge [sflag:s0], $0x2080  }
0x48: {  	[sflag:s0] =	ssyncset.done $0x0  }
0x49: {  	[sflag:s0] =	ssyncadd.s32 $0xFFFFDF80  }
0x4a: {  	_ =	swait.ge [sflag:s0], $0x2080  }
0x4b: {  	[sflag:s0] =	ssyncset.done $0x0  }
0x4c: {  	[sflag:s0] =	ssyncadd.s32 $0xFFFFDF80  }
0x4d: {  	_ =	swait.ge [sflag:s0], $0x80  }
0x4e: {  	[sflag:s0] =	ssyncset.done $0x0  }
0x4f: {  	[sflag:s0] =	ssyncadd.s32 $0xFFFFFF80  }
0x50: {  	v26 =	vld [tilespmem:$0x80]  }
0x51: {  	v28 =	vld [tilespmem:$0x4880];
	_ =	sdelay $0x3  }
0x52: {  	v21 =	vmul.f32 $1.442695020e+00, v26  }
0x53: {  	v22 =	vmul.f32 $1.442695020e+00, v28  }
0x54: {  	(erf) = vpow2.f32 v21  }
0x55: {  	(erf) = vpow2.f32 v22  }
0x56: {  	v25 =	vld [tilespmem:$0x2480]  }
0x57: {  	v27 =	vld [tilespmem:$0x6C80]  }
0x58: {  	v0 =	vimm.s32 $0x0;
	v21 =	vld [tilespmem:$0x80]  }
0x59: {  	v62 =	vimm.s32 $0x0;
	[tilespmem:$0x1FFE0] =	vst v0;
	v22 =	vld [tilespmem:$0x4880]  }
0x5a: {  	[tilespmem:$0x1FFF0] =	vst v62  }
0x5b: {  	[tilespmem:$0xE500] =	vst v25  }
0x5c: {  	[tilespmem:$0x12500] =	vst v27  }
0x5d: {  	[tilespmem:$0xC500] =	vst v21;
	v24 =	vpop (erf)  }
0x5e: {  	s23 =	simm.s32 $0x0;
	[tilespmem:$0x10500] =	vst v22;
	v21 =	vpop (erf)  }
.LBB2_2:
0x5f: {  	v29 =	vld [tilespmem:$0x9100]  }
0x60: {  	v32 =	vld [tilespmem:$0x9180]  }
0x61: {  	v2 =	vld [tilespmem:$0x9200]  }
0x62: {  	v3 =	vld [tilespmem:$0x9980]  }
0x63: {  	v40 =	vld [tilespmem:$0x9280]  }
0x64: {  	v20 =	vimm.s32 $0x0;
	v35 =	vperm.xlane v26, v8;
	v44 =	vld [tilespmem:$0x9300]  }
0x65: {  	v39 =	vperm.xlane v26, v9;
	v58 =	vld [tilespmem:$0x9380];
	v30 =	vperm.xlane v26, v20  }
0x66: {  	v41 =	vperm.xlane v25, v8;
	v49 =	vperm.xlane v26, v12;
	v22 =	vimm.s32 $0x4  }
0x67: {  	v13 =	vimm.s32 $0x5;
	v55 =	vperm.xlane v26, v22;
	v31 =	vadd.f32 v29, v30  }
0x68: {  	v61 =	vperm.xlane v26, v13;
	v37 =	vadd.f32 v32, v35;
	v5 =	vadd.f32 v2, v39  }
0x69: {  	v48 =	vadd.f32 v3, v41;
	v52 =	vadd.f32 v40, v49  }
0x6a: {  	v57 =	vadd.f32 v44, v55;
	v47 =	vadd.f32 v58, v61  }
0x6b: {  	v33 =	vsub.f32 v31, v30;
	v1 =	vsub.f32 v37, v35  }
0x6c: {  	v50 =	vsub.f32 v5, v39;
	v43 =	vsub.f32 v52, v49  }
0x6d: {  	v59 =	vsub.f32 v57, v55;
	v62 =	vsub.f32 v47, v61  }
0x6e: {  	v36 =	vsub.f32 v31, v33;
	v29 =	vsub.f32 v29, v33  }
0x6f: {  	v53 =	vld [tilespmem:$0x9A80];
	v4 =	vsub.f32 v37, v1;
	v32 =	vsub.f32 v32, v1  }
0x70: {  	v34 =	vld [tilespmem:$0x9900];
	v42 =	vsub.f32 v5, v50;
	v54 =	vsub.f32 v52, v43  }
0x71: {  	v40 =	vsub.f32 v40, v43;
	v46 =	vsub.f32 v57, v59  }
0x72: {  	v56 =	vperm.xlane v25, v12;
	v43 =	vsub.f32 v58, v62;
	v30 =	vsub.f32 v30, v36  }
0x73: {  	v38 =	vperm.xlane v25, v20;
	v35 =	vsub.f32 v35, v4;
	v39 =	vsub.f32 v39, v42  }
0x74: {  	v51 =	vld [tilespmem:$0x9A00];
	v36 =	vadd.f32 v53, v56;
	v29 =	vadd.f32 v30, v29  }
0x75: {  	v30 =	vadd.f32 v34, v38;
	v32 =	vadd.f32 v35, v32  }
0x76: {  	v0 =	vld [tilespmem:$0x9400];
	v35 =	vsub.f32 v2, v50;
	v34 =	vsub.f32 v49, v54  }
0x77: {  	v45 =	vperm.xlane v25, v9;
	v2 =	vsub.f32 v47, v62;
	v30 =	vadd.f32 v29, v30  }
0x78: {  	v11 =	vimm.s32 $0x6;
	v33 =	vadd.f32 v32, v48;
	v35 =	vadd.f32 v39, v35  }
0x79: {  	v3 =	vperm.xlane v26, v11;
	v1 =	vld [tilespmem:$0x9B80];
	v32 =	vadd.f32 v51, v45;
	v34 =	vadd.f32 v34, v40  }
0x7a: {  	v39 =	vsub.f32 v55, v46;
	v40 =	vsub.f32 v44, v59  }
0x7b: {  	v44 =	vadd.f32 v0, v3;
	v29 =	vadd.f32 v30, v31  }
0x7c: {  	v49 =	vperm.xlane v25, v13;
	v51 =	vld [tilespmem:$0x9C00];
	v35 =	vadd.f32 v35, v32;
	v36 =	vadd.f32 v34, v36  }
0x7d: {  	v4 =	vld [tilespmem:$0x9480];
	v39 =	vadd.f32 v39, v40;
	v31 =	vsub.f32 v29, v31  }
0x7e: {  	v60 =	vld [tilespmem:$0x9B00];
	v15 =	vimm.s32 $0x7;
	v40 =	vadd.f32 v1, v49;
	v32 =	vadd.f32 v35, v5  }
0x7f: {  	v54 =	vperm.xlane v25, v11;
	v30 =	vsub.f32 v30, v31;
	v31 =	vadd.f32 v33, v37  }
0x80: {  	v34 =	vadd.f32 v36, v52;
	v38 =	vsub.f32 v32, v5;
	v5 =	vperm.xlane v26, v15  }
0x81: {  	v48 =	vperm.xlane v25, v22;
	v51 =	vadd.f32 v51, v54;
	v37 =	vsub.f32 v31, v37  }
0x82: {  	v41 =	vsub.f32 v34, v52;
	v49 =	vadd.f32 v4, v5  }
0x83: {  	v50 =	vld [tilespmem:$0x9500];
	v33 =	vsub.f32 v33, v37;
	v37 =	vadd.f32 v60, v48  }
0x84: {  	v35 =	vsub.f32 v35, v38;
	v38 =	vsub.f32 v61, v2  }
0x85: {  	v14 =	vimm.s32 $0x8;
	v52 =	vsub.f32 v49, v5;
	v39 =	vadd.f32 v39, v37  }
0x86: {  	v36 =	vsub.f32 v36, v41;
	v61 =	vperm.xlane v26, v14;
	v38 =	vadd.f32 v38, v43  }
0x87: {  	v53 =	vsub.f32 v49, v52;
	v37 =	vadd.f32 v39, v57  }
0x88: {  	v55 =	vadd.f32 v50, v61;
	v48 =	vsub.f32 v4, v52  }
0x89: {  	v60 =	vld [tilespmem:$0x9C80];
	v43 =	vsub.f32 v5, v53;
	v42 =	vsub.f32 v37, v57  }
0x8a: {  	v40 =	vadd.f32 v38, v40;
	v57 =	vsub.f32 v44, v3  }
0x8b: {  	v43 =	vadd.f32 v43, v48;
	v38 =	vsub.f32 v39, v42  }
0x8c: {  	v56 =	vperm.xlane v25, v15;
	v53 =	vld [tilespmem:$0x9580];
	v58 =	vsub.f32 v44, v57;
	v39 =	vadd.f32 v40, v47  }
0x8d: {  	v59 =	vsub.f32 v0, v57;
	v57 =	vsub.f32 v55, v61  }
0x8e: {  	v42 =	vadd.f32 v60, v56;
	v0 =	vimm.s32 $0x9;
	v41 =	vsub.f32 v3, v58  }
0x8f: {  	v5 =	vperm.xlane v26, v0;
	v47 =	vsub.f32 v39, v47;
	v62 =	vsub.f32 v55, v57  }
0x90: {  	v58 =	vld [tilespmem:$0x9D00];
	v4 =	vadd.f32 v43, v42;
	v41 =	vadd.f32 v41, v59  }
0x91: {  	v60 =	vsub.f32 v50, v57;
	v50 =	vadd.f32 v53, v5  }
0x92: {  	v40 =	vsub.f32 v40, v47;
	v48 =	vadd.f32 v41, v51  }
0x93: {  	v59 =	vsub.f32 v61, v62;
	v61 =	vperm.xlane v25, v14;
	v43 =	vadd.f32 v4, v49  }
0x94: {  	v62 =	vsub.f32 v50, v5;
	v41 =	vadd.f32 v48, v44  }
0x95: {  	v42 =	vadd.f32 v59, v60;
	v45 =	vadd.f32 v58, v61  }
0x96: {  	v47 =	vld [tilespmem:$0x9600];
	v49 =	vsub.f32 v43, v49;
	v44 =	vsub.f32 v41, v44  }
0x97: {  	v57 =	vsub.f32 v50, v62;
	v52 =	vadd.f32 v42, v45  }
0x98: {  	v56 =	vld [tilespmem:$0x9D80];
	v42 =	vsub.f32 v48, v44;
	v44 =	vsub.f32 v4, v49;
	v4 =	vimm.s32 $0xA  }
0x99: {  	v10 =	vimm.s32 $0xD;
	v49 =	vld [tilespmem:$0x9680];
	v48 =	vperm.xlane v26, v4  }
0x9a: {  	v2 =	vimm.s32 $0x9;
	v46 =	vsub.f32 v53, v62;
	v5 =	vsub.f32 v5, v57  }
0x9b: {  	v62 =	vimm.s32 $0xB;
	v45 =	vadd.f32 v52, v55;
	v53 =	vadd.f32 v47, v48  }
0x9c: {  	v61 =	vperm.xlane v25, v2;
	v57 =	vperm.xlane v26, v62;
	v46 =	vadd.f32 v5, v46;
	v5 =	vld [tilespmem:$0x9E00]  }
0x9d: {  	v7 =	vimm.s32 $0xE;
	v60 =	vsub.f32 v45, v55;
	v4 =	vsub.f32 v53, v48  }
0x9e: {  	v1 =	vimm.s32 $0xA;
	v55 =	vadd.f32 v56, v61;
	v58 =	vadd.f32 v49, v57  }
0x9f: {  	v59 =	vperm.xlane v25, v1;
	v52 =	vsub.f32 v52, v60;
	v2 =	vsub.f32 v53, v4  }
0xa0: {  	v7 =	vperm.xlane v25, v7;
	v3 =	vsub.f32 v58, v57;
	v47 =	vsub.f32 v47, v4;
	v4 =	vld [tilespmem:$0x9E80]  }
0xa1: {  	vm12 =	veq.f32 v34, v32;
	v46 =	vadd.f32 v46, v55;
	v5 =	vadd.f32 v5, v59  }
0xa2: {  	v0 =	vimm.s32 $0xB;
	v61 =	vld [tilespmem:$0x9700];
	v48 =	vsub.f32 v48, v2;
	v60 =	vsub.f32 v58, v3  }
0xa3: {  	v62 =	vperm.xlane v25, v0;
	v54 =	vadd.f32 v46, v50;
	v49 =	vsub.f32 v49, v3  }
0xa4: {  	vm4 =	vgt.f32 v31, v29;
	v55 =	vld [tilespmem:$0x9780];
	v47 =	vadd.f32 v48, v47;
	v57 =	vsub.f32 v57, v60  }
0xa5: {  	v50 =	vsub.f32 v54, v50;
	v48 =	vperm.xlane v26, v63;
	v51 =	vadd.f32 v4, v62  }
0xa6: {  	v63 =	vimm.s32 $0xD;
	v47 =	vadd.f32 v47, v5;
	v49 =	vadd.f32 v57, v49  }
0xa7: {  	v46 =	vsub.f32 v46, v50;
	v50 =	vperm.xlane v26, v63;
	v57 =	vadd.f32 v61, v48  }
0xa8: {  	vm5 =	veq.f32 v31, v29;
	v56 =	vadd.f32 v47, v53;
	v49 =	vadd.f32 v49, v51  }
0xa9: {  	vm7 =	vgt.f32 v36, v35;
	v62 =	vld [tilespmem:$0x9800];
	v60 =	vadd.f32 v55, v50;
	v4 =	vsub.f32 v57, v48  }
0xaa: {  	vm6 =	vgt.f32 v33, v30;
	v3 =	vsub.f32 v56, v53;
	v59 =	vadd.f32 v49, v58  }
0xab: {  	v2 =	vld [tilespmem:$0x9F00];
	v5 =	vsub.f32 v57, v4;
	v51 =	vsub.f32 v61, v4;
	v61 =	vimm.s32 $0xE  }
0xac: {  	v1 =	vsub.f32 v60, v50;
	v4 =	vld [tilespmem:$0xA000];
	v53 =	vperm.xlane v26, v61;
	v58 =	vsub.f32 v59, v58  }
0xad: {  	v63 =	vld [tilespmem:$0x9880];
	v47 =	vsub.f32 v47, v3;
	v48 =	vsub.f32 v48, v5;
	v3 =	vimm.s32 $0xF  }
0xae: {  	v26 =	vperm.xlane v26, v3;
	v61 =	vadd.f32 v62, v53;
	v49 =	vsub.f32 v49, v58  }
0xaf: {  	v3 =	vimm.s32 $0xC;
	v58 =	vsub.f32 v60, v1;
	v48 =	vadd.f32 v48, v51  }
0xb0: {  	v6 =	vld [tilespmem:$0xA080];
	v3 =	vperm.xlane v25, v3;
	v1 =	vsub.f32 v55, v1;
	v55 =	vsub.f32 v61, v53  }
0xb1: {  	vm5 =	vmand vm5, vm6;
	v51 =	vld [tilespmem:$0x9F80];
	v4 =	vadd.f32 v4, v7;
	v50 =	vsub.f32 v50, v58  }
0xb2: {  	v0 =	vimm.s32 $0xF;
	v58 =	vadd.f32 v63, v26;
	v2 =	vadd.f32 v2, v3  }
0xb3: {  	v3 =	vperm.xlane v25, v10;
	v25 =	vperm.xlane v25, v0;
	v62 =	vsub.f32 v62, v55  }
0xb4: {  	vm6 =	vmand vm12, vm7;
	v5 =	vsub.f32 v58, v26;
	v1 =	vadd.f32 v50, v1  }
0xb5: {  	vm4 =	vmor vm4, vm5;
	v50 =	vsub.f32 v61, v55;
	v6 =	vadd.f32 v6, v25  }
0xb6: {  	vm5 =	vgt.f32 v34, v32;
	v3 =	vadd.f32 v51, v3;
	v51 =	vsub.f32 v58, v5  }
0xb7: {  	vm8 =	vgt.f32 v39, v37;
	v2 =	vadd.f32 v48, v2;
	v50 =	vsub.f32 v53, v50  }
0xb8: {  	vm13 =	vgt.f32 v40, v38;
	v5 =	vsub.f32 v63, v5;
	v26 =	vsub.f32 v26, v51  }
0xb9: {  	vm14 =	veq.f32 v43, v41;
	v55 =	vadd.f32 v2, v57;
	v50 =	vadd.f32 v50, v62  }
0xba: {  	vm10 =	vgt.f32 v43, v41;
	v1 =	vadd.f32 v1, v3;
	v5 =	vadd.f32 v26, v5  }
0xbb: {  	vm15 =	vgt.f32 v44, v42;
	v62 =	vadd.f32 v50, v4;
	v26 =	vsub.f32 v55, v57  }
0xbc: {  	vm11 =	veq.f32 v54, v45;
	v63 =	vadd.f32 v5, v6;
	v6 =	vadd.f32 v1, v60  }
0xbd: {  	vm12 =	vgt.f32 v46, v52;
	v7 =	vadd.f32 v62, v61;
	v2 =	vsub.f32 v2, v26  }
0xbe: {  	v26 =	vsel vm4, v31, v29;
	v29 =	vsel vm4, v33, v30;
	vm4 =	vmor vm5, vm6  }
0xbf: {  	vm5 =	veq.f32 v39, v37;
	vm6 =	vmand vm14, vm15;
	vm14 =	vgt.f32 v49, v47  }
0xc0: {  	vm15 =	vgt.f32 v59, v56;
	v30 =	vsel vm4, v34, v32;
	vm5 =	vmand vm5, vm13  }
0xc1: {  	v31 =	vsel vm4, v36, v35;
	vm13 =	veq.f32 v59, v56;
	v25 =	vadd.f32 v63, v58  }
0xc2: {  	v57 =	vsub.f32 v6, v60;
	v60 =	vsub.f32 v7, v61;
	vm4 =	vmor vm8, vm5  }
0xc3: {  	vm5 =	vmor vm10, vm6;
	vm6 =	vmand vm11, vm12;
	vm7 =	vmand vm13, vm14  }
0xc4: {  	vm12 =	vgt.f32 v31, v29;
	v43 =	vsel vm5, v43, v41;
	v44 =	vsel vm5, v44, v42  }
0xc5: {  	vm5 =	vmor vm15, vm7;
	vm15 =	vgt.f32 v30, v26;
	v61 =	vsub.f32 v25, v58  }
0xc6: {  	v1 =	vsub.f32 v1, v57;
	v3 =	vsub.f32 v62, v60;
	v62 =	vsel vm4, v39, v37  }
0xc7: {  	v48 =	vsel vm5, v59, v56;
	v50 =	vsel vm5, v49, v47;
	vm5 =	veq.f32 v6, v55  }
0xc8: {  	vm10 =	veq.f32 v25, v7;
	vm13 =	veq.f32 v43, v62;
	v4 =	vsub.f32 v63, v61  }
0xc9: {  	v63 =	vsel vm4, v40, v38;
	vm4 =	vgt.f32 v54, v45;
	vm9 =	vgt.f32 v1, v2  }
0xca: {  	vm4 =	vmor vm4, vm6;
	vm5 =	vmand vm5, vm9;
	vm14 =	vgt.f32 v44, v63  }
0xcb: {  	v45 =	vsel vm4, v54, v45;
	v46 =	vsel vm4, v46, v52;
	vm4 =	vgt.f32 v6, v55  }
0xcc: {  	vm11 =	vgt.f32 v4, v3;
	vm4 =	vmor vm4, vm5;
	vm5 =	vgt.f32 v25, v7  }
0xcd: {  	vm6 =	vmand vm10, vm11;
	vm10 =	vgt.f32 v43, v62;
	vm11 =	veq.f32 v48, v45  }
0xce: {  	v5 =	vsel vm4, v6, v55;
	v1 =	vsel vm4, v1, v2;
	vm4 =	vmor vm5, vm6  }
0xcf: {  	vm5 =	veq.f32 v30, v26;
	vm6 =	vmand vm13, vm14;
	v51 =	vsel vm4, v25, v7  }
0xd0: {  	vm5 =	vmand vm5, vm12;
	v3 =	vsel vm4, v4, v3;
	vm12 =	vgt.f32 v50, v46  }
0xd1: {  	vm4 =	vmor vm15, vm5;
	vm5 =	vmor vm10, vm6;
	vm6 =	vmand vm11, vm12  }
0xd2: {  	vm13 =	veq.f32 v51, v5;
	vm14 =	vgt.f32 v3, v1;
	vm15 =	vgt.f32 v51, v5  }
0xd3: {  	v52 =	vsel vm4, v30, v26;
	v6 =	vsel vm4, v31, v29;
	v7 =	vsel vm5, v43, v62  }
0xd4: {  	vm4 =	vgt.f32 v48, v45;
	vm7 =	vmand vm13, vm14;
	v25 =	vsel vm5, v44, v63  }
0xd5: {  	vm4 =	vmor vm4, vm6;
	vm5 =	vmor vm15, vm7;
	vm9 =	vgt.f32 v25, v6  }
0xd6: {  	v26 =	vsel vm4, v48, v45;
	v29 =	vsel vm4, v50, v46;
	v2 =	vsel vm5, v51, v5  }
0xd7: {  	v1 =	vsel vm5, v3, v1;
	vm4 =	vgt.f32 v7, v52;
	vm5 =	veq.f32 v7, v52  }
0xd8: {  	vm5 =	vmand vm5, vm9;
	vm10 =	veq.f32 v2, v26;
	vm11 =	vgt.f32 v1, v29  }
0xd9: {  	vm4 =	vmor vm4, vm5;
	vm5 =	vgt.f32 v2, v26;
	vm6 =	vmand vm10, vm11  }
0xda: {  	s24 =	sshra.s32 s23, $0x2;
	v53 =	vsel vm4, v7, v52;
	vm5 =	vmor vm5, vm6  }
0xdb: {  	v35 =	vld [tilespmem:s24+$0x100];
	v54 =	vsel vm4, v25, v6;
	v2 =	vsel vm5, v2, v26;
	v1 =	vsel vm5, v1, v29  }
0xdc: {  	vm4 =	veq.f32 v2, v53;
	vm5 =	vgt.f32 v1, v54  }
0xdd: {  	vm12 =	vgt.f32 v2, v53;
	vm4 =	vmand vm4, vm5  }
0xde: {  	vm4 =	vmor vm12, vm4  }
0xdf: {  	v2 =	vsel vm4, v2, v53  }
0xe0: {  	v56 =	vadd.f32 v2, v35  }
0xe1: {  	v57 =	vld [tilespmem:$0xB300]  }
0xe2: {  	v6 =	vld [tilespmem:$0xB100];
	v25 =	vsub.f32 v56, v2  }
0xe3: {  	v55 =	vld [tilespmem:s24+$0x2500]  }
0xe4: {  	v7 =	vld [tilespmem:$0xB180];
	v30 =	vsub.f32 v56, v25  }
0xe5: {  	v58 =	vperm.xlane v24, v8;
	v31 =	vperm.xlane v24, v20;
	v26 =	vld [tilespmem:$0xB200]  }
0xe6: {  	v49 =	vimm.s32 $0x9;
	v29 =	vld [tilespmem:$0xB280];
	v25 =	vsub.f32 v35, v25;
	v2 =	vsub.f32 v2, v30  }
0xe7: {  	v59 =	vld [tilespmem:$0xB380];
	v39 =	vperm.xlane v24, v49;
	v6 =	vmul.f32 v6, v31;
	v1 =	vsel vm4, v1, v54  }
0xe8: {  	v31 =	vld [tilespmem:$0xB400];
	v1 =	vadd.f32 v1, v55;
	v30 =	vperm.xlane v24, v9;
	v2 =	vadd.f32 v2, v25  }
0xe9: {  	v63 =	vld [tilespmem:$0xB580];
	v60 =	vmul.f32 v7, v58;
	v25 =	vperm.xlane v24, v12  }
0xea: {  	v7 =	vld [tilespmem:$0xB480];
	v61 =	vmul.f32 v26, v30;
	v26 =	vperm.xlane v24, v22;
	v1 =	vadd.f32 v2, v1  }
0xeb: {  	v47 =	vld [tilespmem:$0xB700];
	v45 =	vmul.f32 v29, v25;
	v25 =	vperm.xlane v24, v11  }
0xec: {  	v62 =	vperm.xlane v24, v13;
	v46 =	vld [tilespmem:$0xB680];
	v32 =	vmul.f32 v57, v26;
	v26 =	vadd.f32 v1, v56  }
0xed: {  	v23 =	vimm.s32 $0xE;
	v52 =	vld [tilespmem:$0xB800];
	v31 =	vmul.f32 v31, v25;
	v25 =	vperm.xlane v24, v15  }
0xee: {  	v33 =	vmul.f32 v59, v62;
	v48 =	vperm.xlane v24, v14;
	v30 =	vld [tilespmem:$0xB500];
	v5 =	vsub.f32 v26, v56  }
0xef: {  	v36 =	vmul.f32 v63, v39;
	v29 =	vld [tilespmem:$0xB600];
	v7 =	vmul.f32 v7, v25;
	v25 =	vimm.s32 $0xA  }
0xf0: {  	v50 =	vld [tilespmem:$0xB780];
	v57 =	vperm.xlane v24, v23;
	v51 =	vperm.xlane v24, v25;
	v25 =	vsub.f32 v1, v5  }
0xf1: {  	v53 =	vld [tilespmem:$0xB880];
	v55 =	vimm.s32 $0xB;
	v4 =	vadd.f32 v60, v6;
	v2 =	vadd.f32 v45, v61;
	[tilespmem:s24+$0xC580] =	vst v26  }
0xf2: {  	v6 =	vperm.xlane v28, v20;
	v34 =	vmul.f32 v52, v57;
	v60 =	vadd.f32 v33, v32;
	[tilespmem:s24+$0xE580] =	vst v25  }
0xf3: {  	v30 =	vmul.f32 v30, v48;
	v56 =	vperm.xlane v24, v10;
	v2 =	vadd.f32 v2, v4;
	v58 =	vld [tilespmem:$0x9100]  }
0xf4: {  	v5 =	vperm.xlane v24, v55;
	v54 =	vmul.f32 v29, v51;
	v29 =	vimm.s32 $0xC  }
0xf5: {  	v7 =	vadd.f32 v7, v31;
	v29 =	vperm.xlane v24, v29;
	v24 =	vperm.xlane v24, v0  }
0xf6: {  	v30 =	vadd.f32 v36, v30;
	v59 =	vmul.f32 v50, v56;
	v5 =	vmul.f32 v46, v5;
	v31 =	vld [tilespmem:$0x9180]  }
0xf7: {  	v3 =	vadd.f32 v7, v60;
	v29 =	vmul.f32 v47, v29;
	v24 =	vmul.f32 v53, v24  }
0xf8: {  	v1 =	vadd.f32 v5, v54;
	v61 =	vadd.f32 v58, v6  }
0xf9: {  	v7 =	vperm.xlane v28, v8;
	v63 =	vld [tilespmem:$0x9900];
	v29 =	vadd.f32 v59, v29;
	v24 =	vadd.f32 v24, v34  }
0xfa: {  	v44 =	vld [tilespmem:$0x9980];
	v1 =	vadd.f32 v1, v30;
	v62 =	vsub.f32 v61, v6  }
0xfb: {  	v30 =	vld [tilespmem:$0x9200];
	v24 =	vadd.f32 v24, v29;
	v40 =	vadd.f32 v31, v7  }
0xfc: {  	v43 =	vperm.xlane v27, v20;
	v2 =	vadd.f32 v3, v2;
	v29 =	vsub.f32 v61, v62  }
0xfd: {  	v55 =	vld [tilespmem:$0x9380];
	v47 =	vperm.xlane v27, v8;
	v1 =	vadd.f32 v24, v1;
	v41 =	vsub.f32 v40, v7  }
0xfe: {  	v4 =	vsub.f32 v58, v62;
	v6 =	vsub.f32 v6, v29;
	v29 =	vperm.xlane v28, v9  }
0xff: {  	v42 =	vadd.f32 v1, v2;
	v1 =	vadd.f32 v63, v43  }
0x100: {  	v59 =	vperm.xlane v28, v13;
	v2 =	vadd.f32 v44, v47;
	v45 =	vadd.f32 v30, v29  }
0x101: {  	v4 =	vadd.f32 v6, v4;
	v6 =	vsub.f32 v40, v41  }
0x102: {  	v49 =	vld [tilespmem:$0x9280];
	v63 =	vadd.f32 v55, v59;
	v46 =	vsub.f32 v45, v29  }
0x103: {  	v6 =	vsub.f32 v7, v6;
	v7 =	vsub.f32 v31, v41;
	v31 =	vld [tilespmem:$0x9A00]  }
0x104: {  	v1 =	vadd.f32 v4, v1;
	v48 =	vsub.f32 v45, v46  }
0x105: {  	v50 =	vperm.xlane v28, v12;
	v6 =	vadd.f32 v6, v7;
	v3 =	vsub.f32 v30, v46  }
0x106: {  	v7 =	vperm.xlane v27, v9;
	v4 =	vsub.f32 v29, v48;
	v29 =	vadd.f32 v1, v61  }
0x107: {  	v2 =	vadd.f32 v6, v2;
	v6 =	vadd.f32 v49, v50  }
0x108: {  	v57 =	vld [tilespmem:$0x9A80];
	v51 =	vadd.f32 v31, v7;
	v3 =	vadd.f32 v4, v3  }
0x109: {  	v7 =	vld [tilespmem:$0x9300];
	v5 =	vsub.f32 v29, v61;
	v30 =	vadd.f32 v2, v40  }
0x10a: {  	v35 =	vmul.f32 $1.442695020e+00, v35;
	v52 =	vsub.f32 v6, v50;
	v3 =	vadd.f32 v3, v51  }
0x10b: {  	v61 =	vperm.xlane v27, v12;
	v31 =	vsub.f32 v1, v5;
	v53 =	vsub.f32 v30, v40  }
0x10c: {  	v54 =	vperm.xlane v28, v22;
	v56 =	vsub.f32 v6, v52;
	v4 =	vsub.f32 v49, v52  }
0x10d: {  	(erf) = vpow2.f32 v35;
	v1 =	vadd.f32 v57, v61;
	v49 =	vsub.f32 v63, v59  }
0x10e: {  	v35 =	vimm.s32 $0x9;
	v32 =	vadd.f32 v3, v45;
	v58 =	vadd.f32 v7, v54  }
0x10f: {  	v10 =	vimm.s32 $0xB;
	v34 =	vsub.f32 v2, v53;
	v37 =	vsub.f32 v50, v56  }
0x110: {  	v0 =	vimm.s32 $0x9;
	v36 =	vsub.f32 v32, v45;
	v60 =	vsub.f32 v58, v54  }
0x111: {  	v24 =	vimm.s32 $0xB;
	v62 =	vld [tilespmem:$0x9B00];
	v52 =	vsub.f32 v63, v49;
	v4 =	vadd.f32 v37, v4  }
0x112: {  	vm4 =	vgt.f32 v30, v29;
	v33 =	vsub.f32 v3, v36;
	v48 =	vsub.f32 v58, v60  }
0x113: {  	v51 =	vld [tilespmem:$0x9B80];
	vm5 =	veq.f32 v30, v29;
	v7 =	vsub.f32 v7, v60;
	v1 =	vadd.f32 v4, v1  }
0x114: {  	v50 =	vperm.xlane v27, v22;
	v53 =	vld [tilespmem:$0x9400];
	v4 =	vsub.f32 v59, v52;
	v5 =	vsub.f32 v54, v48  }
0x115: {  	v45 =	vperm.xlane v28, v0;
	v3 =	vsub.f32 v55, v49;
	v37 =	vadd.f32 v1, v6  }
0x116: {  	v61 =	vld [tilespmem:$0x9C00];
	v54 =	vperm.xlane v27, v13;
	v5 =	vadd.f32 v5, v7;
	v7 =	vadd.f32 v62, v50  }
0x117: {  	v55 =	vperm.xlane v28, v11;
	v3 =	vadd.f32 v4, v3;
	v6 =	vsub.f32 v37, v6  }
0x118: {  	vm13 =	vgt.f32 v34, v31;
	v56 =	vadd.f32 v51, v54;
	v5 =	vadd.f32 v5, v7  }
0x119: {  	v52 =	vperm.xlane v27, v11;
	v7 =	vadd.f32 v53, v55;
	v38 =	vsub.f32 v1, v6;
	v6 =	vld [tilespmem:$0x9500]  }
0x11a: {  	v44 =	vld [tilespmem:$0x9480];
	vm5 =	vmand vm5, vm13;
	v3 =	vadd.f32 v3, v56;
	v36 =	vadd.f32 v5, v58  }
0x11b: {  	v59 =	vperm.xlane v28, v15;
	v1 =	vadd.f32 v61, v52;
	v57 =	vsub.f32 v7, v55  }
0x11c: {  	v62 =	vperm.xlane v28, v14;
	v40 =	vadd.f32 v3, v63;
	v58 =	vsub.f32 v36, v58  }
0x11d: {  	vm4 =	vmor vm4, vm5;
	v60 =	vsub.f32 v7, v57;
	v4 =	vsub.f32 v53, v57;
	v53 =	vld [tilespmem:$0x9C80]  }
0x11e: {  	vm14 =	veq.f32 v37, v32;
	v41 =	vsub.f32 v40, v63;
	v49 =	vadd.f32 v6, v62  }
0x11f: {  	vm10 =	vgt.f32 v37, v32;
	v39 =	vsub.f32 v5, v58;
	v5 =	vadd.f32 v44, v59  }
0x120: {  	[tilespmem:$0x1FFD0] =	vst v42;
	v56 =	vperm.xlane v27, v15;
	v42 =	vsub.f32 v55, v60;
	v41 =	vsub.f32 v3, v41  }
0x121: {  	vm15 =	vgt.f32 v38, v33;
	v58 =	vld [tilespmem:$0x9D00];
	v55 =	vsub.f32 v49, v62;
	v63 =	vsub.f32 v5, v59  }
0x122: {  	vm7 =	vmand vm14, vm15;
	v4 =	vadd.f32 v42, v4;
	v60 =	vadd.f32 v53, v56  }
0x123: {  	vm5 =	vmor vm10, vm7;
	v54 =	vsub.f32 v5, v63;
	v57 =	vsub.f32 v44, v63;
	v44 =	vld [tilespmem:$0x9580]  }
0x124: {  	v3 =	vsub.f32 v6, v55;
	v6 =	vperm.xlane v27, v14;
	v1 =	vadd.f32 v4, v1  }
0x125: {  	vm11 =	veq.f32 v40, v36;
	v2 =	vsub.f32 v59, v54;
	v59 =	vsub.f32 v49, v55  }
0x126: {  	vm12 =	vgt.f32 v41, v39;
	v61 =	vadd.f32 v58, v6;
	v46 =	vadd.f32 v1, v7  }
0x127: {  	vm6 =	vmand vm11, vm12;
	v2 =	vadd.f32 v2, v57;
	v4 =	vsub.f32 v62, v59  }
0x128: {  	v7 =	vsub.f32 v46, v7;
	v59 =	vimm.s32 $0xA;
	v6 =	vadd.f32 v44, v45  }
0x129: {  	v62 =	vld [tilespmem:$0xB100];
	v57 =	vperm.xlane v21, v22;
	v2 =	vadd.f32 v2, v60;
	v3 =	vadd.f32 v4, v3  }
0x12a: {  	v22 =	vimm.s32 $0xF;
	v50 =	vsub.f32 v1, v7;
	v63 =	vsub.f32 v6, v45  }
0x12b: {  	v42 =	vld [tilespmem:$0x9600];
	v48 =	vadd.f32 v2, v5;
	v3 =	vadd.f32 v3, v61;
	v61 =	vperm.xlane v21, v20  }
0x12c: {  	v1 =	vld [tilespmem:$0x9D80];
	v60 =	vsub.f32 v6, v63;
	v4 =	vsub.f32 v44, v63;
	v63 =	vperm.xlane v21, v8  }
0x12d: {  	v43 =	vld [tilespmem:$0xB200];
	v8 =	vimm.s32 $0xC;
	v55 =	vsub.f32 v48, v5;
	v5 =	vperm.xlane v28, v59  }
0x12e: {  	v7 =	vld [tilespmem:$0x9680];
	v47 =	vadd.f32 v3, v49;
	v20 =	vmul.f32 v62, v61;
	v62 =	vperm.xlane v27, v0  }
0x12f: {  	v61 =	vperm.xlane v21, v9;
	v59 =	vperm.xlane v27, v59;
	v45 =	vsub.f32 v45, v60  }
0x130: {  	vm13 =	veq.f32 v48, v46;
	v52 =	vsub.f32 v2, v55;
	v2 =	vadd.f32 v42, v5  }
0x131: {  	v54 =	vld [tilespmem:$0xB180];
	v49 =	vsub.f32 v47, v49;
	v55 =	vperm.xlane v28, v10;
	v1 =	vadd.f32 v1, v62  }
0x132: {  	v56 =	vld [tilespmem:$0xB300];
	vm15 =	vgt.f32 v48, v46;
	v4 =	vadd.f32 v45, v4;
	v44 =	vsub.f32 v2, v5  }
0x133: {  	v43 =	vmul.f32 v43, v61;
	v53 =	vsub.f32 v3, v49;
	v49 =	vld [tilespmem:$0x9E00];
	v51 =	vadd.f32 v7, v55  }
0x134: {  	v58 =	vld [tilespmem:$0xB280];
	[tilespmem:$0x1FFC0] =	vst v20;
	v20 =	vimm.s32 $0xD;
	vm14 =	vgt.f32 v52, v50;
	v60 =	vsub.f32 v2, v44  }
0x135: {  	v45 =	vld [tilespmem:$0x9E80];
	v1 =	vadd.f32 v4, v1;
	vm7 =	vmand vm13, vm14;
	v62 =	vsub.f32 v51, v55  }
0x136: {  	v44 =	vsub.f32 v42, v44;
	v42 =	vmul.f32 v54, v63;
	v54 =	vld [tilespmem:$0x9700];
	v5 =	vsub.f32 v5, v60  }
0x137: {  	v63 =	vsub.f32 v51, v62;
	v3 =	vsub.f32 v7, v62;
	v7 =	vperm.xlane v27, v10  }
0x138: {  	v5 =	vadd.f32 v5, v44;
	v44 =	vadd.f32 v49, v59;
	v49 =	vperm.xlane v21, v12  }
0x139: {  	v60 =	vld [tilespmem:$0xB380];
	v4 =	vsub.f32 v55, v63;
	v55 =	vadd.f32 v1, v6;
	v59 =	vperm.xlane v28, v8  }
0x13a: {  	v0 =	vadd.f32 v45, v7;
	v45 =	vmul.f32 v56, v57;
	v5 =	vadd.f32 v5, v44  }
0x13b: {  	v3 =	vadd.f32 v4, v3;
	v44 =	vmul.f32 v58, v49;
	v7 =	vadd.f32 v54, v59  }
0x13c: {  	v61 =	vld [tilespmem:$0x9780];
	v6 =	vsub.f32 v55, v6;
	v49 =	vperm.xlane v21, v13;
	v57 =	vadd.f32 v5, v2  }
0x13d: {  	v8 =	vperm.xlane v21, v11;
	v3 =	vadd.f32 v3, v0;
	v4 =	vsub.f32 v7, v59  }
0x13e: {  	v56 =	vld [tilespmem:$0xB400];
	v23 =	vsub.f32 v1, v6;
	v6 =	vperm.xlane v28, v20;
	v49 =	vmul.f32 v60, v49  }
0x13f: {  	v1 =	vimm.s32 $0xE;
	v2 =	vsub.f32 v57, v2;
	v60 =	vadd.f32 v3, v51  }
0x140: {  	v62 =	vld [tilespmem:$0x9800];
	v0 =	vperm.xlane v21, v14;
	v63 =	vsub.f32 v7, v4;
	v4 =	vsub.f32 v54, v4  }
0x141: {  	vm9 =	vgt.f32 v23, v53;
	v58 =	vsub.f32 v5, v2;
	v2 =	vld [tilespmem:$0x9F00];
	v5 =	vadd.f32 v61, v6  }
0x142: {  	v9 =	vld [tilespmem:$0xB480];
	v10 =	vsub.f32 v60, v51;
	v59 =	vsub.f32 v59, v63;
	v63 =	vperm.xlane v28, v1  }
0x143: {  	v51 =	vmul.f32 v56, v8;
	v8 =	vld [tilespmem:$0xB500];
	v56 =	vimm.s32 $0xC;
	v54 =	vsub.f32 v5, v6  }
0x144: {  	vm10 =	veq.f32 v60, v57;
	v3 =	vsub.f32 v3, v10;
	v10 =	vperm.xlane v27, v56  }
0x145: {  	v12 =	vld [tilespmem:$0x9880];
	v11 =	vadd.f32 v62, v63;
	v56 =	vperm.xlane v21, v15;
	v13 =	vsub.f32 v5, v54  }
0x146: {  	v14 =	vld [tilespmem:$0xB580];
	v4 =	vadd.f32 v59, v4;
	vm11 =	vgt.f32 v3, v58;
	v2 =	vadd.f32 v2, v10  }
0x147: {  	v59 =	vld [tilespmem:$0x9F80];
	v6 =	vsub.f32 v6, v13;
	v13 =	vsub.f32 v61, v54;
	v61 =	vperm.xlane v28, v22  }
0x148: {  	v10 =	vsub.f32 v11, v63;
	v28 =	vmul.f32 v9, v56;
	v54 =	vmul.f32 v8, v0  }
0x149: {  	v8 =	vperm.xlane v21, v35;
	v2 =	vadd.f32 v4, v2;
	v4 =	vperm.xlane v27, v20  }
0x14a: {  	v20 =	vimm.s32 $0xD;
	v15 =	vsub.f32 v11, v10;
	v10 =	vsub.f32 v62, v10  }
0x14b: {  	v9 =	vld [tilespmem:$0xA000];
	v6 =	vadd.f32 v6, v13;
	v13 =	vadd.f32 v12, v61;
	v56 =	vmul.f32 v14, v8  }
0x14c: {  	v8 =	vld [tilespmem:$0xB680];
	v14 =	vimm.s32 $0xA;
	v28 =	vadd.f32 v28, v51;
	v0 =	vadd.f32 v59, v4  }
0x14d: {  	v4 =	vsub.f32 v63, v15;
	v15 =	vld [tilespmem:$0xB600];
	v62 =	vadd.f32 v2, v7;
	v14 =	vperm.xlane v21, v14  }
0x14e: {  	v63 =	vld [tilespmem:$0xA080];
	v35 =	vsub.f32 v13, v61;
	v0 =	vadd.f32 v6, v0;
	v6 =	vperm.xlane v27, v1  }
0x14f: {  	v1 =	vimm.s32 $0xE;
	v4 =	vadd.f32 v4, v10;
	v7 =	vsub.f32 v62, v7  }
0x150: {  	v27 =	vperm.xlane v27, v22;
	v10 =	vsub.f32 v13, v35;
	v12 =	vsub.f32 v12, v35  }
0x151: {  	v35 =	vperm.xlane v21, v24;
	v6 =	vadd.f32 v9, v6;
	v2 =	vsub.f32 v2, v7  }
0x152: {  	v22 =	vimm.s32 $0xF;
	v9 =	vld [tilespmem:$0xB700];
	v10 =	vsub.f32 v61, v10;
	v61 =	vadd.f32 v0, v5  }
0x153: {  	v14 =	vmul.f32 v15, v14;
	v15 =	vadd.f32 v63, v27;
	v8 =	vmul.f32 v8, v35  }
0x154: {  	v63 =	vimm.s32 $0xC;
	v4 =	vadd.f32 v4, v6;
	v6 =	vld [tilespmem:$0xB780];
	v10 =	vadd.f32 v10, v12  }
0x155: {  	v27 =	vperm.xlane v21, v63;
	v5 =	vsub.f32 v61, v5;
	v8 =	vadd.f32 v8, v14  }
0x156: {  	v35 =	vperm.xlane v21, v1;
	v12 =	vld [tilespmem:$0xB800];
	v7 =	vadd.f32 v4, v11;
	v10 =	vadd.f32 v10, v15  }
0x157: {  	v15 =	vperm.xlane v21, v20;
	v9 =	vmul.f32 v9, v27;
	v0 =	vsub.f32 v0, v5  }
0x158: {  	v27 =	vsel vm5, v38, v33;
	v11 =	vsub.f32 v7, v11;
	v5 =	vadd.f32 v10, v13  }
0x159: {  	v6 =	vmul.f32 v6, v15;
	v15 =	vsel vm5, v37, v32;
	vm5 =	vmor vm15, vm7  }
0x15a: {  	vm12 =	vgt.f32 v0, v2;
	vm15 =	vgt.f32 v61, v62;
	v4 =	vsub.f32 v4, v11  }
0x15b: {  	v11 =	vmul.f32 v12, v35;
	v52 =	vsel vm5, v52, v50;
	v12 =	vsub.f32 v5, v13  }
0x15c: {  	v13 =	vsel vm4, v34, v31;
	v31 =	vsel vm5, v48, v46;
	vm5 =	veq.f32 v55, v47  }
0x15d: {  	vm13 =	veq.f32 v5, v7;
	v46 =	vadd.f32 v44, v43;
	v6 =	vadd.f32 v6, v9  }
0x15e: {  	v10 =	vsub.f32 v10, v12;
	v12 =	vsel vm4, v30, v29;
	vm4 =	vgt.f32 v40, v36  }
0x15f: {  	vm5 =	vmand vm5, vm9;
	vm9 =	vgt.f32 v5, v7;
	vm4 =	vmor vm4, vm6  }
0x160: {  	vm6 =	vmand vm10, vm11;
	vm10 =	veq.f32 v15, v12;
	vm11 =	vgt.f32 v27, v13  }
0x161: {  	v29 =	vsel vm4, v40, v36;
	v30 =	vsel vm4, v41, v39;
	vm4 =	vgt.f32 v55, v47  }
0x162: {  	vm14 =	vgt.f32 v10, v4;
	vm4 =	vmor vm4, vm5;
	vm5 =	vgt.f32 v60, v57  }
0x163: {  	v55 =	vsel vm4, v55, v47;
	v59 =	vsel vm4, v23, v53;
	vm4 =	vmor vm5, vm6  }
0x164: {  	vm5 =	veq.f32 v61, v62;
	vm6 =	vmand vm13, vm14;
	vm13 =	vgt.f32 v52, v30  }
0x165: {  	v60 =	vsel vm4, v60, v57;
	vm5 =	vmand vm5, vm12;
	v3 =	vsel vm4, v3, v58  }
0x166: {  	vm12 =	veq.f32 v31, v29;
	vm4 =	vmor vm15, vm5;
	vm5 =	vmor vm9, vm6  }
0x167: {  	vm6 =	vmand vm10, vm11;
	vm14 =	vmand vm12, vm13;
	vm15 =	vgt.f32 v31, v29  }
0x168: {  	vm10 =	vgt.f32 v60, v55;
	v35 =	vsel vm4, v61, v62;
	v0 =	vsel vm4, v0, v2  }
0x169: {  	v39 =	vsel vm5, v5, v7;
	vm4 =	vgt.f32 v15, v12;
	v4 =	vsel vm5, v10, v4  }
0x16a: {  	vm5 =	vmor vm15, vm14;
	vm4 =	vmor vm4, vm6;
	vm9 =	vgt.f32 v4, v0  }
0x16b: {  	v7 =	vld [tilespmem:$0xB880];
	vm11 =	vgt.f32 v39, v35;
	v40 =	vsel vm4, v15, v12;
	v10 =	vsel vm4, v27, v13  }
0x16c: {  	v41 =	vld [tilespmem:$0x1FFC0];
	v12 =	vsel vm5, v31, v29;
	v13 =	vperm.xlane v21, v22;
	v15 =	vsel vm5, v52, v30  }
0x16d: {  	vm4 =	veq.f32 v60, v55;
	vm5 =	vgt.f32 v3, v59;
	v29 =	vadd.f32 v56, v54  }
0x16e: {  	v22 =	vld [tilespmem:s24+$0x4900];
	vm4 =	vmand vm4, vm5;
	vm5 =	veq.f32 v39, v35;
	vm12 =	vgt.f32 v12, v40  }
0x16f: {  	vm5 =	vmand vm5, vm9;
	vm4 =	vmor vm10, vm4;
	v8 =	vadd.f32 v8, v29  }
0x170: {  	v7 =	vmul.f32 v7, v13;
	vm5 =	vmor vm11, vm5;
	v13 =	vsel vm4, v60, v55  }
0x171: {  	v1 =	vsel vm4, v3, v59;
	vm4 =	veq.f32 v12, v40;
	v3 =	vadd.f32 v42, v41  }
0x172: {  	v2 =	vsel vm5, v39, v35;
	v0 =	vsel vm5, v4, v0;
	vm5 =	vgt.f32 v15, v10  }
0x173: {  	vm4 =	vmand vm4, vm5;
	v27 =	vmul.f32 $1.442695020e+00, v22;
	v7 =	vadd.f32 v7, v11  }
0x174: {  	vm5 =	veq.f32 v2, v13;
	vm13 =	vgt.f32 v0, v1;
	vm14 =	vgt.f32 v2, v13  }
0x175: {  	vm4 =	vmor vm12, vm4;
	(erf) = vpow2.f32 v27;
	v6 =	vadd.f32 v7, v6  }
0x176: {  	v3 =	vadd.f32 v46, v3;
	vm5 =	vmand vm5, vm13;
	v5 =	vsel vm4, v12, v40  }
0x177: {  	v12 =	vadd.f32 v49, v45;
	vm5 =	vmor vm14, vm5;
	v49 =	vadd.f32 v6, v8;
	v6 =	vld [tilespmem:$0x1FFD0]  }
0x178: {  	v7 =	vsel vm4, v15, v10;
	v2 =	vsel vm5, v2, v13;
	v0 =	vsel vm5, v0, v1  }
0x179: {  	v47 =	vadd.f32 v28, v12;
	vm4 =	veq.f32 v2, v5;
	vm5 =	vgt.f32 v0, v7  }
0x17a: {  	vm15 =	vgt.f32 v2, v5;
	vm4 =	vmand vm4, vm5  }
0x17b: {  	v48 =	vpop (erf);
	v3 =	vadd.f32 v47, v3;
	vm4 =	vmor vm15, vm4  }
0x17c: {  	v2 =	vsel vm4, v2, v5;
	v1 =	vmul.f32 v6, v48  }
0x17d: {  	v3 =	vadd.f32 v49, v3;
	v6 =	vadd.f32 v2, v22  }
0x17e: {  	v50 =	vperm.xlane v1, v16;
	v51 =	vpop (erf)  }
0x17f: {  	v8 =	vsub.f32 v6, v2;
	v3 =	vmul.f32 v3, v51  }
0x180: {  	v10 =	vld [tilespmem:s24+$0x6D00];
	v4 =	vmax.f32 v1, v50  }
0x181: {  	v53 =	vsub.f32 v6, v8;
	v52 =	vperm.xlane v4, v17;
	v9 =	vperm.xlane v3, v16  }
0x182: {  	v54 =	vsub.f32 v22, v8  }
0x183: {  	v2 =	vsub.f32 v2, v53;
	v4 =	vmax.f32 v4, v52;
	v9 =	vmax.f32 v3, v9  }
0x184: {  	v0 =	vsel vm4, v0, v7;
	v11 =	vperm.xlane v4, v18;
	v12 =	vperm.xlane v9, v17  }
0x185: {  	v0 =	vadd.f32 v0, v10;
	v2 =	vadd.f32 v2, v54  }
0x186: {  	v4 =	vmax.f32 v4, v11;
	v7 =	vmax.f32 v9, v12  }
0x187: {  	v0 =	vadd.f32 v2, v0;
	v55 =	vperm.xlane v7, v18;
	v8 =	vperm.xlane v4, v19;
	_ =	sdelay $0x1  }
0x188: {  	v59 =	vld [tilespmem:$0x1FFF0];
	v28 =	vadd.f32 v0, v6;
	v56 =	vmax.f32 v7, v55;
	v4 =	vmax.f32 v4, v8  }
0x189: {  	v60 =	vld [tilespmem:$0x1FFE0];
	v5 =	vperm.xlane v56, v19;
	v4 =	vshrl.u32 v4, $0x17  }
0x18a: {  	v6 =	vsub.f32 v28, v6;
	v4 =	vand.u32 $0xFF, v4  }
0x18b: {  	p0 =	sne.s32 s23, $0x7C00;
	v2 =	vmax.f32 v56, v5;
	v57 =	vshll.u32 v4, $0x17  }
.Ltmp0:
0x18c: {  	v27 =	vsub.f32 v0, v6;
	v2 =	vshrl.u32 v2, $0x17;
	v5 =	vsub.s32 $0x7F000000, v57;
	(pc) =	sbr.rel @p0 .LBB2_2-.Ltmp0, $4  }
0x18d: {  	[tilespmem:s24+$0x10580] =	vst v28;
	v2 =	vand.u32 $0xFF, v2;
	v24 =	vmul.f32 v5, v1;
	v1 =	vadd.s32 v4, v59  }
0x18e: {  	[tilespmem:s24+$0x12580] =	vst v27;
	v58 =	vshll.u32 v2, $0x17;
	v2 =	vadd.s32 v2, v60;
	v61 =	vadd.s32 $0xFFFFFF81, v1  }
0x18f: {  	v12 =	vimm.s32 $0x3;
	v0 =	vsub.s32 $0x7F000000, v58;
	[tilespmem:$0x1FFF0] =	vst v61;
	v62 =	vadd.s32 $0xFFFFFF81, v2  }
0x190: {  	s23 =	sadd.s32 $0x200, s23;
	v9 =	vimm.s32 $0x2;
	v8 =	vimm.s32 $0x1;
	v21 =	vmul.f32 v0, v3;
	[tilespmem:$0x1FFE0] =	vst v62  }
0x191: {  	v0 =	vld [tilespmem:$0xE480];
	_ =	sdelay $0x4  }
0x192: {  	v1 =	vperm.xlane v0, v16;
	_ =	sdelay $0x1  }
0x193: {  	v1 =	vmax.f32 v0, v1  }
0x194: {  	v2 =	vperm.xlane v1, v17;
	_ =	sdelay $0x1  }
0x195: {  	v1 =	vmax.f32 v1, v2  }
0x196: {  	v2 =	vperm.xlane v1, v18;
	_ =	sdelay $0x1  }
0x197: {  	v3 =	vld [tilespmem:$0x10480];
	v1 =	vmax.f32 v1, v2  }
0x198: {  	v2 =	vperm.xlane v1, v19;
	_ =	sdelay $0x1  }
0x199: {  	v1 =	vmax.f32 v1, v2  }
0x19a: {  	vm4 =	veq.f32 v0, v1  }
0x19b: {  	v0 =	vnsel vm4, $0xFF61B1E6, v3  }
0x19c: {  	v46 =	vperm.xlane v0, v16;
	_ =	sdelay $0x1  }
0x19d: {  	v1 =	vmax.f32 v0, v46  }
0x19e: {  	v47 =	vperm.xlane v1, v17;
	_ =	sdelay $0x1  }
0x19f: {  	v1 =	vmax.f32 v1, v47  }
0x1a0: {  	v2 =	vperm.xlane v1, v18;
	_ =	sdelay $0x1  }
0x1a1: {  	v1 =	vmax.f32 v1, v2  }
0x1a2: {  	v2 =	vperm.xlane v1, v19;
	_ =	sdelay $0x1  }
0x1a3: {  	v1 =	vmax.f32 v1, v2  }
0x1a4: {  	vm5 =	veq.f32 v0, v1  }
0x1a5: {  	v14 =	vlaneseq.u32;
	vm4 =	vmand vm4, vm5  }
0x1a6: {  	v48 =	vnsel vm4, $0x63, v14  }
0x1a7: {  	v49 =	vperm.xlane v48, v16;
	_ =	sdelay $0x1  }
0x1a8: {  	vm4 =	vlt.s32 v48, v49  }
0x1a9: {  	v0 =	vsel vm4, v48, v49  }
0x1aa: {  	v1 =	vperm.xlane v0, v17;
	_ =	sdelay $0x1  }
0x1ab: {  	vm4 =	vlt.s32 v0, v1  }
0x1ac: {  	v0 =	vsel vm4, v0, v1  }
0x1ad: {  	v1 =	vperm.xlane v0, v18;
	_ =	sdelay $0x1  }
0x1ae: {  	vm4 =	vlt.s32 v0, v1  }
0x1af: {  	v0 =	vsel vm4, v0, v1  }
0x1b0: {  	v1 =	vperm.xlane v0, v19;
	_ =	sdelay $0x1  }
0x1b1: {  	vm4 =	vlt.s32 v0, v1  }
0x1b2: {  	v0 =	vsel vm4, v0, v1  }
0x1b3: {  	(v2sf) =	vpush v0, $0x0;
	_ =	sdelay $0xe  }
0x1b4: {  	v50 =	vimm.s32 $0x0;
	s23 =	spop (v2sf)  }
0x1b5: {  	[tilespmem:$0x14500] =	vst v50;
	s24 =	sadd.s32 $0x1, s23  }
0x1b6: {  	[tilespmem:$0x14510] =	vst v50;
	v51 =	vmov s24  }
0x1b7: {  	[tilespmem:$0x14520] =	vst v50;
	v0 =	vnsel vm0, $0x0, v51  }
0x1b8: {  	[tilespmem:$0x14530] =	vst v50;
	v0 =	vsel vm1, $0x11, v0  }
0x1b9: {  	s26 =	sshll.u32 s23, $0x7;
	[tilespmem:$0x14540] =	vst v0  }
0x1ba: {  	s23 =	simm.s32 $0xE400;
	v0 =	vld [tilespmem:s26+$0xA100]  }
0x1bb: {  	v1 =	vld [tilespmem:s23+$0x0];
	_ =	sdelay $0x4  }
0x1bc: {  	v52 =	vadd.f32 v0, v1  }
0x1bd: {  	s24 =	simm.s32 $0x10400  }
0x1be: {  	v53 =	vld [tilespmem:s24+$0x0];
	v4 =	vsub.f32 v52, v1  }
0x1bf: {  	v5 =	vld [tilespmem:s26+$0xA900]  }
0x1c0: {  	v6 =	vsub.f32 v52, v4;
	_ =	sdelay $0x1  }
0x1c1: {  	v0 =	vsub.f32 v0, v4;
	v1 =	vsub.f32 v1, v6;
	_ =	sdelay $0x1  }
0x1c2: {  	v54 =	vadd.f32 v5, v53;
	v0 =	vadd.f32 v1, v0;
	_ =	sdelay $0x1  }
0x1c3: {  	v0 =	vadd.f32 v0, v54;
	_ =	sdelay $0x1  }
0x1c4: {  	v1 =	vadd.f32 v0, v52;
	_ =	sdelay $0x1  }
0x1c5: {  	v55 =	vperm.xlane v1, v16;
	_ =	sdelay $0x1  }
0x1c6: {  	v3 =	vmax.f32 v1, v55  }
0x1c7: {  	v56 =	vperm.xlane v3, v17;
	_ =	sdelay $0x1  }
0x1c8: {  	v3 =	vmax.f32 v3, v56  }
0x1c9: {  	v4 =	vperm.xlane v3, v18;
	_ =	sdelay $0x1  }
0x1ca: {  	v3 =	vmax.f32 v3, v4  }
0x1cb: {  	v2 =	vsub.f32 v1, v52;
	v4 =	vperm.xlane v3, v19;
	_ =	sdelay $0x1  }
0x1cc: {  	v0 =	vsub.f32 v0, v2;
	v57 =	vmax.f32 v3, v4  }
0x1cd: {  	vm4 =	veq.f32 v1, v57  }
0x1ce: {  	v0 =	vnsel vm4, $0xFF61B1E6, v0  }
0x1cf: {  	v58 =	vperm.xlane v0, v16;
	_ =	sdelay $0x1  }
0x1d0: {  	v1 =	vmax.f32 v0, v58  }
0x1d1: {  	v59 =	vperm.xlane v1, v17;
	_ =	sdelay $0x1  }
0x1d2: {  	v1 =	vmax.f32 v1, v59  }
0x1d3: {  	v2 =	vperm.xlane v1, v18;
	_ =	sdelay $0x1  }
0x1d4: {  	v1 =	vmax.f32 v1, v2  }
0x1d5: {  	v2 =	vperm.xlane v1, v19;
	_ =	sdelay $0x1  }
0x1d6: {  	v1 =	vmax.f32 v1, v2  }
0x1d7: {  	vm5 =	veq.f32 v0, v1  }
0x1d8: {  	vm4 =	vmand vm4, vm5  }
0x1d9: {  	v60 =	vnsel vm4, $0x63, v14  }
0x1da: {  	v61 =	vperm.xlane v60, v16;
	_ =	sdelay $0x1  }
0x1db: {  	vm4 =	vlt.s32 v60, v61  }
0x1dc: {  	v0 =	vsel vm4, v60, v61  }
0x1dd: {  	v1 =	vperm.xlane v0, v17;
	_ =	sdelay $0x1  }
0x1de: {  	vm4 =	vlt.s32 v0, v1  }
0x1df: {  	v0 =	vsel vm4, v0, v1  }
0x1e0: {  	v1 =	vperm.xlane v0, v18;
	_ =	sdelay $0x1  }
0x1e1: {  	vm4 =	vlt.s32 v0, v1  }
0x1e2: {  	v0 =	vsel vm4, v0, v1  }
0x1e3: {  	v1 =	vperm.xlane v0, v19;
	_ =	sdelay $0x1  }
0x1e4: {  	vm4 =	vlt.s32 v0, v1  }
0x1e5: {  	v0 =	vsel vm4, v0, v1  }
0x1e6: {  	(v2sf) =	vpush v0, $0x0;
	_ =	sdelay $0x8  }
0x1e7: {  	s26 =	simm.s32 $0x3F  }
0x1e8: {  	v62 =	vmov s26  }
0x1e9: {  	v0 =	vand.u32 $0x7FFFFFFF, v62  }
0x1ea: {  	v25 =	vbroadcast v0, $0x0;
	_ =	sdelay $0x2  }
0x1eb: {  	s30 =	spop (v2sf)  }
0x1ec: {  	s2 =	sadd.s32 $0x1, s30  }
0x1ed: {  	v13 =	vimm.s32 $0x0;
	v26 =	vmov s2  }
.LBB2_4:
0x1ee: {  	s2 =	sshll.u32 s30, $0x7;
	[tilespmem:v25+s5+$0x0] =	vst.idx.msk $0x1, v26  }
0x1ef: {  	s23 =	sadd.s32 $0xFFFFFF80, s23;
	v0 =	vld [tilespmem:s2+$0xA100]  }
0x1f0: {  	v1 =	vld [tilespmem:s23+$0x0];
	_ =	sdelay $0x4  }
0x1f1: {  	v2 =	vadd.f32 v0, v1  }
0x1f2: {  	s24 =	sadd.s32 $0xFFFFFF80, s24  }
0x1f3: {  	v3 =	vld [tilespmem:s24+$0x0];
	v4 =	vsub.f32 v2, v1  }
0x1f4: {  	v5 =	vld [tilespmem:s2+$0xA900]  }
0x1f5: {  	v6 =	vsub.f32 v2, v4;
	_ =	sdelay $0x1  }
0x1f6: {  	v0 =	vsub.f32 v0, v4;
	v1 =	vsub.f32 v1, v6;
	_ =	sdelay $0x1  }
0x1f7: {  	v0 =	vadd.f32 v1, v0;
	v1 =	vadd.f32 v5, v3;
	_ =	sdelay $0x1  }
0x1f8: {  	v0 =	vadd.f32 v0, v1;
	_ =	sdelay $0x1  }
0x1f9: {  	v1 =	vadd.f32 v0, v2;
	_ =	sdelay $0x1  }
0x1fa: {  	v3 =	vperm.xlane v1, v16;
	_ =	sdelay $0x1  }
0x1fb: {  	v3 =	vmax.f32 v1, v3  }
0x1fc: {  	v4 =	vperm.xlane v3, v17;
	_ =	sdelay $0x1  }
0x1fd: {  	v3 =	vmax.f32 v3, v4  }
0x1fe: {  	v4 =	vperm.xlane v3, v18;
	_ =	sdelay $0x1  }
0x1ff: {  	v3 =	vmax.f32 v3, v4  }
0x200: {  	v2 =	vsub.f32 v1, v2;
	v4 =	vperm.xlane v3, v19;
	_ =	sdelay $0x1  }
0x201: {  	v0 =	vsub.f32 v0, v2;
	v2 =	vmax.f32 v3, v4  }
0x202: {  	vm4 =	veq.f32 v1, v2  }
0x203: {  	v0 =	vnsel vm4, $0xFF61B1E6, v0  }
0x204: {  	v1 =	vperm.xlane v0, v16;
	_ =	sdelay $0x1  }
0x205: {  	v1 =	vmax.f32 v0, v1  }
0x206: {  	v2 =	vperm.xlane v1, v17;
	_ =	sdelay $0x1  }
0x207: {  	v1 =	vmax.f32 v1, v2  }
0x208: {  	v2 =	vperm.xlane v1, v18;
	_ =	sdelay $0x1  }
0x209: {  	v1 =	vmax.f32 v1, v2  }
0x20a: {  	v2 =	vperm.xlane v1, v19;
	_ =	sdelay $0x1  }
0x20b: {  	v1 =	vmax.f32 v1, v2  }
0x20c: {  	vm5 =	veq.f32 v0, v1  }
0x20d: {  	vm4 =	vmand vm4, vm5  }
0x20e: {  	v0 =	vnsel vm4, $0x63, v14  }
0x20f: {  	v1 =	vperm.xlane v0, v16;
	_ =	sdelay $0x1  }
0x210: {  	vm4 =	vlt.s32 v0, v1  }
0x211: {  	v0 =	vsel vm4, v0, v1  }
0x212: {  	v1 =	vperm.xlane v0, v17;
	_ =	sdelay $0x1  }
0x213: {  	vm4 =	vlt.s32 v0, v1  }
0x214: {  	v0 =	vsel vm4, v0, v1  }
0x215: {  	v1 =	vperm.xlane v0, v18;
	_ =	sdelay $0x1  }
0x216: {  	vm4 =	vlt.s32 v0, v1  }
0x217: {  	v0 =	vsel vm4, v0, v1  }
0x218: {  	v1 =	vperm.xlane v0, v19;
	_ =	sdelay $0x1  }
0x219: {  	vm4 =	vlt.s32 v0, v1  }
0x21a: {  	v0 =	vsel vm4, v0, v1  }
0x21b: {  	(v2sf) =	vpush v0, $0x0;
	_ =	sdelay $0x8  }
0x21c: {  	s26 =	sadd.s32 $0xFFFFFFFF, s26  }
0x21d: {  	p0 =	sgt.u32 s26, $0x1;
	v0 =	vmov s26  }
0x21e: {  	v0 =	vand.u32 $0x7FFFFFFF, v0  }
0x21f: {  	v25 =	vbroadcast v0, $0x0  }
.Ltmp1:
0x220: {  	(pc) =	sbr.rel @p0 .LBB2_4-.Ltmp1, $4  }
0x221: {  	_ = 	snop  }
0x222: {  	s30 =	spop (v2sf)  }
0x223: {  	s2 =	sadd.s32 $0x1, s30  }
0x224: {  	v26 =	vmov s2  }
0x225: {  	v27 =	vadd.s32 $0x1, v14;
	_ =	sdelay $0x3  }
0x226: {  	[tilespmem:v25+s5+$0x0] =	vst.idx.msk $0x1, v26  }
0x227: {  	v0 =	vld.idx.msk [tilespmem:v27+s28+$0x0], $0xffff;
	_ =	sdelay $0x4  }
0x228: {  	v28 =	vadd.s32 $0x2, v14;
	v1 =	vadd.s32 $0xFFFFFFFF, v0  }
0x229: {  	v2 =	vmul.u32 $0x80, v14;
	v32 =	vadd.s32 $0x11, v14;
	vm4 =	vgt.s32 v1, $0x0  }
0x22a: {  	v3 =	vnsel vm4, $0x0, v1  }
0x22b: {  	v29 =	vadd.s32 $0x21, v14;
	v31 =	vadd.s32 $0x80, v2;
	v3 =	vmin.u32 v3, $0xF  }
0x22c: {  	v3 =	vor.u32 v31, v3  }
0x22d: {  	v33 =	vadd.s32 $0x12, v14;
	v4 =	vld.idx.msk [tilespmem:v28+s28+$0x0], $0xffff  }
0x22e: {  	v6 =	vld.idx.msk [tilespmem:v32+s28+$0x0], $0xffff;
	_ =	sdelay $0x1  }
0x22f: {  	v45 =	vld.idx.msk [tilespmem:v29+s28+$0x0], $0xffff  }
0x230: {  	v30 =	vadd.s32 $0x31, v14;
	v3 =	vld.idx.msk [tilespmem:v3+s1+$0x0], $0xffff  }
0x231: {  	v26 =	vadd.s32 $0x22, v14;
	v25 =	vadd.s32 $0x32, v14;
	v7 =	vld.idx.msk [tilespmem:v33+s28+$0x0], $0xffff  }
0x232: {  	v36 =	vadd.s32 $0x880, v2;
	v5 =	vand.u32 $0xFFFFFF80, v4;
	v46 =	vadd.s32 $0xFFFFFFFF, v6  }
0x233: {  	v0 =	vshll.u32 v0, $0x7;
	v4 =	vand.u32 $0x7F, v4;
	vm4 =	vgt.s32 v46, $0x0  }
0x234: {  	v9 =	vadd.s32 $0xFFFFFFFF, v45;
	v0 =	vadd.s32 v0, v5;
	v8 =	vnsel vm4, $0x0, v46  }
0x235: {  	v48 =	vld.idx.msk [tilespmem:v30+s28+$0x0], $0xffff;
	v0 =	vor.u32 v4, v0;
	v47 =	vmin.u32 v8, $0xF;
	v3 =	vadd.f32 $0.0e+00, v3  }
0x236: {  	v10 =	vld.idx.msk [tilespmem:v26+s28+$0x0], $0xffff;
	v11 =	vand.u32 $0xFFFFFF80, v7;
	vm4 =	vlt.u32 v1, $0x10;
	v1 =	vor.u32 v36, v47  }
0x237: {  	v6 =	vshll.u32 v6, $0x7;
	v3 =	vnsel vm4, $0x0, v3;
	vm4 =	vgt.s32 v9, $0x0  }
0x238: {  	v51 =	vld.idx.msk [tilespmem:v25+s28+$0x0], $0xffff;
	v7 =	vand.u32 $0x7F, v7;
	v6 =	vadd.s32 v6, v11;
	v49 =	vnsel vm4, $0x0, v9  }
0x239: {  	v34 =	vadd.s32 $0x1080, v2;
	v6 =	vor.u32 v7, v6;
	v50 =	vmin.u32 v49, $0xF  }
0x23a: {  	v35 =	vadd.s32 $0x1880, v2;
	v53 =	vadd.s32 $0xFFFFFFFF, v48;
	v0 =	vld.idx.msk [tilespmem:v0+s25+$0x0], $0xffff;
	v52 =	vor.u32 v34, v50  }
0x23b: {  	v12 =	vand.u32 $0xFFFFFF80, v10;
	v4 =	vshll.u32 v45, $0x7;
	v1 =	vld.idx.msk [tilespmem:v1+s1+$0x0], $0xffff;
	vm4 =	vgt.s32 v53, $0x0  }
0x23c: {  	v10 =	vand.u32 $0x7F, v10;
	v4 =	vadd.s32 v4, v12;
	v12 =	vnsel vm4, $0x0, v53  }
0x23d: {  	v57 =	vand.u32 $0xFFFFFF80, v51;
	v4 =	vor.u32 v10, v4;
	v54 =	vmin.u32 v12, $0xF  }
0x23e: {  	v59 =	vand.u32 $0x7F, v51;
	v8 =	vshll.u32 v48, $0x7;
	v55 =	vld.idx.msk [tilespmem:v6+s25+$0x0], $0xffff;
	v56 =	vor.u32 v35, v54  }
0x23f: {  	v58 =	vadd.s32 v8, v57;
	v0 =	vadd.f32 v0, v3;
	vm4 =	vlt.u32 v46, $0x10;
	v3 =	vld.idx.msk [tilespmem:v52+s1+$0x0], $0xffff  }
0x240: {  	v5 =	vor.u32 v59, v58;
	v1 =	vnsel vm4, $0x0, v1  }
0x241: {  	v0 =	vadd.f32 v1, v0  }
0x242: {  	v60 =	vld.idx.msk [tilespmem:v4+s25+$0x0], $0xffff  }
0x243: {  	vm4 =	vlt.u32 v9, $0x10;
	v0 =	vadd.f32 v0, v55;
	v61 =	vld.idx.msk [tilespmem:v56+s1+$0x0], $0xffff  }
0x244: {  	v3 =	vnsel vm4, $0x0, v3  }
0x245: {  	v62 =	vld.idx.msk [tilespmem:v5+s25+$0x0], $0xffff;
	v0 =	vadd.f32 v3, v0;
	_ =	sdelay $0x1  }
0x246: {  	vm4 =	vlt.u32 v53, $0x10;
	v0 =	vadd.f32 v0, v60  }
0x247: {  	v6 =	vnsel vm4, $0x0, v61  }
0x248: {  	vm4 =	veq.s32 v14, $0xF;
	v0 =	vadd.f32 v6, v0  }
0x249: {  	v7 =	vsel vm4, $0x0, v62  }
0x24a: {  	v0 =	vadd.f32 v7, v0  }
0x24b: {  	v8 =	vperm.xlane v24, v16  }
0x24c: {  	v9 =	vperm.xlane v0, v16  }
0x24d: {  	v1 =	vadd.f32 v8, v24  }
0x24e: {  	v0 =	vadd.f32 v0, v9  }
0x24f: {  	v10 =	vperm.xlane v1, v17  }
0x250: {  	v11 =	vperm.xlane v0, v17  }
0x251: {  	v1 =	vadd.f32 v10, v1  }
0x252: {  	v0 =	vadd.f32 v0, v11  }
0x253: {  	v37 =	vld [tilespmem:$0x1FFF0];
	v2 =	vperm.xlane v1, v18  }
0x254: {  	v3 =	vperm.xlane v0, v18  }
0x255: {  	v1 =	vadd.f32 v2, v1  }
0x256: {  	v0 =	vadd.f32 v0, v3  }
0x257: {  	v2 =	vperm.xlane v1, v19  }
0x258: {  	v4 =	vcvt.s32.f32 v37;
	v3 =	vperm.xlane v0, v19  }
0x259: {  	v1 =	vadd.f32 v2, v1  }
0x25a: {  	v38 =	vsel vm2, $0x0, v4;
	v0 =	vadd.f32 v0, v3  }
0x25b: {  	vm4 =	vmmov $0x1;
	v1 =	vsel vm3, v38, v1  }
0x25c: {  	v0 =	vsel vm4, v0, v1  }
0x25d: {  	[tilespmem:$0x14580] =	vst v0  }
0x25e: {  	[hbm4b:s15+s1] =	stream.linear.scatter [tilespmem:s5], [sflag:$0x2], $0x80, $0x38;
	[tilespmem:$0x14600] =	vst v63  }
0x25f: {  	_ =	swait.ge [sflag:s20], $0x80  }
0x260: {  	[sflag:s20] =	ssyncset.done $0x0  }
0x261: {  	[sflag:s20] =	ssyncadd.s32 $0xFFFFFF80  }
0x262: {  	[hbm4b:s16+s1] =	stream.linear.scatter [tilespmem:s21], [sflag:$0x2], $0x80, $0x38;
	[tilespmem:$0x14600] =	vst v63  }
0x263: {  	_ =	swait.ge [sflag:s20], $0x80  }
0x264: {  	[sflag:s20] =	ssyncset.done $0x0  }
0x265: {  	[sflag:s20] =	ssyncadd.s32 $0xFFFFFF80  }
0x266: {  	v39 =	vld [tilespmem:$0x12480];
	_ =	sdelay $0x4  }
0x267: {  	v40 =	vperm.xlane v39, v16;
	_ =	sdelay $0x1  }
0x268: {  	v1 =	vmax.f32 v39, v40  }
0x269: {  	v41 =	vperm.xlane v1, v17;
	_ =	sdelay $0x1  }
0x26a: {  	v1 =	vmax.f32 v1, v41  }
0x26b: {  	v2 =	vperm.xlane v1, v18;
	_ =	sdelay $0x1  }
0x26c: {  	v42 =	vld [tilespmem:$0x14480];
	v1 =	vmax.f32 v1, v2  }
0x26d: {  	v2 =	vperm.xlane v1, v19;
	_ =	sdelay $0x1  }
0x26e: {  	v1 =	vmax.f32 v1, v2  }
0x26f: {  	vm5 =	veq.f32 v39, v1  }
0x270: {  	v0 =	vnsel vm5, $0xFF61B1E6, v42  }
0x271: {  	v43 =	vperm.xlane v0, v16;
	_ =	sdelay $0x1  }
0x272: {  	v1 =	vmax.f32 v0, v43  }
0x273: {  	v44 =	vperm.xlane v1, v17;
	_ =	sdelay $0x1  }
0x274: {  	v1 =	vmax.f32 v1, v44  }
0x275: {  	v2 =	vperm.xlane v1, v18;
	_ =	sdelay $0x1  }
0x276: {  	v1 =	vmax.f32 v1, v2  }
0x277: {  	v2 =	vperm.xlane v1, v19;
	_ =	sdelay $0x1  }
0x278: {  	v1 =	vmax.f32 v1, v2  }
0x279: {  	vm6 =	veq.f32 v0, v1  }
0x27a: {  	vm5 =	vmand vm5, vm6  }
0x27b: {  	v45 =	vnsel vm5, $0x63, v14  }
0x27c: {  	v46 =	vperm.xlane v45, v16;
	_ =	sdelay $0x1  }
0x27d: {  	vm5 =	vlt.s32 v45, v46  }
0x27e: {  	v0 =	vsel vm5, v45, v46  }
0x27f: {  	v1 =	vperm.xlane v0, v17;
	_ =	sdelay $0x1  }
0x280: {  	vm5 =	vlt.s32 v0, v1  }
0x281: {  	v0 =	vsel vm5, v0, v1  }
0x282: {  	v1 =	vperm.xlane v0, v18;
	_ =	sdelay $0x1  }
0x283: {  	vm5 =	vlt.s32 v0, v1  }
0x284: {  	v0 =	vsel vm5, v0, v1  }
0x285: {  	v1 =	vperm.xlane v0, v19;
	_ =	sdelay $0x1  }
0x286: {  	vm5 =	vlt.s32 v0, v1  }
0x287: {  	v0 =	vsel vm5, v0, v1  }
0x288: {  	(v2sf) =	vpush v0, $0x0;
	_ =	sdelay $0xe  }
0x289: {  	s2 =	spop (v2sf)  }
0x28a: {  	[tilespmem:$0x14500] =	vst v13;
	s23 =	sadd.s32 $0x1, s2  }
0x28b: {  	[tilespmem:$0x14510] =	vst v13;
	v47 =	vmov s23  }
0x28c: {  	[tilespmem:$0x14520] =	vst v13;
	v0 =	vnsel vm0, $0x0, v47  }
0x28d: {  	[tilespmem:$0x14530] =	vst v13;
	v0 =	vsel vm1, $0x11, v0  }
0x28e: {  	s2 =	sshll.u32 s2, $0x7;
	[tilespmem:$0x14540] =	vst v0  }
0x28f: {  	s23 =	simm.s32 $0x12400;
	v0 =	vld [tilespmem:s2+$0xA100]  }
0x290: {  	v48 =	vld [tilespmem:s23+$0x0];
	_ =	sdelay $0x4  }
0x291: {  	v49 =	vadd.f32 v0, v48  }
0x292: {  	s24 =	simm.s32 $0x14400  }
0x293: {  	v50 =	vld [tilespmem:s24+$0x0];
	v51 =	vsub.f32 v49, v48  }
0x294: {  	v52 =	vld [tilespmem:s2+$0xA900]  }
0x295: {  	v53 =	vsub.f32 v49, v51;
	_ =	sdelay $0x1  }
0x296: {  	v0 =	vsub.f32 v0, v51;
	v1 =	vsub.f32 v48, v53;
	_ =	sdelay $0x1  }
0x297: {  	v54 =	vadd.f32 v52, v50;
	v0 =	vadd.f32 v1, v0;
	_ =	sdelay $0x1  }
0x298: {  	v0 =	vadd.f32 v0, v54;
	_ =	sdelay $0x1  }
0x299: {  	v1 =	vadd.f32 v0, v49;
	_ =	sdelay $0x1  }
0x29a: {  	v55 =	vperm.xlane v1, v16;
	_ =	sdelay $0x1  }
0x29b: {  	v3 =	vmax.f32 v1, v55  }
0x29c: {  	v56 =	vperm.xlane v3, v17;
	_ =	sdelay $0x1  }
0x29d: {  	v3 =	vmax.f32 v3, v56  }
0x29e: {  	v4 =	vperm.xlane v3, v18;
	_ =	sdelay $0x1  }
0x29f: {  	v3 =	vmax.f32 v3, v4  }
0x2a0: {  	v2 =	vsub.f32 v1, v49;
	v4 =	vperm.xlane v3, v19;
	_ =	sdelay $0x1  }
0x2a1: {  	v0 =	vsub.f32 v0, v2;
	v57 =	vmax.f32 v3, v4  }
0x2a2: {  	vm5 =	veq.f32 v1, v57  }
0x2a3: {  	v0 =	vnsel vm5, $0xFF61B1E6, v0  }
0x2a4: {  	v58 =	vperm.xlane v0, v16;
	_ =	sdelay $0x1  }
0x2a5: {  	v1 =	vmax.f32 v0, v58  }
0x2a6: {  	v59 =	vperm.xlane v1, v17;
	_ =	sdelay $0x1  }
0x2a7: {  	v1 =	vmax.f32 v1, v59  }
0x2a8: {  	v2 =	vperm.xlane v1, v18;
	_ =	sdelay $0x1  }
0x2a9: {  	v1 =	vmax.f32 v1, v2  }
0x2aa: {  	v2 =	vperm.xlane v1, v19;
	_ =	sdelay $0x1  }
0x2ab: {  	v1 =	vmax.f32 v1, v2  }
0x2ac: {  	vm6 =	veq.f32 v0, v1  }
0x2ad: {  	vm5 =	vmand vm5, vm6  }
0x2ae: {  	v60 =	vnsel vm5, $0x63, v14  }
0x2af: {  	v61 =	vperm.xlane v60, v16;
	_ =	sdelay $0x1  }
0x2b0: {  	vm5 =	vlt.s32 v60, v61  }
0x2b1: {  	v0 =	vsel vm5, v60, v61  }
0x2b2: {  	v1 =	vperm.xlane v0, v17;
	_ =	sdelay $0x1  }
0x2b3: {  	vm5 =	vlt.s32 v0, v1  }
0x2b4: {  	v0 =	vsel vm5, v0, v1  }
0x2b5: {  	v1 =	vperm.xlane v0, v18;
	_ =	sdelay $0x1  }
0x2b6: {  	vm5 =	vlt.s32 v0, v1  }
0x2b7: {  	v0 =	vsel vm5, v0, v1  }
0x2b8: {  	v1 =	vperm.xlane v0, v19;
	_ =	sdelay $0x1  }
0x2b9: {  	vm5 =	vlt.s32 v0, v1  }
0x2ba: {  	v0 =	vsel vm5, v0, v1  }
0x2bb: {  	(v2sf) =	vpush v0, $0x0;
	_ =	sdelay $0x8  }
0x2bc: {  	s26 =	simm.s32 $0x3F  }
0x2bd: {  	v62 =	vmov s26  }
0x2be: {  	v0 =	vand.u32 $0x7FFFFFFF, v62  }
0x2bf: {  	v23 =	vbroadcast v0, $0x0;
	_ =	sdelay $0x2  }
0x2c0: {  	s30 =	spop (v2sf)  }
0x2c1: {  	s2 =	sadd.s32 $0x1, s30  }
0x2c2: {  	v24 =	vmov s2  }
.LBB2_6:
0x2c3: {  	s2 =	sshll.u32 s30, $0x7;
	[tilespmem:v23+s5+$0x0] =	vst.idx.msk $0x1, v24  }
0x2c4: {  	s23 =	sadd.s32 $0xFFFFFF80, s23;
	v0 =	vld [tilespmem:s2+$0xA100]  }
0x2c5: {  	v1 =	vld [tilespmem:s23+$0x0];
	_ =	sdelay $0x4  }
0x2c6: {  	v2 =	vadd.f32 v0, v1  }
0x2c7: {  	s24 =	sadd.s32 $0xFFFFFF80, s24  }
0x2c8: {  	v3 =	vld [tilespmem:s24+$0x0];
	v4 =	vsub.f32 v2, v1  }
0x2c9: {  	v5 =	vld [tilespmem:s2+$0xA900]  }
0x2ca: {  	v6 =	vsub.f32 v2, v4;
	_ =	sdelay $0x1  }
0x2cb: {  	v0 =	vsub.f32 v0, v4;
	v1 =	vsub.f32 v1, v6;
	_ =	sdelay $0x1  }
0x2cc: {  	v0 =	vadd.f32 v1, v0;
	v1 =	vadd.f32 v5, v3;
	_ =	sdelay $0x1  }
0x2cd: {  	v0 =	vadd.f32 v0, v1;
	_ =	sdelay $0x1  }
0x2ce: {  	v1 =	vadd.f32 v0, v2;
	_ =	sdelay $0x1  }
0x2cf: {  	v3 =	vperm.xlane v1, v16;
	_ =	sdelay $0x1  }
0x2d0: {  	v3 =	vmax.f32 v1, v3  }
0x2d1: {  	v4 =	vperm.xlane v3, v17;
	_ =	sdelay $0x1  }
0x2d2: {  	v3 =	vmax.f32 v3, v4  }
0x2d3: {  	v4 =	vperm.xlane v3, v18;
	_ =	sdelay $0x1  }
0x2d4: {  	v3 =	vmax.f32 v3, v4  }
0x2d5: {  	v2 =	vsub.f32 v1, v2;
	v4 =	vperm.xlane v3, v19;
	_ =	sdelay $0x1  }
0x2d6: {  	v0 =	vsub.f32 v0, v2;
	v2 =	vmax.f32 v3, v4  }
0x2d7: {  	vm5 =	veq.f32 v1, v2  }
0x2d8: {  	v0 =	vnsel vm5, $0xFF61B1E6, v0  }
0x2d9: {  	v1 =	vperm.xlane v0, v16;
	_ =	sdelay $0x1  }
0x2da: {  	v1 =	vmax.f32 v0, v1  }
0x2db: {  	v2 =	vperm.xlane v1, v17;
	_ =	sdelay $0x1  }
0x2dc: {  	v1 =	vmax.f32 v1, v2  }
0x2dd: {  	v2 =	vperm.xlane v1, v18;
	_ =	sdelay $0x1  }
0x2de: {  	v1 =	vmax.f32 v1, v2  }
0x2df: {  	v2 =	vperm.xlane v1, v19;
	_ =	sdelay $0x1  }
0x2e0: {  	v1 =	vmax.f32 v1, v2  }
0x2e1: {  	vm6 =	veq.f32 v0, v1  }
0x2e2: {  	vm5 =	vmand vm5, vm6  }
0x2e3: {  	v0 =	vnsel vm5, $0x63, v14  }
0x2e4: {  	v1 =	vperm.xlane v0, v16;
	_ =	sdelay $0x1  }
0x2e5: {  	vm5 =	vlt.s32 v0, v1  }
0x2e6: {  	v0 =	vsel vm5, v0, v1  }
0x2e7: {  	v1 =	vperm.xlane v0, v17;
	_ =	sdelay $0x1  }
0x2e8: {  	vm5 =	vlt.s32 v0, v1  }
0x2e9: {  	v0 =	vsel vm5, v0, v1  }
0x2ea: {  	v1 =	vperm.xlane v0, v18;
	_ =	sdelay $0x1  }
0x2eb: {  	vm5 =	vlt.s32 v0, v1  }
0x2ec: {  	v0 =	vsel vm5, v0, v1  }
0x2ed: {  	v1 =	vperm.xlane v0, v19;
	_ =	sdelay $0x1  }
0x2ee: {  	vm5 =	vlt.s32 v0, v1  }
0x2ef: {  	v0 =	vsel vm5, v0, v1  }
0x2f0: {  	(v2sf) =	vpush v0, $0x0;
	_ =	sdelay $0x8  }
0x2f1: {  	s26 =	sadd.s32 $0xFFFFFFFF, s26  }
0x2f2: {  	p0 =	sgt.u32 s26, $0x1;
	v0 =	vmov s26  }
0x2f3: {  	v0 =	vand.u32 $0x7FFFFFFF, v0  }
0x2f4: {  	v23 =	vbroadcast v0, $0x0  }
.Ltmp2:
0x2f5: {  	(pc) =	sbr.rel @p0 .LBB2_6-.Ltmp2, $4  }
0x2f6: {  	_ = 	snop  }
0x2f7: {  	s30 =	spop (v2sf)  }
0x2f8: {  	s2 =	sadd.s32 $0x1, s30  }
0x2f9: {  	v24 =	vmov s2  }
0x2fa: {  	_ =	sdelay $0x3  }
0x2fb: {  	[tilespmem:v23+s5+$0x0] =	vst.idx.msk $0x1, v24  }
0x2fc: {  	v0 =	vld.idx.msk [tilespmem:v27+s31+$0x0], $0xffff;
	_ =	sdelay $0x4  }
0x2fd: {  	v1 =	vadd.s32 $0xFFFFFFFF, v0  }
0x2fe: {  	vm5 =	vgt.s32 v1, $0x0  }
0x2ff: {  	v4 =	vld.idx.msk [tilespmem:v32+s31+$0x0], $0xffff;
	v3 =	vnsel vm5, $0x0, v1  }
0x300: {  	v2 =	vld.idx.msk [tilespmem:v28+s31+$0x0], $0xffff;
	v3 =	vmin.u32 v3, $0xF  }
0x301: {  	v3 =	vor.u32 v31, v3  }
0x302: {  	v5 =	vld.idx.msk [tilespmem:v33+s31+$0x0], $0xffff  }
0x303: {  	v8 =	vld.idx.msk [tilespmem:v29+s31+$0x0], $0xffff  }
0x304: {  	v7 =	vadd.s32 $0xFFFFFFFF, v4  }
0x305: {  	v11 =	vld.idx.msk [tilespmem:v26+s31+$0x0], $0xffff;
	v6 =	vand.u32 $0xFFFFFF80, v2;
	v0 =	vshll.u32 v0, $0x7;
	vm5 =	vgt.s32 v7, $0x0  }
0x306: {  	v2 =	vand.u32 $0x7F, v2;
	v0 =	vadd.s32 v0, v6;
	v47 =	vnsel vm5, $0x0, v7;
	v3 =	vld.idx.msk [tilespmem:v3+s29+$0x0], $0xffff  }
0x307: {  	v6 =	vld.idx.msk [tilespmem:v30+s31+$0x0], $0xffff;
	v0 =	vor.u32 v2, v0;
	v2 =	vmin.u32 v47, $0xF  }
0x308: {  	v9 =	vand.u32 $0xFFFFFF80, v5;
	v10 =	vadd.s32 $0xFFFFFFFF, v8;
	v2 =	vor.u32 v36, v2  }
0x309: {  	v4 =	vshll.u32 v4, $0x7;
	v5 =	vand.u32 $0x7F, v5;
	vm5 =	vgt.s32 v10, $0x0  }
0x30a: {  	v50 =	vld.idx.msk [tilespmem:v25+s31+$0x0], $0xffff;
	v12 =	vand.u32 $0xFFFFFF80, v11;
	v4 =	vadd.s32 v4, v9;
	v9 =	vnsel vm5, $0x0, v10  }
0x30b: {  	v48 =	vor.u32 v5, v4;
	v49 =	vmin.u32 v9, $0xF;
	v3 =	vadd.f32 $0.0e+00, v3  }
0x30c: {  	vm5 =	vlt.u32 v1, $0x10;
	v4 =	vor.u32 v34, v49;
	v9 =	vadd.s32 $0xFFFFFFFF, v6;
	v0 =	vld.idx.msk [tilespmem:v0+s25+$0x0], $0xffff  }
0x30d: {  	v8 =	vshll.u32 v8, $0x7;
	v2 =	vld.idx.msk [tilespmem:v2+s29+$0x0], $0xffff;
	v3 =	vnsel vm5, $0x0, v3;
	vm5 =	vgt.s32 v9, $0x0  }
0x30e: {  	v11 =	vand.u32 $0x7F, v11;
	v8 =	vadd.s32 v8, v12;
	v12 =	vnsel vm5, $0x0, v9  }
0x30f: {  	v51 =	vor.u32 v11, v8;
	v11 =	vand.u32 $0xFFFFFF80, v50;
	v8 =	vmin.u32 v12, $0xF  }
0x310: {  	v5 =	vand.u32 $0x7F, v50;
	v6 =	vshll.u32 v6, $0x7;
	v1 =	vld.idx.msk [tilespmem:v48+s25+$0x0], $0xffff;
	v8 =	vor.u32 v35, v8  }
0x311: {  	v6 =	vadd.s32 v6, v11;
	v4 =	vld.idx.msk [tilespmem:v4+s29+$0x0], $0xffff;
	v0 =	vadd.f32 v0, v3;
	vm5 =	vlt.u32 v7, $0x10  }
0x312: {  	v5 =	vor.u32 v5, v6;
	v2 =	vnsel vm5, $0x0, v2  }
0x313: {  	v0 =	vadd.f32 v2, v0  }
0x314: {  	v52 =	vld.idx.msk [tilespmem:v51+s25+$0x0], $0xffff  }
0x315: {  	vm5 =	vlt.u32 v10, $0x10;
	v0 =	vadd.f32 v0, v1;
	v53 =	vld.idx.msk [tilespmem:v8+s29+$0x0], $0xffff  }
0x316: {  	v54 =	vnsel vm5, $0x0, v4  }
0x317: {  	v55 =	vld.idx.msk [tilespmem:v5+s25+$0x0], $0xffff;
	v0 =	vadd.f32 v54, v0;
	_ =	sdelay $0x1  }
0x318: {  	vm5 =	vlt.u32 v9, $0x10;
	v0 =	vadd.f32 v0, v52  }
0x319: {  	v1 =	vnsel vm5, $0x0, v53  }
0x31a: {  	vm5 =	veq.s32 v14, $0xF;
	v0 =	vadd.f32 v1, v0  }
0x31b: {  	v56 =	vsel vm5, $0x0, v55  }
0x31c: {  	v0 =	vadd.f32 v56, v0  }
0x31d: {  	v57 =	vperm.xlane v21, v16  }
0x31e: {  	v58 =	vperm.xlane v0, v16  }
0x31f: {  	v1 =	vadd.f32 v57, v21  }
0x320: {  	v0 =	vadd.f32 v0, v58  }
0x321: {  	v59 =	vperm.xlane v1, v17  }
0x322: {  	v60 =	vperm.xlane v0, v17  }
0x323: {  	v1 =	vadd.f32 v59, v1  }
0x324: {  	v0 =	vadd.f32 v0, v60  }
0x325: {  	v61 =	vld [tilespmem:$0x1FFE0];
	v2 =	vperm.xlane v1, v18  }
0x326: {  	v3 =	vperm.xlane v0, v18  }
0x327: {  	v1 =	vadd.f32 v2, v1  }
0x328: {  	v0 =	vadd.f32 v0, v3  }
0x329: {  	v2 =	vperm.xlane v1, v19  }
0x32a: {  	v4 =	vcvt.s32.f32 v61;
	v3 =	vperm.xlane v0, v19  }
0x32b: {  	v1 =	vadd.f32 v2, v1  }
0x32c: {  	v62 =	vsel vm2, $0x0, v4;
	v0 =	vadd.f32 v0, v3  }
0x32d: {  	v1 =	vsel vm3, v62, v1  }
0x32e: {  	v0 =	vsel vm4, v0, v1  }
0x32f: {  	[tilespmem:$0x14580] =	vst v0  }
0x330: {  	[hbm4b:s17+s1] =	stream.linear.scatter [tilespmem:s5], [sflag:$0x2], $0x80, $0x38;
	[tilespmem:$0x14600] =	vst v63  }
0x331: {  	s22 =	sadd.s32 $0x1, s22;
	_ =	swait.ge [sflag:s20], $0x80  }
0x332: {  	p0 =	sne.s32 s22, s19;
	[sflag:s20] =	ssyncset.done $0x0  }
.Ltmp3:
0x333: {  	[sflag:s20] =	ssyncadd.s32 $0xFFFFFF80;
	(pc) =	sbr.rel @p0 .LBB2_1-.Ltmp3, $4  }
0x334: {  	[hbm4b:s18+s1] =	stream.linear.scatter [tilespmem:s21], [sflag:$0x2], $0x80, $0x38;
	[tilespmem:$0x14600] =	vst v63  }
0x335: {  	_ =	swait.ge [sflag:s20], $0x80  }
0x336: {  	[sflag:s20] =	ssyncset.done $0x0  }
0x337: {  	v12 =	vimm.s32 $0x3;
	v9 =	vimm.s32 $0x2;
	v8 =	vimm.s32 $0x1;
	[sflag:s20] =	ssyncadd.s32 $0xFFFFFF80  }
0x338: {  	_ =	sfence.sel $0x180000  }
0x339: {  	[bflag:$0x0] =	sbarrier.arrive $0xFFFF  }
0x33a: {  	_ =	strace $0x90000047  }
0x33b: {  	s0 =	stileid.u32;
	[bflag:$0x2] =	sbarrier.arrive $0xFFFF  }
0x33c: {  	p0 =	sne.s32 s0, $0x0;
	s0 =	rddreg [dreg:$0x2]  }
0x33d: {  	s0 =	sadd.s32 @!p0 $0x100000, s0  }
0x33e: {  	[sflag:s0] =	ssyncadd.tile.s32 @!p0 $0x1;
	_ =	shalt  }
.Lfunc_end2:
_tile_overlayer_lowered:
.L_overlay_start_2:
0x33f: {  	(tag) =	ssettag $0x2  }
0x340: {  	s0 =	rddreg [dreg:$0x0];
	s2 =	stileid.u32  }
0x341: {  	s1 =	rddreg [dreg:$0x1];
	p0 =	sne.s32 s2, $0x0  }
0x342: {  	s3 =	rddreg [dreg:$0x2];
	[bflag:$0x3] =	sbarrier.arrive $0xFFFF;
	s2 =	simm.s32 @!p0 $0x1C02  }
0x343: {  	[timem:s3], [sflag:s2] =	dma.local @!p0 [hbm:s0], s1  }
0x344: {  	s0 =	simm.s32 @!p0 $0x2  }
0x345: {  	_ =	swait.ge @!p0 [sflag:s0], s1  }
0x346: {  	s1 =	ssub.s32 @!p0 $0x0, s1;
	[sflag:s0] =	ssyncset.done @!p0 $0x0  }
0x347: {  	[sflag:s0] =	ssyncadd.s32 @!p0 s1  }
0x348: {  	[bflag:$0x3] =	sbarrier.arrive $0xFFFF  }
0x349: {  	_ =	shalt  }

</sc_bundles>
